<compile_context>
chip_gen: v7x
topology: tpu7x:2x2x1
jax: 0.10.2.dev20260603
libtpu: 0.0.44.dev20260713+nightly
codegen_flags: <defaults>
</compile_context>

<pallas_src>
import functools

import jax
import jax.numpy as jnp
from jax import lax
from jax.experimental import pallas as pl
from jax.experimental.pallas import tpu as pltpu
from jax.experimental.pallas import tpu_sc as plsc

_D = 32
_K = 16
_Q = 128

_PAIRS = [(c, cp) for c in range(10) for cp in range(c, 10)]
_MROWS = 72

_SORT16 = [
    (0, 1), (2, 3), (4, 5), (6, 7), (8, 9), (10, 11), (12, 13), (14, 15),
    (0, 2), (1, 3), (4, 6), (5, 7), (8, 10), (9, 11), (12, 14), (13, 15),
    (1, 2), (5, 6), (9, 10), (13, 14),
    (0, 4), (1, 5), (2, 6), (3, 7), (8, 12), (9, 13), (10, 14), (11, 15),
    (2, 4), (3, 5), (10, 12), (11, 13),
    (1, 2), (3, 4), (5, 6), (9, 10), (11, 12), (13, 14),
    (0, 8), (1, 9), (2, 10), (3, 11), (4, 12), (5, 13), (6, 14), (7, 15),
    (4, 8), (5, 9), (6, 10), (7, 11),
    (2, 4), (3, 5), (6, 8), (7, 9), (10, 12), (11, 13),
    (1, 2), (3, 4), (5, 6), (7, 8), (9, 10), (11, 12), (13, 14),
]
_BMERGE16 = [(t, t + g) for g in (8, 4, 2, 1) for t in range(16) if t & g == 0]


def _ce2(ks, a, b):
    ka, kb = ks[a], ks[b]
    ks[a] = jnp.minimum(ka, kb)
    ks[b] = jnp.maximum(ka, kb)


def _knn_body(cq_ref, cp_ref, idx_ref):
    b = pl.program_id(0)
    cq = cq_ref[0]
    cp = cp_ref[0]
    n = cp.shape[1]
    q = cq.shape[0]
    mm = lax.dot_general(cq, cp, (((1,), (0,)), ((), ())),
                         precision=lax.Precision.HIGHEST)
    qn = (cq[:, 0:1] ** 2 + cq[:, 1:2] ** 2 + cq[:, 2:3] ** 2) * 0.25
    d2p = jnp.maximum((mm + cp[3:4, :]) + qn, jnp.float32(1e-25))
    c = 16
    w = n // c
    i32 = jnp.int32
    keys = []
    for t in range(c):
        kb = lax.bitcast_convert_type(d2p[:, t * w:(t + 1) * w], i32)
        kb = (kb & i32(~511)) | i32(t << 5)
        keys.append(lax.bitcast_convert_type(kb, jnp.float32))
    for a, bb in _SORT16:
        _ce2(keys, a, bb)
    while w > 16:
        h = w // 2
        slot = i32(h // 16)
        nv = []
        for t in range(c):
            av = keys[t][:, :h]
            bv = keys[c - 1 - t][:, h:]
            bv = lax.bitcast_convert_type(
                lax.bitcast_convert_type(bv, i32) | slot, jnp.float32)
            nv.append(jnp.minimum(av, bv))
        keys = nv
        for a, bb in _BMERGE16:
            _ce2(keys, a, bb)
        w = h
    x = jnp.concatenate(keys, axis=1)
    pos = lax.broadcasted_iota(i32, x.shape, 1)
    big = i32(2 ** 30)
    inf = jnp.float32(jnp.inf)
    idx_cols = []
    for _ in range(_K):
        m = jnp.min(x, axis=1, keepdims=True)
        p = jnp.min(jnp.where(x == m, pos, big), axis=1, keepdims=True)
        kb = lax.bitcast_convert_type(m, i32)
        col = ((kb >> 5) & 15) * (n // c) + ((kb & 31) << 4) + (p & 15)
        idx_cols.append(col)
        x = jnp.where(x == m, inf, x)
    idx_ref[0] = jnp.concatenate(idx_cols, axis=1) + b * n


def _sc_gather_body(cx_hbm, cy_hbm, cz_hbm, idx_hbm,
                    ox_hbm, oy_hbm, oz_hbm,
                    tx_v, ty_v, tz_v, idx_v, ox_v, oy_v, oz_v):
    info = plsc.get_sparse_core_info()
    nw = info.num_cores * info.num_subcores
    spw = idx_hbm.shape[0] // nw
    wid = lax.axis_index("s") * info.num_cores + lax.axis_index("c")
    base = wid * spw
    pltpu.sync_copy(cx_hbm, tx_v)
    pltpu.sync_copy(cy_hbm, ty_v)
    pltpu.sync_copy(cz_hbm, tz_v)
    pltpu.sync_copy(idx_hbm.at[pl.ds(base, spw)], idx_v)

    def step(g, carry):
        sl = pl.ds(g * 16, 16)
        iv = idx_v[sl]
        ox_v[sl] = plsc.load_gather(tx_v, [iv])
        oy_v[sl] = plsc.load_gather(ty_v, [iv])
        oz_v[sl] = plsc.load_gather(tz_v, [iv])
        return carry

    lax.fori_loop(0, spw // 16, step, 0)
    pltpu.sync_copy(ox_v, ox_hbm.at[pl.ds(base, spw)])
    pltpu.sync_copy(oy_v, oy_hbm.at[pl.ds(base, spw)])
    pltpu.sync_copy(oz_v, oz_hbm.at[pl.ds(base, spw)])


def _encoding_channels(cq, nbx, nby, nbz):
    k = nbx.shape[1]
    ch = []
    for d in range(3):
        ch.append(jnp.broadcast_to(cq[:, d:d + 1], (cq.shape[0], k)))
    ch.extend([nbx, nby, nbz])
    for d in range(3):
        ch.append(ch[d] - ch[3 + d])
    d2 = ch[6] ** 2 + ch[7] ** 2 + ch[8] ** 2
    ch.append(jnp.sqrt(jnp.maximum(d2, 0.0)))
    return ch


def _moments_body(cq_ref, nbx_ref, nby_ref, nbz_ref, m_ref):
    ch = _encoding_channels(cq_ref[0], nbx_ref[0], nby_ref[0], nbz_ref[0])
    r = 0
    for c, cp in _PAIRS:
        m_ref[0, 0, r:r + 1, :] = jnp.sum(ch[c] * ch[cp], axis=0,
                                          keepdims=True)
        r += 1
    for c in range(10):
        m_ref[0, 0, r:r + 1, :] = jnp.sum(ch[c], axis=0, keepdims=True)
        r += 1
    while r < _MROWS:
        m_ref[0, 0, r:r + 1, :] = jnp.zeros((1, _K), jnp.float32)
        r += 1


def _encode_body(cq_ref, nbx_ref, nby_ref, nbz_ref, ft_ref,
                 w2_ref, b2_ref, out_ref):
    ch = _encoding_channels(cq_ref[0], nbx_ref[0], nby_ref[0], nbz_ref[0])
    ft = ft_ref[0]
    q, k = ch[9].shape
    for o in range(_D):
        x = jnp.full((q, k), b2_ref[o], jnp.float32)
        for c in range(10):
            x = x + w2_ref[o, c] * ch[c]
        out_ref[0, o] = jnp.maximum(x, 0.0)
        out_ref[0, _D + o] = jnp.broadcast_to(ft[:, o:o + 1], (q, k))


def _sc_gather(cx, cy, cz, idx_flat):
    s = idx_flat.shape[0]
    bn = cx.shape[0]
    info = plsc.get_sparse_core_info()
    spw = s // (info.num_cores * info.num_subcores)
    mesh = plsc.VectorSubcoreMesh(core_axis_name="c", subcore_axis_name="s")
    f32 = jnp.float32
    fn = pl.kernel(
        _sc_gather_body,
        out_type=(jax.ShapeDtypeStruct((s,), f32),) * 3,
        mesh=mesh,
        scratch_types=[
            pltpu.VMEM((bn,), f32),
            pltpu.VMEM((bn,), f32),
            pltpu.VMEM((bn,), f32),
            pltpu.VMEM((spw,), jnp.int32),
            pltpu.VMEM((spw,), f32),
            pltpu.VMEM((spw,), f32),
            pltpu.VMEM((spw,), f32),
        ],
        compiler_params=pltpu.CompilerParams(needs_layout_passes=False),
    )
    return fn(cx, cy, cz, idx_flat)


def kernel(coords, features, W, b, gamma, beta):
    B, N, _ = coords.shape
    nq = N // _Q
    f32 = jnp.float32

    coords = coords.astype(f32)
    coords_q = jnp.concatenate([coords, jnp.zeros((B, N, 5), f32)], axis=-1)
    pnorm = jnp.sum(coords * coords, axis=-1, keepdims=True)
    coords_t = jnp.transpose(
        jnp.concatenate([coords, pnorm, jnp.zeros((B, N, 4), f32)], axis=-1),
        (0, 2, 1))
    cq2 = jnp.concatenate([-2.0 * coords, jnp.zeros((B, N, 5), f32)],
                          axis=-1)

    idx = pl.pallas_call(
        _knn_body,
        grid=(B, nq),
        in_specs=[
            pl.BlockSpec((1, _Q, 8), lambda bb, qq: (bb, qq, 0)),
            pl.BlockSpec((1, 8, N), lambda bb, qq: (bb, 0, 0)),
        ],
        out_specs=pl.BlockSpec((1, _Q, _K), lambda bb, qq: (bb, qq, 0)),
        out_shape=jax.ShapeDtypeStruct((B, N, _K), jnp.int32),
    )(cq2, coords_t)

    cflat = jnp.reshape(coords, (B * N, 3))
    nbx, nby, nbz = _sc_gather(cflat[:, 0], cflat[:, 1], cflat[:, 2],
                               jnp.reshape(idx, (B * N * _K,)))
    nbx = jnp.reshape(nbx, (B, N, _K))
    nby = jnp.reshape(nby, (B, N, _K))
    nbz = jnp.reshape(nbz, (B, N, _K))

    enc_specs = [
        pl.BlockSpec((1, _Q, 8), lambda bb, qq: (bb, qq, 0)),
        pl.BlockSpec((1, _Q, _K), lambda bb, qq: (bb, qq, 0)),
        pl.BlockSpec((1, _Q, _K), lambda bb, qq: (bb, qq, 0)),
        pl.BlockSpec((1, _Q, _K), lambda bb, qq: (bb, qq, 0)),
    ]
    mom = pl.pallas_call(
        _moments_body,
        grid=(B, nq),
        in_specs=enc_specs,
        out_specs=pl.BlockSpec((1, 1, _MROWS, _K),
                               lambda bb, qq: (bb, qq, 0, 0)),
        out_shape=jax.ShapeDtypeStruct((B, nq, _MROWS, _K), f32),
    )(coords_q, nbx, nby, nbz)

    msum = jnp.sum(mom, axis=(0, 1, 3))
    cnt = jnp.float32(B * N * _K)
    s_pair = msum[:55]
    s_c = msum[55:65]
    ci = jnp.array([p[0] for p in _PAIRS], jnp.int32)
    cj = jnp.array([p[1] for p in _PAIRS], jnp.int32)
    mult = jnp.array([1.0 if p[0] == p[1] else 2.0 for p in _PAIRS], f32)
    W = W.astype(f32)
    fmat = W[:, ci] * W[:, cj] * mult[None, :]
    sy = W @ s_c
    syy = fmat @ s_pair
    mean = sy / cnt + b
    ex2 = syy / cnt + 2.0 * b * (sy / cnt) + b * b
    var = ex2 - mean * mean
    scale = gamma / jnp.sqrt(var + 1e-6)
    w2 = W * scale[:, None]
    b2 = (b - mean) * scale + beta

    ft = jnp.transpose(features[:, :, :, 0], (0, 2, 1))
    out = pl.pallas_call(
        _encode_body,
        grid=(B, nq),
        in_specs=enc_specs + [
            pl.BlockSpec((1, _Q, _D), lambda bb, qq: (bb, qq, 0)),
            pl.BlockSpec(memory_space=pltpu.SMEM),
            pl.BlockSpec(memory_space=pltpu.SMEM),
        ],
        out_specs=pl.BlockSpec((1, 2 * _D, _Q, _K),
                               lambda bb, qq: (bb, 0, qq, 0)),
        out_shape=jax.ShapeDtypeStruct((B, 2 * _D, N, _K), f32),
    )(coords_q, nbx, nby, nbz, ft, w2, b2)
    return out

# --- scband reference (transcript-rebuilt; emitter-appended) ---
"""Pipeline reference for scband-local-spatial-encoding-24670292148535 (READ-ONLY COPY).

The authoritative reference and input builder live on the scoring server;
editing this copy changes nothing except your own understanding.
"""

import jax, jax.numpy as jnp
import numpy as np

D = 32
K = 16


def _knn_single(pts, k, chunk=2048):
    # pts: [N, 3]; brute-force knn, chunked over queries to bound memory
    N = pts.shape[0]
    idxs, dists = [], []
    for i in range(0, N, chunk):
        q = pts[i:i + chunk]
        d2 = jnp.sum((q[:, None, :] - pts[None, :, :]) ** 2, axis=-1)  # [c, N]
        neg, idx = jax.lax.top_k(-d2, k)
        idxs.append(idx)
        dists.append(jnp.sqrt(jnp.maximum(-neg, 0.0)))
    return jnp.concatenate(idxs, axis=0), jnp.concatenate(dists, axis=0)


def knn(coords, k):
    # coords: [B, N, 3] -> idx [B, N, K] int32, dist [B, N, K] float32 (euclidean)
    idx_l, dist_l = [], []
    for b in range(coords.shape[0]):
        i, d = _knn_single(coords[b], k)
        idx_l.append(i)
        dist_l.append(d)
    return jnp.stack(idx_l, axis=0), jnp.stack(dist_l, axis=0)


def setup_inputs(seed: int = 0):
    key = jax.random.key(seed)
    k1, k2, k3 = jax.random.split(key, 3)
    coords = jax.random.normal(k1, (2, 8192, 3), dtype=jnp.float32)
    features = jax.random.normal(k2, (2, D, 8192, 1), dtype=jnp.float32)
    # SharedMLP params: Conv2d(10, D, kernel_size=1) -> weight [D, 10], bias [D]
    W = jax.random.normal(k3, (D, 10), dtype=jnp.float32) * 0.1
    b = jnp.zeros((D,), dtype=jnp.float32)
    # BatchNorm2d(D) affine params
    gamma = jnp.ones((D,), dtype=jnp.float32)
    beta = jnp.zeros((D,), dtype=jnp.float32)
    return {"coords": coords, "features": features, "W": W, "b": b, "gamma": gamma, "beta": beta}


def reference(coords, features, W, b, gamma, beta):
    B, N, _ = coords.shape
    idx, dist = knn(coords, K)  # idx [B, N, K], dist [B, N, K]
    # extended_idx: [B, 3, N, K]
    ext_idx = jnp.broadcast_to(idx[:, None, :, :], (B, 3, N, K))
    # extended_coords: coords.transpose(-2,-1).unsqueeze(-1).repeat(1,1,1,K) -> [B, 3, N, K]
    ext_coords = jnp.broadcast_to(jnp.transpose(coords, (0, 2, 1))[:, :, :, None], (B, 3, N, K))
    # gather along point dim (axis=2)
    neighbors = jnp.take_along_axis(ext_coords, ext_idx, axis=2)
    concat = jnp.concatenate([ext_coords, neighbors, ext_coords - neighbors, dist[:, None, :, :]], axis=1)  # [B, 10, N, K]
    # SharedMLP: 1x1 conv (10 -> D) + BatchNorm2d (training-mode batch stats, eps=1e-6) + ReLU
    x = jnp.einsum('oc,bcnk->bonk', W, concat) + b[None, :, None, None]
    mean = jnp.mean(x, axis=(0, 2, 3), keepdims=True)
    var = jnp.var(x, axis=(0, 2, 3), keepdims=True)
    x = (x - mean) / jnp.sqrt(var + 1e-6) * gamma[None, :, None, None] + beta[None, :, None, None]
    x = jax.nn.relu(x)
    feats = jnp.broadcast_to(features, (B, D, N, K))  # features.repeat(1,1,1,K)
    return jnp.concatenate([x, feats], axis=1)  # [B, 2*D, N, K]

if __name__ == "__main__":
    import jax
    _d = setup_inputs()
    print(jax.jit(kernel)(*tuple(_d.values())))

</pallas_src>

<mosaic_0001>
#map = affine_map<(d0, d1) -> (0)>
module attributes {stable_mosaic.version = 14 : i64} {
  func.func @_sc_gather_body(%arg0: i32, %arg1: i32, %arg2: memref<16384xf32, #tpu.memory_space<hbm>>, %arg3: memref<16384xf32, #tpu.memory_space<hbm>>, %arg4: memref<16384xf32, #tpu.memory_space<hbm>>, %arg5: memref<262144xi32, #tpu.memory_space<hbm>>, %arg6: memref<262144xf32, #tpu.memory_space<hbm>>, %arg7: memref<262144xf32, #tpu.memory_space<hbm>>, %arg8: memref<262144xf32, #tpu.memory_space<hbm>>, %arg9: memref<16384xf32, #tpu.memory_space<vmem>>, %arg10: memref<16384xf32, #tpu.memory_space<vmem>>, %arg11: memref<16384xf32, #tpu.memory_space<vmem>>, %arg12: memref<8192xi32, #tpu.memory_space<vmem>>, %arg13: memref<8192xf32, #tpu.memory_space<vmem>>, %arg14: memref<8192xf32, #tpu.memory_space<vmem>>, %arg15: memref<8192xf32, #tpu.memory_space<vmem>>) attributes {dimension_semantics = [#tpu.dimension_semantics<core_parallel>, #tpu.dimension_semantics<subcore_parallel>], iteration_bounds = array<i64: 2, 16>, scalar_prefetch = 0 : i64, scratch_operands = 7 : i64, tpu.core_type = #tpu.core_type<sc_vector_subcore>, window_params = [{transform_indices = #map}, {transform_indices = #map}, {transform_indices = #map}, {transform_indices = #map}, {transform_indices = #map}, {transform_indices = #map}, {transform_indices = #map}]} {
    %mul3A = arith.constant 2 : i32
    %mul3A_0 = arith.muli %arg1, %mul3A : i32
    %add3A = arith.addi %mul3A_0, %arg0 : i32
    %mul3A_1 = arith.constant 8192 : i32
    %mul3A_2 = arith.muli %add3A, %mul3A_1 : i32
    "tpu.region"() ({
      %run_scoped3A = tpu.sem_alloc : memref<!tpu.dma_semaphore, #tpu.memory_space<semaphore_mem>>
      tpu.enqueue_dma source(%arg2 : memref<16384xf32, #tpu.memory_space<hbm>>) target(%arg9 : memref<16384xf32, #tpu.memory_space<vmem>>) target_semaphore(%run_scoped3A : memref<!tpu.dma_semaphore, #tpu.memory_space<semaphore_mem>>)
      tpu.wait_dma2 semaphore(%run_scoped3A : memref<!tpu.dma_semaphore, #tpu.memory_space<semaphore_mem>>) src(%arg2 : memref<16384xf32, #tpu.memory_space<hbm>>) dst(%arg9 : memref<16384xf32, #tpu.memory_space<vmem>>)
      tpu.yield
    }) : () -> ()
    "tpu.region"() ({
      %run_scoped3A = tpu.sem_alloc : memref<!tpu.dma_semaphore, #tpu.memory_space<semaphore_mem>>
      tpu.enqueue_dma source(%arg3 : memref<16384xf32, #tpu.memory_space<hbm>>) target(%arg10 : memref<16384xf32, #tpu.memory_space<vmem>>) target_semaphore(%run_scoped3A : memref<!tpu.dma_semaphore, #tpu.memory_space<semaphore_mem>>)
      tpu.wait_dma2 semaphore(%run_scoped3A : memref<!tpu.dma_semaphore, #tpu.memory_space<semaphore_mem>>) src(%arg3 : memref<16384xf32, #tpu.memory_space<hbm>>) dst(%arg10 : memref<16384xf32, #tpu.memory_space<vmem>>)
      tpu.yield
    }) : () -> ()
    "tpu.region"() ({
      %run_scoped3A = tpu.sem_alloc : memref<!tpu.dma_semaphore, #tpu.memory_space<semaphore_mem>>
      tpu.enqueue_dma source(%arg4 : memref<16384xf32, #tpu.memory_space<hbm>>) target(%arg11 : memref<16384xf32, #tpu.memory_space<vmem>>) target_semaphore(%run_scoped3A : memref<!tpu.dma_semaphore, #tpu.memory_space<semaphore_mem>>)
      tpu.wait_dma2 semaphore(%run_scoped3A : memref<!tpu.dma_semaphore, #tpu.memory_space<semaphore_mem>>) src(%arg4 : memref<16384xf32, #tpu.memory_space<hbm>>) dst(%arg11 : memref<16384xf32, #tpu.memory_space<vmem>>)
      tpu.yield
    }) : () -> ()
    "tpu.region"() ({
      %run_scoped3A = tpu.sem_alloc : memref<!tpu.dma_semaphore, #tpu.memory_space<semaphore_mem>>
      %dma_start3A = tpu.memref_slice %arg5[%mul3A_2] : memref<262144xi32, #tpu.memory_space<hbm>> -> memref<8192xi32, #tpu.memory_space<hbm>>
      %dma_start3A_8 = tpu.memref_slice %arg5[%mul3A_2] : memref<262144xi32, #tpu.memory_space<hbm>> -> memref<8192xi32, #tpu.memory_space<hbm>>
      tpu.enqueue_dma source(%dma_start3A_8 : memref<8192xi32, #tpu.memory_space<hbm>>) target(%arg12 : memref<8192xi32, #tpu.memory_space<vmem>>) target_semaphore(%run_scoped3A : memref<!tpu.dma_semaphore, #tpu.memory_space<semaphore_mem>>)
      %dma_wait3A = tpu.memref_slice %arg5[%mul3A_2] : memref<262144xi32, #tpu.memory_space<hbm>> -> memref<8192xi32, #tpu.memory_space<hbm>>
      %dma_wait3A_9 = tpu.memref_slice %arg5[%mul3A_2] : memref<262144xi32, #tpu.memory_space<hbm>> -> memref<8192xi32, #tpu.memory_space<hbm>>
      tpu.wait_dma2 semaphore(%run_scoped3A : memref<!tpu.dma_semaphore, #tpu.memory_space<semaphore_mem>>) src(%dma_wait3A_9 : memref<8192xi32, #tpu.memory_space<hbm>>) dst(%arg12 : memref<8192xi32, #tpu.memory_space<vmem>>)
      tpu.yield
    }) : () -> ()
    %scan3A = arith.constant 0 : i32
    %scan3A_3 = arith.constant 0 : i32
    %scan3A_4 = arith.constant 512 : i32
    %scan3A_5 = arith.addi %scan3A_3, %scan3A_4 : i32
    %scan3A_6 = arith.constant 1 : i32
    scf.for %scan3A_8 = %scan3A_3 to %scan3A_5 step %scan3A_6  : i32 {
      %mul3A_9 = arith.constant 16 : i32
      %mul3A_10 = arith.muli %scan3A_8, %mul3A_9 : i32
      %get3A = arith.index_cast %mul3A_10 : i32 to index
      %get3A_11 = tpu.vector_load %arg12[%get3A] {strides = array<i32>} : memref<8192xi32, #tpu.memory_space<vmem>>, vector<16xi32>,
      %gather3A = tpu.vector_load_idx %arg9[%get3A_11] : memref<16384xf32, #tpu.memory_space<vmem>>[vector<16xi32>], vector<16xf32>,
      %swap3A = arith.index_cast %mul3A_10 : i32 to index
      %swap3A_12 = tpu.vector_load %arg13[%swap3A] {strides = array<i32>} : memref<8192xf32, #tpu.memory_space<vmem>>, vector<16xf32>,
      tpu.vector_store %arg13[%swap3A], %gather3A {strides = array<i32>} : memref<8192xf32, #tpu.memory_space<vmem>>, vector<16xf32>,
      %gather3A_13 = tpu.vector_load_idx %arg10[%get3A_11] : memref<16384xf32, #tpu.memory_space<vmem>>[vector<16xi32>], vector<16xf32>,
      %swap3A_14 = arith.index_cast %mul3A_10 : i32 to index
      %swap3A_15 = tpu.vector_load %arg14[%swap3A_14] {strides = array<i32>} : memref<8192xf32, #tpu.memory_space<vmem>>, vector<16xf32>,
      tpu.vector_store %arg14[%swap3A_14], %gather3A_13 {strides = array<i32>} : memref<8192xf32, #tpu.memory_space<vmem>>, vector<16xf32>,
      %gather3A_16 = tpu.vector_load_idx %arg11[%get3A_11] : memref<16384xf32, #tpu.memory_space<vmem>>[vector<16xi32>], vector<16xf32>,
      %swap3A_17 = arith.index_cast %mul3A_10 : i32 to index
      %swap3A_18 = tpu.vector_load %arg15[%swap3A_17] {strides = array<i32>} : memref<8192xf32, #tpu.memory_space<vmem>>, vector<16xf32>,
      tpu.vector_store %arg15[%swap3A_17], %gather3A_16 {strides = array<i32>} : memref<8192xf32, #tpu.memory_space<vmem>>, vector<16xf32>,
    }
    %scan3A_7 = arith.constant 512 : i32
    "tpu.region"() ({
      %run_scoped3A = tpu.sem_alloc : memref<!tpu.dma_semaphore, #tpu.memory_space<semaphore_mem>>
      %dma_start3A = tpu.memref_slice %arg6[%mul3A_2] : memref<262144xf32, #tpu.memory_space<hbm>> -> memref<8192xf32, #tpu.memory_space<hbm>>
      %dma_start3A_8 = tpu.memref_slice %arg6[%mul3A_2] : memref<262144xf32, #tpu.memory_space<hbm>> -> memref<8192xf32, #tpu.memory_space<hbm>>
      tpu.enqueue_dma source(%arg13 : memref<8192xf32, #tpu.memory_space<vmem>>) target(%dma_start3A_8 : memref<8192xf32, #tpu.memory_space<hbm>>) target_semaphore(%run_scoped3A : memref<!tpu.dma_semaphore, #tpu.memory_space<semaphore_mem>>)
      %dma_wait3A = tpu.memref_slice %arg6[%mul3A_2] : memref<262144xf32, #tpu.memory_space<hbm>> -> memref<8192xf32, #tpu.memory_space<hbm>>
      %dma_wait3A_9 = tpu.memref_slice %arg6[%mul3A_2] : memref<262144xf32, #tpu.memory_space<hbm>> -> memref<8192xf32, #tpu.memory_space<hbm>>
      tpu.wait_dma2 semaphore(%run_scoped3A : memref<!tpu.dma_semaphore, #tpu.memory_space<semaphore_mem>>) src(%arg13 : memref<8192xf32, #tpu.memory_space<vmem>>) dst(%dma_wait3A_9 : memref<8192xf32, #tpu.memory_space<hbm>>)
      tpu.yield
    }) : () -> ()
    "tpu.region"() ({
      %run_scoped3A = tpu.sem_alloc : memref<!tpu.dma_semaphore, #tpu.memory_space<semaphore_mem>>
      %dma_start3A = tpu.memref_slice %arg7[%mul3A_2] : memref<262144xf32, #tpu.memory_space<hbm>> -> memref<8192xf32, #tpu.memory_space<hbm>>
      %dma_start3A_8 = tpu.memref_slice %arg7[%mul3A_2] : memref<262144xf32, #tpu.memory_space<hbm>> -> memref<8192xf32, #tpu.memory_space<hbm>>
      tpu.enqueue_dma source(%arg14 : memref<8192xf32, #tpu.memory_space<vmem>>) target(%dma_start3A_8 : memref<8192xf32, #tpu.memory_space<hbm>>) target_semaphore(%run_scoped3A : memref<!tpu.dma_semaphore, #tpu.memory_space<semaphore_mem>>)
      %dma_wait3A = tpu.memref_slice %arg7[%mul3A_2] : memref<262144xf32, #tpu.memory_space<hbm>> -> memref<8192xf32, #tpu.memory_space<hbm>>
      %dma_wait3A_9 = tpu.memref_slice %arg7[%mul3A_2] : memref<262144xf32, #tpu.memory_space<hbm>> -> memref<8192xf32, #tpu.memory_space<hbm>>
      tpu.wait_dma2 semaphore(%run_scoped3A : memref<!tpu.dma_semaphore, #tpu.memory_space<semaphore_mem>>) src(%arg14 : memref<8192xf32, #tpu.memory_space<vmem>>) dst(%dma_wait3A_9 : memref<8192xf32, #tpu.memory_space<hbm>>)
      tpu.yield
    }) : () -> ()
    "tpu.region"() ({
      %run_scoped3A = tpu.sem_alloc : memref<!tpu.dma_semaphore, #tpu.memory_space<semaphore_mem>>
      %dma_start3A = tpu.memref_slice %arg8[%mul3A_2] : memref<262144xf32, #tpu.memory_space<hbm>> -> memref<8192xf32, #tpu.memory_space<hbm>>
      %dma_start3A_8 = tpu.memref_slice %arg8[%mul3A_2] : memref<262144xf32, #tpu.memory_space<hbm>> -> memref<8192xf32, #tpu.memory_space<hbm>>
      tpu.enqueue_dma source(%arg15 : memref<8192xf32, #tpu.memory_space<vmem>>) target(%dma_start3A_8 : memref<8192xf32, #tpu.memory_space<hbm>>) target_semaphore(%run_scoped3A : memref<!tpu.dma_semaphore, #tpu.memory_space<semaphore_mem>>)
      %dma_wait3A = tpu.memref_slice %arg8[%mul3A_2] : memref<262144xf32, #tpu.memory_space<hbm>> -> memref<8192xf32, #tpu.memory_space<hbm>>
      %dma_wait3A_9 = tpu.memref_slice %arg8[%mul3A_2] : memref<262144xf32, #tpu.memory_space<hbm>> -> memref<8192xf32, #tpu.memory_space<hbm>>
      tpu.wait_dma2 semaphore(%run_scoped3A : memref<!tpu.dma_semaphore, #tpu.memory_space<semaphore_mem>>) src(%arg15 : memref<8192xf32, #tpu.memory_space<vmem>>) dst(%dma_wait3A_9 : memref<8192xf32, #tpu.memory_space<hbm>>)
      tpu.yield
    }) : () -> ()
    return
  }
}

module attributes {stable_mosaic.version = 14 : i64} {
  func.func @_knn_body(%arg0: i32, %arg1: i32, %arg2: memref<1x128x8xf32, #tpu.memory_space<vmem>>, %arg3: memref<1x8x8192xf32, #tpu.memory_space<vmem>>, %arg4: memref<1x128x16xi32, #tpu.memory_space<vmem>>) attributes {dimension_semantics = [#tpu.dimension_semantics<arbitrary>, #tpu.dimension_semantics<arbitrary>], iteration_bounds = array<i64: 2, 64>, scalar_prefetch = 0 : i64, scratch_operands = 0 : i64, tpu.core_type = #tpu.core_type<tc>, window_params = [{transform_indices = @transform_0, window_bounds = array<i64: 1, 128, 8>}, {transform_indices = @transform_1, window_bounds = array<i64: 1, 8, 8192>}, {transform_indices = @transform_2, window_bounds = array<i64: 1, 128, 16>}]} {
    %get3A = arith.constant 0 : index
    %get3A_0 = arith.constant 0 : index
    %get3A_1 = arith.constant 0 : index
    %get3A_2 = vector.load %arg2[%get3A, %get3A_0, %get3A_1] : memref<1x128x8xf32, #tpu.memory_space<vmem>>, vector<1x128x8xf32>
    %get3A_3 = vector.shape_cast %get3A_2 : vector<1x128x8xf32> to vector<128x8xf32>
    %get3A_4 = arith.constant 0 : index
    %get3A_5 = arith.constant 0 : index
    %get3A_6 = arith.constant 0 : index
    %get3A_7 = vector.load %arg3[%get3A_4, %get3A_5, %get3A_6] : memref<1x8x8192xf32, #tpu.memory_space<vmem>>, vector<1x8x8192xf32>
    %get3A_8 = vector.shape_cast %get3A_7 : vector<1x8x8192xf32> to vector<8x8192xf32>
    %dot_general3A = arith.constant dense<0.000000e+00> : vector<128x8192xf32>
    %dot_general3A_9 = tpu.matmul %get3A_3, %get3A_8, %dot_general3A {dimension_numbers = #tpu.dot_dimension_numbers<[1], [0], [0], [1], [0, 0, 1, 1], [], []>, precision = #tpu.contract_precision<fp32>, transpose_lhs_hint = false} : vector<128x8xf32>, vector<8x8192xf32>, vector<128x8192xf32> -> vector<128x8192xf32>
    %slice3A = vector.extract_strided_slice %get3A_3 {offsets = [0, 0], sizes = [128, 1], strides = [1, 1]} : vector<128x8xf32> to vector<128x1xf32>
    %integer_pow3A = arith.mulf %slice3A, %slice3A : vector<128x1xf32>
    %slice3A_10 = vector.extract_strided_slice %get3A_3 {offsets = [0, 1], sizes = [128, 1], strides = [1, 1]} : vector<128x8xf32> to vector<128x1xf32>
    %integer_pow3A_11 = arith.mulf %slice3A_10, %slice3A_10 : vector<128x1xf32>
    %add3A = arith.addf %integer_pow3A, %integer_pow3A_11 : vector<128x1xf32>
    %slice3A_12 = vector.extract_strided_slice %get3A_3 {offsets = [0, 2], sizes = [128, 1], strides = [1, 1]} : vector<128x8xf32> to vector<128x1xf32>
    %integer_pow3A_13 = arith.mulf %slice3A_12, %slice3A_12 : vector<128x1xf32>
    %add3A_14 = arith.addf %add3A, %integer_pow3A_13 : vector<128x1xf32>
    %mul3A = arith.constant 2.500000e-01 : f32
    %mul3A_15 = vector.broadcast %mul3A : f32 to vector<128x1xf32>
    %mul3A_16 = arith.mulf %add3A_14, %mul3A_15 : vector<128x1xf32>
    %slice3A_17 = vector.extract_strided_slice %get3A_8 {offsets = [3, 0], sizes = [1, 8192], strides = [1, 1]} : vector<8x8192xf32> to vector<1x8192xf32>
    %add3A_18 = vector.broadcast %slice3A_17 : vector<1x8192xf32> to vector<128x8192xf32>
    %add3A_19 = arith.addf %dot_general3A_9, %add3A_18 : vector<128x8192xf32>
    %add3A_20 = vector.broadcast %mul3A_16 : vector<128x1xf32> to vector<128x8192xf32>
    %add3A_21 = arith.addf %add3A_19, %add3A_20 : vector<128x8192xf32>
    %max3A = arith.constant 1.000000e-25 : f32
    %max3A_22 = vector.broadcast %max3A : f32 to vector<128x8192xf32>
    %max3A_23 = arith.maximumf %add3A_21, %max3A_22 : vector<128x8192xf32>
    %slice3A_24 = vector.extract_strided_slice %max3A_23 {offsets = [0, 0], sizes = [128, 512], strides = [1, 1]} : vector<128x8192xf32> to vector<128x512xf32>
    %bitcast_convert_type3A = tpu.bitcast %slice3A_24 : vector<128x512xf32> -> vector<128x512xi32>
    %and3A = arith.constant -512 : i32
    %and3A_25 = vector.broadcast %and3A : i32 to vector<128x512xi32>
    %and3A_26 = arith.andi %bitcast_convert_type3A, %and3A_25 : vector<128x512xi32>
    %or3A = arith.constant 0 : i32
    %or3A_27 = vector.broadcast %or3A : i32 to vector<128x512xi32>
    %or3A_28 = arith.ori %and3A_26, %or3A_27 : vector<128x512xi32>
    %bitcast_convert_type3A_29 = tpu.bitcast %or3A_28 : vector<128x512xi32> -> vector<128x512xf32>
    %slice3A_30 = vector.extract_strided_slice %max3A_23 {offsets = [0, 512], sizes = [128, 512], strides = [1, 1]} : vector<128x8192xf32> to vector<128x512xf32>
    %bitcast_convert_type3A_31 = tpu.bitcast %slice3A_30 : vector<128x512xf32> -> vector<128x512xi32>
    %and3A_32 = arith.constant -512 : i32
    %and3A_33 = vector.broadcast %and3A_32 : i32 to vector<128x512xi32>
    %and3A_34 = arith.andi %bitcast_convert_type3A_31, %and3A_33 : vector<128x512xi32>
    %or3A_35 = arith.constant 32 : i32
    %or3A_36 = vector.broadcast %or3A_35 : i32 to vector<128x512xi32>
    %or3A_37 = arith.ori %and3A_34, %or3A_36 : vector<128x512xi32>
    %bitcast_convert_type3A_38 = tpu.bitcast %or3A_37 : vector<128x512xi32> -> vector<128x512xf32>
    %slice3A_39 = vector.extract_strided_slice %max3A_23 {offsets = [0, 1024], sizes = [128, 512], strides = [1, 1]} : vector<128x8192xf32> to vector<128x512xf32>
    %bitcast_convert_type3A_40 = tpu.bitcast %slice3A_39 : vector<128x512xf32> -> vector<128x512xi32>
    %and3A_41 = arith.constant -512 : i32
    %and3A_42 = vector.broadcast %and3A_41 : i32 to vector<128x512xi32>
    %and3A_43 = arith.andi %bitcast_convert_type3A_40, %and3A_42 : vector<128x512xi32>
    %or3A_44 = arith.constant 64 : i32
    %or3A_45 = vector.broadcast %or3A_44 : i32 to vector<128x512xi32>
    %or3A_46 = arith.ori %and3A_43, %or3A_45 : vector<128x512xi32>
    %bitcast_convert_type3A_47 = tpu.bitcast %or3A_46 : vector<128x512xi32> -> vector<128x512xf32>
    %slice3A_48 = vector.extract_strided_slice %max3A_23 {offsets = [0, 1536], sizes = [128, 512], strides = [1, 1]} : vector<128x8192xf32> to vector<128x512xf32>
    %bitcast_convert_type3A_49 = tpu.bitcast %slice3A_48 : vector<128x512xf32> -> vector<128x512xi32>
    %and3A_50 = arith.constant -512 : i32
    %and3A_51 = vector.broadcast %and3A_50 : i32 to vector<128x512xi32>
    %and3A_52 = arith.andi %bitcast_convert_type3A_49, %and3A_51 : vector<128x512xi32>
    %or3A_53 = arith.constant 96 : i32
    %or3A_54 = vector.broadcast %or3A_53 : i32 to vector<128x512xi32>
    %or3A_55 = arith.ori %and3A_52, %or3A_54 : vector<128x512xi32>
    %bitcast_convert_type3A_56 = tpu.bitcast %or3A_55 : vector<128x512xi32> -> vector<128x512xf32>
    %slice3A_57 = vector.extract_strided_slice %max3A_23 {offsets = [0, 2048], sizes = [128, 512], strides = [1, 1]} : vector<128x8192xf32> to vector<128x512xf32>
    %bitcast_convert_type3A_58 = tpu.bitcast %slice3A_57 : vector<128x512xf32> -> vector<128x512xi32>
    %and3A_59 = arith.constant -512 : i32
    %and3A_60 = vector.broadcast %and3A_59 : i32 to vector<128x512xi32>
    %and3A_61 = arith.andi %bitcast_convert_type3A_58, %and3A_60 : vector<128x512xi32>
    %or3A_62 = arith.constant 128 : i32
    %or3A_63 = vector.broadcast %or3A_62 : i32 to vector<128x512xi32>
    %or3A_64 = arith.ori %and3A_61, %or3A_63 : vector<128x512xi32>
    %bitcast_convert_type3A_65 = tpu.bitcast %or3A_64 : vector<128x512xi32> -> vector<128x512xf32>
    %slice3A_66 = vector.extract_strided_slice %max3A_23 {offsets = [0, 2560], sizes = [128, 512], strides = [1, 1]} : vector<128x8192xf32> to vector<128x512xf32>
    %bitcast_convert_type3A_67 = tpu.bitcast %slice3A_66 : vector<128x512xf32> -> vector<128x512xi32>
    %and3A_68 = arith.constant -512 : i32
    %and3A_69 = vector.broadcast %and3A_68 : i32 to vector<128x512xi32>
    %and3A_70 = arith.andi %bitcast_convert_type3A_67, %and3A_69 : vector<128x512xi32>
    %or3A_71 = arith.constant 160 : i32
    %or3A_72 = vector.broadcast %or3A_71 : i32 to vector<128x512xi32>
    %or3A_73 = arith.ori %and3A_70, %or3A_72 : vector<128x512xi32>
    %bitcast_convert_type3A_74 = tpu.bitcast %or3A_73 : vector<128x512xi32> -> vector<128x512xf32>
    %slice3A_75 = vector.extract_strided_slice %max3A_23 {offsets = [0, 3072], sizes = [128, 512], strides = [1, 1]} : vector<128x8192xf32> to vector<128x512xf32>
    %bitcast_convert_type3A_76 = tpu.bitcast %slice3A_75 : vector<128x512xf32> -> vector<128x512xi32>
    %and3A_77 = arith.constant -512 : i32
    %and3A_78 = vector.broadcast %and3A_77 : i32 to vector<128x512xi32>
    %and3A_79 = arith.andi %bitcast_convert_type3A_76, %and3A_78 : vector<128x512xi32>
    %or3A_80 = arith.constant 192 : i32
    %or3A_81 = vector.broadcast %or3A_80 : i32 to vector<128x512xi32>
    %or3A_82 = arith.ori %and3A_79, %or3A_81 : vector<128x512xi32>
    %bitcast_convert_type3A_83 = tpu.bitcast %or3A_82 : vector<128x512xi32> -> vector<128x512xf32>
    %slice3A_84 = vector.extract_strided_slice %max3A_23 {offsets = [0, 3584], sizes = [128, 512], strides = [1, 1]} : vector<128x8192xf32> to vector<128x512xf32>
    %bitcast_convert_type3A_85 = tpu.bitcast %slice3A_84 : vector<128x512xf32> -> vector<128x512xi32>
    %and3A_86 = arith.constant -512 : i32
    %and3A_87 = vector.broadcast %and3A_86 : i32 to vector<128x512xi32>
    %and3A_88 = arith.andi %bitcast_convert_type3A_85, %and3A_87 : vector<128x512xi32>
    %or3A_89 = arith.constant 224 : i32
    %or3A_90 = vector.broadcast %or3A_89 : i32 to vector<128x512xi32>
    %or3A_91 = arith.ori %and3A_88, %or3A_90 : vector<128x512xi32>
    %bitcast_convert_type3A_92 = tpu.bitcast %or3A_91 : vector<128x512xi32> -> vector<128x512xf32>
    %slice3A_93 = vector.extract_strided_slice %max3A_23 {offsets = [0, 4096], sizes = [128, 512], strides = [1, 1]} : vector<128x8192xf32> to vector<128x512xf32>
    %bitcast_convert_type3A_94 = tpu.bitcast %slice3A_93 : vector<128x512xf32> -> vector<128x512xi32>
    %and3A_95 = arith.constant -512 : i32
    %and3A_96 = vector.broadcast %and3A_95 : i32 to vector<128x512xi32>
    %and3A_97 = arith.andi %bitcast_convert_type3A_94, %and3A_96 : vector<128x512xi32>
    %or3A_98 = arith.constant 256 : i32
    %or3A_99 = vector.broadcast %or3A_98 : i32 to vector<128x512xi32>
    %or3A_100 = arith.ori %and3A_97, %or3A_99 : vector<128x512xi32>
    %bitcast_convert_type3A_101 = tpu.bitcast %or3A_100 : vector<128x512xi32> -> vector<128x512xf32>
    %slice3A_102 = vector.extract_strided_slice %max3A_23 {offsets = [0, 4608], sizes = [128, 512], strides = [1, 1]} : vector<128x8192xf32> to vector<128x512xf32>
    %bitcast_convert_type3A_103 = tpu.bitcast %slice3A_102 : vector<128x512xf32> -> vector<128x512xi32>
    %and3A_104 = arith.constant -512 : i32
    %and3A_105 = vector.broadcast %and3A_104 : i32 to vector<128x512xi32>
    %and3A_106 = arith.andi %bitcast_convert_type3A_103, %and3A_105 : vector<128x512xi32>
    %or3A_107 = arith.constant 288 : i32
    %or3A_108 = vector.broadcast %or3A_107 : i32 to vector<128x512xi32>
    %or3A_109 = arith.ori %and3A_106, %or3A_108 : vector<128x512xi32>
    %bitcast_convert_type3A_110 = tpu.bitcast %or3A_109 : vector<128x512xi32> -> vector<128x512xf32>
    %slice3A_111 = vector.extract_strided_slice %max3A_23 {offsets = [0, 5120], sizes = [128, 512], strides = [1, 1]} : vector<128x8192xf32> to vector<128x512xf32>
    %bitcast_convert_type3A_112 = tpu.bitcast %slice3A_111 : vector<128x512xf32> -> vector<128x512xi32>
    %and3A_113 = arith.constant -512 : i32
    %and3A_114 = vector.broadcast %and3A_113 : i32 to vector<128x512xi32>
    %and3A_115 = arith.andi %bitcast_convert_type3A_112, %and3A_114 : vector<128x512xi32>
    %or3A_116 = arith.constant 320 : i32
    %or3A_117 = vector.broadcast %or3A_116 : i32 to vector<128x512xi32>
    %or3A_118 = arith.ori %and3A_115, %or3A_117 : vector<128x512xi32>
    %bitcast_convert_type3A_119 = tpu.bitcast %or3A_118 : vector<128x512xi32> -> vector<128x512xf32>
    %slice3A_120 = vector.extract_strided_slice %max3A_23 {offsets = [0, 5632], sizes = [128, 512], strides = [1, 1]} : vector<128x8192xf32> to vector<128x512xf32>
    %bitcast_convert_type3A_121 = tpu.bitcast %slice3A_120 : vector<128x512xf32> -> vector<128x512xi32>
    %and3A_122 = arith.constant -512 : i32
    %and3A_123 = vector.broadcast %and3A_122 : i32 to vector<128x512xi32>
    %and3A_124 = arith.andi %bitcast_convert_type3A_121, %and3A_123 : vector<128x512xi32>
    %or3A_125 = arith.constant 352 : i32
    %or3A_126 = vector.broadcast %or3A_125 : i32 to vector<128x512xi32>
    %or3A_127 = arith.ori %and3A_124, %or3A_126 : vector<128x512xi32>
    %bitcast_convert_type3A_128 = tpu.bitcast %or3A_127 : vector<128x512xi32> -> vector<128x512xf32>
    %slice3A_129 = vector.extract_strided_slice %max3A_23 {offsets = [0, 6144], sizes = [128, 512], strides = [1, 1]} : vector<128x8192xf32> to vector<128x512xf32>
    %bitcast_convert_type3A_130 = tpu.bitcast %slice3A_129 : vector<128x512xf32> -> vector<128x512xi32>
    %and3A_131 = arith.constant -512 : i32
    %and3A_132 = vector.broadcast %and3A_131 : i32 to vector<128x512xi32>
    %and3A_133 = arith.andi %bitcast_convert_type3A_130, %and3A_132 : vector<128x512xi32>
    %or3A_134 = arith.constant 384 : i32
    %or3A_135 = vector.broadcast %or3A_134 : i32 to vector<128x512xi32>
    %or3A_136 = arith.ori %and3A_133, %or3A_135 : vector<128x512xi32>
    %bitcast_convert_type3A_137 = tpu.bitcast %or3A_136 : vector<128x512xi32> -> vector<128x512xf32>
    %slice3A_138 = vector.extract_strided_slice %max3A_23 {offsets = [0, 6656], sizes = [128, 512], strides = [1, 1]} : vector<128x8192xf32> to vector<128x512xf32>
    %bitcast_convert_type3A_139 = tpu.bitcast %slice3A_138 : vector<128x512xf32> -> vector<128x512xi32>
    %and3A_140 = arith.constant -512 : i32
    %and3A_141 = vector.broadcast %and3A_140 : i32 to vector<128x512xi32>
    %and3A_142 = arith.andi %bitcast_convert_type3A_139, %and3A_141 : vector<128x512xi32>
    %or3A_143 = arith.constant 416 : i32
    %or3A_144 = vector.broadcast %or3A_143 : i32 to vector<128x512xi32>
    %or3A_145 = arith.ori %and3A_142, %or3A_144 : vector<128x512xi32>
    %bitcast_convert_type3A_146 = tpu.bitcast %or3A_145 : vector<128x512xi32> -> vector<128x512xf32>
    %slice3A_147 = vector.extract_strided_slice %max3A_23 {offsets = [0, 7168], sizes = [128, 512], strides = [1, 1]} : vector<128x8192xf32> to vector<128x512xf32>
    %bitcast_convert_type3A_148 = tpu.bitcast %slice3A_147 : vector<128x512xf32> -> vector<128x512xi32>
    %and3A_149 = arith.constant -512 : i32
    %and3A_150 = vector.broadcast %and3A_149 : i32 to vector<128x512xi32>
    %and3A_151 = arith.andi %bitcast_convert_type3A_148, %and3A_150 : vector<128x512xi32>
    %or3A_152 = arith.constant 448 : i32
    %or3A_153 = vector.broadcast %or3A_152 : i32 to vector<128x512xi32>
    %or3A_154 = arith.ori %and3A_151, %or3A_153 : vector<128x512xi32>
    %bitcast_convert_type3A_155 = tpu.bitcast %or3A_154 : vector<128x512xi32> -> vector<128x512xf32>
    %slice3A_156 = vector.extract_strided_slice %max3A_23 {offsets = [0, 7680], sizes = [128, 512], strides = [1, 1]} : vector<128x8192xf32> to vector<128x512xf32>
    %bitcast_convert_type3A_157 = tpu.bitcast %slice3A_156 : vector<128x512xf32> -> vector<128x512xi32>
    %and3A_158 = arith.constant -512 : i32
    %and3A_159 = vector.broadcast %and3A_158 : i32 to vector<128x512xi32>
    %and3A_160 = arith.andi %bitcast_convert_type3A_157, %and3A_159 : vector<128x512xi32>
    %or3A_161 = arith.constant 480 : i32
    %or3A_162 = vector.broadcast %or3A_161 : i32 to vector<128x512xi32>
    %or3A_163 = arith.ori %and3A_160, %or3A_162 : vector<128x512xi32>
    %bitcast_convert_type3A_164 = tpu.bitcast %or3A_163 : vector<128x512xi32> -> vector<128x512xf32>
    %min3A = arith.minimumf %bitcast_convert_type3A_29, %bitcast_convert_type3A_38 : vector<128x512xf32>
    %max3A_165 = arith.maximumf %bitcast_convert_type3A_29, %bitcast_convert_type3A_38 : vector<128x512xf32>
    %min3A_166 = arith.minimumf %bitcast_convert_type3A_47, %bitcast_convert_type3A_56 : vector<128x512xf32>
    %max3A_167 = arith.maximumf %bitcast_convert_type3A_47, %bitcast_convert_type3A_56 : vector<128x512xf32>
    %min3A_168 = arith.minimumf %bitcast_convert_type3A_65, %bitcast_convert_type3A_74 : vector<128x512xf32>
    %max3A_169 = arith.maximumf %bitcast_convert_type3A_65, %bitcast_convert_type3A_74 : vector<128x512xf32>
    %min3A_170 = arith.minimumf %bitcast_convert_type3A_83, %bitcast_convert_type3A_92 : vector<128x512xf32>
    %max3A_171 = arith.maximumf %bitcast_convert_type3A_83, %bitcast_convert_type3A_92 : vector<128x512xf32>
    %min3A_172 = arith.minimumf %bitcast_convert_type3A_101, %bitcast_convert_type3A_110 : vector<128x512xf32>
    %max3A_173 = arith.maximumf %bitcast_convert_type3A_101, %bitcast_convert_type3A_110 : vector<128x512xf32>
    %min3A_174 = arith.minimumf %bitcast_convert_type3A_119, %bitcast_convert_type3A_128 : vector<128x512xf32>
    %max3A_175 = arith.maximumf %bitcast_convert_type3A_119, %bitcast_convert_type3A_128 : vector<128x512xf32>
    %min3A_176 = arith.minimumf %bitcast_convert_type3A_137, %bitcast_convert_type3A_146 : vector<128x512xf32>
    %max3A_177 = arith.maximumf %bitcast_convert_type3A_137, %bitcast_convert_type3A_146 : vector<128x512xf32>
    %min3A_178 = arith.minimumf %bitcast_convert_type3A_155, %bitcast_convert_type3A_164 : vector<128x512xf32>
    %max3A_179 = arith.maximumf %bitcast_convert_type3A_155, %bitcast_convert_type3A_164 : vector<128x512xf32>
    %min3A_180 = arith.minimumf %min3A, %min3A_166 : vector<128x512xf32>
    %max3A_181 = arith.maximumf %min3A, %min3A_166 : vector<128x512xf32>
    %min3A_182 = arith.minimumf %max3A_165, %max3A_167 : vector<128x512xf32>
    %max3A_183 = arith.maximumf %max3A_165, %max3A_167 : vector<128x512xf32>
    %min3A_184 = arith.minimumf %min3A_168, %min3A_170 : vector<128x512xf32>
    %max3A_185 = arith.maximumf %min3A_168, %min3A_170 : vector<128x512xf32>
    %min3A_186 = arith.minimumf %max3A_169, %max3A_171 : vector<128x512xf32>
    %max3A_187 = arith.maximumf %max3A_169, %max3A_171 : vector<128x512xf32>
    %min3A_188 = arith.minimumf %min3A_172, %min3A_174 : vector<128x512xf32>
    %max3A_189 = arith.maximumf %min3A_172, %min3A_174 : vector<128x512xf32>
    %min3A_190 = arith.minimumf %max3A_173, %max3A_175 : vector<128x512xf32>
    %max3A_191 = arith.maximumf %max3A_173, %max3A_175 : vector<128x512xf32>
    %min3A_192 = arith.minimumf %min3A_176, %min3A_178 : vector<128x512xf32>
    %max3A_193 = arith.maximumf %min3A_176, %min3A_178 : vector<128x512xf32>
    %min3A_194 = arith.minimumf %max3A_177, %max3A_179 : vector<128x512xf32>
    %max3A_195 = arith.maximumf %max3A_177, %max3A_179 : vector<128x512xf32>
    %min3A_196 = arith.minimumf %min3A_182, %max3A_181 : vector<128x512xf32>
    %max3A_197 = arith.maximumf %min3A_182, %max3A_181 : vector<128x512xf32>
    %min3A_198 = arith.minimumf %min3A_186, %max3A_185 : vector<128x512xf32>
    %max3A_199 = arith.maximumf %min3A_186, %max3A_185 : vector<128x512xf32>
    %min3A_200 = arith.minimumf %min3A_190, %max3A_189 : vector<128x512xf32>
    %max3A_201 = arith.maximumf %min3A_190, %max3A_189 : vector<128x512xf32>
    %min3A_202 = arith.minimumf %min3A_194, %max3A_193 : vector<128x512xf32>
    %max3A_203 = arith.maximumf %min3A_194, %max3A_193 : vector<128x512xf32>
    %min3A_204 = arith.minimumf %min3A_180, %min3A_184 : vector<128x512xf32>
    %max3A_205 = arith.maximumf %min3A_180, %min3A_184 : vector<128x512xf32>
    %min3A_206 = arith.minimumf %min3A_196, %min3A_198 : vector<128x512xf32>
    %max3A_207 = arith.maximumf %min3A_196, %min3A_198 : vector<128x512xf32>
    %min3A_208 = arith.minimumf %max3A_197, %max3A_199 : vector<128x512xf32>
    %max3A_209 = arith.maximumf %max3A_197, %max3A_199 : vector<128x512xf32>
    %min3A_210 = arith.minimumf %max3A_183, %max3A_187 : vector<128x512xf32>
    %max3A_211 = arith.maximumf %max3A_183, %max3A_187 : vector<128x512xf32>
    %min3A_212 = arith.minimumf %min3A_188, %min3A_192 : vector<128x512xf32>
    %max3A_213 = arith.maximumf %min3A_188, %min3A_192 : vector<128x512xf32>
    %min3A_214 = arith.minimumf %min3A_200, %min3A_202 : vector<128x512xf32>
    %max3A_215 = arith.maximumf %min3A_200, %min3A_202 : vector<128x512xf32>
    %min3A_216 = arith.minimumf %max3A_201, %max3A_203 : vector<128x512xf32>
    %max3A_217 = arith.maximumf %max3A_201, %max3A_203 : vector<128x512xf32>
    %min3A_218 = arith.minimumf %max3A_191, %max3A_195 : vector<128x512xf32>
    %max3A_219 = arith.maximumf %max3A_191, %max3A_195 : vector<128x512xf32>
    %min3A_220 = arith.minimumf %min3A_208, %max3A_205 : vector<128x512xf32>
    %max3A_221 = arith.maximumf %min3A_208, %max3A_205 : vector<128x512xf32>
    %min3A_222 = arith.minimumf %min3A_210, %max3A_207 : vector<128x512xf32>
    %max3A_223 = arith.maximumf %min3A_210, %max3A_207 : vector<128x512xf32>
    %min3A_224 = arith.minimumf %min3A_216, %max3A_213 : vector<128x512xf32>
    %max3A_225 = arith.maximumf %min3A_216, %max3A_213 : vector<128x512xf32>
    %min3A_226 = arith.minimumf %min3A_218, %max3A_215 : vector<128x512xf32>
    %max3A_227 = arith.maximumf %min3A_218, %max3A_215 : vector<128x512xf32>
    %min3A_228 = arith.minimumf %min3A_206, %min3A_220 : vector<128x512xf32>
    %max3A_229 = arith.maximumf %min3A_206, %min3A_220 : vector<128x512xf32>
    %min3A_230 = arith.minimumf %min3A_222, %max3A_221 : vector<128x512xf32>
    %max3A_231 = arith.maximumf %min3A_222, %max3A_221 : vector<128x512xf32>
    %min3A_232 = arith.minimumf %max3A_223, %max3A_209 : vector<128x512xf32>
    %max3A_233 = arith.maximumf %max3A_223, %max3A_209 : vector<128x512xf32>
    %min3A_234 = arith.minimumf %min3A_214, %min3A_224 : vector<128x512xf32>
    %max3A_235 = arith.maximumf %min3A_214, %min3A_224 : vector<128x512xf32>
    %min3A_236 = arith.minimumf %min3A_226, %max3A_225 : vector<128x512xf32>
    %max3A_237 = arith.maximumf %min3A_226, %max3A_225 : vector<128x512xf32>
    %min3A_238 = arith.minimumf %max3A_227, %max3A_217 : vector<128x512xf32>
    %max3A_239 = arith.maximumf %max3A_227, %max3A_217 : vector<128x512xf32>
    %min3A_240 = arith.minimumf %min3A_204, %min3A_212 : vector<128x512xf32>
    %max3A_241 = arith.maximumf %min3A_204, %min3A_212 : vector<128x512xf32>
    %min3A_242 = arith.minimumf %min3A_228, %min3A_234 : vector<128x512xf32>
    %max3A_243 = arith.maximumf %min3A_228, %min3A_234 : vector<128x512xf32>
    %min3A_244 = arith.minimumf %max3A_229, %max3A_235 : vector<128x512xf32>
    %max3A_245 = arith.maximumf %max3A_229, %max3A_235 : vector<128x512xf32>
    %min3A_246 = arith.minimumf %min3A_230, %min3A_236 : vector<128x512xf32>
    %max3A_247 = arith.maximumf %min3A_230, %min3A_236 : vector<128x512xf32>
    %min3A_248 = arith.minimumf %max3A_231, %max3A_237 : vector<128x512xf32>
    %max3A_249 = arith.maximumf %max3A_231, %max3A_237 : vector<128x512xf32>
    %min3A_250 = arith.minimumf %min3A_232, %min3A_238 : vector<128x512xf32>
    %max3A_251 = arith.maximumf %min3A_232, %min3A_238 : vector<128x512xf32>
    %min3A_252 = arith.minimumf %max3A_233, %max3A_239 : vector<128x512xf32>
    %max3A_253 = arith.maximumf %max3A_233, %max3A_239 : vector<128x512xf32>
    %min3A_254 = arith.minimumf %max3A_211, %max3A_219 : vector<128x512xf32>
    %max3A_255 = arith.maximumf %max3A_211, %max3A_219 : vector<128x512xf32>
    %min3A_256 = arith.minimumf %min3A_248, %max3A_241 : vector<128x512xf32>
    %max3A_257 = arith.maximumf %min3A_248, %max3A_241 : vector<128x512xf32>
    %min3A_258 = arith.minimumf %min3A_250, %max3A_243 : vector<128x512xf32>
    %max3A_259 = arith.maximumf %min3A_250, %max3A_243 : vector<128x512xf32>
    %min3A_260 = arith.minimumf %min3A_252, %max3A_245 : vector<128x512xf32>
    %max3A_261 = arith.maximumf %min3A_252, %max3A_245 : vector<128x512xf32>
    %min3A_262 = arith.minimumf %min3A_254, %max3A_247 : vector<128x512xf32>
    %max3A_263 = arith.maximumf %min3A_254, %max3A_247 : vector<128x512xf32>
    %min3A_264 = arith.minimumf %min3A_244, %min3A_256 : vector<128x512xf32>
    %max3A_265 = arith.maximumf %min3A_244, %min3A_256 : vector<128x512xf32>
    %min3A_266 = arith.minimumf %min3A_246, %min3A_258 : vector<128x512xf32>
    %max3A_267 = arith.maximumf %min3A_246, %min3A_258 : vector<128x512xf32>
    %min3A_268 = arith.minimumf %min3A_260, %max3A_257 : vector<128x512xf32>
    %max3A_269 = arith.maximumf %min3A_260, %max3A_257 : vector<128x512xf32>
    %min3A_270 = arith.minimumf %min3A_262, %max3A_259 : vector<128x512xf32>
    %max3A_271 = arith.maximumf %min3A_262, %max3A_259 : vector<128x512xf32>
    %min3A_272 = arith.minimumf %max3A_261, %max3A_249 : vector<128x512xf32>
    %max3A_273 = arith.maximumf %max3A_261, %max3A_249 : vector<128x512xf32>
    %min3A_274 = arith.minimumf %max3A_263, %max3A_251 : vector<128x512xf32>
    %max3A_275 = arith.maximumf %max3A_263, %max3A_251 : vector<128x512xf32>
    %min3A_276 = arith.minimumf %min3A_242, %min3A_264 : vector<128x512xf32>
    %max3A_277 = arith.maximumf %min3A_242, %min3A_264 : vector<128x512xf32>
    %min3A_278 = arith.minimumf %min3A_266, %max3A_265 : vector<128x512xf32>
    %max3A_279 = arith.maximumf %min3A_266, %max3A_265 : vector<128x512xf32>
    %min3A_280 = arith.minimumf %max3A_267, %min3A_268 : vector<128x512xf32>
    %max3A_281 = arith.maximumf %max3A_267, %min3A_268 : vector<128x512xf32>
    %min3A_282 = arith.minimumf %min3A_270, %max3A_269 : vector<128x512xf32>
    %max3A_283 = arith.maximumf %min3A_270, %max3A_269 : vector<128x512xf32>
    %min3A_284 = arith.minimumf %max3A_271, %min3A_272 : vector<128x512xf32>
    %max3A_285 = arith.maximumf %max3A_271, %min3A_272 : vector<128x512xf32>
    %min3A_286 = arith.minimumf %min3A_274, %max3A_273 : vector<128x512xf32>
    %max3A_287 = arith.maximumf %min3A_274, %max3A_273 : vector<128x512xf32>
    %min3A_288 = arith.minimumf %max3A_275, %max3A_253 : vector<128x512xf32>
    %max3A_289 = arith.maximumf %max3A_275, %max3A_253 : vector<128x512xf32>
    %slice3A_290 = vector.extract_strided_slice %min3A_240 {offsets = [0, 0], sizes = [128, 256], strides = [1, 1]} : vector<128x512xf32> to vector<128x256xf32>
    %slice3A_291 = vector.extract_strided_slice %max3A_255 {offsets = [0, 256], sizes = [128, 256], strides = [1, 1]} : vector<128x512xf32> to vector<128x256xf32>
    %bitcast_convert_type3A_292 = tpu.bitcast %slice3A_291 : vector<128x256xf32> -> vector<128x256xi32>
    %or3A_293 = arith.constant 16 : i32
    %or3A_294 = vector.broadcast %or3A_293 : i32 to vector<128x256xi32>
    %or3A_295 = arith.ori %bitcast_convert_type3A_292, %or3A_294 : vector<128x256xi32>
    %bitcast_convert_type3A_296 = tpu.bitcast %or3A_295 : vector<128x256xi32> -> vector<128x256xf32>
    %min3A_297 = arith.minimumf %slice3A_290, %bitcast_convert_type3A_296 : vector<128x256xf32>
    %slice3A_298 = vector.extract_strided_slice %min3A_276 {offsets = [0, 0], sizes = [128, 256], strides = [1, 1]} : vector<128x512xf32> to vector<128x256xf32>
    %slice3A_299 = vector.extract_strided_slice %max3A_289 {offsets = [0, 256], sizes = [128, 256], strides = [1, 1]} : vector<128x512xf32> to vector<128x256xf32>
    %bitcast_convert_type3A_300 = tpu.bitcast %slice3A_299 : vector<128x256xf32> -> vector<128x256xi32>
    %or3A_301 = arith.constant 16 : i32
    %or3A_302 = vector.broadcast %or3A_301 : i32 to vector<128x256xi32>
    %or3A_303 = arith.ori %bitcast_convert_type3A_300, %or3A_302 : vector<128x256xi32>
    %bitcast_convert_type3A_304 = tpu.bitcast %or3A_303 : vector<128x256xi32> -> vector<128x256xf32>
    %min3A_305 = arith.minimumf %slice3A_298, %bitcast_convert_type3A_304 : vector<128x256xf32>
    %slice3A_306 = vector.extract_strided_slice %max3A_277 {offsets = [0, 0], sizes = [128, 256], strides = [1, 1]} : vector<128x512xf32> to vector<128x256xf32>
    %slice3A_307 = vector.extract_strided_slice %min3A_288 {offsets = [0, 256], sizes = [128, 256], strides = [1, 1]} : vector<128x512xf32> to vector<128x256xf32>
    %bitcast_convert_type3A_308 = tpu.bitcast %slice3A_307 : vector<128x256xf32> -> vector<128x256xi32>
    %or3A_309 = arith.constant 16 : i32
    %or3A_310 = vector.broadcast %or3A_309 : i32 to vector<128x256xi32>
    %or3A_311 = arith.ori %bitcast_convert_type3A_308, %or3A_310 : vector<128x256xi32>
    %bitcast_convert_type3A_312 = tpu.bitcast %or3A_311 : vector<128x256xi32> -> vector<128x256xf32>
    %min3A_313 = arith.minimumf %slice3A_306, %bitcast_convert_type3A_312 : vector<128x256xf32>
    %slice3A_314 = vector.extract_strided_slice %min3A_278 {offsets = [0, 0], sizes = [128, 256], strides = [1, 1]} : vector<128x512xf32> to vector<128x256xf32>
    %slice3A_315 = vector.extract_strided_slice %max3A_287 {offsets = [0, 256], sizes = [128, 256], strides = [1, 1]} : vector<128x512xf32> to vector<128x256xf32>
    %bitcast_convert_type3A_316 = tpu.bitcast %slice3A_315 : vector<128x256xf32> -> vector<128x256xi32>
    %or3A_317 = arith.constant 16 : i32
    %or3A_318 = vector.broadcast %or3A_317 : i32 to vector<128x256xi32>
    %or3A_319 = arith.ori %bitcast_convert_type3A_316, %or3A_318 : vector<128x256xi32>
    %bitcast_convert_type3A_320 = tpu.bitcast %or3A_319 : vector<128x256xi32> -> vector<128x256xf32>
    %min3A_321 = arith.minimumf %slice3A_314, %bitcast_convert_type3A_320 : vector<128x256xf32>
    %slice3A_322 = vector.extract_strided_slice %max3A_279 {offsets = [0, 0], sizes = [128, 256], strides = [1, 1]} : vector<128x512xf32> to vector<128x256xf32>
    %slice3A_323 = vector.extract_strided_slice %min3A_286 {offsets = [0, 256], sizes = [128, 256], strides = [1, 1]} : vector<128x512xf32> to vector<128x256xf32>
    %bitcast_convert_type3A_324 = tpu.bitcast %slice3A_323 : vector<128x256xf32> -> vector<128x256xi32>
    %or3A_325 = arith.constant 16 : i32
    %or3A_326 = vector.broadcast %or3A_325 : i32 to vector<128x256xi32>
    %or3A_327 = arith.ori %bitcast_convert_type3A_324, %or3A_326 : vector<128x256xi32>
    %bitcast_convert_type3A_328 = tpu.bitcast %or3A_327 : vector<128x256xi32> -> vector<128x256xf32>
    %min3A_329 = arith.minimumf %slice3A_322, %bitcast_convert_type3A_328 : vector<128x256xf32>
    %slice3A_330 = vector.extract_strided_slice %min3A_280 {offsets = [0, 0], sizes = [128, 256], strides = [1, 1]} : vector<128x512xf32> to vector<128x256xf32>
    %slice3A_331 = vector.extract_strided_slice %max3A_285 {offsets = [0, 256], sizes = [128, 256], strides = [1, 1]} : vector<128x512xf32> to vector<128x256xf32>
    %bitcast_convert_type3A_332 = tpu.bitcast %slice3A_331 : vector<128x256xf32> -> vector<128x256xi32>
    %or3A_333 = arith.constant 16 : i32
    %or3A_334 = vector.broadcast %or3A_333 : i32 to vector<128x256xi32>
    %or3A_335 = arith.ori %bitcast_convert_type3A_332, %or3A_334 : vector<128x256xi32>
    %bitcast_convert_type3A_336 = tpu.bitcast %or3A_335 : vector<128x256xi32> -> vector<128x256xf32>
    %min3A_337 = arith.minimumf %slice3A_330, %bitcast_convert_type3A_336 : vector<128x256xf32>
    %slice3A_338 = vector.extract_strided_slice %max3A_281 {offsets = [0, 0], sizes = [128, 256], strides = [1, 1]} : vector<128x512xf32> to vector<128x256xf32>
    %slice3A_339 = vector.extract_strided_slice %min3A_284 {offsets = [0, 256], sizes = [128, 256], strides = [1, 1]} : vector<128x512xf32> to vector<128x256xf32>
    %bitcast_convert_type3A_340 = tpu.bitcast %slice3A_339 : vector<128x256xf32> -> vector<128x256xi32>
    %or3A_341 = arith.constant 16 : i32
    %or3A_342 = vector.broadcast %or3A_341 : i32 to vector<128x256xi32>
    %or3A_343 = arith.ori %bitcast_convert_type3A_340, %or3A_342 : vector<128x256xi32>
    %bitcast_convert_type3A_344 = tpu.bitcast %or3A_343 : vector<128x256xi32> -> vector<128x256xf32>
    %min3A_345 = arith.minimumf %slice3A_338, %bitcast_convert_type3A_344 : vector<128x256xf32>
    %slice3A_346 = vector.extract_strided_slice %min3A_282 {offsets = [0, 0], sizes = [128, 256], strides = [1, 1]} : vector<128x512xf32> to vector<128x256xf32>
    %slice3A_347 = vector.extract_strided_slice %max3A_283 {offsets = [0, 256], sizes = [128, 256], strides = [1, 1]} : vector<128x512xf32> to vector<128x256xf32>
    %bitcast_convert_type3A_348 = tpu.bitcast %slice3A_347 : vector<128x256xf32> -> vector<128x256xi32>
    %or3A_349 = arith.constant 16 : i32
    %or3A_350 = vector.broadcast %or3A_349 : i32 to vector<128x256xi32>
    %or3A_351 = arith.ori %bitcast_convert_type3A_348, %or3A_350 : vector<128x256xi32>
    %bitcast_convert_type3A_352 = tpu.bitcast %or3A_351 : vector<128x256xi32> -> vector<128x256xf32>
    %min3A_353 = arith.minimumf %slice3A_346, %bitcast_convert_type3A_352 : vector<128x256xf32>
    %slice3A_354 = vector.extract_strided_slice %max3A_283 {offsets = [0, 0], sizes = [128, 256], strides = [1, 1]} : vector<128x512xf32> to vector<128x256xf32>
    %slice3A_355 = vector.extract_strided_slice %min3A_282 {offsets = [0, 256], sizes = [128, 256], strides = [1, 1]} : vector<128x512xf32> to vector<128x256xf32>
    %bitcast_convert_type3A_356 = tpu.bitcast %slice3A_355 : vector<128x256xf32> -> vector<128x256xi32>
    %or3A_357 = arith.constant 16 : i32
    %or3A_358 = vector.broadcast %or3A_357 : i32 to vector<128x256xi32>
    %or3A_359 = arith.ori %bitcast_convert_type3A_356, %or3A_358 : vector<128x256xi32>
    %bitcast_convert_type3A_360 = tpu.bitcast %or3A_359 : vector<128x256xi32> -> vector<128x256xf32>
    %min3A_361 = arith.minimumf %slice3A_354, %bitcast_convert_type3A_360 : vector<128x256xf32>
    %slice3A_362 = vector.extract_strided_slice %min3A_284 {offsets = [0, 0], sizes = [128, 256], strides = [1, 1]} : vector<128x512xf32> to vector<128x256xf32>
    %slice3A_363 = vector.extract_strided_slice %max3A_281 {offsets = [0, 256], sizes = [128, 256], strides = [1, 1]} : vector<128x512xf32> to vector<128x256xf32>
    %bitcast_convert_type3A_364 = tpu.bitcast %slice3A_363 : vector<128x256xf32> -> vector<128x256xi32>
    %or3A_365 = arith.constant 16 : i32
    %or3A_366 = vector.broadcast %or3A_365 : i32 to vector<128x256xi32>
    %or3A_367 = arith.ori %bitcast_convert_type3A_364, %or3A_366 : vector<128x256xi32>
    %bitcast_convert_type3A_368 = tpu.bitcast %or3A_367 : vector<128x256xi32> -> vector<128x256xf32>
    %min3A_369 = arith.minimumf %slice3A_362, %bitcast_convert_type3A_368 : vector<128x256xf32>
    %slice3A_370 = vector.extract_strided_slice %max3A_285 {offsets = [0, 0], sizes = [128, 256], strides = [1, 1]} : vector<128x512xf32> to vector<128x256xf32>
    %slice3A_371 = vector.extract_strided_slice %min3A_280 {offsets = [0, 256], sizes = [128, 256], strides = [1, 1]} : vector<128x512xf32> to vector<128x256xf32>
    %bitcast_convert_type3A_372 = tpu.bitcast %slice3A_371 : vector<128x256xf32> -> vector<128x256xi32>
    %or3A_373 = arith.constant 16 : i32
    %or3A_374 = vector.broadcast %or3A_373 : i32 to vector<128x256xi32>
    %or3A_375 = arith.ori %bitcast_convert_type3A_372, %or3A_374 : vector<128x256xi32>
    %bitcast_convert_type3A_376 = tpu.bitcast %or3A_375 : vector<128x256xi32> -> vector<128x256xf32>
    %min3A_377 = arith.minimumf %slice3A_370, %bitcast_convert_type3A_376 : vector<128x256xf32>
    %slice3A_378 = vector.extract_strided_slice %min3A_286 {offsets = [0, 0], sizes = [128, 256], strides = [1, 1]} : vector<128x512xf32> to vector<128x256xf32>
    %slice3A_379 = vector.extract_strided_slice %max3A_279 {offsets = [0, 256], sizes = [128, 256], strides = [1, 1]} : vector<128x512xf32> to vector<128x256xf32>
    %bitcast_convert_type3A_380 = tpu.bitcast %slice3A_379 : vector<128x256xf32> -> vector<128x256xi32>
    %or3A_381 = arith.constant 16 : i32
    %or3A_382 = vector.broadcast %or3A_381 : i32 to vector<128x256xi32>
    %or3A_383 = arith.ori %bitcast_convert_type3A_380, %or3A_382 : vector<128x256xi32>
    %bitcast_convert_type3A_384 = tpu.bitcast %or3A_383 : vector<128x256xi32> -> vector<128x256xf32>
    %min3A_385 = arith.minimumf %slice3A_378, %bitcast_convert_type3A_384 : vector<128x256xf32>
    %slice3A_386 = vector.extract_strided_slice %max3A_287 {offsets = [0, 0], sizes = [128, 256], strides = [1, 1]} : vector<128x512xf32> to vector<128x256xf32>
    %slice3A_387 = vector.extract_strided_slice %min3A_278 {offsets = [0, 256], sizes = [128, 256], strides = [1, 1]} : vector<128x512xf32> to vector<128x256xf32>
    %bitcast_convert_type3A_388 = tpu.bitcast %slice3A_387 : vector<128x256xf32> -> vector<128x256xi32>
    %or3A_389 = arith.constant 16 : i32
    %or3A_390 = vector.broadcast %or3A_389 : i32 to vector<128x256xi32>
    %or3A_391 = arith.ori %bitcast_convert_type3A_388, %or3A_390 : vector<128x256xi32>
    %bitcast_convert_type3A_392 = tpu.bitcast %or3A_391 : vector<128x256xi32> -> vector<128x256xf32>
    %min3A_393 = arith.minimumf %slice3A_386, %bitcast_convert_type3A_392 : vector<128x256xf32>
    %slice3A_394 = vector.extract_strided_slice %min3A_288 {offsets = [0, 0], sizes = [128, 256], strides = [1, 1]} : vector<128x512xf32> to vector<128x256xf32>
    %slice3A_395 = vector.extract_strided_slice %max3A_277 {offsets = [0, 256], sizes = [128, 256], strides = [1, 1]} : vector<128x512xf32> to vector<128x256xf32>
    %bitcast_convert_type3A_396 = tpu.bitcast %slice3A_395 : vector<128x256xf32> -> vector<128x256xi32>
    %or3A_397 = arith.constant 16 : i32
    %or3A_398 = vector.broadcast %or3A_397 : i32 to vector<128x256xi32>
    %or3A_399 = arith.ori %bitcast_convert_type3A_396, %or3A_398 : vector<128x256xi32>
    %bitcast_convert_type3A_400 = tpu.bitcast %or3A_399 : vector<128x256xi32> -> vector<128x256xf32>
    %min3A_401 = arith.minimumf %slice3A_394, %bitcast_convert_type3A_400 : vector<128x256xf32>
    %slice3A_402 = vector.extract_strided_slice %max3A_289 {offsets = [0, 0], sizes = [128, 256], strides = [1, 1]} : vector<128x512xf32> to vector<128x256xf32>
    %slice3A_403 = vector.extract_strided_slice %min3A_276 {offsets = [0, 256], sizes = [128, 256], strides = [1, 1]} : vector<128x512xf32> to vector<128x256xf32>
    %bitcast_convert_type3A_404 = tpu.bitcast %slice3A_403 : vector<128x256xf32> -> vector<128x256xi32>
    %or3A_405 = arith.constant 16 : i32
    %or3A_406 = vector.broadcast %or3A_405 : i32 to vector<128x256xi32>
    %or3A_407 = arith.ori %bitcast_convert_type3A_404, %or3A_406 : vector<128x256xi32>
    %bitcast_convert_type3A_408 = tpu.bitcast %or3A_407 : vector<128x256xi32> -> vector<128x256xf32>
    %min3A_409 = arith.minimumf %slice3A_402, %bitcast_convert_type3A_408 : vector<128x256xf32>
    %slice3A_410 = vector.extract_strided_slice %max3A_255 {offsets = [0, 0], sizes = [128, 256], strides = [1, 1]} : vector<128x512xf32> to vector<128x256xf32>
    %slice3A_411 = vector.extract_strided_slice %min3A_240 {offsets = [0, 256], sizes = [128, 256], strides = [1, 1]} : vector<128x512xf32> to vector<128x256xf32>
    %bitcast_convert_type3A_412 = tpu.bitcast %slice3A_411 : vector<128x256xf32> -> vector<128x256xi32>
    %or3A_413 = arith.constant 16 : i32
    %or3A_414 = vector.broadcast %or3A_413 : i32 to vector<128x256xi32>
    %or3A_415 = arith.ori %bitcast_convert_type3A_412, %or3A_414 : vector<128x256xi32>
    %bitcast_convert_type3A_416 = tpu.bitcast %or3A_415 : vector<128x256xi32> -> vector<128x256xf32>
    %min3A_417 = arith.minimumf %slice3A_410, %bitcast_convert_type3A_416 : vector<128x256xf32>
    %min3A_418 = arith.minimumf %min3A_297, %min3A_361 : vector<128x256xf32>
    %max3A_419 = arith.maximumf %min3A_297, %min3A_361 : vector<128x256xf32>
    %min3A_420 = arith.minimumf %min3A_305, %min3A_369 : vector<128x256xf32>
    %max3A_421 = arith.maximumf %min3A_305, %min3A_369 : vector<128x256xf32>
    %min3A_422 = arith.minimumf %min3A_313, %min3A_377 : vector<128x256xf32>
    %max3A_423 = arith.maximumf %min3A_313, %min3A_377 : vector<128x256xf32>
    %min3A_424 = arith.minimumf %min3A_321, %min3A_385 : vector<128x256xf32>
    %max3A_425 = arith.maximumf %min3A_321, %min3A_385 : vector<128x256xf32>
    %min3A_426 = arith.minimumf %min3A_329, %min3A_393 : vector<128x256xf32>
    %max3A_427 = arith.maximumf %min3A_329, %min3A_393 : vector<128x256xf32>
    %min3A_428 = arith.minimumf %min3A_337, %min3A_401 : vector<128x256xf32>
    %max3A_429 = arith.maximumf %min3A_337, %min3A_401 : vector<128x256xf32>
    %min3A_430 = arith.minimumf %min3A_345, %min3A_409 : vector<128x256xf32>
    %max3A_431 = arith.maximumf %min3A_345, %min3A_409 : vector<128x256xf32>
    %min3A_432 = arith.minimumf %min3A_353, %min3A_417 : vector<128x256xf32>
    %max3A_433 = arith.maximumf %min3A_353, %min3A_417 : vector<128x256xf32>
    %min3A_434 = arith.minimumf %min3A_418, %min3A_426 : vector<128x256xf32>
    %max3A_435 = arith.maximumf %min3A_418, %min3A_426 : vector<128x256xf32>
    %min3A_436 = arith.minimumf %min3A_420, %min3A_428 : vector<128x256xf32>
    %max3A_437 = arith.maximumf %min3A_420, %min3A_428 : vector<128x256xf32>
    %min3A_438 = arith.minimumf %min3A_422, %min3A_430 : vector<128x256xf32>
    %max3A_439 = arith.maximumf %min3A_422, %min3A_430 : vector<128x256xf32>
    %min3A_440 = arith.minimumf %min3A_424, %min3A_432 : vector<128x256xf32>
    %max3A_441 = arith.maximumf %min3A_424, %min3A_432 : vector<128x256xf32>
    %min3A_442 = arith.minimumf %max3A_419, %max3A_427 : vector<128x256xf32>
    %max3A_443 = arith.maximumf %max3A_419, %max3A_427 : vector<128x256xf32>
    %min3A_444 = arith.minimumf %max3A_421, %max3A_429 : vector<128x256xf32>
    %max3A_445 = arith.maximumf %max3A_421, %max3A_429 : vector<128x256xf32>
    %min3A_446 = arith.minimumf %max3A_423, %max3A_431 : vector<128x256xf32>
    %max3A_447 = arith.maximumf %max3A_423, %max3A_431 : vector<128x256xf32>
    %min3A_448 = arith.minimumf %max3A_425, %max3A_433 : vector<128x256xf32>
    %max3A_449 = arith.maximumf %max3A_425, %max3A_433 : vector<128x256xf32>
    %min3A_450 = arith.minimumf %min3A_434, %min3A_438 : vector<128x256xf32>
    %max3A_451 = arith.maximumf %min3A_434, %min3A_438 : vector<128x256xf32>
    %min3A_452 = arith.minimumf %min3A_436, %min3A_440 : vector<128x256xf32>
    %max3A_453 = arith.maximumf %min3A_436, %min3A_440 : vector<128x256xf32>
    %min3A_454 = arith.minimumf %max3A_435, %max3A_439 : vector<128x256xf32>
    %max3A_455 = arith.maximumf %max3A_435, %max3A_439 : vector<128x256xf32>
    %min3A_456 = arith.minimumf %max3A_437, %max3A_441 : vector<128x256xf32>
    %max3A_457 = arith.maximumf %max3A_437, %max3A_441 : vector<128x256xf32>
    %min3A_458 = arith.minimumf %min3A_442, %min3A_446 : vector<128x256xf32>
    %max3A_459 = arith.maximumf %min3A_442, %min3A_446 : vector<128x256xf32>
    %min3A_460 = arith.minimumf %min3A_444, %min3A_448 : vector<128x256xf32>
    %max3A_461 = arith.maximumf %min3A_444, %min3A_448 : vector<128x256xf32>
    %min3A_462 = arith.minimumf %max3A_443, %max3A_447 : vector<128x256xf32>
    %max3A_463 = arith.maximumf %max3A_443, %max3A_447 : vector<128x256xf32>
    %min3A_464 = arith.minimumf %max3A_445, %max3A_449 : vector<128x256xf32>
    %max3A_465 = arith.maximumf %max3A_445, %max3A_449 : vector<128x256xf32>
    %min3A_466 = arith.minimumf %min3A_450, %min3A_452 : vector<128x256xf32>
    %max3A_467 = arith.maximumf %min3A_450, %min3A_452 : vector<128x256xf32>
    %min3A_468 = arith.minimumf %max3A_451, %max3A_453 : vector<128x256xf32>
    %max3A_469 = arith.maximumf %max3A_451, %max3A_453 : vector<128x256xf32>
    %min3A_470 = arith.minimumf %min3A_454, %min3A_456 : vector<128x256xf32>
    %max3A_471 = arith.maximumf %min3A_454, %min3A_456 : vector<128x256xf32>
    %min3A_472 = arith.minimumf %max3A_455, %max3A_457 : vector<128x256xf32>
    %max3A_473 = arith.maximumf %max3A_455, %max3A_457 : vector<128x256xf32>
    %min3A_474 = arith.minimumf %min3A_458, %min3A_460 : vector<128x256xf32>
    %max3A_475 = arith.maximumf %min3A_458, %min3A_460 : vector<128x256xf32>
    %min3A_476 = arith.minimumf %max3A_459, %max3A_461 : vector<128x256xf32>
    %max3A_477 = arith.maximumf %max3A_459, %max3A_461 : vector<128x256xf32>
    %min3A_478 = arith.minimumf %min3A_462, %min3A_464 : vector<128x256xf32>
    %max3A_479 = arith.maximumf %min3A_462, %min3A_464 : vector<128x256xf32>
    %min3A_480 = arith.minimumf %max3A_463, %max3A_465 : vector<128x256xf32>
    %max3A_481 = arith.maximumf %max3A_463, %max3A_465 : vector<128x256xf32>
    %slice3A_482 = vector.extract_strided_slice %min3A_466 {offsets = [0, 0], sizes = [128, 128], strides = [1, 1]} : vector<128x256xf32> to vector<128x128xf32>
    %slice3A_483 = vector.extract_strided_slice %max3A_481 {offsets = [0, 128], sizes = [128, 128], strides = [1, 1]} : vector<128x256xf32> to vector<128x128xf32>
    %bitcast_convert_type3A_484 = tpu.bitcast %slice3A_483 : vector<128x128xf32> -> vector<128x128xi32>
    %or3A_485 = arith.constant 8 : i32
    %or3A_486 = vector.broadcast %or3A_485 : i32 to vector<128x128xi32>
    %or3A_487 = arith.ori %bitcast_convert_type3A_484, %or3A_486 : vector<128x128xi32>
    %bitcast_convert_type3A_488 = tpu.bitcast %or3A_487 : vector<128x128xi32> -> vector<128x128xf32>
    %min3A_489 = arith.minimumf %slice3A_482, %bitcast_convert_type3A_488 : vector<128x128xf32>
    %slice3A_490 = vector.extract_strided_slice %max3A_467 {offsets = [0, 0], sizes = [128, 128], strides = [1, 1]} : vector<128x256xf32> to vector<128x128xf32>
    %slice3A_491 = vector.extract_strided_slice %min3A_480 {offsets = [0, 128], sizes = [128, 128], strides = [1, 1]} : vector<128x256xf32> to vector<128x128xf32>
    %bitcast_convert_type3A_492 = tpu.bitcast %slice3A_491 : vector<128x128xf32> -> vector<128x128xi32>
    %or3A_493 = arith.constant 8 : i32
    %or3A_494 = vector.broadcast %or3A_493 : i32 to vector<128x128xi32>
    %or3A_495 = arith.ori %bitcast_convert_type3A_492, %or3A_494 : vector<128x128xi32>
    %bitcast_convert_type3A_496 = tpu.bitcast %or3A_495 : vector<128x128xi32> -> vector<128x128xf32>
    %min3A_497 = arith.minimumf %slice3A_490, %bitcast_convert_type3A_496 : vector<128x128xf32>
    %slice3A_498 = vector.extract_strided_slice %min3A_468 {offsets = [0, 0], sizes = [128, 128], strides = [1, 1]} : vector<128x256xf32> to vector<128x128xf32>
    %slice3A_499 = vector.extract_strided_slice %max3A_479 {offsets = [0, 128], sizes = [128, 128], strides = [1, 1]} : vector<128x256xf32> to vector<128x128xf32>
    %bitcast_convert_type3A_500 = tpu.bitcast %slice3A_499 : vector<128x128xf32> -> vector<128x128xi32>
    %or3A_501 = arith.constant 8 : i32
    %or3A_502 = vector.broadcast %or3A_501 : i32 to vector<128x128xi32>
    %or3A_503 = arith.ori %bitcast_convert_type3A_500, %or3A_502 : vector<128x128xi32>
    %bitcast_convert_type3A_504 = tpu.bitcast %or3A_503 : vector<128x128xi32> -> vector<128x128xf32>
    %min3A_505 = arith.minimumf %slice3A_498, %bitcast_convert_type3A_504 : vector<128x128xf32>
    %slice3A_506 = vector.extract_strided_slice %max3A_469 {offsets = [0, 0], sizes = [128, 128], strides = [1, 1]} : vector<128x256xf32> to vector<128x128xf32>
    %slice3A_507 = vector.extract_strided_slice %min3A_478 {offsets = [0, 128], sizes = [128, 128], strides = [1, 1]} : vector<128x256xf32> to vector<128x128xf32>
    %bitcast_convert_type3A_508 = tpu.bitcast %slice3A_507 : vector<128x128xf32> -> vector<128x128xi32>
    %or3A_509 = arith.constant 8 : i32
    %or3A_510 = vector.broadcast %or3A_509 : i32 to vector<128x128xi32>
    %or3A_511 = arith.ori %bitcast_convert_type3A_508, %or3A_510 : vector<128x128xi32>
    %bitcast_convert_type3A_512 = tpu.bitcast %or3A_511 : vector<128x128xi32> -> vector<128x128xf32>
    %min3A_513 = arith.minimumf %slice3A_506, %bitcast_convert_type3A_512 : vector<128x128xf32>
    %slice3A_514 = vector.extract_strided_slice %min3A_470 {offsets = [0, 0], sizes = [128, 128], strides = [1, 1]} : vector<128x256xf32> to vector<128x128xf32>
    %slice3A_515 = vector.extract_strided_slice %max3A_477 {offsets = [0, 128], sizes = [128, 128], strides = [1, 1]} : vector<128x256xf32> to vector<128x128xf32>
    %bitcast_convert_type3A_516 = tpu.bitcast %slice3A_515 : vector<128x128xf32> -> vector<128x128xi32>
    %or3A_517 = arith.constant 8 : i32
    %or3A_518 = vector.broadcast %or3A_517 : i32 to vector<128x128xi32>
    %or3A_519 = arith.ori %bitcast_convert_type3A_516, %or3A_518 : vector<128x128xi32>
    %bitcast_convert_type3A_520 = tpu.bitcast %or3A_519 : vector<128x128xi32> -> vector<128x128xf32>
    %min3A_521 = arith.minimumf %slice3A_514, %bitcast_convert_type3A_520 : vector<128x128xf32>
    %slice3A_522 = vector.extract_strided_slice %max3A_471 {offsets = [0, 0], sizes = [128, 128], strides = [1, 1]} : vector<128x256xf32> to vector<128x128xf32>
    %slice3A_523 = vector.extract_strided_slice %min3A_476 {offsets = [0, 128], sizes = [128, 128], strides = [1, 1]} : vector<128x256xf32> to vector<128x128xf32>
    %bitcast_convert_type3A_524 = tpu.bitcast %slice3A_523 : vector<128x128xf32> -> vector<128x128xi32>
    %or3A_525 = arith.constant 8 : i32
    %or3A_526 = vector.broadcast %or3A_525 : i32 to vector<128x128xi32>
    %or3A_527 = arith.ori %bitcast_convert_type3A_524, %or3A_526 : vector<128x128xi32>
    %bitcast_convert_type3A_528 = tpu.bitcast %or3A_527 : vector<128x128xi32> -> vector<128x128xf32>
    %min3A_529 = arith.minimumf %slice3A_522, %bitcast_convert_type3A_528 : vector<128x128xf32>
    %slice3A_530 = vector.extract_strided_slice %min3A_472 {offsets = [0, 0], sizes = [128, 128], strides = [1, 1]} : vector<128x256xf32> to vector<128x128xf32>
    %slice3A_531 = vector.extract_strided_slice %max3A_475 {offsets = [0, 128], sizes = [128, 128], strides = [1, 1]} : vector<128x256xf32> to vector<128x128xf32>
    %bitcast_convert_type3A_532 = tpu.bitcast %slice3A_531 : vector<128x128xf32> -> vector<128x128xi32>
    %or3A_533 = arith.constant 8 : i32
    %or3A_534 = vector.broadcast %or3A_533 : i32 to vector<128x128xi32>
    %or3A_535 = arith.ori %bitcast_convert_type3A_532, %or3A_534 : vector<128x128xi32>
    %bitcast_convert_type3A_536 = tpu.bitcast %or3A_535 : vector<128x128xi32> -> vector<128x128xf32>
    %min3A_537 = arith.minimumf %slice3A_530, %bitcast_convert_type3A_536 : vector<128x128xf32>
    %slice3A_538 = vector.extract_strided_slice %max3A_473 {offsets = [0, 0], sizes = [128, 128], strides = [1, 1]} : vector<128x256xf32> to vector<128x128xf32>
    %slice3A_539 = vector.extract_strided_slice %min3A_474 {offsets = [0, 128], sizes = [128, 128], strides = [1, 1]} : vector<128x256xf32> to vector<128x128xf32>
    %bitcast_convert_type3A_540 = tpu.bitcast %slice3A_539 : vector<128x128xf32> -> vector<128x128xi32>
    %or3A_541 = arith.constant 8 : i32
    %or3A_542 = vector.broadcast %or3A_541 : i32 to vector<128x128xi32>
    %or3A_543 = arith.ori %bitcast_convert_type3A_540, %or3A_542 : vector<128x128xi32>
    %bitcast_convert_type3A_544 = tpu.bitcast %or3A_543 : vector<128x128xi32> -> vector<128x128xf32>
    %min3A_545 = arith.minimumf %slice3A_538, %bitcast_convert_type3A_544 : vector<128x128xf32>
    %slice3A_546 = vector.extract_strided_slice %min3A_474 {offsets = [0, 0], sizes = [128, 128], strides = [1, 1]} : vector<128x256xf32> to vector<128x128xf32>
    %slice3A_547 = vector.extract_strided_slice %max3A_473 {offsets = [0, 128], sizes = [128, 128], strides = [1, 1]} : vector<128x256xf32> to vector<128x128xf32>
    %bitcast_convert_type3A_548 = tpu.bitcast %slice3A_547 : vector<128x128xf32> -> vector<128x128xi32>
    %or3A_549 = arith.constant 8 : i32
    %or3A_550 = vector.broadcast %or3A_549 : i32 to vector<128x128xi32>
    %or3A_551 = arith.ori %bitcast_convert_type3A_548, %or3A_550 : vector<128x128xi32>
    %bitcast_convert_type3A_552 = tpu.bitcast %or3A_551 : vector<128x128xi32> -> vector<128x128xf32>
    %min3A_553 = arith.minimumf %slice3A_546, %bitcast_convert_type3A_552 : vector<128x128xf32>
    %slice3A_554 = vector.extract_strided_slice %max3A_475 {offsets = [0, 0], sizes = [128, 128], strides = [1, 1]} : vector<128x256xf32> to vector<128x128xf32>
    %slice3A_555 = vector.extract_strided_slice %min3A_472 {offsets = [0, 128], sizes = [128, 128], strides = [1, 1]} : vector<128x256xf32> to vector<128x128xf32>
    %bitcast_convert_type3A_556 = tpu.bitcast %slice3A_555 : vector<128x128xf32> -> vector<128x128xi32>
    %or3A_557 = arith.constant 8 : i32
    %or3A_558 = vector.broadcast %or3A_557 : i32 to vector<128x128xi32>
    %or3A_559 = arith.ori %bitcast_convert_type3A_556, %or3A_558 : vector<128x128xi32>
    %bitcast_convert_type3A_560 = tpu.bitcast %or3A_559 : vector<128x128xi32> -> vector<128x128xf32>
    %min3A_561 = arith.minimumf %slice3A_554, %bitcast_convert_type3A_560 : vector<128x128xf32>
    %slice3A_562 = vector.extract_strided_slice %min3A_476 {offsets = [0, 0], sizes = [128, 128], strides = [1, 1]} : vector<128x256xf32> to vector<128x128xf32>
    %slice3A_563 = vector.extract_strided_slice %max3A_471 {offsets = [0, 128], sizes = [128, 128], strides = [1, 1]} : vector<128x256xf32> to vector<128x128xf32>
    %bitcast_convert_type3A_564 = tpu.bitcast %slice3A_563 : vector<128x128xf32> -> vector<128x128xi32>
    %or3A_565 = arith.constant 8 : i32
    %or3A_566 = vector.broadcast %or3A_565 : i32 to vector<128x128xi32>
    %or3A_567 = arith.ori %bitcast_convert_type3A_564, %or3A_566 : vector<128x128xi32>
    %bitcast_convert_type3A_568 = tpu.bitcast %or3A_567 : vector<128x128xi32> -> vector<128x128xf32>
    %min3A_569 = arith.minimumf %slice3A_562, %bitcast_convert_type3A_568 : vector<128x128xf32>
    %slice3A_570 = vector.extract_strided_slice %max3A_477 {offsets = [0, 0], sizes = [128, 128], strides = [1, 1]} : vector<128x256xf32> to vector<128x128xf32>
    %slice3A_571 = vector.extract_strided_slice %min3A_470 {offsets = [0, 128], sizes = [128, 128], strides = [1, 1]} : vector<128x256xf32> to vector<128x128xf32>
    %bitcast_convert_type3A_572 = tpu.bitcast %slice3A_571 : vector<128x128xf32> -> vector<128x128xi32>
    %or3A_573 = arith.constant 8 : i32
    %or3A_574 = vector.broadcast %or3A_573 : i32 to vector<128x128xi32>
    %or3A_575 = arith.ori %bitcast_convert_type3A_572, %or3A_574 : vector<128x128xi32>
    %bitcast_convert_type3A_576 = tpu.bitcast %or3A_575 : vector<128x128xi32> -> vector<128x128xf32>
    %min3A_577 = arith.minimumf %slice3A_570, %bitcast_convert_type3A_576 : vector<128x128xf32>
    %slice3A_578 = vector.extract_strided_slice %min3A_478 {offsets = [0, 0], sizes = [128, 128], strides = [1, 1]} : vector<128x256xf32> to vector<128x128xf32>
    %slice3A_579 = vector.extract_strided_slice %max3A_469 {offsets = [0, 128], sizes = [128, 128], strides = [1, 1]} : vector<128x256xf32> to vector<128x128xf32>
    %bitcast_convert_type3A_580 = tpu.bitcast %slice3A_579 : vector<128x128xf32> -> vector<128x128xi32>
    %or3A_581 = arith.constant 8 : i32
    %or3A_582 = vector.broadcast %or3A_581 : i32 to vector<128x128xi32>
    %or3A_583 = arith.ori %bitcast_convert_type3A_580, %or3A_582 : vector<128x128xi32>
    %bitcast_convert_type3A_584 = tpu.bitcast %or3A_583 : vector<128x128xi32> -> vector<128x128xf32>
    %min3A_585 = arith.minimumf %slice3A_578, %bitcast_convert_type3A_584 : vector<128x128xf32>
    %slice3A_586 = vector.extract_strided_slice %max3A_479 {offsets = [0, 0], sizes = [128, 128], strides = [1, 1]} : vector<128x256xf32> to vector<128x128xf32>
    %slice3A_587 = vector.extract_strided_slice %min3A_468 {offsets = [0, 128], sizes = [128, 128], strides = [1, 1]} : vector<128x256xf32> to vector<128x128xf32>
    %bitcast_convert_type3A_588 = tpu.bitcast %slice3A_587 : vector<128x128xf32> -> vector<128x128xi32>
    %or3A_589 = arith.constant 8 : i32
    %or3A_590 = vector.broadcast %or3A_589 : i32 to vector<128x128xi32>
    %or3A_591 = arith.ori %bitcast_convert_type3A_588, %or3A_590 : vector<128x128xi32>
    %bitcast_convert_type3A_592 = tpu.bitcast %or3A_591 : vector<128x128xi32> -> vector<128x128xf32>
    %min3A_593 = arith.minimumf %slice3A_586, %bitcast_convert_type3A_592 : vector<128x128xf32>
    %slice3A_594 = vector.extract_strided_slice %min3A_480 {offsets = [0, 0], sizes = [128, 128], strides = [1, 1]} : vector<128x256xf32> to vector<128x128xf32>
    %slice3A_595 = vector.extract_strided_slice %max3A_467 {offsets = [0, 128], sizes = [128, 128], strides = [1, 1]} : vector<128x256xf32> to vector<128x128xf32>
    %bitcast_convert_type3A_596 = tpu.bitcast %slice3A_595 : vector<128x128xf32> -> vector<128x128xi32>
    %or3A_597 = arith.constant 8 : i32
    %or3A_598 = vector.broadcast %or3A_597 : i32 to vector<128x128xi32>
    %or3A_599 = arith.ori %bitcast_convert_type3A_596, %or3A_598 : vector<128x128xi32>
    %bitcast_convert_type3A_600 = tpu.bitcast %or3A_599 : vector<128x128xi32> -> vector<128x128xf32>
    %min3A_601 = arith.minimumf %slice3A_594, %bitcast_convert_type3A_600 : vector<128x128xf32>
    %slice3A_602 = vector.extract_strided_slice %max3A_481 {offsets = [0, 0], sizes = [128, 128], strides = [1, 1]} : vector<128x256xf32> to vector<128x128xf32>
    %slice3A_603 = vector.extract_strided_slice %min3A_466 {offsets = [0, 128], sizes = [128, 128], strides = [1, 1]} : vector<128x256xf32> to vector<128x128xf32>
    %bitcast_convert_type3A_604 = tpu.bitcast %slice3A_603 : vector<128x128xf32> -> vector<128x128xi32>
    %or3A_605 = arith.constant 8 : i32
    %or3A_606 = vector.broadcast %or3A_605 : i32 to vector<128x128xi32>
    %or3A_607 = arith.ori %bitcast_convert_type3A_604, %or3A_606 : vector<128x128xi32>
    %bitcast_convert_type3A_608 = tpu.bitcast %or3A_607 : vector<128x128xi32> -> vector<128x128xf32>
    %min3A_609 = arith.minimumf %slice3A_602, %bitcast_convert_type3A_608 : vector<128x128xf32>
    %min3A_610 = arith.minimumf %min3A_489, %min3A_553 : vector<128x128xf32>
    %max3A_611 = arith.maximumf %min3A_489, %min3A_553 : vector<128x128xf32>
    %min3A_612 = arith.minimumf %min3A_497, %min3A_561 : vector<128x128xf32>
    %max3A_613 = arith.maximumf %min3A_497, %min3A_561 : vector<128x128xf32>
    %min3A_614 = arith.minimumf %min3A_505, %min3A_569 : vector<128x128xf32>
    %max3A_615 = arith.maximumf %min3A_505, %min3A_569 : vector<128x128xf32>
    %min3A_616 = arith.minimumf %min3A_513, %min3A_577 : vector<128x128xf32>
    %max3A_617 = arith.maximumf %min3A_513, %min3A_577 : vector<128x128xf32>
    %min3A_618 = arith.minimumf %min3A_521, %min3A_585 : vector<128x128xf32>
    %max3A_619 = arith.maximumf %min3A_521, %min3A_585 : vector<128x128xf32>
    %min3A_620 = arith.minimumf %min3A_529, %min3A_593 : vector<128x128xf32>
    %max3A_621 = arith.maximumf %min3A_529, %min3A_593 : vector<128x128xf32>
    %min3A_622 = arith.minimumf %min3A_537, %min3A_601 : vector<128x128xf32>
    %max3A_623 = arith.maximumf %min3A_537, %min3A_601 : vector<128x128xf32>
    %min3A_624 = arith.minimumf %min3A_545, %min3A_609 : vector<128x128xf32>
    %max3A_625 = arith.maximumf %min3A_545, %min3A_609 : vector<128x128xf32>
    %min3A_626 = arith.minimumf %min3A_610, %min3A_618 : vector<128x128xf32>
    %max3A_627 = arith.maximumf %min3A_610, %min3A_618 : vector<128x128xf32>
    %min3A_628 = arith.minimumf %min3A_612, %min3A_620 : vector<128x128xf32>
    %max3A_629 = arith.maximumf %min3A_612, %min3A_620 : vector<128x128xf32>
    %min3A_630 = arith.minimumf %min3A_614, %min3A_622 : vector<128x128xf32>
    %max3A_631 = arith.maximumf %min3A_614, %min3A_622 : vector<128x128xf32>
    %min3A_632 = arith.minimumf %min3A_616, %min3A_624 : vector<128x128xf32>
    %max3A_633 = arith.maximumf %min3A_616, %min3A_624 : vector<128x128xf32>
    %min3A_634 = arith.minimumf %max3A_611, %max3A_619 : vector<128x128xf32>
    %max3A_635 = arith.maximumf %max3A_611, %max3A_619 : vector<128x128xf32>
    %min3A_636 = arith.minimumf %max3A_613, %max3A_621 : vector<128x128xf32>
    %max3A_637 = arith.maximumf %max3A_613, %max3A_621 : vector<128x128xf32>
    %min3A_638 = arith.minimumf %max3A_615, %max3A_623 : vector<128x128xf32>
    %max3A_639 = arith.maximumf %max3A_615, %max3A_623 : vector<128x128xf32>
    %min3A_640 = arith.minimumf %max3A_617, %max3A_625 : vector<128x128xf32>
    %max3A_641 = arith.maximumf %max3A_617, %max3A_625 : vector<128x128xf32>
    %min3A_642 = arith.minimumf %min3A_626, %min3A_630 : vector<128x128xf32>
    %max3A_643 = arith.maximumf %min3A_626, %min3A_630 : vector<128x128xf32>
    %min3A_644 = arith.minimumf %min3A_628, %min3A_632 : vector<128x128xf32>
    %max3A_645 = arith.maximumf %min3A_628, %min3A_632 : vector<128x128xf32>
    %min3A_646 = arith.minimumf %max3A_627, %max3A_631 : vector<128x128xf32>
    %max3A_647 = arith.maximumf %max3A_627, %max3A_631 : vector<128x128xf32>
    %min3A_648 = arith.minimumf %max3A_629, %max3A_633 : vector<128x128xf32>
    %max3A_649 = arith.maximumf %max3A_629, %max3A_633 : vector<128x128xf32>
    %min3A_650 = arith.minimumf %min3A_634, %min3A_638 : vector<128x128xf32>
    %max3A_651 = arith.maximumf %min3A_634, %min3A_638 : vector<128x128xf32>
    %min3A_652 = arith.minimumf %min3A_636, %min3A_640 : vector<128x128xf32>
    %max3A_653 = arith.maximumf %min3A_636, %min3A_640 : vector<128x128xf32>
    %min3A_654 = arith.minimumf %max3A_635, %max3A_639 : vector<128x128xf32>
    %max3A_655 = arith.maximumf %max3A_635, %max3A_639 : vector<128x128xf32>
    %min3A_656 = arith.minimumf %max3A_637, %max3A_641 : vector<128x128xf32>
    %max3A_657 = arith.maximumf %max3A_637, %max3A_641 : vector<128x128xf32>
    %min3A_658 = arith.minimumf %min3A_642, %min3A_644 : vector<128x128xf32>
    %max3A_659 = arith.maximumf %min3A_642, %min3A_644 : vector<128x128xf32>
    %min3A_660 = arith.minimumf %max3A_643, %max3A_645 : vector<128x128xf32>
    %max3A_661 = arith.maximumf %max3A_643, %max3A_645 : vector<128x128xf32>
    %min3A_662 = arith.minimumf %min3A_646, %min3A_648 : vector<128x128xf32>
    %max3A_663 = arith.maximumf %min3A_646, %min3A_648 : vector<128x128xf32>
    %min3A_664 = arith.minimumf %max3A_647, %max3A_649 : vector<128x128xf32>
    %max3A_665 = arith.maximumf %max3A_647, %max3A_649 : vector<128x128xf32>
    %min3A_666 = arith.minimumf %min3A_650, %min3A_652 : vector<128x128xf32>
    %max3A_667 = arith.maximumf %min3A_650, %min3A_652 : vector<128x128xf32>
    %min3A_668 = arith.minimumf %max3A_651, %max3A_653 : vector<128x128xf32>
    %max3A_669 = arith.maximumf %max3A_651, %max3A_653 : vector<128x128xf32>
    %min3A_670 = arith.minimumf %min3A_654, %min3A_656 : vector<128x128xf32>
    %max3A_671 = arith.maximumf %min3A_654, %min3A_656 : vector<128x128xf32>
    %min3A_672 = arith.minimumf %max3A_655, %max3A_657 : vector<128x128xf32>
    %max3A_673 = arith.maximumf %max3A_655, %max3A_657 : vector<128x128xf32>
    %slice3A_674 = vector.extract_strided_slice %min3A_658 {offsets = [0, 0], sizes = [128, 64], strides = [1, 1]} : vector<128x128xf32> to vector<128x64xf32>
    %slice3A_675 = vector.extract_strided_slice %max3A_673 {offsets = [0, 64], sizes = [128, 64], strides = [1, 1]} : vector<128x128xf32> to vector<128x64xf32>
    %bitcast_convert_type3A_676 = tpu.bitcast %slice3A_675 : vector<128x64xf32> -> vector<128x64xi32>
    %or3A_677 = arith.constant 4 : i32
    %or3A_678 = vector.broadcast %or3A_677 : i32 to vector<128x64xi32>
    %or3A_679 = arith.ori %bitcast_convert_type3A_676, %or3A_678 : vector<128x64xi32>
    %bitcast_convert_type3A_680 = tpu.bitcast %or3A_679 : vector<128x64xi32> -> vector<128x64xf32>
    %min3A_681 = arith.minimumf %slice3A_674, %bitcast_convert_type3A_680 : vector<128x64xf32>
    %slice3A_682 = vector.extract_strided_slice %max3A_659 {offsets = [0, 0], sizes = [128, 64], strides = [1, 1]} : vector<128x128xf32> to vector<128x64xf32>
    %slice3A_683 = vector.extract_strided_slice %min3A_672 {offsets = [0, 64], sizes = [128, 64], strides = [1, 1]} : vector<128x128xf32> to vector<128x64xf32>
    %bitcast_convert_type3A_684 = tpu.bitcast %slice3A_683 : vector<128x64xf32> -> vector<128x64xi32>
    %or3A_685 = arith.constant 4 : i32
    %or3A_686 = vector.broadcast %or3A_685 : i32 to vector<128x64xi32>
    %or3A_687 = arith.ori %bitcast_convert_type3A_684, %or3A_686 : vector<128x64xi32>
    %bitcast_convert_type3A_688 = tpu.bitcast %or3A_687 : vector<128x64xi32> -> vector<128x64xf32>
    %min3A_689 = arith.minimumf %slice3A_682, %bitcast_convert_type3A_688 : vector<128x64xf32>
    %slice3A_690 = vector.extract_strided_slice %min3A_660 {offsets = [0, 0], sizes = [128, 64], strides = [1, 1]} : vector<128x128xf32> to vector<128x64xf32>
    %slice3A_691 = vector.extract_strided_slice %max3A_671 {offsets = [0, 64], sizes = [128, 64], strides = [1, 1]} : vector<128x128xf32> to vector<128x64xf32>
    %bitcast_convert_type3A_692 = tpu.bitcast %slice3A_691 : vector<128x64xf32> -> vector<128x64xi32>
    %or3A_693 = arith.constant 4 : i32
    %or3A_694 = vector.broadcast %or3A_693 : i32 to vector<128x64xi32>
    %or3A_695 = arith.ori %bitcast_convert_type3A_692, %or3A_694 : vector<128x64xi32>
    %bitcast_convert_type3A_696 = tpu.bitcast %or3A_695 : vector<128x64xi32> -> vector<128x64xf32>
    %min3A_697 = arith.minimumf %slice3A_690, %bitcast_convert_type3A_696 : vector<128x64xf32>
    %slice3A_698 = vector.extract_strided_slice %max3A_661 {offsets = [0, 0], sizes = [128, 64], strides = [1, 1]} : vector<128x128xf32> to vector<128x64xf32>
    %slice3A_699 = vector.extract_strided_slice %min3A_670 {offsets = [0, 64], sizes = [128, 64], strides = [1, 1]} : vector<128x128xf32> to vector<128x64xf32>
    %bitcast_convert_type3A_700 = tpu.bitcast %slice3A_699 : vector<128x64xf32> -> vector<128x64xi32>
    %or3A_701 = arith.constant 4 : i32
    %or3A_702 = vector.broadcast %or3A_701 : i32 to vector<128x64xi32>
    %or3A_703 = arith.ori %bitcast_convert_type3A_700, %or3A_702 : vector<128x64xi32>
    %bitcast_convert_type3A_704 = tpu.bitcast %or3A_703 : vector<128x64xi32> -> vector<128x64xf32>
    %min3A_705 = arith.minimumf %slice3A_698, %bitcast_convert_type3A_704 : vector<128x64xf32>
    %slice3A_706 = vector.extract_strided_slice %min3A_662 {offsets = [0, 0], sizes = [128, 64], strides = [1, 1]} : vector<128x128xf32> to vector<128x64xf32>
    %slice3A_707 = vector.extract_strided_slice %max3A_669 {offsets = [0, 64], sizes = [128, 64], strides = [1, 1]} : vector<128x128xf32> to vector<128x64xf32>
    %bitcast_convert_type3A_708 = tpu.bitcast %slice3A_707 : vector<128x64xf32> -> vector<128x64xi32>
    %or3A_709 = arith.constant 4 : i32
    %or3A_710 = vector.broadcast %or3A_709 : i32 to vector<128x64xi32>
    %or3A_711 = arith.ori %bitcast_convert_type3A_708, %or3A_710 : vector<128x64xi32>
    %bitcast_convert_type3A_712 = tpu.bitcast %or3A_711 : vector<128x64xi32> -> vector<128x64xf32>
    %min3A_713 = arith.minimumf %slice3A_706, %bitcast_convert_type3A_712 : vector<128x64xf32>
    %slice3A_714 = vector.extract_strided_slice %max3A_663 {offsets = [0, 0], sizes = [128, 64], strides = [1, 1]} : vector<128x128xf32> to vector<128x64xf32>
    %slice3A_715 = vector.extract_strided_slice %min3A_668 {offsets = [0, 64], sizes = [128, 64], strides = [1, 1]} : vector<128x128xf32> to vector<128x64xf32>
    %bitcast_convert_type3A_716 = tpu.bitcast %slice3A_715 : vector<128x64xf32> -> vector<128x64xi32>
    %or3A_717 = arith.constant 4 : i32
    %or3A_718 = vector.broadcast %or3A_717 : i32 to vector<128x64xi32>
    %or3A_719 = arith.ori %bitcast_convert_type3A_716, %or3A_718 : vector<128x64xi32>
    %bitcast_convert_type3A_720 = tpu.bitcast %or3A_719 : vector<128x64xi32> -> vector<128x64xf32>
    %min3A_721 = arith.minimumf %slice3A_714, %bitcast_convert_type3A_720 : vector<128x64xf32>
    %slice3A_722 = vector.extract_strided_slice %min3A_664 {offsets = [0, 0], sizes = [128, 64], strides = [1, 1]} : vector<128x128xf32> to vector<128x64xf32>
    %slice3A_723 = vector.extract_strided_slice %max3A_667 {offsets = [0, 64], sizes = [128, 64], strides = [1, 1]} : vector<128x128xf32> to vector<128x64xf32>
    %bitcast_convert_type3A_724 = tpu.bitcast %slice3A_723 : vector<128x64xf32> -> vector<128x64xi32>
    %or3A_725 = arith.constant 4 : i32
    %or3A_726 = vector.broadcast %or3A_725 : i32 to vector<128x64xi32>
    %or3A_727 = arith.ori %bitcast_convert_type3A_724, %or3A_726 : vector<128x64xi32>
    %bitcast_convert_type3A_728 = tpu.bitcast %or3A_727 : vector<128x64xi32> -> vector<128x64xf32>
    %min3A_729 = arith.minimumf %slice3A_722, %bitcast_convert_type3A_728 : vector<128x64xf32>
    %slice3A_730 = vector.extract_strided_slice %max3A_665 {offsets = [0, 0], sizes = [128, 64], strides = [1, 1]} : vector<128x128xf32> to vector<128x64xf32>
    %slice3A_731 = vector.extract_strided_slice %min3A_666 {offsets = [0, 64], sizes = [128, 64], strides = [1, 1]} : vector<128x128xf32> to vector<128x64xf32>
    %bitcast_convert_type3A_732 = tpu.bitcast %slice3A_731 : vector<128x64xf32> -> vector<128x64xi32>
    %or3A_733 = arith.constant 4 : i32
    %or3A_734 = vector.broadcast %or3A_733 : i32 to vector<128x64xi32>
    %or3A_735 = arith.ori %bitcast_convert_type3A_732, %or3A_734 : vector<128x64xi32>
    %bitcast_convert_type3A_736 = tpu.bitcast %or3A_735 : vector<128x64xi32> -> vector<128x64xf32>
    %min3A_737 = arith.minimumf %slice3A_730, %bitcast_convert_type3A_736 : vector<128x64xf32>
    %slice3A_738 = vector.extract_strided_slice %min3A_666 {offsets = [0, 0], sizes = [128, 64], strides = [1, 1]} : vector<128x128xf32> to vector<128x64xf32>
    %slice3A_739 = vector.extract_strided_slice %max3A_665 {offsets = [0, 64], sizes = [128, 64], strides = [1, 1]} : vector<128x128xf32> to vector<128x64xf32>
    %bitcast_convert_type3A_740 = tpu.bitcast %slice3A_739 : vector<128x64xf32> -> vector<128x64xi32>
    %or3A_741 = arith.constant 4 : i32
    %or3A_742 = vector.broadcast %or3A_741 : i32 to vector<128x64xi32>
    %or3A_743 = arith.ori %bitcast_convert_type3A_740, %or3A_742 : vector<128x64xi32>
    %bitcast_convert_type3A_744 = tpu.bitcast %or3A_743 : vector<128x64xi32> -> vector<128x64xf32>
    %min3A_745 = arith.minimumf %slice3A_738, %bitcast_convert_type3A_744 : vector<128x64xf32>
    %slice3A_746 = vector.extract_strided_slice %max3A_667 {offsets = [0, 0], sizes = [128, 64], strides = [1, 1]} : vector<128x128xf32> to vector<128x64xf32>
    %slice3A_747 = vector.extract_strided_slice %min3A_664 {offsets = [0, 64], sizes = [128, 64], strides = [1, 1]} : vector<128x128xf32> to vector<128x64xf32>
    %bitcast_convert_type3A_748 = tpu.bitcast %slice3A_747 : vector<128x64xf32> -> vector<128x64xi32>
    %or3A_749 = arith.constant 4 : i32
    %or3A_750 = vector.broadcast %or3A_749 : i32 to vector<128x64xi32>
    %or3A_751 = arith.ori %bitcast_convert_type3A_748, %or3A_750 : vector<128x64xi32>
    %bitcast_convert_type3A_752 = tpu.bitcast %or3A_751 : vector<128x64xi32> -> vector<128x64xf32>
    %min3A_753 = arith.minimumf %slice3A_746, %bitcast_convert_type3A_752 : vector<128x64xf32>
    %slice3A_754 = vector.extract_strided_slice %min3A_668 {offsets = [0, 0], sizes = [128, 64], strides = [1, 1]} : vector<128x128xf32> to vector<128x64xf32>
    %slice3A_755 = vector.extract_strided_slice %max3A_663 {offsets = [0, 64], sizes = [128, 64], strides = [1, 1]} : vector<128x128xf32> to vector<128x64xf32>
    %bitcast_convert_type3A_756 = tpu.bitcast %slice3A_755 : vector<128x64xf32> -> vector<128x64xi32>
    %or3A_757 = arith.constant 4 : i32
    %or3A_758 = vector.broadcast %or3A_757 : i32 to vector<128x64xi32>
    %or3A_759 = arith.ori %bitcast_convert_type3A_756, %or3A_758 : vector<128x64xi32>
    %bitcast_convert_type3A_760 = tpu.bitcast %or3A_759 : vector<128x64xi32> -> vector<128x64xf32>
    %min3A_761 = arith.minimumf %slice3A_754, %bitcast_convert_type3A_760 : vector<128x64xf32>
    %slice3A_762 = vector.extract_strided_slice %max3A_669 {offsets = [0, 0], sizes = [128, 64], strides = [1, 1]} : vector<128x128xf32> to vector<128x64xf32>
    %slice3A_763 = vector.extract_strided_slice %min3A_662 {offsets = [0, 64], sizes = [128, 64], strides = [1, 1]} : vector<128x128xf32> to vector<128x64xf32>
    %bitcast_convert_type3A_764 = tpu.bitcast %slice3A_763 : vector<128x64xf32> -> vector<128x64xi32>
    %or3A_765 = arith.constant 4 : i32
    %or3A_766 = vector.broadcast %or3A_765 : i32 to vector<128x64xi32>
    %or3A_767 = arith.ori %bitcast_convert_type3A_764, %or3A_766 : vector<128x64xi32>
    %bitcast_convert_type3A_768 = tpu.bitcast %or3A_767 : vector<128x64xi32> -> vector<128x64xf32>
    %min3A_769 = arith.minimumf %slice3A_762, %bitcast_convert_type3A_768 : vector<128x64xf32>
    %slice3A_770 = vector.extract_strided_slice %min3A_670 {offsets = [0, 0], sizes = [128, 64], strides = [1, 1]} : vector<128x128xf32> to vector<128x64xf32>
    %slice3A_771 = vector.extract_strided_slice %max3A_661 {offsets = [0, 64], sizes = [128, 64], strides = [1, 1]} : vector<128x128xf32> to vector<128x64xf32>
    %bitcast_convert_type3A_772 = tpu.bitcast %slice3A_771 : vector<128x64xf32> -> vector<128x64xi32>
    %or3A_773 = arith.constant 4 : i32
    %or3A_774 = vector.broadcast %or3A_773 : i32 to vector<128x64xi32>
    %or3A_775 = arith.ori %bitcast_convert_type3A_772, %or3A_774 : vector<128x64xi32>
    %bitcast_convert_type3A_776 = tpu.bitcast %or3A_775 : vector<128x64xi32> -> vector<128x64xf32>
    %min3A_777 = arith.minimumf %slice3A_770, %bitcast_convert_type3A_776 : vector<128x64xf32>
    %slice3A_778 = vector.extract_strided_slice %max3A_671 {offsets = [0, 0], sizes = [128, 64], strides = [1, 1]} : vector<128x128xf32> to vector<128x64xf32>
    %slice3A_779 = vector.extract_strided_slice %min3A_660 {offsets = [0, 64], sizes = [128, 64], strides = [1, 1]} : vector<128x128xf32> to vector<128x64xf32>
    %bitcast_convert_type3A_780 = tpu.bitcast %slice3A_779 : vector<128x64xf32> -> vector<128x64xi32>
    %or3A_781 = arith.constant 4 : i32
    %or3A_782 = vector.broadcast %or3A_781 : i32 to vector<128x64xi32>
    %or3A_783 = arith.ori %bitcast_convert_type3A_780, %or3A_782 : vector<128x64xi32>
    %bitcast_convert_type3A_784 = tpu.bitcast %or3A_783 : vector<128x64xi32> -> vector<128x64xf32>
    %min3A_785 = arith.minimumf %slice3A_778, %bitcast_convert_type3A_784 : vector<128x64xf32>
    %slice3A_786 = vector.extract_strided_slice %min3A_672 {offsets = [0, 0], sizes = [128, 64], strides = [1, 1]} : vector<128x128xf32> to vector<128x64xf32>
    %slice3A_787 = vector.extract_strided_slice %max3A_659 {offsets = [0, 64], sizes = [128, 64], strides = [1, 1]} : vector<128x128xf32> to vector<128x64xf32>
    %bitcast_convert_type3A_788 = tpu.bitcast %slice3A_787 : vector<128x64xf32> -> vector<128x64xi32>
    %or3A_789 = arith.constant 4 : i32
    %or3A_790 = vector.broadcast %or3A_789 : i32 to vector<128x64xi32>
    %or3A_791 = arith.ori %bitcast_convert_type3A_788, %or3A_790 : vector<128x64xi32>
    %bitcast_convert_type3A_792 = tpu.bitcast %or3A_791 : vector<128x64xi32> -> vector<128x64xf32>
    %min3A_793 = arith.minimumf %slice3A_786, %bitcast_convert_type3A_792 : vector<128x64xf32>
    %slice3A_794 = vector.extract_strided_slice %max3A_673 {offsets = [0, 0], sizes = [128, 64], strides = [1, 1]} : vector<128x128xf32> to vector<128x64xf32>
    %slice3A_795 = vector.extract_strided_slice %min3A_658 {offsets = [0, 64], sizes = [128, 64], strides = [1, 1]} : vector<128x128xf32> to vector<128x64xf32>
    %bitcast_convert_type3A_796 = tpu.bitcast %slice3A_795 : vector<128x64xf32> -> vector<128x64xi32>
    %or3A_797 = arith.constant 4 : i32
    %or3A_798 = vector.broadcast %or3A_797 : i32 to vector<128x64xi32>
    %or3A_799 = arith.ori %bitcast_convert_type3A_796, %or3A_798 : vector<128x64xi32>
    %bitcast_convert_type3A_800 = tpu.bitcast %or3A_799 : vector<128x64xi32> -> vector<128x64xf32>
    %min3A_801 = arith.minimumf %slice3A_794, %bitcast_convert_type3A_800 : vector<128x64xf32>
    %min3A_802 = arith.minimumf %min3A_681, %min3A_745 : vector<128x64xf32>
    %max3A_803 = arith.maximumf %min3A_681, %min3A_745 : vector<128x64xf32>
    %min3A_804 = arith.minimumf %min3A_689, %min3A_753 : vector<128x64xf32>
    %max3A_805 = arith.maximumf %min3A_689, %min3A_753 : vector<128x64xf32>
    %min3A_806 = arith.minimumf %min3A_697, %min3A_761 : vector<128x64xf32>
    %max3A_807 = arith.maximumf %min3A_697, %min3A_761 : vector<128x64xf32>
    %min3A_808 = arith.minimumf %min3A_705, %min3A_769 : vector<128x64xf32>
    %max3A_809 = arith.maximumf %min3A_705, %min3A_769 : vector<128x64xf32>
    %min3A_810 = arith.minimumf %min3A_713, %min3A_777 : vector<128x64xf32>
    %max3A_811 = arith.maximumf %min3A_713, %min3A_777 : vector<128x64xf32>
    %min3A_812 = arith.minimumf %min3A_721, %min3A_785 : vector<128x64xf32>
    %max3A_813 = arith.maximumf %min3A_721, %min3A_785 : vector<128x64xf32>
    %min3A_814 = arith.minimumf %min3A_729, %min3A_793 : vector<128x64xf32>
    %max3A_815 = arith.maximumf %min3A_729, %min3A_793 : vector<128x64xf32>
    %min3A_816 = arith.minimumf %min3A_737, %min3A_801 : vector<128x64xf32>
    %max3A_817 = arith.maximumf %min3A_737, %min3A_801 : vector<128x64xf32>
    %min3A_818 = arith.minimumf %min3A_802, %min3A_810 : vector<128x64xf32>
    %max3A_819 = arith.maximumf %min3A_802, %min3A_810 : vector<128x64xf32>
    %min3A_820 = arith.minimumf %min3A_804, %min3A_812 : vector<128x64xf32>
    %max3A_821 = arith.maximumf %min3A_804, %min3A_812 : vector<128x64xf32>
    %min3A_822 = arith.minimumf %min3A_806, %min3A_814 : vector<128x64xf32>
    %max3A_823 = arith.maximumf %min3A_806, %min3A_814 : vector<128x64xf32>
    %min3A_824 = arith.minimumf %min3A_808, %min3A_816 : vector<128x64xf32>
    %max3A_825 = arith.maximumf %min3A_808, %min3A_816 : vector<128x64xf32>
    %min3A_826 = arith.minimumf %max3A_803, %max3A_811 : vector<128x64xf32>
    %max3A_827 = arith.maximumf %max3A_803, %max3A_811 : vector<128x64xf32>
    %min3A_828 = arith.minimumf %max3A_805, %max3A_813 : vector<128x64xf32>
    %max3A_829 = arith.maximumf %max3A_805, %max3A_813 : vector<128x64xf32>
    %min3A_830 = arith.minimumf %max3A_807, %max3A_815 : vector<128x64xf32>
    %max3A_831 = arith.maximumf %max3A_807, %max3A_815 : vector<128x64xf32>
    %min3A_832 = arith.minimumf %max3A_809, %max3A_817 : vector<128x64xf32>
    %max3A_833 = arith.maximumf %max3A_809, %max3A_817 : vector<128x64xf32>
    %min3A_834 = arith.minimumf %min3A_818, %min3A_822 : vector<128x64xf32>
    %max3A_835 = arith.maximumf %min3A_818, %min3A_822 : vector<128x64xf32>
    %min3A_836 = arith.minimumf %min3A_820, %min3A_824 : vector<128x64xf32>
    %max3A_837 = arith.maximumf %min3A_820, %min3A_824 : vector<128x64xf32>
    %min3A_838 = arith.minimumf %max3A_819, %max3A_823 : vector<128x64xf32>
    %max3A_839 = arith.maximumf %max3A_819, %max3A_823 : vector<128x64xf32>
    %min3A_840 = arith.minimumf %max3A_821, %max3A_825 : vector<128x64xf32>
    %max3A_841 = arith.maximumf %max3A_821, %max3A_825 : vector<128x64xf32>
    %min3A_842 = arith.minimumf %min3A_826, %min3A_830 : vector<128x64xf32>
    %max3A_843 = arith.maximumf %min3A_826, %min3A_830 : vector<128x64xf32>
    %min3A_844 = arith.minimumf %min3A_828, %min3A_832 : vector<128x64xf32>
    %max3A_845 = arith.maximumf %min3A_828, %min3A_832 : vector<128x64xf32>
    %min3A_846 = arith.minimumf %max3A_827, %max3A_831 : vector<128x64xf32>
    %max3A_847 = arith.maximumf %max3A_827, %max3A_831 : vector<128x64xf32>
    %min3A_848 = arith.minimumf %max3A_829, %max3A_833 : vector<128x64xf32>
    %max3A_849 = arith.maximumf %max3A_829, %max3A_833 : vector<128x64xf32>
    %min3A_850 = arith.minimumf %min3A_834, %min3A_836 : vector<128x64xf32>
    %max3A_851 = arith.maximumf %min3A_834, %min3A_836 : vector<128x64xf32>
    %min3A_852 = arith.minimumf %max3A_835, %max3A_837 : vector<128x64xf32>
    %max3A_853 = arith.maximumf %max3A_835, %max3A_837 : vector<128x64xf32>
    %min3A_854 = arith.minimumf %min3A_838, %min3A_840 : vector<128x64xf32>
    %max3A_855 = arith.maximumf %min3A_838, %min3A_840 : vector<128x64xf32>
    %min3A_856 = arith.minimumf %max3A_839, %max3A_841 : vector<128x64xf32>
    %max3A_857 = arith.maximumf %max3A_839, %max3A_841 : vector<128x64xf32>
    %min3A_858 = arith.minimumf %min3A_842, %min3A_844 : vector<128x64xf32>
    %max3A_859 = arith.maximumf %min3A_842, %min3A_844 : vector<128x64xf32>
    %min3A_860 = arith.minimumf %max3A_843, %max3A_845 : vector<128x64xf32>
    %max3A_861 = arith.maximumf %max3A_843, %max3A_845 : vector<128x64xf32>
    %min3A_862 = arith.minimumf %min3A_846, %min3A_848 : vector<128x64xf32>
    %max3A_863 = arith.maximumf %min3A_846, %min3A_848 : vector<128x64xf32>
    %min3A_864 = arith.minimumf %max3A_847, %max3A_849 : vector<128x64xf32>
    %max3A_865 = arith.maximumf %max3A_847, %max3A_849 : vector<128x64xf32>
    %slice3A_866 = vector.extract_strided_slice %min3A_850 {offsets = [0, 0], sizes = [128, 32], strides = [1, 1]} : vector<128x64xf32> to vector<128x32xf32>
    %slice3A_867 = vector.extract_strided_slice %max3A_865 {offsets = [0, 32], sizes = [128, 32], strides = [1, 1]} : vector<128x64xf32> to vector<128x32xf32>
    %bitcast_convert_type3A_868 = tpu.bitcast %slice3A_867 : vector<128x32xf32> -> vector<128x32xi32>
    %or3A_869 = arith.constant 2 : i32
    %or3A_870 = vector.broadcast %or3A_869 : i32 to vector<128x32xi32>
    %or3A_871 = arith.ori %bitcast_convert_type3A_868, %or3A_870 : vector<128x32xi32>
    %bitcast_convert_type3A_872 = tpu.bitcast %or3A_871 : vector<128x32xi32> -> vector<128x32xf32>
    %min3A_873 = arith.minimumf %slice3A_866, %bitcast_convert_type3A_872 : vector<128x32xf32>
    %slice3A_874 = vector.extract_strided_slice %max3A_851 {offsets = [0, 0], sizes = [128, 32], strides = [1, 1]} : vector<128x64xf32> to vector<128x32xf32>
    %slice3A_875 = vector.extract_strided_slice %min3A_864 {offsets = [0, 32], sizes = [128, 32], strides = [1, 1]} : vector<128x64xf32> to vector<128x32xf32>
    %bitcast_convert_type3A_876 = tpu.bitcast %slice3A_875 : vector<128x32xf32> -> vector<128x32xi32>
    %or3A_877 = arith.constant 2 : i32
    %or3A_878 = vector.broadcast %or3A_877 : i32 to vector<128x32xi32>
    %or3A_879 = arith.ori %bitcast_convert_type3A_876, %or3A_878 : vector<128x32xi32>
    %bitcast_convert_type3A_880 = tpu.bitcast %or3A_879 : vector<128x32xi32> -> vector<128x32xf32>
    %min3A_881 = arith.minimumf %slice3A_874, %bitcast_convert_type3A_880 : vector<128x32xf32>
    %slice3A_882 = vector.extract_strided_slice %min3A_852 {offsets = [0, 0], sizes = [128, 32], strides = [1, 1]} : vector<128x64xf32> to vector<128x32xf32>
    %slice3A_883 = vector.extract_strided_slice %max3A_863 {offsets = [0, 32], sizes = [128, 32], strides = [1, 1]} : vector<128x64xf32> to vector<128x32xf32>
    %bitcast_convert_type3A_884 = tpu.bitcast %slice3A_883 : vector<128x32xf32> -> vector<128x32xi32>
    %or3A_885 = arith.constant 2 : i32
    %or3A_886 = vector.broadcast %or3A_885 : i32 to vector<128x32xi32>
    %or3A_887 = arith.ori %bitcast_convert_type3A_884, %or3A_886 : vector<128x32xi32>
    %bitcast_convert_type3A_888 = tpu.bitcast %or3A_887 : vector<128x32xi32> -> vector<128x32xf32>
    %min3A_889 = arith.minimumf %slice3A_882, %bitcast_convert_type3A_888 : vector<128x32xf32>
    %slice3A_890 = vector.extract_strided_slice %max3A_853 {offsets = [0, 0], sizes = [128, 32], strides = [1, 1]} : vector<128x64xf32> to vector<128x32xf32>
    %slice3A_891 = vector.extract_strided_slice %min3A_862 {offsets = [0, 32], sizes = [128, 32], strides = [1, 1]} : vector<128x64xf32> to vector<128x32xf32>
    %bitcast_convert_type3A_892 = tpu.bitcast %slice3A_891 : vector<128x32xf32> -> vector<128x32xi32>
    %or3A_893 = arith.constant 2 : i32
    %or3A_894 = vector.broadcast %or3A_893 : i32 to vector<128x32xi32>
    %or3A_895 = arith.ori %bitcast_convert_type3A_892, %or3A_894 : vector<128x32xi32>
    %bitcast_convert_type3A_896 = tpu.bitcast %or3A_895 : vector<128x32xi32> -> vector<128x32xf32>
    %min3A_897 = arith.minimumf %slice3A_890, %bitcast_convert_type3A_896 : vector<128x32xf32>
    %slice3A_898 = vector.extract_strided_slice %min3A_854 {offsets = [0, 0], sizes = [128, 32], strides = [1, 1]} : vector<128x64xf32> to vector<128x32xf32>
    %slice3A_899 = vector.extract_strided_slice %max3A_861 {offsets = [0, 32], sizes = [128, 32], strides = [1, 1]} : vector<128x64xf32> to vector<128x32xf32>
    %bitcast_convert_type3A_900 = tpu.bitcast %slice3A_899 : vector<128x32xf32> -> vector<128x32xi32>
    %or3A_901 = arith.constant 2 : i32
    %or3A_902 = vector.broadcast %or3A_901 : i32 to vector<128x32xi32>
    %or3A_903 = arith.ori %bitcast_convert_type3A_900, %or3A_902 : vector<128x32xi32>
    %bitcast_convert_type3A_904 = tpu.bitcast %or3A_903 : vector<128x32xi32> -> vector<128x32xf32>
    %min3A_905 = arith.minimumf %slice3A_898, %bitcast_convert_type3A_904 : vector<128x32xf32>
    %slice3A_906 = vector.extract_strided_slice %max3A_855 {offsets = [0, 0], sizes = [128, 32], strides = [1, 1]} : vector<128x64xf32> to vector<128x32xf32>
    %slice3A_907 = vector.extract_strided_slice %min3A_860 {offsets = [0, 32], sizes = [128, 32], strides = [1, 1]} : vector<128x64xf32> to vector<128x32xf32>
    %bitcast_convert_type3A_908 = tpu.bitcast %slice3A_907 : vector<128x32xf32> -> vector<128x32xi32>
    %or3A_909 = arith.constant 2 : i32
    %or3A_910 = vector.broadcast %or3A_909 : i32 to vector<128x32xi32>
    %or3A_911 = arith.ori %bitcast_convert_type3A_908, %or3A_910 : vector<128x32xi32>
    %bitcast_convert_type3A_912 = tpu.bitcast %or3A_911 : vector<128x32xi32> -> vector<128x32xf32>
    %min3A_913 = arith.minimumf %slice3A_906, %bitcast_convert_type3A_912 : vector<128x32xf32>
    %slice3A_914 = vector.extract_strided_slice %min3A_856 {offsets = [0, 0], sizes = [128, 32], strides = [1, 1]} : vector<128x64xf32> to vector<128x32xf32>
    %slice3A_915 = vector.extract_strided_slice %max3A_859 {offsets = [0, 32], sizes = [128, 32], strides = [1, 1]} : vector<128x64xf32> to vector<128x32xf32>
    %bitcast_convert_type3A_916 = tpu.bitcast %slice3A_915 : vector<128x32xf32> -> vector<128x32xi32>
    %or3A_917 = arith.constant 2 : i32
    %or3A_918 = vector.broadcast %or3A_917 : i32 to vector<128x32xi32>
    %or3A_919 = arith.ori %bitcast_convert_type3A_916, %or3A_918 : vector<128x32xi32>
    %bitcast_convert_type3A_920 = tpu.bitcast %or3A_919 : vector<128x32xi32> -> vector<128x32xf32>
    %min3A_921 = arith.minimumf %slice3A_914, %bitcast_convert_type3A_920 : vector<128x32xf32>
    %slice3A_922 = vector.extract_strided_slice %max3A_857 {offsets = [0, 0], sizes = [128, 32], strides = [1, 1]} : vector<128x64xf32> to vector<128x32xf32>
    %slice3A_923 = vector.extract_strided_slice %min3A_858 {offsets = [0, 32], sizes = [128, 32], strides = [1, 1]} : vector<128x64xf32> to vector<128x32xf32>
    %bitcast_convert_type3A_924 = tpu.bitcast %slice3A_923 : vector<128x32xf32> -> vector<128x32xi32>
    %or3A_925 = arith.constant 2 : i32
    %or3A_926 = vector.broadcast %or3A_925 : i32 to vector<128x32xi32>
    %or3A_927 = arith.ori %bitcast_convert_type3A_924, %or3A_926 : vector<128x32xi32>
    %bitcast_convert_type3A_928 = tpu.bitcast %or3A_927 : vector<128x32xi32> -> vector<128x32xf32>
    %min3A_929 = arith.minimumf %slice3A_922, %bitcast_convert_type3A_928 : vector<128x32xf32>
    %slice3A_930 = vector.extract_strided_slice %min3A_858 {offsets = [0, 0], sizes = [128, 32], strides = [1, 1]} : vector<128x64xf32> to vector<128x32xf32>
    %slice3A_931 = vector.extract_strided_slice %max3A_857 {offsets = [0, 32], sizes = [128, 32], strides = [1, 1]} : vector<128x64xf32> to vector<128x32xf32>
    %bitcast_convert_type3A_932 = tpu.bitcast %slice3A_931 : vector<128x32xf32> -> vector<128x32xi32>
    %or3A_933 = arith.constant 2 : i32
    %or3A_934 = vector.broadcast %or3A_933 : i32 to vector<128x32xi32>
    %or3A_935 = arith.ori %bitcast_convert_type3A_932, %or3A_934 : vector<128x32xi32>
    %bitcast_convert_type3A_936 = tpu.bitcast %or3A_935 : vector<128x32xi32> -> vector<128x32xf32>
    %min3A_937 = arith.minimumf %slice3A_930, %bitcast_convert_type3A_936 : vector<128x32xf32>
    %slice3A_938 = vector.extract_strided_slice %max3A_859 {offsets = [0, 0], sizes = [128, 32], strides = [1, 1]} : vector<128x64xf32> to vector<128x32xf32>
    %slice3A_939 = vector.extract_strided_slice %min3A_856 {offsets = [0, 32], sizes = [128, 32], strides = [1, 1]} : vector<128x64xf32> to vector<128x32xf32>
    %bitcast_convert_type3A_940 = tpu.bitcast %slice3A_939 : vector<128x32xf32> -> vector<128x32xi32>
    %or3A_941 = arith.constant 2 : i32
    %or3A_942 = vector.broadcast %or3A_941 : i32 to vector<128x32xi32>
    %or3A_943 = arith.ori %bitcast_convert_type3A_940, %or3A_942 : vector<128x32xi32>
    %bitcast_convert_type3A_944 = tpu.bitcast %or3A_943 : vector<128x32xi32> -> vector<128x32xf32>
    %min3A_945 = arith.minimumf %slice3A_938, %bitcast_convert_type3A_944 : vector<128x32xf32>
    %slice3A_946 = vector.extract_strided_slice %min3A_860 {offsets = [0, 0], sizes = [128, 32], strides = [1, 1]} : vector<128x64xf32> to vector<128x32xf32>
    %slice3A_947 = vector.extract_strided_slice %max3A_855 {offsets = [0, 32], sizes = [128, 32], strides = [1, 1]} : vector<128x64xf32> to vector<128x32xf32>
    %bitcast_convert_type3A_948 = tpu.bitcast %slice3A_947 : vector<128x32xf32> -> vector<128x32xi32>
    %or3A_949 = arith.constant 2 : i32
    %or3A_950 = vector.broadcast %or3A_949 : i32 to vector<128x32xi32>
    %or3A_951 = arith.ori %bitcast_convert_type3A_948, %or3A_950 : vector<128x32xi32>
    %bitcast_convert_type3A_952 = tpu.bitcast %or3A_951 : vector<128x32xi32> -> vector<128x32xf32>
    %min3A_953 = arith.minimumf %slice3A_946, %bitcast_convert_type3A_952 : vector<128x32xf32>
    %slice3A_954 = vector.extract_strided_slice %max3A_861 {offsets = [0, 0], sizes = [128, 32], strides = [1, 1]} : vector<128x64xf32> to vector<128x32xf32>
    %slice3A_955 = vector.extract_strided_slice %min3A_854 {offsets = [0, 32], sizes = [128, 32], strides = [1, 1]} : vector<128x64xf32> to vector<128x32xf32>
    %bitcast_convert_type3A_956 = tpu.bitcast %slice3A_955 : vector<128x32xf32> -> vector<128x32xi32>
    %or3A_957 = arith.constant 2 : i32
    %or3A_958 = vector.broadcast %or3A_957 : i32 to vector<128x32xi32>
    %or3A_959 = arith.ori %bitcast_convert_type3A_956, %or3A_958 : vector<128x32xi32>
    %bitcast_convert_type3A_960 = tpu.bitcast %or3A_959 : vector<128x32xi32> -> vector<128x32xf32>
    %min3A_961 = arith.minimumf %slice3A_954, %bitcast_convert_type3A_960 : vector<128x32xf32>
    %slice3A_962 = vector.extract_strided_slice %min3A_862 {offsets = [0, 0], sizes = [128, 32], strides = [1, 1]} : vector<128x64xf32> to vector<128x32xf32>
    %slice3A_963 = vector.extract_strided_slice %max3A_853 {offsets = [0, 32], sizes = [128, 32], strides = [1, 1]} : vector<128x64xf32> to vector<128x32xf32>
    %bitcast_convert_type3A_964 = tpu.bitcast %slice3A_963 : vector<128x32xf32> -> vector<128x32xi32>
    %or3A_965 = arith.constant 2 : i32
    %or3A_966 = vector.broadcast %or3A_965 : i32 to vector<128x32xi32>
    %or3A_967 = arith.ori %bitcast_convert_type3A_964, %or3A_966 : vector<128x32xi32>
    %bitcast_convert_type3A_968 = tpu.bitcast %or3A_967 : vector<128x32xi32> -> vector<128x32xf32>
    %min3A_969 = arith.minimumf %slice3A_962, %bitcast_convert_type3A_968 : vector<128x32xf32>
    %slice3A_970 = vector.extract_strided_slice %max3A_863 {offsets = [0, 0], sizes = [128, 32], strides = [1, 1]} : vector<128x64xf32> to vector<128x32xf32>
    %slice3A_971 = vector.extract_strided_slice %min3A_852 {offsets = [0, 32], sizes = [128, 32], strides = [1, 1]} : vector<128x64xf32> to vector<128x32xf32>
    %bitcast_convert_type3A_972 = tpu.bitcast %slice3A_971 : vector<128x32xf32> -> vector<128x32xi32>
    %or3A_973 = arith.constant 2 : i32
    %or3A_974 = vector.broadcast %or3A_973 : i32 to vector<128x32xi32>
    %or3A_975 = arith.ori %bitcast_convert_type3A_972, %or3A_974 : vector<128x32xi32>
    %bitcast_convert_type3A_976 = tpu.bitcast %or3A_975 : vector<128x32xi32> -> vector<128x32xf32>
    %min3A_977 = arith.minimumf %slice3A_970, %bitcast_convert_type3A_976 : vector<128x32xf32>
    %slice3A_978 = vector.extract_strided_slice %min3A_864 {offsets = [0, 0], sizes = [128, 32], strides = [1, 1]} : vector<128x64xf32> to vector<128x32xf32>
    %slice3A_979 = vector.extract_strided_slice %max3A_851 {offsets = [0, 32], sizes = [128, 32], strides = [1, 1]} : vector<128x64xf32> to vector<128x32xf32>
    %bitcast_convert_type3A_980 = tpu.bitcast %slice3A_979 : vector<128x32xf32> -> vector<128x32xi32>
    %or3A_981 = arith.constant 2 : i32
    %or3A_982 = vector.broadcast %or3A_981 : i32 to vector<128x32xi32>
    %or3A_983 = arith.ori %bitcast_convert_type3A_980, %or3A_982 : vector<128x32xi32>
    %bitcast_convert_type3A_984 = tpu.bitcast %or3A_983 : vector<128x32xi32> -> vector<128x32xf32>
    %min3A_985 = arith.minimumf %slice3A_978, %bitcast_convert_type3A_984 : vector<128x32xf32>
    %slice3A_986 = vector.extract_strided_slice %max3A_865 {offsets = [0, 0], sizes = [128, 32], strides = [1, 1]} : vector<128x64xf32> to vector<128x32xf32>
    %slice3A_987 = vector.extract_strided_slice %min3A_850 {offsets = [0, 32], sizes = [128, 32], strides = [1, 1]} : vector<128x64xf32> to vector<128x32xf32>
    %bitcast_convert_type3A_988 = tpu.bitcast %slice3A_987 : vector<128x32xf32> -> vector<128x32xi32>
    %or3A_989 = arith.constant 2 : i32
    %or3A_990 = vector.broadcast %or3A_989 : i32 to vector<128x32xi32>
    %or3A_991 = arith.ori %bitcast_convert_type3A_988, %or3A_990 : vector<128x32xi32>
    %bitcast_convert_type3A_992 = tpu.bitcast %or3A_991 : vector<128x32xi32> -> vector<128x32xf32>
    %min3A_993 = arith.minimumf %slice3A_986, %bitcast_convert_type3A_992 : vector<128x32xf32>
    %min3A_994 = arith.minimumf %min3A_873, %min3A_937 : vector<128x32xf32>
    %max3A_995 = arith.maximumf %min3A_873, %min3A_937 : vector<128x32xf32>
    %min3A_996 = arith.minimumf %min3A_881, %min3A_945 : vector<128x32xf32>
    %max3A_997 = arith.maximumf %min3A_881, %min3A_945 : vector<128x32xf32>
    %min3A_998 = arith.minimumf %min3A_889, %min3A_953 : vector<128x32xf32>
    %max3A_999 = arith.maximumf %min3A_889, %min3A_953 : vector<128x32xf32>
    %min3A_1000 = arith.minimumf %min3A_897, %min3A_961 : vector<128x32xf32>
    %max3A_1001 = arith.maximumf %min3A_897, %min3A_961 : vector<128x32xf32>
    %min3A_1002 = arith.minimumf %min3A_905, %min3A_969 : vector<128x32xf32>
    %max3A_1003 = arith.maximumf %min3A_905, %min3A_969 : vector<128x32xf32>
    %min3A_1004 = arith.minimumf %min3A_913, %min3A_977 : vector<128x32xf32>
    %max3A_1005 = arith.maximumf %min3A_913, %min3A_977 : vector<128x32xf32>
    %min3A_1006 = arith.minimumf %min3A_921, %min3A_985 : vector<128x32xf32>
    %max3A_1007 = arith.maximumf %min3A_921, %min3A_985 : vector<128x32xf32>
    %min3A_1008 = arith.minimumf %min3A_929, %min3A_993 : vector<128x32xf32>
    %max3A_1009 = arith.maximumf %min3A_929, %min3A_993 : vector<128x32xf32>
    %min3A_1010 = arith.minimumf %min3A_994, %min3A_1002 : vector<128x32xf32>
    %max3A_1011 = arith.maximumf %min3A_994, %min3A_1002 : vector<128x32xf32>
    %min3A_1012 = arith.minimumf %min3A_996, %min3A_1004 : vector<128x32xf32>
    %max3A_1013 = arith.maximumf %min3A_996, %min3A_1004 : vector<128x32xf32>
    %min3A_1014 = arith.minimumf %min3A_998, %min3A_1006 : vector<128x32xf32>
    %max3A_1015 = arith.maximumf %min3A_998, %min3A_1006 : vector<128x32xf32>
    %min3A_1016 = arith.minimumf %min3A_1000, %min3A_1008 : vector<128x32xf32>
    %max3A_1017 = arith.maximumf %min3A_1000, %min3A_1008 : vector<128x32xf32>
    %min3A_1018 = arith.minimumf %max3A_995, %max3A_1003 : vector<128x32xf32>
    %max3A_1019 = arith.maximumf %max3A_995, %max3A_1003 : vector<128x32xf32>
    %min3A_1020 = arith.minimumf %max3A_997, %max3A_1005 : vector<128x32xf32>
    %max3A_1021 = arith.maximumf %max3A_997, %max3A_1005 : vector<128x32xf32>
    %min3A_1022 = arith.minimumf %max3A_999, %max3A_1007 : vector<128x32xf32>
    %max3A_1023 = arith.maximumf %max3A_999, %max3A_1007 : vector<128x32xf32>
    %min3A_1024 = arith.minimumf %max3A_1001, %max3A_1009 : vector<128x32xf32>
    %max3A_1025 = arith.maximumf %max3A_1001, %max3A_1009 : vector<128x32xf32>
    %min3A_1026 = arith.minimumf %min3A_1010, %min3A_1014 : vector<128x32xf32>
    %max3A_1027 = arith.maximumf %min3A_1010, %min3A_1014 : vector<128x32xf32>
    %min3A_1028 = arith.minimumf %min3A_1012, %min3A_1016 : vector<128x32xf32>
    %max3A_1029 = arith.maximumf %min3A_1012, %min3A_1016 : vector<128x32xf32>
    %min3A_1030 = arith.minimumf %max3A_1011, %max3A_1015 : vector<128x32xf32>
    %max3A_1031 = arith.maximumf %max3A_1011, %max3A_1015 : vector<128x32xf32>
    %min3A_1032 = arith.minimumf %max3A_1013, %max3A_1017 : vector<128x32xf32>
    %max3A_1033 = arith.maximumf %max3A_1013, %max3A_1017 : vector<128x32xf32>
    %min3A_1034 = arith.minimumf %min3A_1018, %min3A_1022 : vector<128x32xf32>
    %max3A_1035 = arith.maximumf %min3A_1018, %min3A_1022 : vector<128x32xf32>
    %min3A_1036 = arith.minimumf %min3A_1020, %min3A_1024 : vector<128x32xf32>
    %max3A_1037 = arith.maximumf %min3A_1020, %min3A_1024 : vector<128x32xf32>
    %min3A_1038 = arith.minimumf %max3A_1019, %max3A_1023 : vector<128x32xf32>
    %max3A_1039 = arith.maximumf %max3A_1019, %max3A_1023 : vector<128x32xf32>
    %min3A_1040 = arith.minimumf %max3A_1021, %max3A_1025 : vector<128x32xf32>
    %max3A_1041 = arith.maximumf %max3A_1021, %max3A_1025 : vector<128x32xf32>
    %min3A_1042 = arith.minimumf %min3A_1026, %min3A_1028 : vector<128x32xf32>
    %max3A_1043 = arith.maximumf %min3A_1026, %min3A_1028 : vector<128x32xf32>
    %min3A_1044 = arith.minimumf %max3A_1027, %max3A_1029 : vector<128x32xf32>
    %max3A_1045 = arith.maximumf %max3A_1027, %max3A_1029 : vector<128x32xf32>
    %min3A_1046 = arith.minimumf %min3A_1030, %min3A_1032 : vector<128x32xf32>
    %max3A_1047 = arith.maximumf %min3A_1030, %min3A_1032 : vector<128x32xf32>
    %min3A_1048 = arith.minimumf %max3A_1031, %max3A_1033 : vector<128x32xf32>
    %max3A_1049 = arith.maximumf %max3A_1031, %max3A_1033 : vector<128x32xf32>
    %min3A_1050 = arith.minimumf %min3A_1034, %min3A_1036 : vector<128x32xf32>
    %max3A_1051 = arith.maximumf %min3A_1034, %min3A_1036 : vector<128x32xf32>
    %min3A_1052 = arith.minimumf %max3A_1035, %max3A_1037 : vector<128x32xf32>
    %max3A_1053 = arith.maximumf %max3A_1035, %max3A_1037 : vector<128x32xf32>
    %min3A_1054 = arith.minimumf %min3A_1038, %min3A_1040 : vector<128x32xf32>
    %max3A_1055 = arith.maximumf %min3A_1038, %min3A_1040 : vector<128x32xf32>
    %min3A_1056 = arith.minimumf %max3A_1039, %max3A_1041 : vector<128x32xf32>
    %max3A_1057 = arith.maximumf %max3A_1039, %max3A_1041 : vector<128x32xf32>
    %slice3A_1058 = vector.extract_strided_slice %min3A_1042 {offsets = [0, 0], sizes = [128, 16], strides = [1, 1]} : vector<128x32xf32> to vector<128x16xf32>
    %slice3A_1059 = vector.extract_strided_slice %max3A_1057 {offsets = [0, 16], sizes = [128, 16], strides = [1, 1]} : vector<128x32xf32> to vector<128x16xf32>
    %bitcast_convert_type3A_1060 = tpu.bitcast %slice3A_1059 : vector<128x16xf32> -> vector<128x16xi32>
    %or3A_1061 = arith.constant 1 : i32
    %or3A_1062 = vector.broadcast %or3A_1061 : i32 to vector<128x16xi32>
    %or3A_1063 = arith.ori %bitcast_convert_type3A_1060, %or3A_1062 : vector<128x16xi32>
    %bitcast_convert_type3A_1064 = tpu.bitcast %or3A_1063 : vector<128x16xi32> -> vector<128x16xf32>
    %min3A_1065 = arith.minimumf %slice3A_1058, %bitcast_convert_type3A_1064 : vector<128x16xf32>
    %slice3A_1066 = vector.extract_strided_slice %max3A_1043 {offsets = [0, 0], sizes = [128, 16], strides = [1, 1]} : vector<128x32xf32> to vector<128x16xf32>
    %slice3A_1067 = vector.extract_strided_slice %min3A_1056 {offsets = [0, 16], sizes = [128, 16], strides = [1, 1]} : vector<128x32xf32> to vector<128x16xf32>
    %bitcast_convert_type3A_1068 = tpu.bitcast %slice3A_1067 : vector<128x16xf32> -> vector<128x16xi32>
    %or3A_1069 = arith.constant 1 : i32
    %or3A_1070 = vector.broadcast %or3A_1069 : i32 to vector<128x16xi32>
    %or3A_1071 = arith.ori %bitcast_convert_type3A_1068, %or3A_1070 : vector<128x16xi32>
    %bitcast_convert_type3A_1072 = tpu.bitcast %or3A_1071 : vector<128x16xi32> -> vector<128x16xf32>
    %min3A_1073 = arith.minimumf %slice3A_1066, %bitcast_convert_type3A_1072 : vector<128x16xf32>
    %slice3A_1074 = vector.extract_strided_slice %min3A_1044 {offsets = [0, 0], sizes = [128, 16], strides = [1, 1]} : vector<128x32xf32> to vector<128x16xf32>
    %slice3A_1075 = vector.extract_strided_slice %max3A_1055 {offsets = [0, 16], sizes = [128, 16], strides = [1, 1]} : vector<128x32xf32> to vector<128x16xf32>
    %bitcast_convert_type3A_1076 = tpu.bitcast %slice3A_1075 : vector<128x16xf32> -> vector<128x16xi32>
    %or3A_1077 = arith.constant 1 : i32
    %or3A_1078 = vector.broadcast %or3A_1077 : i32 to vector<128x16xi32>
    %or3A_1079 = arith.ori %bitcast_convert_type3A_1076, %or3A_1078 : vector<128x16xi32>
    %bitcast_convert_type3A_1080 = tpu.bitcast %or3A_1079 : vector<128x16xi32> -> vector<128x16xf32>
    %min3A_1081 = arith.minimumf %slice3A_1074, %bitcast_convert_type3A_1080 : vector<128x16xf32>
    %slice3A_1082 = vector.extract_strided_slice %max3A_1045 {offsets = [0, 0], sizes = [128, 16], strides = [1, 1]} : vector<128x32xf32> to vector<128x16xf32>
    %slice3A_1083 = vector.extract_strided_slice %min3A_1054 {offsets = [0, 16], sizes = [128, 16], strides = [1, 1]} : vector<128x32xf32> to vector<128x16xf32>
    %bitcast_convert_type3A_1084 = tpu.bitcast %slice3A_1083 : vector<128x16xf32> -> vector<128x16xi32>
    %or3A_1085 = arith.constant 1 : i32
    %or3A_1086 = vector.broadcast %or3A_1085 : i32 to vector<128x16xi32>
    %or3A_1087 = arith.ori %bitcast_convert_type3A_1084, %or3A_1086 : vector<128x16xi32>
    %bitcast_convert_type3A_1088 = tpu.bitcast %or3A_1087 : vector<128x16xi32> -> vector<128x16xf32>
    %min3A_1089 = arith.minimumf %slice3A_1082, %bitcast_convert_type3A_1088 : vector<128x16xf32>
    %slice3A_1090 = vector.extract_strided_slice %min3A_1046 {offsets = [0, 0], sizes = [128, 16], strides = [1, 1]} : vector<128x32xf32> to vector<128x16xf32>
    %slice3A_1091 = vector.extract_strided_slice %max3A_1053 {offsets = [0, 16], sizes = [128, 16], strides = [1, 1]} : vector<128x32xf32> to vector<128x16xf32>
    %bitcast_convert_type3A_1092 = tpu.bitcast %slice3A_1091 : vector<128x16xf32> -> vector<128x16xi32>
    %or3A_1093 = arith.constant 1 : i32
    %or3A_1094 = vector.broadcast %or3A_1093 : i32 to vector<128x16xi32>
    %or3A_1095 = arith.ori %bitcast_convert_type3A_1092, %or3A_1094 : vector<128x16xi32>
    %bitcast_convert_type3A_1096 = tpu.bitcast %or3A_1095 : vector<128x16xi32> -> vector<128x16xf32>
    %min3A_1097 = arith.minimumf %slice3A_1090, %bitcast_convert_type3A_1096 : vector<128x16xf32>
    %slice3A_1098 = vector.extract_strided_slice %max3A_1047 {offsets = [0, 0], sizes = [128, 16], strides = [1, 1]} : vector<128x32xf32> to vector<128x16xf32>
    %slice3A_1099 = vector.extract_strided_slice %min3A_1052 {offsets = [0, 16], sizes = [128, 16], strides = [1, 1]} : vector<128x32xf32> to vector<128x16xf32>
    %bitcast_convert_type3A_1100 = tpu.bitcast %slice3A_1099 : vector<128x16xf32> -> vector<128x16xi32>
    %or3A_1101 = arith.constant 1 : i32
    %or3A_1102 = vector.broadcast %or3A_1101 : i32 to vector<128x16xi32>
    %or3A_1103 = arith.ori %bitcast_convert_type3A_1100, %or3A_1102 : vector<128x16xi32>
    %bitcast_convert_type3A_1104 = tpu.bitcast %or3A_1103 : vector<128x16xi32> -> vector<128x16xf32>
    %min3A_1105 = arith.minimumf %slice3A_1098, %bitcast_convert_type3A_1104 : vector<128x16xf32>
    %slice3A_1106 = vector.extract_strided_slice %min3A_1048 {offsets = [0, 0], sizes = [128, 16], strides = [1, 1]} : vector<128x32xf32> to vector<128x16xf32>
    %slice3A_1107 = vector.extract_strided_slice %max3A_1051 {offsets = [0, 16], sizes = [128, 16], strides = [1, 1]} : vector<128x32xf32> to vector<128x16xf32>
    %bitcast_convert_type3A_1108 = tpu.bitcast %slice3A_1107 : vector<128x16xf32> -> vector<128x16xi32>
    %or3A_1109 = arith.constant 1 : i32
    %or3A_1110 = vector.broadcast %or3A_1109 : i32 to vector<128x16xi32>
    %or3A_1111 = arith.ori %bitcast_convert_type3A_1108, %or3A_1110 : vector<128x16xi32>
    %bitcast_convert_type3A_1112 = tpu.bitcast %or3A_1111 : vector<128x16xi32> -> vector<128x16xf32>
    %min3A_1113 = arith.minimumf %slice3A_1106, %bitcast_convert_type3A_1112 : vector<128x16xf32>
    %slice3A_1114 = vector.extract_strided_slice %max3A_1049 {offsets = [0, 0], sizes = [128, 16], strides = [1, 1]} : vector<128x32xf32> to vector<128x16xf32>
    %slice3A_1115 = vector.extract_strided_slice %min3A_1050 {offsets = [0, 16], sizes = [128, 16], strides = [1, 1]} : vector<128x32xf32> to vector<128x16xf32>
    %bitcast_convert_type3A_1116 = tpu.bitcast %slice3A_1115 : vector<128x16xf32> -> vector<128x16xi32>
    %or3A_1117 = arith.constant 1 : i32
    %or3A_1118 = vector.broadcast %or3A_1117 : i32 to vector<128x16xi32>
    %or3A_1119 = arith.ori %bitcast_convert_type3A_1116, %or3A_1118 : vector<128x16xi32>
    %bitcast_convert_type3A_1120 = tpu.bitcast %or3A_1119 : vector<128x16xi32> -> vector<128x16xf32>
    %min3A_1121 = arith.minimumf %slice3A_1114, %bitcast_convert_type3A_1120 : vector<128x16xf32>
    %slice3A_1122 = vector.extract_strided_slice %min3A_1050 {offsets = [0, 0], sizes = [128, 16], strides = [1, 1]} : vector<128x32xf32> to vector<128x16xf32>
    %slice3A_1123 = vector.extract_strided_slice %max3A_1049 {offsets = [0, 16], sizes = [128, 16], strides = [1, 1]} : vector<128x32xf32> to vector<128x16xf32>
    %bitcast_convert_type3A_1124 = tpu.bitcast %slice3A_1123 : vector<128x16xf32> -> vector<128x16xi32>
    %or3A_1125 = arith.constant 1 : i32
    %or3A_1126 = vector.broadcast %or3A_1125 : i32 to vector<128x16xi32>
    %or3A_1127 = arith.ori %bitcast_convert_type3A_1124, %or3A_1126 : vector<128x16xi32>
    %bitcast_convert_type3A_1128 = tpu.bitcast %or3A_1127 : vector<128x16xi32> -> vector<128x16xf32>
    %min3A_1129 = arith.minimumf %slice3A_1122, %bitcast_convert_type3A_1128 : vector<128x16xf32>
    %slice3A_1130 = vector.extract_strided_slice %max3A_1051 {offsets = [0, 0], sizes = [128, 16], strides = [1, 1]} : vector<128x32xf32> to vector<128x16xf32>
    %slice3A_1131 = vector.extract_strided_slice %min3A_1048 {offsets = [0, 16], sizes = [128, 16], strides = [1, 1]} : vector<128x32xf32> to vector<128x16xf32>
    %bitcast_convert_type3A_1132 = tpu.bitcast %slice3A_1131 : vector<128x16xf32> -> vector<128x16xi32>
    %or3A_1133 = arith.constant 1 : i32
    %or3A_1134 = vector.broadcast %or3A_1133 : i32 to vector<128x16xi32>
    %or3A_1135 = arith.ori %bitcast_convert_type3A_1132, %or3A_1134 : vector<128x16xi32>
    %bitcast_convert_type3A_1136 = tpu.bitcast %or3A_1135 : vector<128x16xi32> -> vector<128x16xf32>
    %min3A_1137 = arith.minimumf %slice3A_1130, %bitcast_convert_type3A_1136 : vector<128x16xf32>
    %slice3A_1138 = vector.extract_strided_slice %min3A_1052 {offsets = [0, 0], sizes = [128, 16], strides = [1, 1]} : vector<128x32xf32> to vector<128x16xf32>
    %slice3A_1139 = vector.extract_strided_slice %max3A_1047 {offsets = [0, 16], sizes = [128, 16], strides = [1, 1]} : vector<128x32xf32> to vector<128x16xf32>
    %bitcast_convert_type3A_1140 = tpu.bitcast %slice3A_1139 : vector<128x16xf32> -> vector<128x16xi32>
    %or3A_1141 = arith.constant 1 : i32
    %or3A_1142 = vector.broadcast %or3A_1141 : i32 to vector<128x16xi32>
    %or3A_1143 = arith.ori %bitcast_convert_type3A_1140, %or3A_1142 : vector<128x16xi32>
    %bitcast_convert_type3A_1144 = tpu.bitcast %or3A_1143 : vector<128x16xi32> -> vector<128x16xf32>
    %min3A_1145 = arith.minimumf %slice3A_1138, %bitcast_convert_type3A_1144 : vector<128x16xf32>
    %slice3A_1146 = vector.extract_strided_slice %max3A_1053 {offsets = [0, 0], sizes = [128, 16], strides = [1, 1]} : vector<128x32xf32> to vector<128x16xf32>
    %slice3A_1147 = vector.extract_strided_slice %min3A_1046 {offsets = [0, 16], sizes = [128, 16], strides = [1, 1]} : vector<128x32xf32> to vector<128x16xf32>
    %bitcast_convert_type3A_1148 = tpu.bitcast %slice3A_1147 : vector<128x16xf32> -> vector<128x16xi32>
    %or3A_1149 = arith.constant 1 : i32
    %or3A_1150 = vector.broadcast %or3A_1149 : i32 to vector<128x16xi32>
    %or3A_1151 = arith.ori %bitcast_convert_type3A_1148, %or3A_1150 : vector<128x16xi32>
    %bitcast_convert_type3A_1152 = tpu.bitcast %or3A_1151 : vector<128x16xi32> -> vector<128x16xf32>
    %min3A_1153 = arith.minimumf %slice3A_1146, %bitcast_convert_type3A_1152 : vector<128x16xf32>
    %slice3A_1154 = vector.extract_strided_slice %min3A_1054 {offsets = [0, 0], sizes = [128, 16], strides = [1, 1]} : vector<128x32xf32> to vector<128x16xf32>
    %slice3A_1155 = vector.extract_strided_slice %max3A_1045 {offsets = [0, 16], sizes = [128, 16], strides = [1, 1]} : vector<128x32xf32> to vector<128x16xf32>
    %bitcast_convert_type3A_1156 = tpu.bitcast %slice3A_1155 : vector<128x16xf32> -> vector<128x16xi32>
    %or3A_1157 = arith.constant 1 : i32
    %or3A_1158 = vector.broadcast %or3A_1157 : i32 to vector<128x16xi32>
    %or3A_1159 = arith.ori %bitcast_convert_type3A_1156, %or3A_1158 : vector<128x16xi32>
    %bitcast_convert_type3A_1160 = tpu.bitcast %or3A_1159 : vector<128x16xi32> -> vector<128x16xf32>
    %min3A_1161 = arith.minimumf %slice3A_1154, %bitcast_convert_type3A_1160 : vector<128x16xf32>
    %slice3A_1162 = vector.extract_strided_slice %max3A_1055 {offsets = [0, 0], sizes = [128, 16], strides = [1, 1]} : vector<128x32xf32> to vector<128x16xf32>
    %slice3A_1163 = vector.extract_strided_slice %min3A_1044 {offsets = [0, 16], sizes = [128, 16], strides = [1, 1]} : vector<128x32xf32> to vector<128x16xf32>
    %bitcast_convert_type3A_1164 = tpu.bitcast %slice3A_1163 : vector<128x16xf32> -> vector<128x16xi32>
    %or3A_1165 = arith.constant 1 : i32
    %or3A_1166 = vector.broadcast %or3A_1165 : i32 to vector<128x16xi32>
    %or3A_1167 = arith.ori %bitcast_convert_type3A_1164, %or3A_1166 : vector<128x16xi32>
    %bitcast_convert_type3A_1168 = tpu.bitcast %or3A_1167 : vector<128x16xi32> -> vector<128x16xf32>
    %min3A_1169 = arith.minimumf %slice3A_1162, %bitcast_convert_type3A_1168 : vector<128x16xf32>
    %slice3A_1170 = vector.extract_strided_slice %min3A_1056 {offsets = [0, 0], sizes = [128, 16], strides = [1, 1]} : vector<128x32xf32> to vector<128x16xf32>
    %slice3A_1171 = vector.extract_strided_slice %max3A_1043 {offsets = [0, 16], sizes = [128, 16], strides = [1, 1]} : vector<128x32xf32> to vector<128x16xf32>
    %bitcast_convert_type3A_1172 = tpu.bitcast %slice3A_1171 : vector<128x16xf32> -> vector<128x16xi32>
    %or3A_1173 = arith.constant 1 : i32
    %or3A_1174 = vector.broadcast %or3A_1173 : i32 to vector<128x16xi32>
    %or3A_1175 = arith.ori %bitcast_convert_type3A_1172, %or3A_1174 : vector<128x16xi32>
    %bitcast_convert_type3A_1176 = tpu.bitcast %or3A_1175 : vector<128x16xi32> -> vector<128x16xf32>
    %min3A_1177 = arith.minimumf %slice3A_1170, %bitcast_convert_type3A_1176 : vector<128x16xf32>
    %slice3A_1178 = vector.extract_strided_slice %max3A_1057 {offsets = [0, 0], sizes = [128, 16], strides = [1, 1]} : vector<128x32xf32> to vector<128x16xf32>
    %slice3A_1179 = vector.extract_strided_slice %min3A_1042 {offsets = [0, 16], sizes = [128, 16], strides = [1, 1]} : vector<128x32xf32> to vector<128x16xf32>
    %bitcast_convert_type3A_1180 = tpu.bitcast %slice3A_1179 : vector<128x16xf32> -> vector<128x16xi32>
    %or3A_1181 = arith.constant 1 : i32
    %or3A_1182 = vector.broadcast %or3A_1181 : i32 to vector<128x16xi32>
    %or3A_1183 = arith.ori %bitcast_convert_type3A_1180, %or3A_1182 : vector<128x16xi32>
    %bitcast_convert_type3A_1184 = tpu.bitcast %or3A_1183 : vector<128x16xi32> -> vector<128x16xf32>
    %min3A_1185 = arith.minimumf %slice3A_1178, %bitcast_convert_type3A_1184 : vector<128x16xf32>
    %min3A_1186 = arith.minimumf %min3A_1065, %min3A_1129 : vector<128x16xf32>
    %max3A_1187 = arith.maximumf %min3A_1065, %min3A_1129 : vector<128x16xf32>
    %min3A_1188 = arith.minimumf %min3A_1073, %min3A_1137 : vector<128x16xf32>
    %max3A_1189 = arith.maximumf %min3A_1073, %min3A_1137 : vector<128x16xf32>
    %min3A_1190 = arith.minimumf %min3A_1081, %min3A_1145 : vector<128x16xf32>
    %max3A_1191 = arith.maximumf %min3A_1081, %min3A_1145 : vector<128x16xf32>
    %min3A_1192 = arith.minimumf %min3A_1089, %min3A_1153 : vector<128x16xf32>
    %max3A_1193 = arith.maximumf %min3A_1089, %min3A_1153 : vector<128x16xf32>
    %min3A_1194 = arith.minimumf %min3A_1097, %min3A_1161 : vector<128x16xf32>
    %max3A_1195 = arith.maximumf %min3A_1097, %min3A_1161 : vector<128x16xf32>
    %min3A_1196 = arith.minimumf %min3A_1105, %min3A_1169 : vector<128x16xf32>
    %max3A_1197 = arith.maximumf %min3A_1105, %min3A_1169 : vector<128x16xf32>
    %min3A_1198 = arith.minimumf %min3A_1113, %min3A_1177 : vector<128x16xf32>
    %max3A_1199 = arith.maximumf %min3A_1113, %min3A_1177 : vector<128x16xf32>
    %min3A_1200 = arith.minimumf %min3A_1121, %min3A_1185 : vector<128x16xf32>
    %max3A_1201 = arith.maximumf %min3A_1121, %min3A_1185 : vector<128x16xf32>
    %min3A_1202 = arith.minimumf %min3A_1186, %min3A_1194 : vector<128x16xf32>
    %max3A_1203 = arith.maximumf %min3A_1186, %min3A_1194 : vector<128x16xf32>
    %min3A_1204 = arith.minimumf %min3A_1188, %min3A_1196 : vector<128x16xf32>
    %max3A_1205 = arith.maximumf %min3A_1188, %min3A_1196 : vector<128x16xf32>
    %min3A_1206 = arith.minimumf %min3A_1190, %min3A_1198 : vector<128x16xf32>
    %max3A_1207 = arith.maximumf %min3A_1190, %min3A_1198 : vector<128x16xf32>
    %min3A_1208 = arith.minimumf %min3A_1192, %min3A_1200 : vector<128x16xf32>
    %max3A_1209 = arith.maximumf %min3A_1192, %min3A_1200 : vector<128x16xf32>
    %min3A_1210 = arith.minimumf %max3A_1187, %max3A_1195 : vector<128x16xf32>
    %max3A_1211 = arith.maximumf %max3A_1187, %max3A_1195 : vector<128x16xf32>
    %min3A_1212 = arith.minimumf %max3A_1189, %max3A_1197 : vector<128x16xf32>
    %max3A_1213 = arith.maximumf %max3A_1189, %max3A_1197 : vector<128x16xf32>
    %min3A_1214 = arith.minimumf %max3A_1191, %max3A_1199 : vector<128x16xf32>
    %max3A_1215 = arith.maximumf %max3A_1191, %max3A_1199 : vector<128x16xf32>
    %min3A_1216 = arith.minimumf %max3A_1193, %max3A_1201 : vector<128x16xf32>
    %max3A_1217 = arith.maximumf %max3A_1193, %max3A_1201 : vector<128x16xf32>
    %min3A_1218 = arith.minimumf %min3A_1202, %min3A_1206 : vector<128x16xf32>
    %max3A_1219 = arith.maximumf %min3A_1202, %min3A_1206 : vector<128x16xf32>
    %min3A_1220 = arith.minimumf %min3A_1204, %min3A_1208 : vector<128x16xf32>
    %max3A_1221 = arith.maximumf %min3A_1204, %min3A_1208 : vector<128x16xf32>
    %min3A_1222 = arith.minimumf %max3A_1203, %max3A_1207 : vector<128x16xf32>
    %max3A_1223 = arith.maximumf %max3A_1203, %max3A_1207 : vector<128x16xf32>
    %min3A_1224 = arith.minimumf %max3A_1205, %max3A_1209 : vector<128x16xf32>
    %max3A_1225 = arith.maximumf %max3A_1205, %max3A_1209 : vector<128x16xf32>
    %min3A_1226 = arith.minimumf %min3A_1210, %min3A_1214 : vector<128x16xf32>
    %max3A_1227 = arith.maximumf %min3A_1210, %min3A_1214 : vector<128x16xf32>
    %min3A_1228 = arith.minimumf %min3A_1212, %min3A_1216 : vector<128x16xf32>
    %max3A_1229 = arith.maximumf %min3A_1212, %min3A_1216 : vector<128x16xf32>
    %min3A_1230 = arith.minimumf %max3A_1211, %max3A_1215 : vector<128x16xf32>
    %max3A_1231 = arith.maximumf %max3A_1211, %max3A_1215 : vector<128x16xf32>
    %min3A_1232 = arith.minimumf %max3A_1213, %max3A_1217 : vector<128x16xf32>
    %max3A_1233 = arith.maximumf %max3A_1213, %max3A_1217 : vector<128x16xf32>
    %min3A_1234 = arith.minimumf %min3A_1218, %min3A_1220 : vector<128x16xf32>
    %max3A_1235 = arith.maximumf %min3A_1218, %min3A_1220 : vector<128x16xf32>
    %min3A_1236 = arith.minimumf %max3A_1219, %max3A_1221 : vector<128x16xf32>
    %max3A_1237 = arith.maximumf %max3A_1219, %max3A_1221 : vector<128x16xf32>
    %min3A_1238 = arith.minimumf %min3A_1222, %min3A_1224 : vector<128x16xf32>
    %max3A_1239 = arith.maximumf %min3A_1222, %min3A_1224 : vector<128x16xf32>
    %min3A_1240 = arith.minimumf %max3A_1223, %max3A_1225 : vector<128x16xf32>
    %max3A_1241 = arith.maximumf %max3A_1223, %max3A_1225 : vector<128x16xf32>
    %min3A_1242 = arith.minimumf %min3A_1226, %min3A_1228 : vector<128x16xf32>
    %max3A_1243 = arith.maximumf %min3A_1226, %min3A_1228 : vector<128x16xf32>
    %min3A_1244 = arith.minimumf %max3A_1227, %max3A_1229 : vector<128x16xf32>
    %max3A_1245 = arith.maximumf %max3A_1227, %max3A_1229 : vector<128x16xf32>
    %min3A_1246 = arith.minimumf %min3A_1230, %min3A_1232 : vector<128x16xf32>
    %max3A_1247 = arith.maximumf %min3A_1230, %min3A_1232 : vector<128x16xf32>
    %min3A_1248 = arith.minimumf %max3A_1231, %max3A_1233 : vector<128x16xf32>
    %max3A_1249 = arith.maximumf %max3A_1231, %max3A_1233 : vector<128x16xf32>
    %concatenate3A = tpu.concatenate %min3A_1234, %max3A_1235, %min3A_1236, %max3A_1237, %min3A_1238, %max3A_1239, %min3A_1240, %max3A_1241, %min3A_1242, %max3A_1243, %min3A_1244, %max3A_1245, %min3A_1246, %max3A_1247, %min3A_1248, %max3A_1249 in 1 : vector<128x16xf32>, vector<128x16xf32>, vector<128x16xf32>, vector<128x16xf32>, vector<128x16xf32>, vector<128x16xf32>, vector<128x16xf32>, vector<128x16xf32>, vector<128x16xf32>, vector<128x16xf32>, vector<128x16xf32>, vector<128x16xf32>, vector<128x16xf32>, vector<128x16xf32>, vector<128x16xf32>, vector<128x16xf32> -> vector<128x256xf32>
    %iota3A = tpu.iota {dimensions = array<i32: 1>} : vector<128x256xi32>
    %reduce_min3A = arith.constant dense<0x7F800000> : vector<128xf32>
    %reduce_min3A_1250 = vector.multi_reduction <minimumf>, %concatenate3A, %reduce_min3A [1] : vector<128x256xf32> to vector<128xf32>
    %broadcast_in_dim3A = vector.shape_cast %reduce_min3A_1250 : vector<128xf32> to vector<128x1xf32>
    %eq3A = vector.broadcast %broadcast_in_dim3A : vector<128x1xf32> to vector<128x256xf32>
    %eq3A_1251 = arith.cmpf oeq, %concatenate3A, %eq3A : vector<128x256xf32>
    %jit3A = arith.constant 1073741824 : i32
    %broadcast_in_dim3A_1252 = vector.broadcast %jit3A : i32 to vector<128x256xi32>
    %select_n3A = arith.select %eq3A_1251, %iota3A, %broadcast_in_dim3A_1252 : vector<128x256xi1>, vector<128x256xi32>
    %reduce_min3A_1253 = arith.constant dense<2147483647> : vector<128xi32>
    %reduce_min3A_1254 = vector.multi_reduction <minsi>, %select_n3A, %reduce_min3A_1253 [1] : vector<128x256xi32> to vector<128xi32>
    %broadcast_in_dim3A_1255 = vector.shape_cast %reduce_min3A_1254 : vector<128xi32> to vector<128x1xi32>
    %bitcast_convert_type3A_1256 = tpu.bitcast %broadcast_in_dim3A : vector<128x1xf32> -> vector<128x1xi32>
    %shift_right_arithmetic3A = arith.constant 5 : i32
    %shift_right_arithmetic3A_1257 = vector.broadcast %shift_right_arithmetic3A : i32 to vector<128x1xi32>
    %shift_right_arithmetic3A_1258 = arith.shrsi %bitcast_convert_type3A_1256, %shift_right_arithmetic3A_1257 : vector<128x1xi32>
    %and3A_1259 = arith.constant 15 : i32
    %and3A_1260 = vector.broadcast %and3A_1259 : i32 to vector<128x1xi32>
    %and3A_1261 = arith.andi %shift_right_arithmetic3A_1258, %and3A_1260 : vector<128x1xi32>
    %mul3A_1262 = arith.constant 512 : i32
    %mul3A_1263 = vector.broadcast %mul3A_1262 : i32 to vector<128x1xi32>
    %mul3A_1264 = arith.muli %and3A_1261, %mul3A_1263 : vector<128x1xi32>
    %and3A_1265 = arith.constant 31 : i32
    %and3A_1266 = vector.broadcast %and3A_1265 : i32 to vector<128x1xi32>
    %and3A_1267 = arith.andi %bitcast_convert_type3A_1256, %and3A_1266 : vector<128x1xi32>
    %shift_left3A = arith.constant 4 : i32
    %shift_left3A_1268 = vector.broadcast %shift_left3A : i32 to vector<128x1xi32>
    %shift_left3A_1269 = arith.shli %and3A_1267, %shift_left3A_1268 : vector<128x1xi32>
    %add3A_1270 = arith.addi %mul3A_1264, %shift_left3A_1269 : vector<128x1xi32>
    %and3A_1271 = arith.constant 15 : i32
    %and3A_1272 = vector.broadcast %and3A_1271 : i32 to vector<128x1xi32>
    %and3A_1273 = arith.andi %broadcast_in_dim3A_1255, %and3A_1272 : vector<128x1xi32>
    %add3A_1274 = arith.addi %add3A_1270, %and3A_1273 : vector<128x1xi32>
    %eq3A_1275 = vector.broadcast %broadcast_in_dim3A : vector<128x1xf32> to vector<128x256xf32>
    %eq3A_1276 = arith.cmpf oeq, %concatenate3A, %eq3A_1275 : vector<128x256xf32>
    %jit3A_1277 = arith.constant 0x7F800000 : f32
    %broadcast_in_dim3A_1278 = vector.broadcast %jit3A_1277 : f32 to vector<128x256xf32>
    %select_n3A_1279 = arith.select %eq3A_1276, %broadcast_in_dim3A_1278, %concatenate3A : vector<128x256xi1>, vector<128x256xf32>
    %reduce_min3A_1280 = arith.constant dense<0x7F800000> : vector<128xf32>
    %reduce_min3A_1281 = vector.multi_reduction <minimumf>, %select_n3A_1279, %reduce_min3A_1280 [1] : vector<128x256xf32> to vector<128xf32>
    %broadcast_in_dim3A_1282 = vector.shape_cast %reduce_min3A_1281 : vector<128xf32> to vector<128x1xf32>
    %eq3A_1283 = vector.broadcast %broadcast_in_dim3A_1282 : vector<128x1xf32> to vector<128x256xf32>
    %eq3A_1284 = arith.cmpf oeq, %select_n3A_1279, %eq3A_1283 : vector<128x256xf32>
    %jit3A_1285 = arith.constant 1073741824 : i32
    %broadcast_in_dim3A_1286 = vector.broadcast %jit3A_1285 : i32 to vector<128x256xi32>
    %select_n3A_1287 = arith.select %eq3A_1284, %iota3A, %broadcast_in_dim3A_1286 : vector<128x256xi1>, vector<128x256xi32>
    %reduce_min3A_1288 = arith.constant dense<2147483647> : vector<128xi32>
    %reduce_min3A_1289 = vector.multi_reduction <minsi>, %select_n3A_1287, %reduce_min3A_1288 [1] : vector<128x256xi32> to vector<128xi32>
    %broadcast_in_dim3A_1290 = vector.shape_cast %reduce_min3A_1289 : vector<128xi32> to vector<128x1xi32>
    %bitcast_convert_type3A_1291 = tpu.bitcast %broadcast_in_dim3A_1282 : vector<128x1xf32> -> vector<128x1xi32>
    %shift_right_arithmetic3A_1292 = arith.constant 5 : i32
    %shift_right_arithmetic3A_1293 = vector.broadcast %shift_right_arithmetic3A_1292 : i32 to vector<128x1xi32>
    %shift_right_arithmetic3A_1294 = arith.shrsi %bitcast_convert_type3A_1291, %shift_right_arithmetic3A_1293 : vector<128x1xi32>
    %and3A_1295 = arith.constant 15 : i32
    %and3A_1296 = vector.broadcast %and3A_1295 : i32 to vector<128x1xi32>
    %and3A_1297 = arith.andi %shift_right_arithmetic3A_1294, %and3A_1296 : vector<128x1xi32>
    %mul3A_1298 = arith.constant 512 : i32
    %mul3A_1299 = vector.broadcast %mul3A_1298 : i32 to vector<128x1xi32>
    %mul3A_1300 = arith.muli %and3A_1297, %mul3A_1299 : vector<128x1xi32>
    %and3A_1301 = arith.constant 31 : i32
    %and3A_1302 = vector.broadcast %and3A_1301 : i32 to vector<128x1xi32>
    %and3A_1303 = arith.andi %bitcast_convert_type3A_1291, %and3A_1302 : vector<128x1xi32>
    %shift_left3A_1304 = arith.constant 4 : i32
    %shift_left3A_1305 = vector.broadcast %shift_left3A_1304 : i32 to vector<128x1xi32>
    %shift_left3A_1306 = arith.shli %and3A_1303, %shift_left3A_1305 : vector<128x1xi32>
    %add3A_1307 = arith.addi %mul3A_1300, %shift_left3A_1306 : vector<128x1xi32>
    %and3A_1308 = arith.constant 15 : i32
    %and3A_1309 = vector.broadcast %and3A_1308 : i32 to vector<128x1xi32>
    %and3A_1310 = arith.andi %broadcast_in_dim3A_1290, %and3A_1309 : vector<128x1xi32>
    %add3A_1311 = arith.addi %add3A_1307, %and3A_1310 : vector<128x1xi32>
    %eq3A_1312 = vector.broadcast %broadcast_in_dim3A_1282 : vector<128x1xf32> to vector<128x256xf32>
    %eq3A_1313 = arith.cmpf oeq, %select_n3A_1279, %eq3A_1312 : vector<128x256xf32>
    %jit3A_1314 = arith.constant 0x7F800000 : f32
    %broadcast_in_dim3A_1315 = vector.broadcast %jit3A_1314 : f32 to vector<128x256xf32>
    %select_n3A_1316 = arith.select %eq3A_1313, %broadcast_in_dim3A_1315, %select_n3A_1279 : vector<128x256xi1>, vector<128x256xf32>
    %reduce_min3A_1317 = arith.constant dense<0x7F800000> : vector<128xf32>
    %reduce_min3A_1318 = vector.multi_reduction <minimumf>, %select_n3A_1316, %reduce_min3A_1317 [1] : vector<128x256xf32> to vector<128xf32>
    %broadcast_in_dim3A_1319 = vector.shape_cast %reduce_min3A_1318 : vector<128xf32> to vector<128x1xf32>
    %eq3A_1320 = vector.broadcast %broadcast_in_dim3A_1319 : vector<128x1xf32> to vector<128x256xf32>
    %eq3A_1321 = arith.cmpf oeq, %select_n3A_1316, %eq3A_1320 : vector<128x256xf32>
    %jit3A_1322 = arith.constant 1073741824 : i32
    %broadcast_in_dim3A_1323 = vector.broadcast %jit3A_1322 : i32 to vector<128x256xi32>
    %select_n3A_1324 = arith.select %eq3A_1321, %iota3A, %broadcast_in_dim3A_1323 : vector<128x256xi1>, vector<128x256xi32>
    %reduce_min3A_1325 = arith.constant dense<2147483647> : vector<128xi32>
    %reduce_min3A_1326 = vector.multi_reduction <minsi>, %select_n3A_1324, %reduce_min3A_1325 [1] : vector<128x256xi32> to vector<128xi32>
    %broadcast_in_dim3A_1327 = vector.shape_cast %reduce_min3A_1326 : vector<128xi32> to vector<128x1xi32>
    %bitcast_convert_type3A_1328 = tpu.bitcast %broadcast_in_dim3A_1319 : vector<128x1xf32> -> vector<128x1xi32>
    %shift_right_arithmetic3A_1329 = arith.constant 5 : i32
    %shift_right_arithmetic3A_1330 = vector.broadcast %shift_right_arithmetic3A_1329 : i32 to vector<128x1xi32>
    %shift_right_arithmetic3A_1331 = arith.shrsi %bitcast_convert_type3A_1328, %shift_right_arithmetic3A_1330 : vector<128x1xi32>
    %and3A_1332 = arith.constant 15 : i32
    %and3A_1333 = vector.broadcast %and3A_1332 : i32 to vector<128x1xi32>
    %and3A_1334 = arith.andi %shift_right_arithmetic3A_1331, %and3A_1333 : vector<128x1xi32>
    %mul3A_1335 = arith.constant 512 : i32
    %mul3A_1336 = vector.broadcast %mul3A_1335 : i32 to vector<128x1xi32>
    %mul3A_1337 = arith.muli %and3A_1334, %mul3A_1336 : vector<128x1xi32>
    %and3A_1338 = arith.constant 31 : i32
    %and3A_1339 = vector.broadcast %and3A_1338 : i32 to vector<128x1xi32>
    %and3A_1340 = arith.andi %bitcast_convert_type3A_1328, %and3A_1339 : vector<128x1xi32>
    %shift_left3A_1341 = arith.constant 4 : i32
    %shift_left3A_1342 = vector.broadcast %shift_left3A_1341 : i32 to vector<128x1xi32>
    %shift_left3A_1343 = arith.shli %and3A_1340, %shift_left3A_1342 : vector<128x1xi32>
    %add3A_1344 = arith.addi %mul3A_1337, %shift_left3A_1343 : vector<128x1xi32>
    %and3A_1345 = arith.constant 15 : i32
    %and3A_1346 = vector.broadcast %and3A_1345 : i32 to vector<128x1xi32>
    %and3A_1347 = arith.andi %broadcast_in_dim3A_1327, %and3A_1346 : vector<128x1xi32>
    %add3A_1348 = arith.addi %add3A_1344, %and3A_1347 : vector<128x1xi32>
    %eq3A_1349 = vector.broadcast %broadcast_in_dim3A_1319 : vector<128x1xf32> to vector<128x256xf32>
    %eq3A_1350 = arith.cmpf oeq, %select_n3A_1316, %eq3A_1349 : vector<128x256xf32>
    %jit3A_1351 = arith.constant 0x7F800000 : f32
    %broadcast_in_dim3A_1352 = vector.broadcast %jit3A_1351 : f32 to vector<128x256xf32>
    %select_n3A_1353 = arith.select %eq3A_1350, %broadcast_in_dim3A_1352, %select_n3A_1316 : vector<128x256xi1>, vector<128x256xf32>
    %reduce_min3A_1354 = arith.constant dense<0x7F800000> : vector<128xf32>
    %reduce_min3A_1355 = vector.multi_reduction <minimumf>, %select_n3A_1353, %reduce_min3A_1354 [1] : vector<128x256xf32> to vector<128xf32>
    %broadcast_in_dim3A_1356 = vector.shape_cast %reduce_min3A_1355 : vector<128xf32> to vector<128x1xf32>
    %eq3A_1357 = vector.broadcast %broadcast_in_dim3A_1356 : vector<128x1xf32> to vector<128x256xf32>
    %eq3A_1358 = arith.cmpf oeq, %select_n3A_1353, %eq3A_1357 : vector<128x256xf32>
    %jit3A_1359 = arith.constant 1073741824 : i32
    %broadcast_in_dim3A_1360 = vector.broadcast %jit3A_1359 : i32 to vector<128x256xi32>
    %select_n3A_1361 = arith.select %eq3A_1358, %iota3A, %broadcast_in_dim3A_1360 : vector<128x256xi1>, vector<128x256xi32>
    %reduce_min3A_1362 = arith.constant dense<2147483647> : vector<128xi32>
    %reduce_min3A_1363 = vector.multi_reduction <minsi>, %select_n3A_1361, %reduce_min3A_1362 [1] : vector<128x256xi32> to vector<128xi32>
    %broadcast_in_dim3A_1364 = vector.shape_cast %reduce_min3A_1363 : vector<128xi32> to vector<128x1xi32>
    %bitcast_convert_type3A_1365 = tpu.bitcast %broadcast_in_dim3A_1356 : vector<128x1xf32> -> vector<128x1xi32>
    %shift_right_arithmetic3A_1366 = arith.constant 5 : i32
    %shift_right_arithmetic3A_1367 = vector.broadcast %shift_right_arithmetic3A_1366 : i32 to vector<128x1xi32>
    %shift_right_arithmetic3A_1368 = arith.shrsi %bitcast_convert_type3A_1365, %shift_right_arithmetic3A_1367 : vector<128x1xi32>
    %and3A_1369 = arith.constant 15 : i32
    %and3A_1370 = vector.broadcast %and3A_1369 : i32 to vector<128x1xi32>
    %and3A_1371 = arith.andi %shift_right_arithmetic3A_1368, %and3A_1370 : vector<128x1xi32>
    %mul3A_1372 = arith.constant 512 : i32
    %mul3A_1373 = vector.broadcast %mul3A_1372 : i32 to vector<128x1xi32>
    %mul3A_1374 = arith.muli %and3A_1371, %mul3A_1373 : vector<128x1xi32>
    %and3A_1375 = arith.constant 31 : i32
    %and3A_1376 = vector.broadcast %and3A_1375 : i32 to vector<128x1xi32>
    %and3A_1377 = arith.andi %bitcast_convert_type3A_1365, %and3A_1376 : vector<128x1xi32>
    %shift_left3A_1378 = arith.constant 4 : i32
    %shift_left3A_1379 = vector.broadcast %shift_left3A_1378 : i32 to vector<128x1xi32>
    %shift_left3A_1380 = arith.shli %and3A_1377, %shift_left3A_1379 : vector<128x1xi32>
    %add3A_1381 = arith.addi %mul3A_1374, %shift_left3A_1380 : vector<128x1xi32>
    %and3A_1382 = arith.constant 15 : i32
    %and3A_1383 = vector.broadcast %and3A_1382 : i32 to vector<128x1xi32>
    %and3A_1384 = arith.andi %broadcast_in_dim3A_1364, %and3A_1383 : vector<128x1xi32>
    %add3A_1385 = arith.addi %add3A_1381, %and3A_1384 : vector<128x1xi32>
    %eq3A_1386 = vector.broadcast %broadcast_in_dim3A_1356 : vector<128x1xf32> to vector<128x256xf32>
    %eq3A_1387 = arith.cmpf oeq, %select_n3A_1353, %eq3A_1386 : vector<128x256xf32>
    %jit3A_1388 = arith.constant 0x7F800000 : f32
    %broadcast_in_dim3A_1389 = vector.broadcast %jit3A_1388 : f32 to vector<128x256xf32>
    %select_n3A_1390 = arith.select %eq3A_1387, %broadcast_in_dim3A_1389, %select_n3A_1353 : vector<128x256xi1>, vector<128x256xf32>
    %reduce_min3A_1391 = arith.constant dense<0x7F800000> : vector<128xf32>
    %reduce_min3A_1392 = vector.multi_reduction <minimumf>, %select_n3A_1390, %reduce_min3A_1391 [1] : vector<128x256xf32> to vector<128xf32>
    %broadcast_in_dim3A_1393 = vector.shape_cast %reduce_min3A_1392 : vector<128xf32> to vector<128x1xf32>
    %eq3A_1394 = vector.broadcast %broadcast_in_dim3A_1393 : vector<128x1xf32> to vector<128x256xf32>
    %eq3A_1395 = arith.cmpf oeq, %select_n3A_1390, %eq3A_1394 : vector<128x256xf32>
    %jit3A_1396 = arith.constant 1073741824 : i32
    %broadcast_in_dim3A_1397 = vector.broadcast %jit3A_1396 : i32 to vector<128x256xi32>
    %select_n3A_1398 = arith.select %eq3A_1395, %iota3A, %broadcast_in_dim3A_1397 : vector<128x256xi1>, vector<128x256xi32>
    %reduce_min3A_1399 = arith.constant dense<2147483647> : vector<128xi32>
    %reduce_min3A_1400 = vector.multi_reduction <minsi>, %select_n3A_1398, %reduce_min3A_1399 [1] : vector<128x256xi32> to vector<128xi32>
    %broadcast_in_dim3A_1401 = vector.shape_cast %reduce_min3A_1400 : vector<128xi32> to vector<128x1xi32>
    %bitcast_convert_type3A_1402 = tpu.bitcast %broadcast_in_dim3A_1393 : vector<128x1xf32> -> vector<128x1xi32>
    %shift_right_arithmetic3A_1403 = arith.constant 5 : i32
    %shift_right_arithmetic3A_1404 = vector.broadcast %shift_right_arithmetic3A_1403 : i32 to vector<128x1xi32>
    %shift_right_arithmetic3A_1405 = arith.shrsi %bitcast_convert_type3A_1402, %shift_right_arithmetic3A_1404 : vector<128x1xi32>
    %and3A_1406 = arith.constant 15 : i32
    %and3A_1407 = vector.broadcast %and3A_1406 : i32 to vector<128x1xi32>
    %and3A_1408 = arith.andi %shift_right_arithmetic3A_1405, %and3A_1407 : vector<128x1xi32>
    %mul3A_1409 = arith.constant 512 : i32
    %mul3A_1410 = vector.broadcast %mul3A_1409 : i32 to vector<128x1xi32>
    %mul3A_1411 = arith.muli %and3A_1408, %mul3A_1410 : vector<128x1xi32>
    %and3A_1412 = arith.constant 31 : i32
    %and3A_1413 = vector.broadcast %and3A_1412 : i32 to vector<128x1xi32>
    %and3A_1414 = arith.andi %bitcast_convert_type3A_1402, %and3A_1413 : vector<128x1xi32>
    %shift_left3A_1415 = arith.constant 4 : i32
    %shift_left3A_1416 = vector.broadcast %shift_left3A_1415 : i32 to vector<128x1xi32>
    %shift_left3A_1417 = arith.shli %and3A_1414, %shift_left3A_1416 : vector<128x1xi32>
    %add3A_1418 = arith.addi %mul3A_1411, %shift_left3A_1417 : vector<128x1xi32>
    %and3A_1419 = arith.constant 15 : i32
    %and3A_1420 = vector.broadcast %and3A_1419 : i32 to vector<128x1xi32>
    %and3A_1421 = arith.andi %broadcast_in_dim3A_1401, %and3A_1420 : vector<128x1xi32>
    %add3A_1422 = arith.addi %add3A_1418, %and3A_1421 : vector<128x1xi32>
    %eq3A_1423 = vector.broadcast %broadcast_in_dim3A_1393 : vector<128x1xf32> to vector<128x256xf32>
    %eq3A_1424 = arith.cmpf oeq, %select_n3A_1390, %eq3A_1423 : vector<128x256xf32>
    %jit3A_1425 = arith.constant 0x7F800000 : f32
    %broadcast_in_dim3A_1426 = vector.broadcast %jit3A_1425 : f32 to vector<128x256xf32>
    %select_n3A_1427 = arith.select %eq3A_1424, %broadcast_in_dim3A_1426, %select_n3A_1390 : vector<128x256xi1>, vector<128x256xf32>
    %reduce_min3A_1428 = arith.constant dense<0x7F800000> : vector<128xf32>
    %reduce_min3A_1429 = vector.multi_reduction <minimumf>, %select_n3A_1427, %reduce_min3A_1428 [1] : vector<128x256xf32> to vector<128xf32>
    %broadcast_in_dim3A_1430 = vector.shape_cast %reduce_min3A_1429 : vector<128xf32> to vector<128x1xf32>
    %eq3A_1431 = vector.broadcast %broadcast_in_dim3A_1430 : vector<128x1xf32> to vector<128x256xf32>
    %eq3A_1432 = arith.cmpf oeq, %select_n3A_1427, %eq3A_1431 : vector<128x256xf32>
    %jit3A_1433 = arith.constant 1073741824 : i32
    %broadcast_in_dim3A_1434 = vector.broadcast %jit3A_1433 : i32 to vector<128x256xi32>
    %select_n3A_1435 = arith.select %eq3A_1432, %iota3A, %broadcast_in_dim3A_1434 : vector<128x256xi1>, vector<128x256xi32>
    %reduce_min3A_1436 = arith.constant dense<2147483647> : vector<128xi32>
    %reduce_min3A_1437 = vector.multi_reduction <minsi>, %select_n3A_1435, %reduce_min3A_1436 [1] : vector<128x256xi32> to vector<128xi32>
    %broadcast_in_dim3A_1438 = vector.shape_cast %reduce_min3A_1437 : vector<128xi32> to vector<128x1xi32>
    %bitcast_convert_type3A_1439 = tpu.bitcast %broadcast_in_dim3A_1430 : vector<128x1xf32> -> vector<128x1xi32>
    %shift_right_arithmetic3A_1440 = arith.constant 5 : i32
    %shift_right_arithmetic3A_1441 = vector.broadcast %shift_right_arithmetic3A_1440 : i32 to vector<128x1xi32>
    %shift_right_arithmetic3A_1442 = arith.shrsi %bitcast_convert_type3A_1439, %shift_right_arithmetic3A_1441 : vector<128x1xi32>
    %and3A_1443 = arith.constant 15 : i32
    %and3A_1444 = vector.broadcast %and3A_1443 : i32 to vector<128x1xi32>
    %and3A_1445 = arith.andi %shift_right_arithmetic3A_1442, %and3A_1444 : vector<128x1xi32>
    %mul3A_1446 = arith.constant 512 : i32
    %mul3A_1447 = vector.broadcast %mul3A_1446 : i32 to vector<128x1xi32>
    %mul3A_1448 = arith.muli %and3A_1445, %mul3A_1447 : vector<128x1xi32>
    %and3A_1449 = arith.constant 31 : i32
    %and3A_1450 = vector.broadcast %and3A_1449 : i32 to vector<128x1xi32>
    %and3A_1451 = arith.andi %bitcast_convert_type3A_1439, %and3A_1450 : vector<128x1xi32>
    %shift_left3A_1452 = arith.constant 4 : i32
    %shift_left3A_1453 = vector.broadcast %shift_left3A_1452 : i32 to vector<128x1xi32>
    %shift_left3A_1454 = arith.shli %and3A_1451, %shift_left3A_1453 : vector<128x1xi32>
    %add3A_1455 = arith.addi %mul3A_1448, %shift_left3A_1454 : vector<128x1xi32>
    %and3A_1456 = arith.constant 15 : i32
    %and3A_1457 = vector.broadcast %and3A_1456 : i32 to vector<128x1xi32>
    %and3A_1458 = arith.andi %broadcast_in_dim3A_1438, %and3A_1457 : vector<128x1xi32>
    %add3A_1459 = arith.addi %add3A_1455, %and3A_1458 : vector<128x1xi32>
    %eq3A_1460 = vector.broadcast %broadcast_in_dim3A_1430 : vector<128x1xf32> to vector<128x256xf32>
    %eq3A_1461 = arith.cmpf oeq, %select_n3A_1427, %eq3A_1460 : vector<128x256xf32>
    %jit3A_1462 = arith.constant 0x7F800000 : f32
    %broadcast_in_dim3A_1463 = vector.broadcast %jit3A_1462 : f32 to vector<128x256xf32>
    %select_n3A_1464 = arith.select %eq3A_1461, %broadcast_in_dim3A_1463, %select_n3A_1427 : vector<128x256xi1>, vector<128x256xf32>
    %reduce_min3A_1465 = arith.constant dense<0x7F800000> : vector<128xf32>
    %reduce_min3A_1466 = vector.multi_reduction <minimumf>, %select_n3A_1464, %reduce_min3A_1465 [1] : vector<128x256xf32> to vector<128xf32>
    %broadcast_in_dim3A_1467 = vector.shape_cast %reduce_min3A_1466 : vector<128xf32> to vector<128x1xf32>
    %eq3A_1468 = vector.broadcast %broadcast_in_dim3A_1467 : vector<128x1xf32> to vector<128x256xf32>
    %eq3A_1469 = arith.cmpf oeq, %select_n3A_1464, %eq3A_1468 : vector<128x256xf32>
    %jit3A_1470 = arith.constant 1073741824 : i32
    %broadcast_in_dim3A_1471 = vector.broadcast %jit3A_1470 : i32 to vector<128x256xi32>
    %select_n3A_1472 = arith.select %eq3A_1469, %iota3A, %broadcast_in_dim3A_1471 : vector<128x256xi1>, vector<128x256xi32>
    %reduce_min3A_1473 = arith.constant dense<2147483647> : vector<128xi32>
    %reduce_min3A_1474 = vector.multi_reduction <minsi>, %select_n3A_1472, %reduce_min3A_1473 [1] : vector<128x256xi32> to vector<128xi32>
    %broadcast_in_dim3A_1475 = vector.shape_cast %reduce_min3A_1474 : vector<128xi32> to vector<128x1xi32>
    %bitcast_convert_type3A_1476 = tpu.bitcast %broadcast_in_dim3A_1467 : vector<128x1xf32> -> vector<128x1xi32>
    %shift_right_arithmetic3A_1477 = arith.constant 5 : i32
    %shift_right_arithmetic3A_1478 = vector.broadcast %shift_right_arithmetic3A_1477 : i32 to vector<128x1xi32>
    %shift_right_arithmetic3A_1479 = arith.shrsi %bitcast_convert_type3A_1476, %shift_right_arithmetic3A_1478 : vector<128x1xi32>
    %and3A_1480 = arith.constant 15 : i32
    %and3A_1481 = vector.broadcast %and3A_1480 : i32 to vector<128x1xi32>
    %and3A_1482 = arith.andi %shift_right_arithmetic3A_1479, %and3A_1481 : vector<128x1xi32>
    %mul3A_1483 = arith.constant 512 : i32
    %mul3A_1484 = vector.broadcast %mul3A_1483 : i32 to vector<128x1xi32>
    %mul3A_1485 = arith.muli %and3A_1482, %mul3A_1484 : vector<128x1xi32>
    %and3A_1486 = arith.constant 31 : i32
    %and3A_1487 = vector.broadcast %and3A_1486 : i32 to vector<128x1xi32>
    %and3A_1488 = arith.andi %bitcast_convert_type3A_1476, %and3A_1487 : vector<128x1xi32>
    %shift_left3A_1489 = arith.constant 4 : i32
    %shift_left3A_1490 = vector.broadcast %shift_left3A_1489 : i32 to vector<128x1xi32>
    %shift_left3A_1491 = arith.shli %and3A_1488, %shift_left3A_1490 : vector<128x1xi32>
    %add3A_1492 = arith.addi %mul3A_1485, %shift_left3A_1491 : vector<128x1xi32>
    %and3A_1493 = arith.constant 15 : i32
    %and3A_1494 = vector.broadcast %and3A_1493 : i32 to vector<128x1xi32>
    %and3A_1495 = arith.andi %broadcast_in_dim3A_1475, %and3A_1494 : vector<128x1xi32>
    %add3A_1496 = arith.addi %add3A_1492, %and3A_1495 : vector<128x1xi32>
    %eq3A_1497 = vector.broadcast %broadcast_in_dim3A_1467 : vector<128x1xf32> to vector<128x256xf32>
    %eq3A_1498 = arith.cmpf oeq, %select_n3A_1464, %eq3A_1497 : vector<128x256xf32>
    %jit3A_1499 = arith.constant 0x7F800000 : f32
    %broadcast_in_dim3A_1500 = vector.broadcast %jit3A_1499 : f32 to vector<128x256xf32>
    %select_n3A_1501 = arith.select %eq3A_1498, %broadcast_in_dim3A_1500, %select_n3A_1464 : vector<128x256xi1>, vector<128x256xf32>
    %reduce_min3A_1502 = arith.constant dense<0x7F800000> : vector<128xf32>
    %reduce_min3A_1503 = vector.multi_reduction <minimumf>, %select_n3A_1501, %reduce_min3A_1502 [1] : vector<128x256xf32> to vector<128xf32>
    %broadcast_in_dim3A_1504 = vector.shape_cast %reduce_min3A_1503 : vector<128xf32> to vector<128x1xf32>
    %eq3A_1505 = vector.broadcast %broadcast_in_dim3A_1504 : vector<128x1xf32> to vector<128x256xf32>
    %eq3A_1506 = arith.cmpf oeq, %select_n3A_1501, %eq3A_1505 : vector<128x256xf32>
    %jit3A_1507 = arith.constant 1073741824 : i32
    %broadcast_in_dim3A_1508 = vector.broadcast %jit3A_1507 : i32 to vector<128x256xi32>
    %select_n3A_1509 = arith.select %eq3A_1506, %iota3A, %broadcast_in_dim3A_1508 : vector<128x256xi1>, vector<128x256xi32>
    %reduce_min3A_1510 = arith.constant dense<2147483647> : vector<128xi32>
    %reduce_min3A_1511 = vector.multi_reduction <minsi>, %select_n3A_1509, %reduce_min3A_1510 [1] : vector<128x256xi32> to vector<128xi32>
    %broadcast_in_dim3A_1512 = vector.shape_cast %reduce_min3A_1511 : vector<128xi32> to vector<128x1xi32>
    %bitcast_convert_type3A_1513 = tpu.bitcast %broadcast_in_dim3A_1504 : vector<128x1xf32> -> vector<128x1xi32>
    %shift_right_arithmetic3A_1514 = arith.constant 5 : i32
    %shift_right_arithmetic3A_1515 = vector.broadcast %shift_right_arithmetic3A_1514 : i32 to vector<128x1xi32>
    %shift_right_arithmetic3A_1516 = arith.shrsi %bitcast_convert_type3A_1513, %shift_right_arithmetic3A_1515 : vector<128x1xi32>
    %and3A_1517 = arith.constant 15 : i32
    %and3A_1518 = vector.broadcast %and3A_1517 : i32 to vector<128x1xi32>
    %and3A_1519 = arith.andi %shift_right_arithmetic3A_1516, %and3A_1518 : vector<128x1xi32>
    %mul3A_1520 = arith.constant 512 : i32
    %mul3A_1521 = vector.broadcast %mul3A_1520 : i32 to vector<128x1xi32>
    %mul3A_1522 = arith.muli %and3A_1519, %mul3A_1521 : vector<128x1xi32>
    %and3A_1523 = arith.constant 31 : i32
    %and3A_1524 = vector.broadcast %and3A_1523 : i32 to vector<128x1xi32>
    %and3A_1525 = arith.andi %bitcast_convert_type3A_1513, %and3A_1524 : vector<128x1xi32>
    %shift_left3A_1526 = arith.constant 4 : i32
    %shift_left3A_1527 = vector.broadcast %shift_left3A_1526 : i32 to vector<128x1xi32>
    %shift_left3A_1528 = arith.shli %and3A_1525, %shift_left3A_1527 : vector<128x1xi32>
    %add3A_1529 = arith.addi %mul3A_1522, %shift_left3A_1528 : vector<128x1xi32>
    %and3A_1530 = arith.constant 15 : i32
    %and3A_1531 = vector.broadcast %and3A_1530 : i32 to vector<128x1xi32>
    %and3A_1532 = arith.andi %broadcast_in_dim3A_1512, %and3A_1531 : vector<128x1xi32>
    %add3A_1533 = arith.addi %add3A_1529, %and3A_1532 : vector<128x1xi32>
    %eq3A_1534 = vector.broadcast %broadcast_in_dim3A_1504 : vector<128x1xf32> to vector<128x256xf32>
    %eq3A_1535 = arith.cmpf oeq, %select_n3A_1501, %eq3A_1534 : vector<128x256xf32>
    %jit3A_1536 = arith.constant 0x7F800000 : f32
    %broadcast_in_dim3A_1537 = vector.broadcast %jit3A_1536 : f32 to vector<128x256xf32>
    %select_n3A_1538 = arith.select %eq3A_1535, %broadcast_in_dim3A_1537, %select_n3A_1501 : vector<128x256xi1>, vector<128x256xf32>
    %reduce_min3A_1539 = arith.constant dense<0x7F800000> : vector<128xf32>
    %reduce_min3A_1540 = vector.multi_reduction <minimumf>, %select_n3A_1538, %reduce_min3A_1539 [1] : vector<128x256xf32> to vector<128xf32>
    %broadcast_in_dim3A_1541 = vector.shape_cast %reduce_min3A_1540 : vector<128xf32> to vector<128x1xf32>
    %eq3A_1542 = vector.broadcast %broadcast_in_dim3A_1541 : vector<128x1xf32> to vector<128x256xf32>
    %eq3A_1543 = arith.cmpf oeq, %select_n3A_1538, %eq3A_1542 : vector<128x256xf32>
    %jit3A_1544 = arith.constant 1073741824 : i32
    %broadcast_in_dim3A_1545 = vector.broadcast %jit3A_1544 : i32 to vector<128x256xi32>
    %select_n3A_1546 = arith.select %eq3A_1543, %iota3A, %broadcast_in_dim3A_1545 : vector<128x256xi1>, vector<128x256xi32>
    %reduce_min3A_1547 = arith.constant dense<2147483647> : vector<128xi32>
    %reduce_min3A_1548 = vector.multi_reduction <minsi>, %select_n3A_1546, %reduce_min3A_1547 [1] : vector<128x256xi32> to vector<128xi32>
    %broadcast_in_dim3A_1549 = vector.shape_cast %reduce_min3A_1548 : vector<128xi32> to vector<128x1xi32>
    %bitcast_convert_type3A_1550 = tpu.bitcast %broadcast_in_dim3A_1541 : vector<128x1xf32> -> vector<128x1xi32>
    %shift_right_arithmetic3A_1551 = arith.constant 5 : i32
    %shift_right_arithmetic3A_1552 = vector.broadcast %shift_right_arithmetic3A_1551 : i32 to vector<128x1xi32>
    %shift_right_arithmetic3A_1553 = arith.shrsi %bitcast_convert_type3A_1550, %shift_right_arithmetic3A_1552 : vector<128x1xi32>
    %and3A_1554 = arith.constant 15 : i32
    %and3A_1555 = vector.broadcast %and3A_1554 : i32 to vector<128x1xi32>
    %and3A_1556 = arith.andi %shift_right_arithmetic3A_1553, %and3A_1555 : vector<128x1xi32>
    %mul3A_1557 = arith.constant 512 : i32
    %mul3A_1558 = vector.broadcast %mul3A_1557 : i32 to vector<128x1xi32>
    %mul3A_1559 = arith.muli %and3A_1556, %mul3A_1558 : vector<128x1xi32>
    %and3A_1560 = arith.constant 31 : i32
    %and3A_1561 = vector.broadcast %and3A_1560 : i32 to vector<128x1xi32>
    %and3A_1562 = arith.andi %bitcast_convert_type3A_1550, %and3A_1561 : vector<128x1xi32>
    %shift_left3A_1563 = arith.constant 4 : i32
    %shift_left3A_1564 = vector.broadcast %shift_left3A_1563 : i32 to vector<128x1xi32>
    %shift_left3A_1565 = arith.shli %and3A_1562, %shift_left3A_1564 : vector<128x1xi32>
    %add3A_1566 = arith.addi %mul3A_1559, %shift_left3A_1565 : vector<128x1xi32>
    %and3A_1567 = arith.constant 15 : i32
    %and3A_1568 = vector.broadcast %and3A_1567 : i32 to vector<128x1xi32>
    %and3A_1569 = arith.andi %broadcast_in_dim3A_1549, %and3A_1568 : vector<128x1xi32>
    %add3A_1570 = arith.addi %add3A_1566, %and3A_1569 : vector<128x1xi32>
    %eq3A_1571 = vector.broadcast %broadcast_in_dim3A_1541 : vector<128x1xf32> to vector<128x256xf32>
    %eq3A_1572 = arith.cmpf oeq, %select_n3A_1538, %eq3A_1571 : vector<128x256xf32>
    %jit3A_1573 = arith.constant 0x7F800000 : f32
    %broadcast_in_dim3A_1574 = vector.broadcast %jit3A_1573 : f32 to vector<128x256xf32>
    %select_n3A_1575 = arith.select %eq3A_1572, %broadcast_in_dim3A_1574, %select_n3A_1538 : vector<128x256xi1>, vector<128x256xf32>
    %reduce_min3A_1576 = arith.constant dense<0x7F800000> : vector<128xf32>
    %reduce_min3A_1577 = vector.multi_reduction <minimumf>, %select_n3A_1575, %reduce_min3A_1576 [1] : vector<128x256xf32> to vector<128xf32>
    %broadcast_in_dim3A_1578 = vector.shape_cast %reduce_min3A_1577 : vector<128xf32> to vector<128x1xf32>
    %eq3A_1579 = vector.broadcast %broadcast_in_dim3A_1578 : vector<128x1xf32> to vector<128x256xf32>
    %eq3A_1580 = arith.cmpf oeq, %select_n3A_1575, %eq3A_1579 : vector<128x256xf32>
    %jit3A_1581 = arith.constant 1073741824 : i32
    %broadcast_in_dim3A_1582 = vector.broadcast %jit3A_1581 : i32 to vector<128x256xi32>
    %select_n3A_1583 = arith.select %eq3A_1580, %iota3A, %broadcast_in_dim3A_1582 : vector<128x256xi1>, vector<128x256xi32>
    %reduce_min3A_1584 = arith.constant dense<2147483647> : vector<128xi32>
    %reduce_min3A_1585 = vector.multi_reduction <minsi>, %select_n3A_1583, %reduce_min3A_1584 [1] : vector<128x256xi32> to vector<128xi32>
    %broadcast_in_dim3A_1586 = vector.shape_cast %reduce_min3A_1585 : vector<128xi32> to vector<128x1xi32>
    %bitcast_convert_type3A_1587 = tpu.bitcast %broadcast_in_dim3A_1578 : vector<128x1xf32> -> vector<128x1xi32>
    %shift_right_arithmetic3A_1588 = arith.constant 5 : i32
    %shift_right_arithmetic3A_1589 = vector.broadcast %shift_right_arithmetic3A_1588 : i32 to vector<128x1xi32>
    %shift_right_arithmetic3A_1590 = arith.shrsi %bitcast_convert_type3A_1587, %shift_right_arithmetic3A_1589 : vector<128x1xi32>
    %and3A_1591 = arith.constant 15 : i32
    %and3A_1592 = vector.broadcast %and3A_1591 : i32 to vector<128x1xi32>
    %and3A_1593 = arith.andi %shift_right_arithmetic3A_1590, %and3A_1592 : vector<128x1xi32>
    %mul3A_1594 = arith.constant 512 : i32
    %mul3A_1595 = vector.broadcast %mul3A_1594 : i32 to vector<128x1xi32>
    %mul3A_1596 = arith.muli %and3A_1593, %mul3A_1595 : vector<128x1xi32>
    %and3A_1597 = arith.constant 31 : i32
    %and3A_1598 = vector.broadcast %and3A_1597 : i32 to vector<128x1xi32>
    %and3A_1599 = arith.andi %bitcast_convert_type3A_1587, %and3A_1598 : vector<128x1xi32>
    %shift_left3A_1600 = arith.constant 4 : i32
    %shift_left3A_1601 = vector.broadcast %shift_left3A_1600 : i32 to vector<128x1xi32>
    %shift_left3A_1602 = arith.shli %and3A_1599, %shift_left3A_1601 : vector<128x1xi32>
    %add3A_1603 = arith.addi %mul3A_1596, %shift_left3A_1602 : vector<128x1xi32>
    %and3A_1604 = arith.constant 15 : i32
    %and3A_1605 = vector.broadcast %and3A_1604 : i32 to vector<128x1xi32>
    %and3A_1606 = arith.andi %broadcast_in_dim3A_1586, %and3A_1605 : vector<128x1xi32>
    %add3A_1607 = arith.addi %add3A_1603, %and3A_1606 : vector<128x1xi32>
    %eq3A_1608 = vector.broadcast %broadcast_in_dim3A_1578 : vector<128x1xf32> to vector<128x256xf32>
    %eq3A_1609 = arith.cmpf oeq, %select_n3A_1575, %eq3A_1608 : vector<128x256xf32>
    %jit3A_1610 = arith.constant 0x7F800000 : f32
    %broadcast_in_dim3A_1611 = vector.broadcast %jit3A_1610 : f32 to vector<128x256xf32>
    %select_n3A_1612 = arith.select %eq3A_1609, %broadcast_in_dim3A_1611, %select_n3A_1575 : vector<128x256xi1>, vector<128x256xf32>
    %reduce_min3A_1613 = arith.constant dense<0x7F800000> : vector<128xf32>
    %reduce_min3A_1614 = vector.multi_reduction <minimumf>, %select_n3A_1612, %reduce_min3A_1613 [1] : vector<128x256xf32> to vector<128xf32>
    %broadcast_in_dim3A_1615 = vector.shape_cast %reduce_min3A_1614 : vector<128xf32> to vector<128x1xf32>
    %eq3A_1616 = vector.broadcast %broadcast_in_dim3A_1615 : vector<128x1xf32> to vector<128x256xf32>
    %eq3A_1617 = arith.cmpf oeq, %select_n3A_1612, %eq3A_1616 : vector<128x256xf32>
    %jit3A_1618 = arith.constant 1073741824 : i32
    %broadcast_in_dim3A_1619 = vector.broadcast %jit3A_1618 : i32 to vector<128x256xi32>
    %select_n3A_1620 = arith.select %eq3A_1617, %iota3A, %broadcast_in_dim3A_1619 : vector<128x256xi1>, vector<128x256xi32>
    %reduce_min3A_1621 = arith.constant dense<2147483647> : vector<128xi32>
    %reduce_min3A_1622 = vector.multi_reduction <minsi>, %select_n3A_1620, %reduce_min3A_1621 [1] : vector<128x256xi32> to vector<128xi32>
    %broadcast_in_dim3A_1623 = vector.shape_cast %reduce_min3A_1622 : vector<128xi32> to vector<128x1xi32>
    %bitcast_convert_type3A_1624 = tpu.bitcast %broadcast_in_dim3A_1615 : vector<128x1xf32> -> vector<128x1xi32>
    %shift_right_arithmetic3A_1625 = arith.constant 5 : i32
    %shift_right_arithmetic3A_1626 = vector.broadcast %shift_right_arithmetic3A_1625 : i32 to vector<128x1xi32>
    %shift_right_arithmetic3A_1627 = arith.shrsi %bitcast_convert_type3A_1624, %shift_right_arithmetic3A_1626 : vector<128x1xi32>
    %and3A_1628 = arith.constant 15 : i32
    %and3A_1629 = vector.broadcast %and3A_1628 : i32 to vector<128x1xi32>
    %and3A_1630 = arith.andi %shift_right_arithmetic3A_1627, %and3A_1629 : vector<128x1xi32>
    %mul3A_1631 = arith.constant 512 : i32
    %mul3A_1632 = vector.broadcast %mul3A_1631 : i32 to vector<128x1xi32>
    %mul3A_1633 = arith.muli %and3A_1630, %mul3A_1632 : vector<128x1xi32>
    %and3A_1634 = arith.constant 31 : i32
    %and3A_1635 = vector.broadcast %and3A_1634 : i32 to vector<128x1xi32>
    %and3A_1636 = arith.andi %bitcast_convert_type3A_1624, %and3A_1635 : vector<128x1xi32>
    %shift_left3A_1637 = arith.constant 4 : i32
    %shift_left3A_1638 = vector.broadcast %shift_left3A_1637 : i32 to vector<128x1xi32>
    %shift_left3A_1639 = arith.shli %and3A_1636, %shift_left3A_1638 : vector<128x1xi32>
    %add3A_1640 = arith.addi %mul3A_1633, %shift_left3A_1639 : vector<128x1xi32>
    %and3A_1641 = arith.constant 15 : i32
    %and3A_1642 = vector.broadcast %and3A_1641 : i32 to vector<128x1xi32>
    %and3A_1643 = arith.andi %broadcast_in_dim3A_1623, %and3A_1642 : vector<128x1xi32>
    %add3A_1644 = arith.addi %add3A_1640, %and3A_1643 : vector<128x1xi32>
    %eq3A_1645 = vector.broadcast %broadcast_in_dim3A_1615 : vector<128x1xf32> to vector<128x256xf32>
    %eq3A_1646 = arith.cmpf oeq, %select_n3A_1612, %eq3A_1645 : vector<128x256xf32>
    %jit3A_1647 = arith.constant 0x7F800000 : f32
    %broadcast_in_dim3A_1648 = vector.broadcast %jit3A_1647 : f32 to vector<128x256xf32>
    %select_n3A_1649 = arith.select %eq3A_1646, %broadcast_in_dim3A_1648, %select_n3A_1612 : vector<128x256xi1>, vector<128x256xf32>
    %reduce_min3A_1650 = arith.constant dense<0x7F800000> : vector<128xf32>
    %reduce_min3A_1651 = vector.multi_reduction <minimumf>, %select_n3A_1649, %reduce_min3A_1650 [1] : vector<128x256xf32> to vector<128xf32>
    %broadcast_in_dim3A_1652 = vector.shape_cast %reduce_min3A_1651 : vector<128xf32> to vector<128x1xf32>
    %eq3A_1653 = vector.broadcast %broadcast_in_dim3A_1652 : vector<128x1xf32> to vector<128x256xf32>
    %eq3A_1654 = arith.cmpf oeq, %select_n3A_1649, %eq3A_1653 : vector<128x256xf32>
    %jit3A_1655 = arith.constant 1073741824 : i32
    %broadcast_in_dim3A_1656 = vector.broadcast %jit3A_1655 : i32 to vector<128x256xi32>
    %select_n3A_1657 = arith.select %eq3A_1654, %iota3A, %broadcast_in_dim3A_1656 : vector<128x256xi1>, vector<128x256xi32>
    %reduce_min3A_1658 = arith.constant dense<2147483647> : vector<128xi32>
    %reduce_min3A_1659 = vector.multi_reduction <minsi>, %select_n3A_1657, %reduce_min3A_1658 [1] : vector<128x256xi32> to vector<128xi32>
    %broadcast_in_dim3A_1660 = vector.shape_cast %reduce_min3A_1659 : vector<128xi32> to vector<128x1xi32>
    %bitcast_convert_type3A_1661 = tpu.bitcast %broadcast_in_dim3A_1652 : vector<128x1xf32> -> vector<128x1xi32>
    %shift_right_arithmetic3A_1662 = arith.constant 5 : i32
    %shift_right_arithmetic3A_1663 = vector.broadcast %shift_right_arithmetic3A_1662 : i32 to vector<128x1xi32>
    %shift_right_arithmetic3A_1664 = arith.shrsi %bitcast_convert_type3A_1661, %shift_right_arithmetic3A_1663 : vector<128x1xi32>
    %and3A_1665 = arith.constant 15 : i32
    %and3A_1666 = vector.broadcast %and3A_1665 : i32 to vector<128x1xi32>
    %and3A_1667 = arith.andi %shift_right_arithmetic3A_1664, %and3A_1666 : vector<128x1xi32>
    %mul3A_1668 = arith.constant 512 : i32
    %mul3A_1669 = vector.broadcast %mul3A_1668 : i32 to vector<128x1xi32>
    %mul3A_1670 = arith.muli %and3A_1667, %mul3A_1669 : vector<128x1xi32>
    %and3A_1671 = arith.constant 31 : i32
    %and3A_1672 = vector.broadcast %and3A_1671 : i32 to vector<128x1xi32>
    %and3A_1673 = arith.andi %bitcast_convert_type3A_1661, %and3A_1672 : vector<128x1xi32>
    %shift_left3A_1674 = arith.constant 4 : i32
    %shift_left3A_1675 = vector.broadcast %shift_left3A_1674 : i32 to vector<128x1xi32>
    %shift_left3A_1676 = arith.shli %and3A_1673, %shift_left3A_1675 : vector<128x1xi32>
    %add3A_1677 = arith.addi %mul3A_1670, %shift_left3A_1676 : vector<128x1xi32>
    %and3A_1678 = arith.constant 15 : i32
    %and3A_1679 = vector.broadcast %and3A_1678 : i32 to vector<128x1xi32>
    %and3A_1680 = arith.andi %broadcast_in_dim3A_1660, %and3A_1679 : vector<128x1xi32>
    %add3A_1681 = arith.addi %add3A_1677, %and3A_1680 : vector<128x1xi32>
    %eq3A_1682 = vector.broadcast %broadcast_in_dim3A_1652 : vector<128x1xf32> to vector<128x256xf32>
    %eq3A_1683 = arith.cmpf oeq, %select_n3A_1649, %eq3A_1682 : vector<128x256xf32>
    %jit3A_1684 = arith.constant 0x7F800000 : f32
    %broadcast_in_dim3A_1685 = vector.broadcast %jit3A_1684 : f32 to vector<128x256xf32>
    %select_n3A_1686 = arith.select %eq3A_1683, %broadcast_in_dim3A_1685, %select_n3A_1649 : vector<128x256xi1>, vector<128x256xf32>
    %reduce_min3A_1687 = arith.constant dense<0x7F800000> : vector<128xf32>
    %reduce_min3A_1688 = vector.multi_reduction <minimumf>, %select_n3A_1686, %reduce_min3A_1687 [1] : vector<128x256xf32> to vector<128xf32>
    %broadcast_in_dim3A_1689 = vector.shape_cast %reduce_min3A_1688 : vector<128xf32> to vector<128x1xf32>
    %eq3A_1690 = vector.broadcast %broadcast_in_dim3A_1689 : vector<128x1xf32> to vector<128x256xf32>
    %eq3A_1691 = arith.cmpf oeq, %select_n3A_1686, %eq3A_1690 : vector<128x256xf32>
    %jit3A_1692 = arith.constant 1073741824 : i32
    %broadcast_in_dim3A_1693 = vector.broadcast %jit3A_1692 : i32 to vector<128x256xi32>
    %select_n3A_1694 = arith.select %eq3A_1691, %iota3A, %broadcast_in_dim3A_1693 : vector<128x256xi1>, vector<128x256xi32>
    %reduce_min3A_1695 = arith.constant dense<2147483647> : vector<128xi32>
    %reduce_min3A_1696 = vector.multi_reduction <minsi>, %select_n3A_1694, %reduce_min3A_1695 [1] : vector<128x256xi32> to vector<128xi32>
    %broadcast_in_dim3A_1697 = vector.shape_cast %reduce_min3A_1696 : vector<128xi32> to vector<128x1xi32>
    %bitcast_convert_type3A_1698 = tpu.bitcast %broadcast_in_dim3A_1689 : vector<128x1xf32> -> vector<128x1xi32>
    %shift_right_arithmetic3A_1699 = arith.constant 5 : i32
    %shift_right_arithmetic3A_1700 = vector.broadcast %shift_right_arithmetic3A_1699 : i32 to vector<128x1xi32>
    %shift_right_arithmetic3A_1701 = arith.shrsi %bitcast_convert_type3A_1698, %shift_right_arithmetic3A_1700 : vector<128x1xi32>
    %and3A_1702 = arith.constant 15 : i32
    %and3A_1703 = vector.broadcast %and3A_1702 : i32 to vector<128x1xi32>
    %and3A_1704 = arith.andi %shift_right_arithmetic3A_1701, %and3A_1703 : vector<128x1xi32>
    %mul3A_1705 = arith.constant 512 : i32
    %mul3A_1706 = vector.broadcast %mul3A_1705 : i32 to vector<128x1xi32>
    %mul3A_1707 = arith.muli %and3A_1704, %mul3A_1706 : vector<128x1xi32>
    %and3A_1708 = arith.constant 31 : i32
    %and3A_1709 = vector.broadcast %and3A_1708 : i32 to vector<128x1xi32>
    %and3A_1710 = arith.andi %bitcast_convert_type3A_1698, %and3A_1709 : vector<128x1xi32>
    %shift_left3A_1711 = arith.constant 4 : i32
    %shift_left3A_1712 = vector.broadcast %shift_left3A_1711 : i32 to vector<128x1xi32>
    %shift_left3A_1713 = arith.shli %and3A_1710, %shift_left3A_1712 : vector<128x1xi32>
    %add3A_1714 = arith.addi %mul3A_1707, %shift_left3A_1713 : vector<128x1xi32>
    %and3A_1715 = arith.constant 15 : i32
    %and3A_1716 = vector.broadcast %and3A_1715 : i32 to vector<128x1xi32>
    %and3A_1717 = arith.andi %broadcast_in_dim3A_1697, %and3A_1716 : vector<128x1xi32>
    %add3A_1718 = arith.addi %add3A_1714, %and3A_1717 : vector<128x1xi32>
    %eq3A_1719 = vector.broadcast %broadcast_in_dim3A_1689 : vector<128x1xf32> to vector<128x256xf32>
    %eq3A_1720 = arith.cmpf oeq, %select_n3A_1686, %eq3A_1719 : vector<128x256xf32>
    %jit3A_1721 = arith.constant 0x7F800000 : f32
    %broadcast_in_dim3A_1722 = vector.broadcast %jit3A_1721 : f32 to vector<128x256xf32>
    %select_n3A_1723 = arith.select %eq3A_1720, %broadcast_in_dim3A_1722, %select_n3A_1686 : vector<128x256xi1>, vector<128x256xf32>
    %reduce_min3A_1724 = arith.constant dense<0x7F800000> : vector<128xf32>
    %reduce_min3A_1725 = vector.multi_reduction <minimumf>, %select_n3A_1723, %reduce_min3A_1724 [1] : vector<128x256xf32> to vector<128xf32>
    %broadcast_in_dim3A_1726 = vector.shape_cast %reduce_min3A_1725 : vector<128xf32> to vector<128x1xf32>
    %eq3A_1727 = vector.broadcast %broadcast_in_dim3A_1726 : vector<128x1xf32> to vector<128x256xf32>
    %eq3A_1728 = arith.cmpf oeq, %select_n3A_1723, %eq3A_1727 : vector<128x256xf32>
    %jit3A_1729 = arith.constant 1073741824 : i32
    %broadcast_in_dim3A_1730 = vector.broadcast %jit3A_1729 : i32 to vector<128x256xi32>
    %select_n3A_1731 = arith.select %eq3A_1728, %iota3A, %broadcast_in_dim3A_1730 : vector<128x256xi1>, vector<128x256xi32>
    %reduce_min3A_1732 = arith.constant dense<2147483647> : vector<128xi32>
    %reduce_min3A_1733 = vector.multi_reduction <minsi>, %select_n3A_1731, %reduce_min3A_1732 [1] : vector<128x256xi32> to vector<128xi32>
    %broadcast_in_dim3A_1734 = vector.shape_cast %reduce_min3A_1733 : vector<128xi32> to vector<128x1xi32>
    %bitcast_convert_type3A_1735 = tpu.bitcast %broadcast_in_dim3A_1726 : vector<128x1xf32> -> vector<128x1xi32>
    %shift_right_arithmetic3A_1736 = arith.constant 5 : i32
    %shift_right_arithmetic3A_1737 = vector.broadcast %shift_right_arithmetic3A_1736 : i32 to vector<128x1xi32>
    %shift_right_arithmetic3A_1738 = arith.shrsi %bitcast_convert_type3A_1735, %shift_right_arithmetic3A_1737 : vector<128x1xi32>
    %and3A_1739 = arith.constant 15 : i32
    %and3A_1740 = vector.broadcast %and3A_1739 : i32 to vector<128x1xi32>
    %and3A_1741 = arith.andi %shift_right_arithmetic3A_1738, %and3A_1740 : vector<128x1xi32>
    %mul3A_1742 = arith.constant 512 : i32
    %mul3A_1743 = vector.broadcast %mul3A_1742 : i32 to vector<128x1xi32>
    %mul3A_1744 = arith.muli %and3A_1741, %mul3A_1743 : vector<128x1xi32>
    %and3A_1745 = arith.constant 31 : i32
    %and3A_1746 = vector.broadcast %and3A_1745 : i32 to vector<128x1xi32>
    %and3A_1747 = arith.andi %bitcast_convert_type3A_1735, %and3A_1746 : vector<128x1xi32>
    %shift_left3A_1748 = arith.constant 4 : i32
    %shift_left3A_1749 = vector.broadcast %shift_left3A_1748 : i32 to vector<128x1xi32>
    %shift_left3A_1750 = arith.shli %and3A_1747, %shift_left3A_1749 : vector<128x1xi32>
    %add3A_1751 = arith.addi %mul3A_1744, %shift_left3A_1750 : vector<128x1xi32>
    %and3A_1752 = arith.constant 15 : i32
    %and3A_1753 = vector.broadcast %and3A_1752 : i32 to vector<128x1xi32>
    %and3A_1754 = arith.andi %broadcast_in_dim3A_1734, %and3A_1753 : vector<128x1xi32>
    %add3A_1755 = arith.addi %add3A_1751, %and3A_1754 : vector<128x1xi32>
    %eq3A_1756 = vector.broadcast %broadcast_in_dim3A_1726 : vector<128x1xf32> to vector<128x256xf32>
    %eq3A_1757 = arith.cmpf oeq, %select_n3A_1723, %eq3A_1756 : vector<128x256xf32>
    %jit3A_1758 = arith.constant 0x7F800000 : f32
    %broadcast_in_dim3A_1759 = vector.broadcast %jit3A_1758 : f32 to vector<128x256xf32>
    %select_n3A_1760 = arith.select %eq3A_1757, %broadcast_in_dim3A_1759, %select_n3A_1723 : vector<128x256xi1>, vector<128x256xf32>
    %reduce_min3A_1761 = arith.constant dense<0x7F800000> : vector<128xf32>
    %reduce_min3A_1762 = vector.multi_reduction <minimumf>, %select_n3A_1760, %reduce_min3A_1761 [1] : vector<128x256xf32> to vector<128xf32>
    %broadcast_in_dim3A_1763 = vector.shape_cast %reduce_min3A_1762 : vector<128xf32> to vector<128x1xf32>
    %eq3A_1764 = vector.broadcast %broadcast_in_dim3A_1763 : vector<128x1xf32> to vector<128x256xf32>
    %eq3A_1765 = arith.cmpf oeq, %select_n3A_1760, %eq3A_1764 : vector<128x256xf32>
    %jit3A_1766 = arith.constant 1073741824 : i32
    %broadcast_in_dim3A_1767 = vector.broadcast %jit3A_1766 : i32 to vector<128x256xi32>
    %select_n3A_1768 = arith.select %eq3A_1765, %iota3A, %broadcast_in_dim3A_1767 : vector<128x256xi1>, vector<128x256xi32>
    %reduce_min3A_1769 = arith.constant dense<2147483647> : vector<128xi32>
    %reduce_min3A_1770 = vector.multi_reduction <minsi>, %select_n3A_1768, %reduce_min3A_1769 [1] : vector<128x256xi32> to vector<128xi32>
    %broadcast_in_dim3A_1771 = vector.shape_cast %reduce_min3A_1770 : vector<128xi32> to vector<128x1xi32>
    %bitcast_convert_type3A_1772 = tpu.bitcast %broadcast_in_dim3A_1763 : vector<128x1xf32> -> vector<128x1xi32>
    %shift_right_arithmetic3A_1773 = arith.constant 5 : i32
    %shift_right_arithmetic3A_1774 = vector.broadcast %shift_right_arithmetic3A_1773 : i32 to vector<128x1xi32>
    %shift_right_arithmetic3A_1775 = arith.shrsi %bitcast_convert_type3A_1772, %shift_right_arithmetic3A_1774 : vector<128x1xi32>
    %and3A_1776 = arith.constant 15 : i32
    %and3A_1777 = vector.broadcast %and3A_1776 : i32 to vector<128x1xi32>
    %and3A_1778 = arith.andi %shift_right_arithmetic3A_1775, %and3A_1777 : vector<128x1xi32>
    %mul3A_1779 = arith.constant 512 : i32
    %mul3A_1780 = vector.broadcast %mul3A_1779 : i32 to vector<128x1xi32>
    %mul3A_1781 = arith.muli %and3A_1778, %mul3A_1780 : vector<128x1xi32>
    %and3A_1782 = arith.constant 31 : i32
    %and3A_1783 = vector.broadcast %and3A_1782 : i32 to vector<128x1xi32>
    %and3A_1784 = arith.andi %bitcast_convert_type3A_1772, %and3A_1783 : vector<128x1xi32>
    %shift_left3A_1785 = arith.constant 4 : i32
    %shift_left3A_1786 = vector.broadcast %shift_left3A_1785 : i32 to vector<128x1xi32>
    %shift_left3A_1787 = arith.shli %and3A_1784, %shift_left3A_1786 : vector<128x1xi32>
    %add3A_1788 = arith.addi %mul3A_1781, %shift_left3A_1787 : vector<128x1xi32>
    %and3A_1789 = arith.constant 15 : i32
    %and3A_1790 = vector.broadcast %and3A_1789 : i32 to vector<128x1xi32>
    %and3A_1791 = arith.andi %broadcast_in_dim3A_1771, %and3A_1790 : vector<128x1xi32>
    %add3A_1792 = arith.addi %add3A_1788, %and3A_1791 : vector<128x1xi32>
    %eq3A_1793 = vector.broadcast %broadcast_in_dim3A_1763 : vector<128x1xf32> to vector<128x256xf32>
    %eq3A_1794 = arith.cmpf oeq, %select_n3A_1760, %eq3A_1793 : vector<128x256xf32>
    %jit3A_1795 = arith.constant 0x7F800000 : f32
    %broadcast_in_dim3A_1796 = vector.broadcast %jit3A_1795 : f32 to vector<128x256xf32>
    %select_n3A_1797 = arith.select %eq3A_1794, %broadcast_in_dim3A_1796, %select_n3A_1760 : vector<128x256xi1>, vector<128x256xf32>
    %reduce_min3A_1798 = arith.constant dense<0x7F800000> : vector<128xf32>
    %reduce_min3A_1799 = vector.multi_reduction <minimumf>, %select_n3A_1797, %reduce_min3A_1798 [1] : vector<128x256xf32> to vector<128xf32>
    %broadcast_in_dim3A_1800 = vector.shape_cast %reduce_min3A_1799 : vector<128xf32> to vector<128x1xf32>
    %eq3A_1801 = vector.broadcast %broadcast_in_dim3A_1800 : vector<128x1xf32> to vector<128x256xf32>
    %eq3A_1802 = arith.cmpf oeq, %select_n3A_1797, %eq3A_1801 : vector<128x256xf32>
    %jit3A_1803 = arith.constant 1073741824 : i32
    %broadcast_in_dim3A_1804 = vector.broadcast %jit3A_1803 : i32 to vector<128x256xi32>
    %select_n3A_1805 = arith.select %eq3A_1802, %iota3A, %broadcast_in_dim3A_1804 : vector<128x256xi1>, vector<128x256xi32>
    %reduce_min3A_1806 = arith.constant dense<2147483647> : vector<128xi32>
    %reduce_min3A_1807 = vector.multi_reduction <minsi>, %select_n3A_1805, %reduce_min3A_1806 [1] : vector<128x256xi32> to vector<128xi32>
    %broadcast_in_dim3A_1808 = vector.shape_cast %reduce_min3A_1807 : vector<128xi32> to vector<128x1xi32>
    %bitcast_convert_type3A_1809 = tpu.bitcast %broadcast_in_dim3A_1800 : vector<128x1xf32> -> vector<128x1xi32>
    %shift_right_arithmetic3A_1810 = arith.constant 5 : i32
    %shift_right_arithmetic3A_1811 = vector.broadcast %shift_right_arithmetic3A_1810 : i32 to vector<128x1xi32>
    %shift_right_arithmetic3A_1812 = arith.shrsi %bitcast_convert_type3A_1809, %shift_right_arithmetic3A_1811 : vector<128x1xi32>
    %and3A_1813 = arith.constant 15 : i32
    %and3A_1814 = vector.broadcast %and3A_1813 : i32 to vector<128x1xi32>
    %and3A_1815 = arith.andi %shift_right_arithmetic3A_1812, %and3A_1814 : vector<128x1xi32>
    %mul3A_1816 = arith.constant 512 : i32
    %mul3A_1817 = vector.broadcast %mul3A_1816 : i32 to vector<128x1xi32>
    %mul3A_1818 = arith.muli %and3A_1815, %mul3A_1817 : vector<128x1xi32>
    %and3A_1819 = arith.constant 31 : i32
    %and3A_1820 = vector.broadcast %and3A_1819 : i32 to vector<128x1xi32>
    %and3A_1821 = arith.andi %bitcast_convert_type3A_1809, %and3A_1820 : vector<128x1xi32>
    %shift_left3A_1822 = arith.constant 4 : i32
    %shift_left3A_1823 = vector.broadcast %shift_left3A_1822 : i32 to vector<128x1xi32>
    %shift_left3A_1824 = arith.shli %and3A_1821, %shift_left3A_1823 : vector<128x1xi32>
    %add3A_1825 = arith.addi %mul3A_1818, %shift_left3A_1824 : vector<128x1xi32>
    %and3A_1826 = arith.constant 15 : i32
    %and3A_1827 = vector.broadcast %and3A_1826 : i32 to vector<128x1xi32>
    %and3A_1828 = arith.andi %broadcast_in_dim3A_1808, %and3A_1827 : vector<128x1xi32>
    %add3A_1829 = arith.addi %add3A_1825, %and3A_1828 : vector<128x1xi32>
    %concatenate3A_1830 = tpu.concatenate %add3A_1274, %add3A_1311, %add3A_1348, %add3A_1385, %add3A_1422, %add3A_1459, %add3A_1496, %add3A_1533, %add3A_1570, %add3A_1607, %add3A_1644, %add3A_1681, %add3A_1718, %add3A_1755, %add3A_1792, %add3A_1829 in 1 : vector<128x1xi32>, vector<128x1xi32>, vector<128x1xi32>, vector<128x1xi32>, vector<128x1xi32>, vector<128x1xi32>, vector<128x1xi32>, vector<128x1xi32>, vector<128x1xi32>, vector<128x1xi32>, vector<128x1xi32>, vector<128x1xi32>, vector<128x1xi32>, vector<128x1xi32>, vector<128x1xi32>, vector<128x1xi32> -> vector<128x16xi32>
    %mul3A_1831 = arith.constant 8192 : i32
    %mul3A_1832 = arith.muli %arg0, %mul3A_1831 : i32
    %add3A_1833 = vector.broadcast %mul3A_1832 : i32 to vector<128x16xi32>
    %add3A_1834 = arith.addi %concatenate3A_1830, %add3A_1833 : vector<128x16xi32>
    %swap3A = arith.constant 0 : index
    %swap3A_1835 = arith.constant 0 : index
    %swap3A_1836 = arith.constant 0 : index
    %swap3A_1837 = vector.load %arg4[%swap3A, %swap3A_1835, %swap3A_1836] : memref<1x128x16xi32, #tpu.memory_space<vmem>>, vector<1x128x16xi32>
    %swap3A_1838 = vector.shape_cast %swap3A_1837 : vector<1x128x16xi32> to vector<128x16xi32>
    %swap3A_1839 = vector.shape_cast %add3A_1834 : vector<128x16xi32> to vector<1x128x16xi32>
    tpu.vector_store %arg4[%swap3A, %swap3A_1835, %swap3A_1836], %swap3A_1839 {strides = array<i32>} : memref<1x128x16xi32, #tpu.memory_space<vmem>>, vector<1x128x16xi32>,
    return
  }
  func.func @transform_0(%arg0: i32, %arg1: i32) -> (i32, i32, i32) {
    %c0_i32 = arith.constant 0 : i32
    %c0_i32_0 = arith.constant 0 : i32
    return %arg0, %arg1, %c0_i32 : i32, i32, i32
  }
  func.func @transform_1(%arg0: i32, %arg1: i32) -> (i32, i32, i32) {
    %c0_i32 = arith.constant 0 : i32
    %c0_i32_0 = arith.constant 0 : i32
    %c0_i32_1 = arith.constant 0 : i32
    return %arg0, %c0_i32, %c0_i32_0 : i32, i32, i32
  }
  func.func @transform_2(%arg0: i32, %arg1: i32) -> (i32, i32, i32) {
    %c0_i32 = arith.constant 0 : i32
    %c0_i32_0 = arith.constant 0 : i32
    return %arg0, %arg1, %c0_i32 : i32, i32, i32
  }
}

module attributes {stable_mosaic.version = 14 : i64} {
  func.func @_moments_body(%arg0: i32, %arg1: i32, %arg2: memref<1x128x8xf32, #tpu.memory_space<vmem>>, %arg3: memref<1x128x16xf32, #tpu.memory_space<vmem>>, %arg4: memref<1x128x16xf32, #tpu.memory_space<vmem>>, %arg5: memref<1x128x16xf32, #tpu.memory_space<vmem>>, %arg6: memref<1x1x72x16xf32, #tpu.memory_space<vmem>>) attributes {dimension_semantics = [#tpu.dimension_semantics<arbitrary>, #tpu.dimension_semantics<arbitrary>], iteration_bounds = array<i64: 2, 64>, scalar_prefetch = 0 : i64, scratch_operands = 0 : i64, tpu.core_type = #tpu.core_type<tc>, window_params = [{transform_indices = @transform_0, window_bounds = array<i64: 1, 128, 8>}, {transform_indices = @transform_1, window_bounds = array<i64: 1, 128, 16>}, {transform_indices = @transform_2, window_bounds = array<i64: 1, 128, 16>}, {transform_indices = @transform_3, window_bounds = array<i64: 1, 128, 16>}, {transform_indices = @transform_4, window_bounds = array<i64: 1, 1, 72, 16>}]} {
    %get3A = arith.constant 0 : index
    %get3A_0 = arith.constant 0 : index
    %get3A_1 = arith.constant 0 : index
    %get3A_2 = vector.load %arg2[%get3A, %get3A_0, %get3A_1] : memref<1x128x8xf32, #tpu.memory_space<vmem>>, vector<1x128x8xf32>
    %get3A_3 = vector.shape_cast %get3A_2 : vector<1x128x8xf32> to vector<128x8xf32>
    %get3A_4 = arith.constant 0 : index
    %get3A_5 = arith.constant 0 : index
    %get3A_6 = arith.constant 0 : index
    %get3A_7 = vector.load %arg3[%get3A_4, %get3A_5, %get3A_6] : memref<1x128x16xf32, #tpu.memory_space<vmem>>, vector<1x128x16xf32>
    %get3A_8 = vector.shape_cast %get3A_7 : vector<1x128x16xf32> to vector<128x16xf32>
    %get3A_9 = arith.constant 0 : index
    %get3A_10 = arith.constant 0 : index
    %get3A_11 = arith.constant 0 : index
    %get3A_12 = vector.load %arg4[%get3A_9, %get3A_10, %get3A_11] : memref<1x128x16xf32, #tpu.memory_space<vmem>>, vector<1x128x16xf32>
    %get3A_13 = vector.shape_cast %get3A_12 : vector<1x128x16xf32> to vector<128x16xf32>
    %get3A_14 = arith.constant 0 : index
    %get3A_15 = arith.constant 0 : index
    %get3A_16 = arith.constant 0 : index
    %get3A_17 = vector.load %arg5[%get3A_14, %get3A_15, %get3A_16] : memref<1x128x16xf32, #tpu.memory_space<vmem>>, vector<1x128x16xf32>
    %get3A_18 = vector.shape_cast %get3A_17 : vector<1x128x16xf32> to vector<128x16xf32>
    %slice3A = vector.extract_strided_slice %get3A_3 {offsets = [0, 0], sizes = [128, 1], strides = [1, 1]} : vector<128x8xf32> to vector<128x1xf32>
    %broadcast_in_dim3A = vector.shape_cast %slice3A : vector<128x1xf32> to vector<128x1xf32>
    %broadcast_in_dim3A_19 = vector.broadcast %broadcast_in_dim3A : vector<128x1xf32> to vector<128x16xf32>
    %slice3A_20 = vector.extract_strided_slice %get3A_3 {offsets = [0, 1], sizes = [128, 1], strides = [1, 1]} : vector<128x8xf32> to vector<128x1xf32>
    %broadcast_in_dim3A_21 = vector.shape_cast %slice3A_20 : vector<128x1xf32> to vector<128x1xf32>
    %broadcast_in_dim3A_22 = vector.broadcast %broadcast_in_dim3A_21 : vector<128x1xf32> to vector<128x16xf32>
    %slice3A_23 = vector.extract_strided_slice %get3A_3 {offsets = [0, 2], sizes = [128, 1], strides = [1, 1]} : vector<128x8xf32> to vector<128x1xf32>
    %broadcast_in_dim3A_24 = vector.shape_cast %slice3A_23 : vector<128x1xf32> to vector<128x1xf32>
    %broadcast_in_dim3A_25 = vector.broadcast %broadcast_in_dim3A_24 : vector<128x1xf32> to vector<128x16xf32>
    %sub3A = arith.subf %broadcast_in_dim3A_19, %get3A_8 : vector<128x16xf32>
    %sub3A_26 = arith.subf %broadcast_in_dim3A_22, %get3A_13 : vector<128x16xf32>
    %sub3A_27 = arith.subf %broadcast_in_dim3A_25, %get3A_18 : vector<128x16xf32>
    %integer_pow3A = arith.mulf %sub3A, %sub3A : vector<128x16xf32>
    %integer_pow3A_28 = arith.mulf %sub3A_26, %sub3A_26 : vector<128x16xf32>
    %add3A = arith.addf %integer_pow3A, %integer_pow3A_28 : vector<128x16xf32>
    %integer_pow3A_29 = arith.mulf %sub3A_27, %sub3A_27 : vector<128x16xf32>
    %add3A_30 = arith.addf %add3A, %integer_pow3A_29 : vector<128x16xf32>
    %max3A = arith.constant 0.000000e+00 : f32
    %max3A_31 = vector.broadcast %max3A : f32 to vector<128x16xf32>
    %max3A_32 = arith.maximumf %add3A_30, %max3A_31 : vector<128x16xf32>
    %sqrt3A = math.sqrt %max3A_32 : vector<128x16xf32>
    %mul3A = arith.mulf %broadcast_in_dim3A_19, %broadcast_in_dim3A_19 : vector<128x16xf32>
    %reduce_sum3A = arith.constant dense<0.000000e+00> : vector<16xf32>
    %reduce_sum3A_33 = vector.multi_reduction <add>, %mul3A, %reduce_sum3A [0] : vector<128x16xf32> to vector<16xf32>
    %broadcast_in_dim3A_34 = vector.shape_cast %reduce_sum3A_33 : vector<16xf32> to vector<1x16xf32>
    %swap3A = arith.constant 0 : index
    %swap3A_35 = arith.constant 0 : index
    %swap3A_36 = arith.constant 0 : index
    %swap3A_37 = arith.constant 0 : index
    %swap3A_38 = vector.load %arg6[%swap3A, %swap3A_35, %swap3A_36, %swap3A_37] : memref<1x1x72x16xf32, #tpu.memory_space<vmem>>, vector<1x1x1x16xf32>
    %swap3A_39 = vector.shape_cast %swap3A_38 : vector<1x1x1x16xf32> to vector<1x16xf32>
    %swap3A_40 = vector.shape_cast %broadcast_in_dim3A_34 : vector<1x16xf32> to vector<1x1x1x16xf32>
    tpu.vector_store %arg6[%swap3A, %swap3A_35, %swap3A_36, %swap3A_37], %swap3A_40 {strides = array<i32>} : memref<1x1x72x16xf32, #tpu.memory_space<vmem>>, vector<1x1x1x16xf32>,
    %mul3A_41 = arith.mulf %broadcast_in_dim3A_19, %broadcast_in_dim3A_22 : vector<128x16xf32>
    %reduce_sum3A_42 = arith.constant dense<0.000000e+00> : vector<16xf32>
    %reduce_sum3A_43 = vector.multi_reduction <add>, %mul3A_41, %reduce_sum3A_42 [0] : vector<128x16xf32> to vector<16xf32>
    %broadcast_in_dim3A_44 = vector.shape_cast %reduce_sum3A_43 : vector<16xf32> to vector<1x16xf32>
    %swap3A_45 = arith.constant 0 : index
    %swap3A_46 = arith.constant 0 : index
    %swap3A_47 = arith.constant 1 : index
    %swap3A_48 = arith.constant 0 : index
    %swap3A_49 = vector.load %arg6[%swap3A_45, %swap3A_46, %swap3A_47, %swap3A_48] : memref<1x1x72x16xf32, #tpu.memory_space<vmem>>, vector<1x1x1x16xf32>
    %swap3A_50 = vector.shape_cast %swap3A_49 : vector<1x1x1x16xf32> to vector<1x16xf32>
    %swap3A_51 = vector.shape_cast %broadcast_in_dim3A_44 : vector<1x16xf32> to vector<1x1x1x16xf32>
    tpu.vector_store %arg6[%swap3A_45, %swap3A_46, %swap3A_47, %swap3A_48], %swap3A_51 {strides = array<i32>} : memref<1x1x72x16xf32, #tpu.memory_space<vmem>>, vector<1x1x1x16xf32>,
    %mul3A_52 = arith.mulf %broadcast_in_dim3A_19, %broadcast_in_dim3A_25 : vector<128x16xf32>
    %reduce_sum3A_53 = arith.constant dense<0.000000e+00> : vector<16xf32>
    %reduce_sum3A_54 = vector.multi_reduction <add>, %mul3A_52, %reduce_sum3A_53 [0] : vector<128x16xf32> to vector<16xf32>
    %broadcast_in_dim3A_55 = vector.shape_cast %reduce_sum3A_54 : vector<16xf32> to vector<1x16xf32>
    %swap3A_56 = arith.constant 0 : index
    %swap3A_57 = arith.constant 0 : index
    %swap3A_58 = arith.constant 2 : index
    %swap3A_59 = arith.constant 0 : index
    %swap3A_60 = vector.load %arg6[%swap3A_56, %swap3A_57, %swap3A_58, %swap3A_59] : memref<1x1x72x16xf32, #tpu.memory_space<vmem>>, vector<1x1x1x16xf32>
    %swap3A_61 = vector.shape_cast %swap3A_60 : vector<1x1x1x16xf32> to vector<1x16xf32>
    %swap3A_62 = vector.shape_cast %broadcast_in_dim3A_55 : vector<1x16xf32> to vector<1x1x1x16xf32>
    tpu.vector_store %arg6[%swap3A_56, %swap3A_57, %swap3A_58, %swap3A_59], %swap3A_62 {strides = array<i32>} : memref<1x1x72x16xf32, #tpu.memory_space<vmem>>, vector<1x1x1x16xf32>,
    %mul3A_63 = arith.mulf %broadcast_in_dim3A_19, %get3A_8 : vector<128x16xf32>
    %reduce_sum3A_64 = arith.constant dense<0.000000e+00> : vector<16xf32>
    %reduce_sum3A_65 = vector.multi_reduction <add>, %mul3A_63, %reduce_sum3A_64 [0] : vector<128x16xf32> to vector<16xf32>
    %broadcast_in_dim3A_66 = vector.shape_cast %reduce_sum3A_65 : vector<16xf32> to vector<1x16xf32>
    %swap3A_67 = arith.constant 0 : index
    %swap3A_68 = arith.constant 0 : index
    %swap3A_69 = arith.constant 3 : index
    %swap3A_70 = arith.constant 0 : index
    %swap3A_71 = vector.load %arg6[%swap3A_67, %swap3A_68, %swap3A_69, %swap3A_70] : memref<1x1x72x16xf32, #tpu.memory_space<vmem>>, vector<1x1x1x16xf32>
    %swap3A_72 = vector.shape_cast %swap3A_71 : vector<1x1x1x16xf32> to vector<1x16xf32>
    %swap3A_73 = vector.shape_cast %broadcast_in_dim3A_66 : vector<1x16xf32> to vector<1x1x1x16xf32>
    tpu.vector_store %arg6[%swap3A_67, %swap3A_68, %swap3A_69, %swap3A_70], %swap3A_73 {strides = array<i32>} : memref<1x1x72x16xf32, #tpu.memory_space<vmem>>, vector<1x1x1x16xf32>,
    %mul3A_74 = arith.mulf %broadcast_in_dim3A_19, %get3A_13 : vector<128x16xf32>
    %reduce_sum3A_75 = arith.constant dense<0.000000e+00> : vector<16xf32>
    %reduce_sum3A_76 = vector.multi_reduction <add>, %mul3A_74, %reduce_sum3A_75 [0] : vector<128x16xf32> to vector<16xf32>
    %broadcast_in_dim3A_77 = vector.shape_cast %reduce_sum3A_76 : vector<16xf32> to vector<1x16xf32>
    %swap3A_78 = arith.constant 0 : index
    %swap3A_79 = arith.constant 0 : index
    %swap3A_80 = arith.constant 4 : index
    %swap3A_81 = arith.constant 0 : index
    %swap3A_82 = vector.load %arg6[%swap3A_78, %swap3A_79, %swap3A_80, %swap3A_81] : memref<1x1x72x16xf32, #tpu.memory_space<vmem>>, vector<1x1x1x16xf32>
    %swap3A_83 = vector.shape_cast %swap3A_82 : vector<1x1x1x16xf32> to vector<1x16xf32>
    %swap3A_84 = vector.shape_cast %broadcast_in_dim3A_77 : vector<1x16xf32> to vector<1x1x1x16xf32>
    tpu.vector_store %arg6[%swap3A_78, %swap3A_79, %swap3A_80, %swap3A_81], %swap3A_84 {strides = array<i32>} : memref<1x1x72x16xf32, #tpu.memory_space<vmem>>, vector<1x1x1x16xf32>,
    %mul3A_85 = arith.mulf %broadcast_in_dim3A_19, %get3A_18 : vector<128x16xf32>
    %reduce_sum3A_86 = arith.constant dense<0.000000e+00> : vector<16xf32>
    %reduce_sum3A_87 = vector.multi_reduction <add>, %mul3A_85, %reduce_sum3A_86 [0] : vector<128x16xf32> to vector<16xf32>
    %broadcast_in_dim3A_88 = vector.shape_cast %reduce_sum3A_87 : vector<16xf32> to vector<1x16xf32>
    %swap3A_89 = arith.constant 0 : index
    %swap3A_90 = arith.constant 0 : index
    %swap3A_91 = arith.constant 5 : index
    %swap3A_92 = arith.constant 0 : index
    %swap3A_93 = vector.load %arg6[%swap3A_89, %swap3A_90, %swap3A_91, %swap3A_92] : memref<1x1x72x16xf32, #tpu.memory_space<vmem>>, vector<1x1x1x16xf32>
    %swap3A_94 = vector.shape_cast %swap3A_93 : vector<1x1x1x16xf32> to vector<1x16xf32>
    %swap3A_95 = vector.shape_cast %broadcast_in_dim3A_88 : vector<1x16xf32> to vector<1x1x1x16xf32>
    tpu.vector_store %arg6[%swap3A_89, %swap3A_90, %swap3A_91, %swap3A_92], %swap3A_95 {strides = array<i32>} : memref<1x1x72x16xf32, #tpu.memory_space<vmem>>, vector<1x1x1x16xf32>,
    %mul3A_96 = arith.mulf %broadcast_in_dim3A_19, %sub3A : vector<128x16xf32>
    %reduce_sum3A_97 = arith.constant dense<0.000000e+00> : vector<16xf32>
    %reduce_sum3A_98 = vector.multi_reduction <add>, %mul3A_96, %reduce_sum3A_97 [0] : vector<128x16xf32> to vector<16xf32>
    %broadcast_in_dim3A_99 = vector.shape_cast %reduce_sum3A_98 : vector<16xf32> to vector<1x16xf32>
    %swap3A_100 = arith.constant 0 : index
    %swap3A_101 = arith.constant 0 : index
    %swap3A_102 = arith.constant 6 : index
    %swap3A_103 = arith.constant 0 : index
    %swap3A_104 = vector.load %arg6[%swap3A_100, %swap3A_101, %swap3A_102, %swap3A_103] : memref<1x1x72x16xf32, #tpu.memory_space<vmem>>, vector<1x1x1x16xf32>
    %swap3A_105 = vector.shape_cast %swap3A_104 : vector<1x1x1x16xf32> to vector<1x16xf32>
    %swap3A_106 = vector.shape_cast %broadcast_in_dim3A_99 : vector<1x16xf32> to vector<1x1x1x16xf32>
    tpu.vector_store %arg6[%swap3A_100, %swap3A_101, %swap3A_102, %swap3A_103], %swap3A_106 {strides = array<i32>} : memref<1x1x72x16xf32, #tpu.memory_space<vmem>>, vector<1x1x1x16xf32>,
    %mul3A_107 = arith.mulf %broadcast_in_dim3A_19, %sub3A_26 : vector<128x16xf32>
    %reduce_sum3A_108 = arith.constant dense<0.000000e+00> : vector<16xf32>
    %reduce_sum3A_109 = vector.multi_reduction <add>, %mul3A_107, %reduce_sum3A_108 [0] : vector<128x16xf32> to vector<16xf32>
    %broadcast_in_dim3A_110 = vector.shape_cast %reduce_sum3A_109 : vector<16xf32> to vector<1x16xf32>
    %swap3A_111 = arith.constant 0 : index
    %swap3A_112 = arith.constant 0 : index
    %swap3A_113 = arith.constant 7 : index
    %swap3A_114 = arith.constant 0 : index
    %swap3A_115 = vector.load %arg6[%swap3A_111, %swap3A_112, %swap3A_113, %swap3A_114] : memref<1x1x72x16xf32, #tpu.memory_space<vmem>>, vector<1x1x1x16xf32>
    %swap3A_116 = vector.shape_cast %swap3A_115 : vector<1x1x1x16xf32> to vector<1x16xf32>
    %swap3A_117 = vector.shape_cast %broadcast_in_dim3A_110 : vector<1x16xf32> to vector<1x1x1x16xf32>
    tpu.vector_store %arg6[%swap3A_111, %swap3A_112, %swap3A_113, %swap3A_114], %swap3A_117 {strides = array<i32>} : memref<1x1x72x16xf32, #tpu.memory_space<vmem>>, vector<1x1x1x16xf32>,
    %mul3A_118 = arith.mulf %broadcast_in_dim3A_19, %sub3A_27 : vector<128x16xf32>
    %reduce_sum3A_119 = arith.constant dense<0.000000e+00> : vector<16xf32>
    %reduce_sum3A_120 = vector.multi_reduction <add>, %mul3A_118, %reduce_sum3A_119 [0] : vector<128x16xf32> to vector<16xf32>
    %broadcast_in_dim3A_121 = vector.shape_cast %reduce_sum3A_120 : vector<16xf32> to vector<1x16xf32>
    %swap3A_122 = arith.constant 0 : index
    %swap3A_123 = arith.constant 0 : index
    %swap3A_124 = arith.constant 8 : index
    %swap3A_125 = arith.constant 0 : index
    %swap3A_126 = vector.load %arg6[%swap3A_122, %swap3A_123, %swap3A_124, %swap3A_125] : memref<1x1x72x16xf32, #tpu.memory_space<vmem>>, vector<1x1x1x16xf32>
    %swap3A_127 = vector.shape_cast %swap3A_126 : vector<1x1x1x16xf32> to vector<1x16xf32>
    %swap3A_128 = vector.shape_cast %broadcast_in_dim3A_121 : vector<1x16xf32> to vector<1x1x1x16xf32>
    tpu.vector_store %arg6[%swap3A_122, %swap3A_123, %swap3A_124, %swap3A_125], %swap3A_128 {strides = array<i32>} : memref<1x1x72x16xf32, #tpu.memory_space<vmem>>, vector<1x1x1x16xf32>,
    %mul3A_129 = arith.mulf %broadcast_in_dim3A_19, %sqrt3A : vector<128x16xf32>
    %reduce_sum3A_130 = arith.constant dense<0.000000e+00> : vector<16xf32>
    %reduce_sum3A_131 = vector.multi_reduction <add>, %mul3A_129, %reduce_sum3A_130 [0] : vector<128x16xf32> to vector<16xf32>
    %broadcast_in_dim3A_132 = vector.shape_cast %reduce_sum3A_131 : vector<16xf32> to vector<1x16xf32>
    %swap3A_133 = arith.constant 0 : index
    %swap3A_134 = arith.constant 0 : index
    %swap3A_135 = arith.constant 9 : index
    %swap3A_136 = arith.constant 0 : index
    %swap3A_137 = vector.load %arg6[%swap3A_133, %swap3A_134, %swap3A_135, %swap3A_136] : memref<1x1x72x16xf32, #tpu.memory_space<vmem>>, vector<1x1x1x16xf32>
    %swap3A_138 = vector.shape_cast %swap3A_137 : vector<1x1x1x16xf32> to vector<1x16xf32>
    %swap3A_139 = vector.shape_cast %broadcast_in_dim3A_132 : vector<1x16xf32> to vector<1x1x1x16xf32>
    tpu.vector_store %arg6[%swap3A_133, %swap3A_134, %swap3A_135, %swap3A_136], %swap3A_139 {strides = array<i32>} : memref<1x1x72x16xf32, #tpu.memory_space<vmem>>, vector<1x1x1x16xf32>,
    %mul3A_140 = arith.mulf %broadcast_in_dim3A_22, %broadcast_in_dim3A_22 : vector<128x16xf32>
    %reduce_sum3A_141 = arith.constant dense<0.000000e+00> : vector<16xf32>
    %reduce_sum3A_142 = vector.multi_reduction <add>, %mul3A_140, %reduce_sum3A_141 [0] : vector<128x16xf32> to vector<16xf32>
    %broadcast_in_dim3A_143 = vector.shape_cast %reduce_sum3A_142 : vector<16xf32> to vector<1x16xf32>
    %swap3A_144 = arith.constant 0 : index
    %swap3A_145 = arith.constant 0 : index
    %swap3A_146 = arith.constant 10 : index
    %swap3A_147 = arith.constant 0 : index
    %swap3A_148 = vector.load %arg6[%swap3A_144, %swap3A_145, %swap3A_146, %swap3A_147] : memref<1x1x72x16xf32, #tpu.memory_space<vmem>>, vector<1x1x1x16xf32>
    %swap3A_149 = vector.shape_cast %swap3A_148 : vector<1x1x1x16xf32> to vector<1x16xf32>
    %swap3A_150 = vector.shape_cast %broadcast_in_dim3A_143 : vector<1x16xf32> to vector<1x1x1x16xf32>
    tpu.vector_store %arg6[%swap3A_144, %swap3A_145, %swap3A_146, %swap3A_147], %swap3A_150 {strides = array<i32>} : memref<1x1x72x16xf32, #tpu.memory_space<vmem>>, vector<1x1x1x16xf32>,
    %mul3A_151 = arith.mulf %broadcast_in_dim3A_22, %broadcast_in_dim3A_25 : vector<128x16xf32>
    %reduce_sum3A_152 = arith.constant dense<0.000000e+00> : vector<16xf32>
    %reduce_sum3A_153 = vector.multi_reduction <add>, %mul3A_151, %reduce_sum3A_152 [0] : vector<128x16xf32> to vector<16xf32>
    %broadcast_in_dim3A_154 = vector.shape_cast %reduce_sum3A_153 : vector<16xf32> to vector<1x16xf32>
    %swap3A_155 = arith.constant 0 : index
    %swap3A_156 = arith.constant 0 : index
    %swap3A_157 = arith.constant 11 : index
    %swap3A_158 = arith.constant 0 : index
    %swap3A_159 = vector.load %arg6[%swap3A_155, %swap3A_156, %swap3A_157, %swap3A_158] : memref<1x1x72x16xf32, #tpu.memory_space<vmem>>, vector<1x1x1x16xf32>
    %swap3A_160 = vector.shape_cast %swap3A_159 : vector<1x1x1x16xf32> to vector<1x16xf32>
    %swap3A_161 = vector.shape_cast %broadcast_in_dim3A_154 : vector<1x16xf32> to vector<1x1x1x16xf32>
    tpu.vector_store %arg6[%swap3A_155, %swap3A_156, %swap3A_157, %swap3A_158], %swap3A_161 {strides = array<i32>} : memref<1x1x72x16xf32, #tpu.memory_space<vmem>>, vector<1x1x1x16xf32>,
    %mul3A_162 = arith.mulf %broadcast_in_dim3A_22, %get3A_8 : vector<128x16xf32>
    %reduce_sum3A_163 = arith.constant dense<0.000000e+00> : vector<16xf32>
    %reduce_sum3A_164 = vector.multi_reduction <add>, %mul3A_162, %reduce_sum3A_163 [0] : vector<128x16xf32> to vector<16xf32>
    %broadcast_in_dim3A_165 = vector.shape_cast %reduce_sum3A_164 : vector<16xf32> to vector<1x16xf32>
    %swap3A_166 = arith.constant 0 : index
    %swap3A_167 = arith.constant 0 : index
    %swap3A_168 = arith.constant 12 : index
    %swap3A_169 = arith.constant 0 : index
    %swap3A_170 = vector.load %arg6[%swap3A_166, %swap3A_167, %swap3A_168, %swap3A_169] : memref<1x1x72x16xf32, #tpu.memory_space<vmem>>, vector<1x1x1x16xf32>
    %swap3A_171 = vector.shape_cast %swap3A_170 : vector<1x1x1x16xf32> to vector<1x16xf32>
    %swap3A_172 = vector.shape_cast %broadcast_in_dim3A_165 : vector<1x16xf32> to vector<1x1x1x16xf32>
    tpu.vector_store %arg6[%swap3A_166, %swap3A_167, %swap3A_168, %swap3A_169], %swap3A_172 {strides = array<i32>} : memref<1x1x72x16xf32, #tpu.memory_space<vmem>>, vector<1x1x1x16xf32>,
    %mul3A_173 = arith.mulf %broadcast_in_dim3A_22, %get3A_13 : vector<128x16xf32>
    %reduce_sum3A_174 = arith.constant dense<0.000000e+00> : vector<16xf32>
    %reduce_sum3A_175 = vector.multi_reduction <add>, %mul3A_173, %reduce_sum3A_174 [0] : vector<128x16xf32> to vector<16xf32>
    %broadcast_in_dim3A_176 = vector.shape_cast %reduce_sum3A_175 : vector<16xf32> to vector<1x16xf32>
    %swap3A_177 = arith.constant 0 : index
    %swap3A_178 = arith.constant 0 : index
    %swap3A_179 = arith.constant 13 : index
    %swap3A_180 = arith.constant 0 : index
    %swap3A_181 = vector.load %arg6[%swap3A_177, %swap3A_178, %swap3A_179, %swap3A_180] : memref<1x1x72x16xf32, #tpu.memory_space<vmem>>, vector<1x1x1x16xf32>
    %swap3A_182 = vector.shape_cast %swap3A_181 : vector<1x1x1x16xf32> to vector<1x16xf32>
    %swap3A_183 = vector.shape_cast %broadcast_in_dim3A_176 : vector<1x16xf32> to vector<1x1x1x16xf32>
    tpu.vector_store %arg6[%swap3A_177, %swap3A_178, %swap3A_179, %swap3A_180], %swap3A_183 {strides = array<i32>} : memref<1x1x72x16xf32, #tpu.memory_space<vmem>>, vector<1x1x1x16xf32>,
    %mul3A_184 = arith.mulf %broadcast_in_dim3A_22, %get3A_18 : vector<128x16xf32>
    %reduce_sum3A_185 = arith.constant dense<0.000000e+00> : vector<16xf32>
    %reduce_sum3A_186 = vector.multi_reduction <add>, %mul3A_184, %reduce_sum3A_185 [0] : vector<128x16xf32> to vector<16xf32>
    %broadcast_in_dim3A_187 = vector.shape_cast %reduce_sum3A_186 : vector<16xf32> to vector<1x16xf32>
    %swap3A_188 = arith.constant 0 : index
    %swap3A_189 = arith.constant 0 : index
    %swap3A_190 = arith.constant 14 : index
    %swap3A_191 = arith.constant 0 : index
    %swap3A_192 = vector.load %arg6[%swap3A_188, %swap3A_189, %swap3A_190, %swap3A_191] : memref<1x1x72x16xf32, #tpu.memory_space<vmem>>, vector<1x1x1x16xf32>
    %swap3A_193 = vector.shape_cast %swap3A_192 : vector<1x1x1x16xf32> to vector<1x16xf32>
    %swap3A_194 = vector.shape_cast %broadcast_in_dim3A_187 : vector<1x16xf32> to vector<1x1x1x16xf32>
    tpu.vector_store %arg6[%swap3A_188, %swap3A_189, %swap3A_190, %swap3A_191], %swap3A_194 {strides = array<i32>} : memref<1x1x72x16xf32, #tpu.memory_space<vmem>>, vector<1x1x1x16xf32>,
    %mul3A_195 = arith.mulf %broadcast_in_dim3A_22, %sub3A : vector<128x16xf32>
    %reduce_sum3A_196 = arith.constant dense<0.000000e+00> : vector<16xf32>
    %reduce_sum3A_197 = vector.multi_reduction <add>, %mul3A_195, %reduce_sum3A_196 [0] : vector<128x16xf32> to vector<16xf32>
    %broadcast_in_dim3A_198 = vector.shape_cast %reduce_sum3A_197 : vector<16xf32> to vector<1x16xf32>
    %swap3A_199 = arith.constant 0 : index
    %swap3A_200 = arith.constant 0 : index
    %swap3A_201 = arith.constant 15 : index
    %swap3A_202 = arith.constant 0 : index
    %swap3A_203 = vector.load %arg6[%swap3A_199, %swap3A_200, %swap3A_201, %swap3A_202] : memref<1x1x72x16xf32, #tpu.memory_space<vmem>>, vector<1x1x1x16xf32>
    %swap3A_204 = vector.shape_cast %swap3A_203 : vector<1x1x1x16xf32> to vector<1x16xf32>
    %swap3A_205 = vector.shape_cast %broadcast_in_dim3A_198 : vector<1x16xf32> to vector<1x1x1x16xf32>
    tpu.vector_store %arg6[%swap3A_199, %swap3A_200, %swap3A_201, %swap3A_202], %swap3A_205 {strides = array<i32>} : memref<1x1x72x16xf32, #tpu.memory_space<vmem>>, vector<1x1x1x16xf32>,
    %mul3A_206 = arith.mulf %broadcast_in_dim3A_22, %sub3A_26 : vector<128x16xf32>
    %reduce_sum3A_207 = arith.constant dense<0.000000e+00> : vector<16xf32>
    %reduce_sum3A_208 = vector.multi_reduction <add>, %mul3A_206, %reduce_sum3A_207 [0] : vector<128x16xf32> to vector<16xf32>
    %broadcast_in_dim3A_209 = vector.shape_cast %reduce_sum3A_208 : vector<16xf32> to vector<1x16xf32>
    %swap3A_210 = arith.constant 0 : index
    %swap3A_211 = arith.constant 0 : index
    %swap3A_212 = arith.constant 16 : index
    %swap3A_213 = arith.constant 0 : index
    %swap3A_214 = vector.load %arg6[%swap3A_210, %swap3A_211, %swap3A_212, %swap3A_213] : memref<1x1x72x16xf32, #tpu.memory_space<vmem>>, vector<1x1x1x16xf32>
    %swap3A_215 = vector.shape_cast %swap3A_214 : vector<1x1x1x16xf32> to vector<1x16xf32>
    %swap3A_216 = vector.shape_cast %broadcast_in_dim3A_209 : vector<1x16xf32> to vector<1x1x1x16xf32>
    tpu.vector_store %arg6[%swap3A_210, %swap3A_211, %swap3A_212, %swap3A_213], %swap3A_216 {strides = array<i32>} : memref<1x1x72x16xf32, #tpu.memory_space<vmem>>, vector<1x1x1x16xf32>,
    %mul3A_217 = arith.mulf %broadcast_in_dim3A_22, %sub3A_27 : vector<128x16xf32>
    %reduce_sum3A_218 = arith.constant dense<0.000000e+00> : vector<16xf32>
    %reduce_sum3A_219 = vector.multi_reduction <add>, %mul3A_217, %reduce_sum3A_218 [0] : vector<128x16xf32> to vector<16xf32>
    %broadcast_in_dim3A_220 = vector.shape_cast %reduce_sum3A_219 : vector<16xf32> to vector<1x16xf32>
    %swap3A_221 = arith.constant 0 : index
    %swap3A_222 = arith.constant 0 : index
    %swap3A_223 = arith.constant 17 : index
    %swap3A_224 = arith.constant 0 : index
    %swap3A_225 = vector.load %arg6[%swap3A_221, %swap3A_222, %swap3A_223, %swap3A_224] : memref<1x1x72x16xf32, #tpu.memory_space<vmem>>, vector<1x1x1x16xf32>
    %swap3A_226 = vector.shape_cast %swap3A_225 : vector<1x1x1x16xf32> to vector<1x16xf32>
    %swap3A_227 = vector.shape_cast %broadcast_in_dim3A_220 : vector<1x16xf32> to vector<1x1x1x16xf32>
    tpu.vector_store %arg6[%swap3A_221, %swap3A_222, %swap3A_223, %swap3A_224], %swap3A_227 {strides = array<i32>} : memref<1x1x72x16xf32, #tpu.memory_space<vmem>>, vector<1x1x1x16xf32>,
    %mul3A_228 = arith.mulf %broadcast_in_dim3A_22, %sqrt3A : vector<128x16xf32>
    %reduce_sum3A_229 = arith.constant dense<0.000000e+00> : vector<16xf32>
    %reduce_sum3A_230 = vector.multi_reduction <add>, %mul3A_228, %reduce_sum3A_229 [0] : vector<128x16xf32> to vector<16xf32>
    %broadcast_in_dim3A_231 = vector.shape_cast %reduce_sum3A_230 : vector<16xf32> to vector<1x16xf32>
    %swap3A_232 = arith.constant 0 : index
    %swap3A_233 = arith.constant 0 : index
    %swap3A_234 = arith.constant 18 : index
    %swap3A_235 = arith.constant 0 : index
    %swap3A_236 = vector.load %arg6[%swap3A_232, %swap3A_233, %swap3A_234, %swap3A_235] : memref<1x1x72x16xf32, #tpu.memory_space<vmem>>, vector<1x1x1x16xf32>
    %swap3A_237 = vector.shape_cast %swap3A_236 : vector<1x1x1x16xf32> to vector<1x16xf32>
    %swap3A_238 = vector.shape_cast %broadcast_in_dim3A_231 : vector<1x16xf32> to vector<1x1x1x16xf32>
    tpu.vector_store %arg6[%swap3A_232, %swap3A_233, %swap3A_234, %swap3A_235], %swap3A_238 {strides = array<i32>} : memref<1x1x72x16xf32, #tpu.memory_space<vmem>>, vector<1x1x1x16xf32>,
    %mul3A_239 = arith.mulf %broadcast_in_dim3A_25, %broadcast_in_dim3A_25 : vector<128x16xf32>
    %reduce_sum3A_240 = arith.constant dense<0.000000e+00> : vector<16xf32>
    %reduce_sum3A_241 = vector.multi_reduction <add>, %mul3A_239, %reduce_sum3A_240 [0] : vector<128x16xf32> to vector<16xf32>
    %broadcast_in_dim3A_242 = vector.shape_cast %reduce_sum3A_241 : vector<16xf32> to vector<1x16xf32>
    %swap3A_243 = arith.constant 0 : index
    %swap3A_244 = arith.constant 0 : index
    %swap3A_245 = arith.constant 19 : index
    %swap3A_246 = arith.constant 0 : index
    %swap3A_247 = vector.load %arg6[%swap3A_243, %swap3A_244, %swap3A_245, %swap3A_246] : memref<1x1x72x16xf32, #tpu.memory_space<vmem>>, vector<1x1x1x16xf32>
    %swap3A_248 = vector.shape_cast %swap3A_247 : vector<1x1x1x16xf32> to vector<1x16xf32>
    %swap3A_249 = vector.shape_cast %broadcast_in_dim3A_242 : vector<1x16xf32> to vector<1x1x1x16xf32>
    tpu.vector_store %arg6[%swap3A_243, %swap3A_244, %swap3A_245, %swap3A_246], %swap3A_249 {strides = array<i32>} : memref<1x1x72x16xf32, #tpu.memory_space<vmem>>, vector<1x1x1x16xf32>,
    %mul3A_250 = arith.mulf %broadcast_in_dim3A_25, %get3A_8 : vector<128x16xf32>
    %reduce_sum3A_251 = arith.constant dense<0.000000e+00> : vector<16xf32>
    %reduce_sum3A_252 = vector.multi_reduction <add>, %mul3A_250, %reduce_sum3A_251 [0] : vector<128x16xf32> to vector<16xf32>
    %broadcast_in_dim3A_253 = vector.shape_cast %reduce_sum3A_252 : vector<16xf32> to vector<1x16xf32>
    %swap3A_254 = arith.constant 0 : index
    %swap3A_255 = arith.constant 0 : index
    %swap3A_256 = arith.constant 20 : index
    %swap3A_257 = arith.constant 0 : index
    %swap3A_258 = vector.load %arg6[%swap3A_254, %swap3A_255, %swap3A_256, %swap3A_257] : memref<1x1x72x16xf32, #tpu.memory_space<vmem>>, vector<1x1x1x16xf32>
    %swap3A_259 = vector.shape_cast %swap3A_258 : vector<1x1x1x16xf32> to vector<1x16xf32>
    %swap3A_260 = vector.shape_cast %broadcast_in_dim3A_253 : vector<1x16xf32> to vector<1x1x1x16xf32>
    tpu.vector_store %arg6[%swap3A_254, %swap3A_255, %swap3A_256, %swap3A_257], %swap3A_260 {strides = array<i32>} : memref<1x1x72x16xf32, #tpu.memory_space<vmem>>, vector<1x1x1x16xf32>,
    %mul3A_261 = arith.mulf %broadcast_in_dim3A_25, %get3A_13 : vector<128x16xf32>
    %reduce_sum3A_262 = arith.constant dense<0.000000e+00> : vector<16xf32>
    %reduce_sum3A_263 = vector.multi_reduction <add>, %mul3A_261, %reduce_sum3A_262 [0] : vector<128x16xf32> to vector<16xf32>
    %broadcast_in_dim3A_264 = vector.shape_cast %reduce_sum3A_263 : vector<16xf32> to vector<1x16xf32>
    %swap3A_265 = arith.constant 0 : index
    %swap3A_266 = arith.constant 0 : index
    %swap3A_267 = arith.constant 21 : index
    %swap3A_268 = arith.constant 0 : index
    %swap3A_269 = vector.load %arg6[%swap3A_265, %swap3A_266, %swap3A_267, %swap3A_268] : memref<1x1x72x16xf32, #tpu.memory_space<vmem>>, vector<1x1x1x16xf32>
    %swap3A_270 = vector.shape_cast %swap3A_269 : vector<1x1x1x16xf32> to vector<1x16xf32>
    %swap3A_271 = vector.shape_cast %broadcast_in_dim3A_264 : vector<1x16xf32> to vector<1x1x1x16xf32>
    tpu.vector_store %arg6[%swap3A_265, %swap3A_266, %swap3A_267, %swap3A_268], %swap3A_271 {strides = array<i32>} : memref<1x1x72x16xf32, #tpu.memory_space<vmem>>, vector<1x1x1x16xf32>,
    %mul3A_272 = arith.mulf %broadcast_in_dim3A_25, %get3A_18 : vector<128x16xf32>
    %reduce_sum3A_273 = arith.constant dense<0.000000e+00> : vector<16xf32>
    %reduce_sum3A_274 = vector.multi_reduction <add>, %mul3A_272, %reduce_sum3A_273 [0] : vector<128x16xf32> to vector<16xf32>
    %broadcast_in_dim3A_275 = vector.shape_cast %reduce_sum3A_274 : vector<16xf32> to vector<1x16xf32>
    %swap3A_276 = arith.constant 0 : index
    %swap3A_277 = arith.constant 0 : index
    %swap3A_278 = arith.constant 22 : index
    %swap3A_279 = arith.constant 0 : index
    %swap3A_280 = vector.load %arg6[%swap3A_276, %swap3A_277, %swap3A_278, %swap3A_279] : memref<1x1x72x16xf32, #tpu.memory_space<vmem>>, vector<1x1x1x16xf32>
    %swap3A_281 = vector.shape_cast %swap3A_280 : vector<1x1x1x16xf32> to vector<1x16xf32>
    %swap3A_282 = vector.shape_cast %broadcast_in_dim3A_275 : vector<1x16xf32> to vector<1x1x1x16xf32>
    tpu.vector_store %arg6[%swap3A_276, %swap3A_277, %swap3A_278, %swap3A_279], %swap3A_282 {strides = array<i32>} : memref<1x1x72x16xf32, #tpu.memory_space<vmem>>, vector<1x1x1x16xf32>,
    %mul3A_283 = arith.mulf %broadcast_in_dim3A_25, %sub3A : vector<128x16xf32>
    %reduce_sum3A_284 = arith.constant dense<0.000000e+00> : vector<16xf32>
    %reduce_sum3A_285 = vector.multi_reduction <add>, %mul3A_283, %reduce_sum3A_284 [0] : vector<128x16xf32> to vector<16xf32>
    %broadcast_in_dim3A_286 = vector.shape_cast %reduce_sum3A_285 : vector<16xf32> to vector<1x16xf32>
    %swap3A_287 = arith.constant 0 : index
    %swap3A_288 = arith.constant 0 : index
    %swap3A_289 = arith.constant 23 : index
    %swap3A_290 = arith.constant 0 : index
    %swap3A_291 = vector.load %arg6[%swap3A_287, %swap3A_288, %swap3A_289, %swap3A_290] : memref<1x1x72x16xf32, #tpu.memory_space<vmem>>, vector<1x1x1x16xf32>
    %swap3A_292 = vector.shape_cast %swap3A_291 : vector<1x1x1x16xf32> to vector<1x16xf32>
    %swap3A_293 = vector.shape_cast %broadcast_in_dim3A_286 : vector<1x16xf32> to vector<1x1x1x16xf32>
    tpu.vector_store %arg6[%swap3A_287, %swap3A_288, %swap3A_289, %swap3A_290], %swap3A_293 {strides = array<i32>} : memref<1x1x72x16xf32, #tpu.memory_space<vmem>>, vector<1x1x1x16xf32>,
    %mul3A_294 = arith.mulf %broadcast_in_dim3A_25, %sub3A_26 : vector<128x16xf32>
    %reduce_sum3A_295 = arith.constant dense<0.000000e+00> : vector<16xf32>
    %reduce_sum3A_296 = vector.multi_reduction <add>, %mul3A_294, %reduce_sum3A_295 [0] : vector<128x16xf32> to vector<16xf32>
    %broadcast_in_dim3A_297 = vector.shape_cast %reduce_sum3A_296 : vector<16xf32> to vector<1x16xf32>
    %swap3A_298 = arith.constant 0 : index
    %swap3A_299 = arith.constant 0 : index
    %swap3A_300 = arith.constant 24 : index
    %swap3A_301 = arith.constant 0 : index
    %swap3A_302 = vector.load %arg6[%swap3A_298, %swap3A_299, %swap3A_300, %swap3A_301] : memref<1x1x72x16xf32, #tpu.memory_space<vmem>>, vector<1x1x1x16xf32>
    %swap3A_303 = vector.shape_cast %swap3A_302 : vector<1x1x1x16xf32> to vector<1x16xf32>
    %swap3A_304 = vector.shape_cast %broadcast_in_dim3A_297 : vector<1x16xf32> to vector<1x1x1x16xf32>
    tpu.vector_store %arg6[%swap3A_298, %swap3A_299, %swap3A_300, %swap3A_301], %swap3A_304 {strides = array<i32>} : memref<1x1x72x16xf32, #tpu.memory_space<vmem>>, vector<1x1x1x16xf32>,
    %mul3A_305 = arith.mulf %broadcast_in_dim3A_25, %sub3A_27 : vector<128x16xf32>
    %reduce_sum3A_306 = arith.constant dense<0.000000e+00> : vector<16xf32>
    %reduce_sum3A_307 = vector.multi_reduction <add>, %mul3A_305, %reduce_sum3A_306 [0] : vector<128x16xf32> to vector<16xf32>
    %broadcast_in_dim3A_308 = vector.shape_cast %reduce_sum3A_307 : vector<16xf32> to vector<1x16xf32>
    %swap3A_309 = arith.constant 0 : index
    %swap3A_310 = arith.constant 0 : index
    %swap3A_311 = arith.constant 25 : index
    %swap3A_312 = arith.constant 0 : index
    %swap3A_313 = vector.load %arg6[%swap3A_309, %swap3A_310, %swap3A_311, %swap3A_312] : memref<1x1x72x16xf32, #tpu.memory_space<vmem>>, vector<1x1x1x16xf32>
    %swap3A_314 = vector.shape_cast %swap3A_313 : vector<1x1x1x16xf32> to vector<1x16xf32>
    %swap3A_315 = vector.shape_cast %broadcast_in_dim3A_308 : vector<1x16xf32> to vector<1x1x1x16xf32>
    tpu.vector_store %arg6[%swap3A_309, %swap3A_310, %swap3A_311, %swap3A_312], %swap3A_315 {strides = array<i32>} : memref<1x1x72x16xf32, #tpu.memory_space<vmem>>, vector<1x1x1x16xf32>,
    %mul3A_316 = arith.mulf %broadcast_in_dim3A_25, %sqrt3A : vector<128x16xf32>
    %reduce_sum3A_317 = arith.constant dense<0.000000e+00> : vector<16xf32>
    %reduce_sum3A_318 = vector.multi_reduction <add>, %mul3A_316, %reduce_sum3A_317 [0] : vector<128x16xf32> to vector<16xf32>
    %broadcast_in_dim3A_319 = vector.shape_cast %reduce_sum3A_318 : vector<16xf32> to vector<1x16xf32>
    %swap3A_320 = arith.constant 0 : index
    %swap3A_321 = arith.constant 0 : index
    %swap3A_322 = arith.constant 26 : index
    %swap3A_323 = arith.constant 0 : index
    %swap3A_324 = vector.load %arg6[%swap3A_320, %swap3A_321, %swap3A_322, %swap3A_323] : memref<1x1x72x16xf32, #tpu.memory_space<vmem>>, vector<1x1x1x16xf32>
    %swap3A_325 = vector.shape_cast %swap3A_324 : vector<1x1x1x16xf32> to vector<1x16xf32>
    %swap3A_326 = vector.shape_cast %broadcast_in_dim3A_319 : vector<1x16xf32> to vector<1x1x1x16xf32>
    tpu.vector_store %arg6[%swap3A_320, %swap3A_321, %swap3A_322, %swap3A_323], %swap3A_326 {strides = array<i32>} : memref<1x1x72x16xf32, #tpu.memory_space<vmem>>, vector<1x1x1x16xf32>,
    %mul3A_327 = arith.mulf %get3A_8, %get3A_8 : vector<128x16xf32>
    %reduce_sum3A_328 = arith.constant dense<0.000000e+00> : vector<16xf32>
    %reduce_sum3A_329 = vector.multi_reduction <add>, %mul3A_327, %reduce_sum3A_328 [0] : vector<128x16xf32> to vector<16xf32>
    %broadcast_in_dim3A_330 = vector.shape_cast %reduce_sum3A_329 : vector<16xf32> to vector<1x16xf32>
    %swap3A_331 = arith.constant 0 : index
    %swap3A_332 = arith.constant 0 : index
    %swap3A_333 = arith.constant 27 : index
    %swap3A_334 = arith.constant 0 : index
    %swap3A_335 = vector.load %arg6[%swap3A_331, %swap3A_332, %swap3A_333, %swap3A_334] : memref<1x1x72x16xf32, #tpu.memory_space<vmem>>, vector<1x1x1x16xf32>
    %swap3A_336 = vector.shape_cast %swap3A_335 : vector<1x1x1x16xf32> to vector<1x16xf32>
    %swap3A_337 = vector.shape_cast %broadcast_in_dim3A_330 : vector<1x16xf32> to vector<1x1x1x16xf32>
    tpu.vector_store %arg6[%swap3A_331, %swap3A_332, %swap3A_333, %swap3A_334], %swap3A_337 {strides = array<i32>} : memref<1x1x72x16xf32, #tpu.memory_space<vmem>>, vector<1x1x1x16xf32>,
    %mul3A_338 = arith.mulf %get3A_8, %get3A_13 : vector<128x16xf32>
    %reduce_sum3A_339 = arith.constant dense<0.000000e+00> : vector<16xf32>
    %reduce_sum3A_340 = vector.multi_reduction <add>, %mul3A_338, %reduce_sum3A_339 [0] : vector<128x16xf32> to vector<16xf32>
    %broadcast_in_dim3A_341 = vector.shape_cast %reduce_sum3A_340 : vector<16xf32> to vector<1x16xf32>
    %swap3A_342 = arith.constant 0 : index
    %swap3A_343 = arith.constant 0 : index
    %swap3A_344 = arith.constant 28 : index
    %swap3A_345 = arith.constant 0 : index
    %swap3A_346 = vector.load %arg6[%swap3A_342, %swap3A_343, %swap3A_344, %swap3A_345] : memref<1x1x72x16xf32, #tpu.memory_space<vmem>>, vector<1x1x1x16xf32>
    %swap3A_347 = vector.shape_cast %swap3A_346 : vector<1x1x1x16xf32> to vector<1x16xf32>
    %swap3A_348 = vector.shape_cast %broadcast_in_dim3A_341 : vector<1x16xf32> to vector<1x1x1x16xf32>
    tpu.vector_store %arg6[%swap3A_342, %swap3A_343, %swap3A_344, %swap3A_345], %swap3A_348 {strides = array<i32>} : memref<1x1x72x16xf32, #tpu.memory_space<vmem>>, vector<1x1x1x16xf32>,
    %mul3A_349 = arith.mulf %get3A_8, %get3A_18 : vector<128x16xf32>
    %reduce_sum3A_350 = arith.constant dense<0.000000e+00> : vector<16xf32>
    %reduce_sum3A_351 = vector.multi_reduction <add>, %mul3A_349, %reduce_sum3A_350 [0] : vector<128x16xf32> to vector<16xf32>
    %broadcast_in_dim3A_352 = vector.shape_cast %reduce_sum3A_351 : vector<16xf32> to vector<1x16xf32>
    %swap3A_353 = arith.constant 0 : index
    %swap3A_354 = arith.constant 0 : index
    %swap3A_355 = arith.constant 29 : index
    %swap3A_356 = arith.constant 0 : index
    %swap3A_357 = vector.load %arg6[%swap3A_353, %swap3A_354, %swap3A_355, %swap3A_356] : memref<1x1x72x16xf32, #tpu.memory_space<vmem>>, vector<1x1x1x16xf32>
    %swap3A_358 = vector.shape_cast %swap3A_357 : vector<1x1x1x16xf32> to vector<1x16xf32>
    %swap3A_359 = vector.shape_cast %broadcast_in_dim3A_352 : vector<1x16xf32> to vector<1x1x1x16xf32>
    tpu.vector_store %arg6[%swap3A_353, %swap3A_354, %swap3A_355, %swap3A_356], %swap3A_359 {strides = array<i32>} : memref<1x1x72x16xf32, #tpu.memory_space<vmem>>, vector<1x1x1x16xf32>,
    %mul3A_360 = arith.mulf %get3A_8, %sub3A : vector<128x16xf32>
    %reduce_sum3A_361 = arith.constant dense<0.000000e+00> : vector<16xf32>
    %reduce_sum3A_362 = vector.multi_reduction <add>, %mul3A_360, %reduce_sum3A_361 [0] : vector<128x16xf32> to vector<16xf32>
    %broadcast_in_dim3A_363 = vector.shape_cast %reduce_sum3A_362 : vector<16xf32> to vector<1x16xf32>
    %swap3A_364 = arith.constant 0 : index
    %swap3A_365 = arith.constant 0 : index
    %swap3A_366 = arith.constant 30 : index
    %swap3A_367 = arith.constant 0 : index
    %swap3A_368 = vector.load %arg6[%swap3A_364, %swap3A_365, %swap3A_366, %swap3A_367] : memref<1x1x72x16xf32, #tpu.memory_space<vmem>>, vector<1x1x1x16xf32>
    %swap3A_369 = vector.shape_cast %swap3A_368 : vector<1x1x1x16xf32> to vector<1x16xf32>
    %swap3A_370 = vector.shape_cast %broadcast_in_dim3A_363 : vector<1x16xf32> to vector<1x1x1x16xf32>
    tpu.vector_store %arg6[%swap3A_364, %swap3A_365, %swap3A_366, %swap3A_367], %swap3A_370 {strides = array<i32>} : memref<1x1x72x16xf32, #tpu.memory_space<vmem>>, vector<1x1x1x16xf32>,
    %mul3A_371 = arith.mulf %get3A_8, %sub3A_26 : vector<128x16xf32>
    %reduce_sum3A_372 = arith.constant dense<0.000000e+00> : vector<16xf32>
    %reduce_sum3A_373 = vector.multi_reduction <add>, %mul3A_371, %reduce_sum3A_372 [0] : vector<128x16xf32> to vector<16xf32>
    %broadcast_in_dim3A_374 = vector.shape_cast %reduce_sum3A_373 : vector<16xf32> to vector<1x16xf32>
    %swap3A_375 = arith.constant 0 : index
    %swap3A_376 = arith.constant 0 : index
    %swap3A_377 = arith.constant 31 : index
    %swap3A_378 = arith.constant 0 : index
    %swap3A_379 = vector.load %arg6[%swap3A_375, %swap3A_376, %swap3A_377, %swap3A_378] : memref<1x1x72x16xf32, #tpu.memory_space<vmem>>, vector<1x1x1x16xf32>
    %swap3A_380 = vector.shape_cast %swap3A_379 : vector<1x1x1x16xf32> to vector<1x16xf32>
    %swap3A_381 = vector.shape_cast %broadcast_in_dim3A_374 : vector<1x16xf32> to vector<1x1x1x16xf32>
    tpu.vector_store %arg6[%swap3A_375, %swap3A_376, %swap3A_377, %swap3A_378], %swap3A_381 {strides = array<i32>} : memref<1x1x72x16xf32, #tpu.memory_space<vmem>>, vector<1x1x1x16xf32>,
    %mul3A_382 = arith.mulf %get3A_8, %sub3A_27 : vector<128x16xf32>
    %reduce_sum3A_383 = arith.constant dense<0.000000e+00> : vector<16xf32>
    %reduce_sum3A_384 = vector.multi_reduction <add>, %mul3A_382, %reduce_sum3A_383 [0] : vector<128x16xf32> to vector<16xf32>
    %broadcast_in_dim3A_385 = vector.shape_cast %reduce_sum3A_384 : vector<16xf32> to vector<1x16xf32>
    %swap3A_386 = arith.constant 0 : index
    %swap3A_387 = arith.constant 0 : index
    %swap3A_388 = arith.constant 32 : index
    %swap3A_389 = arith.constant 0 : index
    %swap3A_390 = vector.load %arg6[%swap3A_386, %swap3A_387, %swap3A_388, %swap3A_389] : memref<1x1x72x16xf32, #tpu.memory_space<vmem>>, vector<1x1x1x16xf32>
    %swap3A_391 = vector.shape_cast %swap3A_390 : vector<1x1x1x16xf32> to vector<1x16xf32>
    %swap3A_392 = vector.shape_cast %broadcast_in_dim3A_385 : vector<1x16xf32> to vector<1x1x1x16xf32>
    tpu.vector_store %arg6[%swap3A_386, %swap3A_387, %swap3A_388, %swap3A_389], %swap3A_392 {strides = array<i32>} : memref<1x1x72x16xf32, #tpu.memory_space<vmem>>, vector<1x1x1x16xf32>,
    %mul3A_393 = arith.mulf %get3A_8, %sqrt3A : vector<128x16xf32>
    %reduce_sum3A_394 = arith.constant dense<0.000000e+00> : vector<16xf32>
    %reduce_sum3A_395 = vector.multi_reduction <add>, %mul3A_393, %reduce_sum3A_394 [0] : vector<128x16xf32> to vector<16xf32>
    %broadcast_in_dim3A_396 = vector.shape_cast %reduce_sum3A_395 : vector<16xf32> to vector<1x16xf32>
    %swap3A_397 = arith.constant 0 : index
    %swap3A_398 = arith.constant 0 : index
    %swap3A_399 = arith.constant 33 : index
    %swap3A_400 = arith.constant 0 : index
    %swap3A_401 = vector.load %arg6[%swap3A_397, %swap3A_398, %swap3A_399, %swap3A_400] : memref<1x1x72x16xf32, #tpu.memory_space<vmem>>, vector<1x1x1x16xf32>
    %swap3A_402 = vector.shape_cast %swap3A_401 : vector<1x1x1x16xf32> to vector<1x16xf32>
    %swap3A_403 = vector.shape_cast %broadcast_in_dim3A_396 : vector<1x16xf32> to vector<1x1x1x16xf32>
    tpu.vector_store %arg6[%swap3A_397, %swap3A_398, %swap3A_399, %swap3A_400], %swap3A_403 {strides = array<i32>} : memref<1x1x72x16xf32, #tpu.memory_space<vmem>>, vector<1x1x1x16xf32>,
    %mul3A_404 = arith.mulf %get3A_13, %get3A_13 : vector<128x16xf32>
    %reduce_sum3A_405 = arith.constant dense<0.000000e+00> : vector<16xf32>
    %reduce_sum3A_406 = vector.multi_reduction <add>, %mul3A_404, %reduce_sum3A_405 [0] : vector<128x16xf32> to vector<16xf32>
    %broadcast_in_dim3A_407 = vector.shape_cast %reduce_sum3A_406 : vector<16xf32> to vector<1x16xf32>
    %swap3A_408 = arith.constant 0 : index
    %swap3A_409 = arith.constant 0 : index
    %swap3A_410 = arith.constant 34 : index
    %swap3A_411 = arith.constant 0 : index
    %swap3A_412 = vector.load %arg6[%swap3A_408, %swap3A_409, %swap3A_410, %swap3A_411] : memref<1x1x72x16xf32, #tpu.memory_space<vmem>>, vector<1x1x1x16xf32>
    %swap3A_413 = vector.shape_cast %swap3A_412 : vector<1x1x1x16xf32> to vector<1x16xf32>
    %swap3A_414 = vector.shape_cast %broadcast_in_dim3A_407 : vector<1x16xf32> to vector<1x1x1x16xf32>
    tpu.vector_store %arg6[%swap3A_408, %swap3A_409, %swap3A_410, %swap3A_411], %swap3A_414 {strides = array<i32>} : memref<1x1x72x16xf32, #tpu.memory_space<vmem>>, vector<1x1x1x16xf32>,
    %mul3A_415 = arith.mulf %get3A_13, %get3A_18 : vector<128x16xf32>
    %reduce_sum3A_416 = arith.constant dense<0.000000e+00> : vector<16xf32>
    %reduce_sum3A_417 = vector.multi_reduction <add>, %mul3A_415, %reduce_sum3A_416 [0] : vector<128x16xf32> to vector<16xf32>
    %broadcast_in_dim3A_418 = vector.shape_cast %reduce_sum3A_417 : vector<16xf32> to vector<1x16xf32>
    %swap3A_419 = arith.constant 0 : index
    %swap3A_420 = arith.constant 0 : index
    %swap3A_421 = arith.constant 35 : index
    %swap3A_422 = arith.constant 0 : index
    %swap3A_423 = vector.load %arg6[%swap3A_419, %swap3A_420, %swap3A_421, %swap3A_422] : memref<1x1x72x16xf32, #tpu.memory_space<vmem>>, vector<1x1x1x16xf32>
    %swap3A_424 = vector.shape_cast %swap3A_423 : vector<1x1x1x16xf32> to vector<1x16xf32>
    %swap3A_425 = vector.shape_cast %broadcast_in_dim3A_418 : vector<1x16xf32> to vector<1x1x1x16xf32>
    tpu.vector_store %arg6[%swap3A_419, %swap3A_420, %swap3A_421, %swap3A_422], %swap3A_425 {strides = array<i32>} : memref<1x1x72x16xf32, #tpu.memory_space<vmem>>, vector<1x1x1x16xf32>,
    %mul3A_426 = arith.mulf %get3A_13, %sub3A : vector<128x16xf32>
    %reduce_sum3A_427 = arith.constant dense<0.000000e+00> : vector<16xf32>
    %reduce_sum3A_428 = vector.multi_reduction <add>, %mul3A_426, %reduce_sum3A_427 [0] : vector<128x16xf32> to vector<16xf32>
    %broadcast_in_dim3A_429 = vector.shape_cast %reduce_sum3A_428 : vector<16xf32> to vector<1x16xf32>
    %swap3A_430 = arith.constant 0 : index
    %swap3A_431 = arith.constant 0 : index
    %swap3A_432 = arith.constant 36 : index
    %swap3A_433 = arith.constant 0 : index
    %swap3A_434 = vector.load %arg6[%swap3A_430, %swap3A_431, %swap3A_432, %swap3A_433] : memref<1x1x72x16xf32, #tpu.memory_space<vmem>>, vector<1x1x1x16xf32>
    %swap3A_435 = vector.shape_cast %swap3A_434 : vector<1x1x1x16xf32> to vector<1x16xf32>
    %swap3A_436 = vector.shape_cast %broadcast_in_dim3A_429 : vector<1x16xf32> to vector<1x1x1x16xf32>
    tpu.vector_store %arg6[%swap3A_430, %swap3A_431, %swap3A_432, %swap3A_433], %swap3A_436 {strides = array<i32>} : memref<1x1x72x16xf32, #tpu.memory_space<vmem>>, vector<1x1x1x16xf32>,
    %mul3A_437 = arith.mulf %get3A_13, %sub3A_26 : vector<128x16xf32>
    %reduce_sum3A_438 = arith.constant dense<0.000000e+00> : vector<16xf32>
    %reduce_sum3A_439 = vector.multi_reduction <add>, %mul3A_437, %reduce_sum3A_438 [0] : vector<128x16xf32> to vector<16xf32>
    %broadcast_in_dim3A_440 = vector.shape_cast %reduce_sum3A_439 : vector<16xf32> to vector<1x16xf32>
    %swap3A_441 = arith.constant 0 : index
    %swap3A_442 = arith.constant 0 : index
    %swap3A_443 = arith.constant 37 : index
    %swap3A_444 = arith.constant 0 : index
    %swap3A_445 = vector.load %arg6[%swap3A_441, %swap3A_442, %swap3A_443, %swap3A_444] : memref<1x1x72x16xf32, #tpu.memory_space<vmem>>, vector<1x1x1x16xf32>
    %swap3A_446 = vector.shape_cast %swap3A_445 : vector<1x1x1x16xf32> to vector<1x16xf32>
    %swap3A_447 = vector.shape_cast %broadcast_in_dim3A_440 : vector<1x16xf32> to vector<1x1x1x16xf32>
    tpu.vector_store %arg6[%swap3A_441, %swap3A_442, %swap3A_443, %swap3A_444], %swap3A_447 {strides = array<i32>} : memref<1x1x72x16xf32, #tpu.memory_space<vmem>>, vector<1x1x1x16xf32>,
    %mul3A_448 = arith.mulf %get3A_13, %sub3A_27 : vector<128x16xf32>
    %reduce_sum3A_449 = arith.constant dense<0.000000e+00> : vector<16xf32>
    %reduce_sum3A_450 = vector.multi_reduction <add>, %mul3A_448, %reduce_sum3A_449 [0] : vector<128x16xf32> to vector<16xf32>
    %broadcast_in_dim3A_451 = vector.shape_cast %reduce_sum3A_450 : vector<16xf32> to vector<1x16xf32>
    %swap3A_452 = arith.constant 0 : index
    %swap3A_453 = arith.constant 0 : index
    %swap3A_454 = arith.constant 38 : index
    %swap3A_455 = arith.constant 0 : index
    %swap3A_456 = vector.load %arg6[%swap3A_452, %swap3A_453, %swap3A_454, %swap3A_455] : memref<1x1x72x16xf32, #tpu.memory_space<vmem>>, vector<1x1x1x16xf32>
    %swap3A_457 = vector.shape_cast %swap3A_456 : vector<1x1x1x16xf32> to vector<1x16xf32>
    %swap3A_458 = vector.shape_cast %broadcast_in_dim3A_451 : vector<1x16xf32> to vector<1x1x1x16xf32>
    tpu.vector_store %arg6[%swap3A_452, %swap3A_453, %swap3A_454, %swap3A_455], %swap3A_458 {strides = array<i32>} : memref<1x1x72x16xf32, #tpu.memory_space<vmem>>, vector<1x1x1x16xf32>,
    %mul3A_459 = arith.mulf %get3A_13, %sqrt3A : vector<128x16xf32>
    %reduce_sum3A_460 = arith.constant dense<0.000000e+00> : vector<16xf32>
    %reduce_sum3A_461 = vector.multi_reduction <add>, %mul3A_459, %reduce_sum3A_460 [0] : vector<128x16xf32> to vector<16xf32>
    %broadcast_in_dim3A_462 = vector.shape_cast %reduce_sum3A_461 : vector<16xf32> to vector<1x16xf32>
    %swap3A_463 = arith.constant 0 : index
    %swap3A_464 = arith.constant 0 : index
    %swap3A_465 = arith.constant 39 : index
    %swap3A_466 = arith.constant 0 : index
    %swap3A_467 = vector.load %arg6[%swap3A_463, %swap3A_464, %swap3A_465, %swap3A_466] : memref<1x1x72x16xf32, #tpu.memory_space<vmem>>, vector<1x1x1x16xf32>
    %swap3A_468 = vector.shape_cast %swap3A_467 : vector<1x1x1x16xf32> to vector<1x16xf32>
    %swap3A_469 = vector.shape_cast %broadcast_in_dim3A_462 : vector<1x16xf32> to vector<1x1x1x16xf32>
    tpu.vector_store %arg6[%swap3A_463, %swap3A_464, %swap3A_465, %swap3A_466], %swap3A_469 {strides = array<i32>} : memref<1x1x72x16xf32, #tpu.memory_space<vmem>>, vector<1x1x1x16xf32>,
    %mul3A_470 = arith.mulf %get3A_18, %get3A_18 : vector<128x16xf32>
    %reduce_sum3A_471 = arith.constant dense<0.000000e+00> : vector<16xf32>
    %reduce_sum3A_472 = vector.multi_reduction <add>, %mul3A_470, %reduce_sum3A_471 [0] : vector<128x16xf32> to vector<16xf32>
    %broadcast_in_dim3A_473 = vector.shape_cast %reduce_sum3A_472 : vector<16xf32> to vector<1x16xf32>
    %swap3A_474 = arith.constant 0 : index
    %swap3A_475 = arith.constant 0 : index
    %swap3A_476 = arith.constant 40 : index
    %swap3A_477 = arith.constant 0 : index
    %swap3A_478 = vector.load %arg6[%swap3A_474, %swap3A_475, %swap3A_476, %swap3A_477] : memref<1x1x72x16xf32, #tpu.memory_space<vmem>>, vector<1x1x1x16xf32>
    %swap3A_479 = vector.shape_cast %swap3A_478 : vector<1x1x1x16xf32> to vector<1x16xf32>
    %swap3A_480 = vector.shape_cast %broadcast_in_dim3A_473 : vector<1x16xf32> to vector<1x1x1x16xf32>
    tpu.vector_store %arg6[%swap3A_474, %swap3A_475, %swap3A_476, %swap3A_477], %swap3A_480 {strides = array<i32>} : memref<1x1x72x16xf32, #tpu.memory_space<vmem>>, vector<1x1x1x16xf32>,
    %mul3A_481 = arith.mulf %get3A_18, %sub3A : vector<128x16xf32>
    %reduce_sum3A_482 = arith.constant dense<0.000000e+00> : vector<16xf32>
    %reduce_sum3A_483 = vector.multi_reduction <add>, %mul3A_481, %reduce_sum3A_482 [0] : vector<128x16xf32> to vector<16xf32>
    %broadcast_in_dim3A_484 = vector.shape_cast %reduce_sum3A_483 : vector<16xf32> to vector<1x16xf32>
    %swap3A_485 = arith.constant 0 : index
    %swap3A_486 = arith.constant 0 : index
    %swap3A_487 = arith.constant 41 : index
    %swap3A_488 = arith.constant 0 : index
    %swap3A_489 = vector.load %arg6[%swap3A_485, %swap3A_486, %swap3A_487, %swap3A_488] : memref<1x1x72x16xf32, #tpu.memory_space<vmem>>, vector<1x1x1x16xf32>
    %swap3A_490 = vector.shape_cast %swap3A_489 : vector<1x1x1x16xf32> to vector<1x16xf32>
    %swap3A_491 = vector.shape_cast %broadcast_in_dim3A_484 : vector<1x16xf32> to vector<1x1x1x16xf32>
    tpu.vector_store %arg6[%swap3A_485, %swap3A_486, %swap3A_487, %swap3A_488], %swap3A_491 {strides = array<i32>} : memref<1x1x72x16xf32, #tpu.memory_space<vmem>>, vector<1x1x1x16xf32>,
    %mul3A_492 = arith.mulf %get3A_18, %sub3A_26 : vector<128x16xf32>
    %reduce_sum3A_493 = arith.constant dense<0.000000e+00> : vector<16xf32>
    %reduce_sum3A_494 = vector.multi_reduction <add>, %mul3A_492, %reduce_sum3A_493 [0] : vector<128x16xf32> to vector<16xf32>
    %broadcast_in_dim3A_495 = vector.shape_cast %reduce_sum3A_494 : vector<16xf32> to vector<1x16xf32>
    %swap3A_496 = arith.constant 0 : index
    %swap3A_497 = arith.constant 0 : index
    %swap3A_498 = arith.constant 42 : index
    %swap3A_499 = arith.constant 0 : index
    %swap3A_500 = vector.load %arg6[%swap3A_496, %swap3A_497, %swap3A_498, %swap3A_499] : memref<1x1x72x16xf32, #tpu.memory_space<vmem>>, vector<1x1x1x16xf32>
    %swap3A_501 = vector.shape_cast %swap3A_500 : vector<1x1x1x16xf32> to vector<1x16xf32>
    %swap3A_502 = vector.shape_cast %broadcast_in_dim3A_495 : vector<1x16xf32> to vector<1x1x1x16xf32>
    tpu.vector_store %arg6[%swap3A_496, %swap3A_497, %swap3A_498, %swap3A_499], %swap3A_502 {strides = array<i32>} : memref<1x1x72x16xf32, #tpu.memory_space<vmem>>, vector<1x1x1x16xf32>,
    %mul3A_503 = arith.mulf %get3A_18, %sub3A_27 : vector<128x16xf32>
    %reduce_sum3A_504 = arith.constant dense<0.000000e+00> : vector<16xf32>
    %reduce_sum3A_505 = vector.multi_reduction <add>, %mul3A_503, %reduce_sum3A_504 [0] : vector<128x16xf32> to vector<16xf32>
    %broadcast_in_dim3A_506 = vector.shape_cast %reduce_sum3A_505 : vector<16xf32> to vector<1x16xf32>
    %swap3A_507 = arith.constant 0 : index
    %swap3A_508 = arith.constant 0 : index
    %swap3A_509 = arith.constant 43 : index
    %swap3A_510 = arith.constant 0 : index
    %swap3A_511 = vector.load %arg6[%swap3A_507, %swap3A_508, %swap3A_509, %swap3A_510] : memref<1x1x72x16xf32, #tpu.memory_space<vmem>>, vector<1x1x1x16xf32>
    %swap3A_512 = vector.shape_cast %swap3A_511 : vector<1x1x1x16xf32> to vector<1x16xf32>
    %swap3A_513 = vector.shape_cast %broadcast_in_dim3A_506 : vector<1x16xf32> to vector<1x1x1x16xf32>
    tpu.vector_store %arg6[%swap3A_507, %swap3A_508, %swap3A_509, %swap3A_510], %swap3A_513 {strides = array<i32>} : memref<1x1x72x16xf32, #tpu.memory_space<vmem>>, vector<1x1x1x16xf32>,
    %mul3A_514 = arith.mulf %get3A_18, %sqrt3A : vector<128x16xf32>
    %reduce_sum3A_515 = arith.constant dense<0.000000e+00> : vector<16xf32>
    %reduce_sum3A_516 = vector.multi_reduction <add>, %mul3A_514, %reduce_sum3A_515 [0] : vector<128x16xf32> to vector<16xf32>
    %broadcast_in_dim3A_517 = vector.shape_cast %reduce_sum3A_516 : vector<16xf32> to vector<1x16xf32>
    %swap3A_518 = arith.constant 0 : index
    %swap3A_519 = arith.constant 0 : index
    %swap3A_520 = arith.constant 44 : index
    %swap3A_521 = arith.constant 0 : index
    %swap3A_522 = vector.load %arg6[%swap3A_518, %swap3A_519, %swap3A_520, %swap3A_521] : memref<1x1x72x16xf32, #tpu.memory_space<vmem>>, vector<1x1x1x16xf32>
    %swap3A_523 = vector.shape_cast %swap3A_522 : vector<1x1x1x16xf32> to vector<1x16xf32>
    %swap3A_524 = vector.shape_cast %broadcast_in_dim3A_517 : vector<1x16xf32> to vector<1x1x1x16xf32>
    tpu.vector_store %arg6[%swap3A_518, %swap3A_519, %swap3A_520, %swap3A_521], %swap3A_524 {strides = array<i32>} : memref<1x1x72x16xf32, #tpu.memory_space<vmem>>, vector<1x1x1x16xf32>,
    %mul3A_525 = arith.mulf %sub3A, %sub3A : vector<128x16xf32>
    %reduce_sum3A_526 = arith.constant dense<0.000000e+00> : vector<16xf32>
    %reduce_sum3A_527 = vector.multi_reduction <add>, %mul3A_525, %reduce_sum3A_526 [0] : vector<128x16xf32> to vector<16xf32>
    %broadcast_in_dim3A_528 = vector.shape_cast %reduce_sum3A_527 : vector<16xf32> to vector<1x16xf32>
    %swap3A_529 = arith.constant 0 : index
    %swap3A_530 = arith.constant 0 : index
    %swap3A_531 = arith.constant 45 : index
    %swap3A_532 = arith.constant 0 : index
    %swap3A_533 = vector.load %arg6[%swap3A_529, %swap3A_530, %swap3A_531, %swap3A_532] : memref<1x1x72x16xf32, #tpu.memory_space<vmem>>, vector<1x1x1x16xf32>
    %swap3A_534 = vector.shape_cast %swap3A_533 : vector<1x1x1x16xf32> to vector<1x16xf32>
    %swap3A_535 = vector.shape_cast %broadcast_in_dim3A_528 : vector<1x16xf32> to vector<1x1x1x16xf32>
    tpu.vector_store %arg6[%swap3A_529, %swap3A_530, %swap3A_531, %swap3A_532], %swap3A_535 {strides = array<i32>} : memref<1x1x72x16xf32, #tpu.memory_space<vmem>>, vector<1x1x1x16xf32>,
    %mul3A_536 = arith.mulf %sub3A, %sub3A_26 : vector<128x16xf32>
    %reduce_sum3A_537 = arith.constant dense<0.000000e+00> : vector<16xf32>
    %reduce_sum3A_538 = vector.multi_reduction <add>, %mul3A_536, %reduce_sum3A_537 [0] : vector<128x16xf32> to vector<16xf32>
    %broadcast_in_dim3A_539 = vector.shape_cast %reduce_sum3A_538 : vector<16xf32> to vector<1x16xf32>
    %swap3A_540 = arith.constant 0 : index
    %swap3A_541 = arith.constant 0 : index
    %swap3A_542 = arith.constant 46 : index
    %swap3A_543 = arith.constant 0 : index
    %swap3A_544 = vector.load %arg6[%swap3A_540, %swap3A_541, %swap3A_542, %swap3A_543] : memref<1x1x72x16xf32, #tpu.memory_space<vmem>>, vector<1x1x1x16xf32>
    %swap3A_545 = vector.shape_cast %swap3A_544 : vector<1x1x1x16xf32> to vector<1x16xf32>
    %swap3A_546 = vector.shape_cast %broadcast_in_dim3A_539 : vector<1x16xf32> to vector<1x1x1x16xf32>
    tpu.vector_store %arg6[%swap3A_540, %swap3A_541, %swap3A_542, %swap3A_543], %swap3A_546 {strides = array<i32>} : memref<1x1x72x16xf32, #tpu.memory_space<vmem>>, vector<1x1x1x16xf32>,
    %mul3A_547 = arith.mulf %sub3A, %sub3A_27 : vector<128x16xf32>
    %reduce_sum3A_548 = arith.constant dense<0.000000e+00> : vector<16xf32>
    %reduce_sum3A_549 = vector.multi_reduction <add>, %mul3A_547, %reduce_sum3A_548 [0] : vector<128x16xf32> to vector<16xf32>
    %broadcast_in_dim3A_550 = vector.shape_cast %reduce_sum3A_549 : vector<16xf32> to vector<1x16xf32>
    %swap3A_551 = arith.constant 0 : index
    %swap3A_552 = arith.constant 0 : index
    %swap3A_553 = arith.constant 47 : index
    %swap3A_554 = arith.constant 0 : index
    %swap3A_555 = vector.load %arg6[%swap3A_551, %swap3A_552, %swap3A_553, %swap3A_554] : memref<1x1x72x16xf32, #tpu.memory_space<vmem>>, vector<1x1x1x16xf32>
    %swap3A_556 = vector.shape_cast %swap3A_555 : vector<1x1x1x16xf32> to vector<1x16xf32>
    %swap3A_557 = vector.shape_cast %broadcast_in_dim3A_550 : vector<1x16xf32> to vector<1x1x1x16xf32>
    tpu.vector_store %arg6[%swap3A_551, %swap3A_552, %swap3A_553, %swap3A_554], %swap3A_557 {strides = array<i32>} : memref<1x1x72x16xf32, #tpu.memory_space<vmem>>, vector<1x1x1x16xf32>,
    %mul3A_558 = arith.mulf %sub3A, %sqrt3A : vector<128x16xf32>
    %reduce_sum3A_559 = arith.constant dense<0.000000e+00> : vector<16xf32>
    %reduce_sum3A_560 = vector.multi_reduction <add>, %mul3A_558, %reduce_sum3A_559 [0] : vector<128x16xf32> to vector<16xf32>
    %broadcast_in_dim3A_561 = vector.shape_cast %reduce_sum3A_560 : vector<16xf32> to vector<1x16xf32>
    %swap3A_562 = arith.constant 0 : index
    %swap3A_563 = arith.constant 0 : index
    %swap3A_564 = arith.constant 48 : index
    %swap3A_565 = arith.constant 0 : index
    %swap3A_566 = vector.load %arg6[%swap3A_562, %swap3A_563, %swap3A_564, %swap3A_565] : memref<1x1x72x16xf32, #tpu.memory_space<vmem>>, vector<1x1x1x16xf32>
    %swap3A_567 = vector.shape_cast %swap3A_566 : vector<1x1x1x16xf32> to vector<1x16xf32>
    %swap3A_568 = vector.shape_cast %broadcast_in_dim3A_561 : vector<1x16xf32> to vector<1x1x1x16xf32>
    tpu.vector_store %arg6[%swap3A_562, %swap3A_563, %swap3A_564, %swap3A_565], %swap3A_568 {strides = array<i32>} : memref<1x1x72x16xf32, #tpu.memory_space<vmem>>, vector<1x1x1x16xf32>,
    %mul3A_569 = arith.mulf %sub3A_26, %sub3A_26 : vector<128x16xf32>
    %reduce_sum3A_570 = arith.constant dense<0.000000e+00> : vector<16xf32>
    %reduce_sum3A_571 = vector.multi_reduction <add>, %mul3A_569, %reduce_sum3A_570 [0] : vector<128x16xf32> to vector<16xf32>
    %broadcast_in_dim3A_572 = vector.shape_cast %reduce_sum3A_571 : vector<16xf32> to vector<1x16xf32>
    %swap3A_573 = arith.constant 0 : index
    %swap3A_574 = arith.constant 0 : index
    %swap3A_575 = arith.constant 49 : index
    %swap3A_576 = arith.constant 0 : index
    %swap3A_577 = vector.load %arg6[%swap3A_573, %swap3A_574, %swap3A_575, %swap3A_576] : memref<1x1x72x16xf32, #tpu.memory_space<vmem>>, vector<1x1x1x16xf32>
    %swap3A_578 = vector.shape_cast %swap3A_577 : vector<1x1x1x16xf32> to vector<1x16xf32>
    %swap3A_579 = vector.shape_cast %broadcast_in_dim3A_572 : vector<1x16xf32> to vector<1x1x1x16xf32>
    tpu.vector_store %arg6[%swap3A_573, %swap3A_574, %swap3A_575, %swap3A_576], %swap3A_579 {strides = array<i32>} : memref<1x1x72x16xf32, #tpu.memory_space<vmem>>, vector<1x1x1x16xf32>,
    %mul3A_580 = arith.mulf %sub3A_26, %sub3A_27 : vector<128x16xf32>
    %reduce_sum3A_581 = arith.constant dense<0.000000e+00> : vector<16xf32>
    %reduce_sum3A_582 = vector.multi_reduction <add>, %mul3A_580, %reduce_sum3A_581 [0] : vector<128x16xf32> to vector<16xf32>
    %broadcast_in_dim3A_583 = vector.shape_cast %reduce_sum3A_582 : vector<16xf32> to vector<1x16xf32>
    %swap3A_584 = arith.constant 0 : index
    %swap3A_585 = arith.constant 0 : index
    %swap3A_586 = arith.constant 50 : index
    %swap3A_587 = arith.constant 0 : index
    %swap3A_588 = vector.load %arg6[%swap3A_584, %swap3A_585, %swap3A_586, %swap3A_587] : memref<1x1x72x16xf32, #tpu.memory_space<vmem>>, vector<1x1x1x16xf32>
    %swap3A_589 = vector.shape_cast %swap3A_588 : vector<1x1x1x16xf32> to vector<1x16xf32>
    %swap3A_590 = vector.shape_cast %broadcast_in_dim3A_583 : vector<1x16xf32> to vector<1x1x1x16xf32>
    tpu.vector_store %arg6[%swap3A_584, %swap3A_585, %swap3A_586, %swap3A_587], %swap3A_590 {strides = array<i32>} : memref<1x1x72x16xf32, #tpu.memory_space<vmem>>, vector<1x1x1x16xf32>,
    %mul3A_591 = arith.mulf %sub3A_26, %sqrt3A : vector<128x16xf32>
    %reduce_sum3A_592 = arith.constant dense<0.000000e+00> : vector<16xf32>
    %reduce_sum3A_593 = vector.multi_reduction <add>, %mul3A_591, %reduce_sum3A_592 [0] : vector<128x16xf32> to vector<16xf32>
    %broadcast_in_dim3A_594 = vector.shape_cast %reduce_sum3A_593 : vector<16xf32> to vector<1x16xf32>
    %swap3A_595 = arith.constant 0 : index
    %swap3A_596 = arith.constant 0 : index
    %swap3A_597 = arith.constant 51 : index
    %swap3A_598 = arith.constant 0 : index
    %swap3A_599 = vector.load %arg6[%swap3A_595, %swap3A_596, %swap3A_597, %swap3A_598] : memref<1x1x72x16xf32, #tpu.memory_space<vmem>>, vector<1x1x1x16xf32>
    %swap3A_600 = vector.shape_cast %swap3A_599 : vector<1x1x1x16xf32> to vector<1x16xf32>
    %swap3A_601 = vector.shape_cast %broadcast_in_dim3A_594 : vector<1x16xf32> to vector<1x1x1x16xf32>
    tpu.vector_store %arg6[%swap3A_595, %swap3A_596, %swap3A_597, %swap3A_598], %swap3A_601 {strides = array<i32>} : memref<1x1x72x16xf32, #tpu.memory_space<vmem>>, vector<1x1x1x16xf32>,
    %mul3A_602 = arith.mulf %sub3A_27, %sub3A_27 : vector<128x16xf32>
    %reduce_sum3A_603 = arith.constant dense<0.000000e+00> : vector<16xf32>
    %reduce_sum3A_604 = vector.multi_reduction <add>, %mul3A_602, %reduce_sum3A_603 [0] : vector<128x16xf32> to vector<16xf32>
    %broadcast_in_dim3A_605 = vector.shape_cast %reduce_sum3A_604 : vector<16xf32> to vector<1x16xf32>
    %swap3A_606 = arith.constant 0 : index
    %swap3A_607 = arith.constant 0 : index
    %swap3A_608 = arith.constant 52 : index
    %swap3A_609 = arith.constant 0 : index
    %swap3A_610 = vector.load %arg6[%swap3A_606, %swap3A_607, %swap3A_608, %swap3A_609] : memref<1x1x72x16xf32, #tpu.memory_space<vmem>>, vector<1x1x1x16xf32>
    %swap3A_611 = vector.shape_cast %swap3A_610 : vector<1x1x1x16xf32> to vector<1x16xf32>
    %swap3A_612 = vector.shape_cast %broadcast_in_dim3A_605 : vector<1x16xf32> to vector<1x1x1x16xf32>
    tpu.vector_store %arg6[%swap3A_606, %swap3A_607, %swap3A_608, %swap3A_609], %swap3A_612 {strides = array<i32>} : memref<1x1x72x16xf32, #tpu.memory_space<vmem>>, vector<1x1x1x16xf32>,
    %mul3A_613 = arith.mulf %sub3A_27, %sqrt3A : vector<128x16xf32>
    %reduce_sum3A_614 = arith.constant dense<0.000000e+00> : vector<16xf32>
    %reduce_sum3A_615 = vector.multi_reduction <add>, %mul3A_613, %reduce_sum3A_614 [0] : vector<128x16xf32> to vector<16xf32>
    %broadcast_in_dim3A_616 = vector.shape_cast %reduce_sum3A_615 : vector<16xf32> to vector<1x16xf32>
    %swap3A_617 = arith.constant 0 : index
    %swap3A_618 = arith.constant 0 : index
    %swap3A_619 = arith.constant 53 : index
    %swap3A_620 = arith.constant 0 : index
    %swap3A_621 = vector.load %arg6[%swap3A_617, %swap3A_618, %swap3A_619, %swap3A_620] : memref<1x1x72x16xf32, #tpu.memory_space<vmem>>, vector<1x1x1x16xf32>
    %swap3A_622 = vector.shape_cast %swap3A_621 : vector<1x1x1x16xf32> to vector<1x16xf32>
    %swap3A_623 = vector.shape_cast %broadcast_in_dim3A_616 : vector<1x16xf32> to vector<1x1x1x16xf32>
    tpu.vector_store %arg6[%swap3A_617, %swap3A_618, %swap3A_619, %swap3A_620], %swap3A_623 {strides = array<i32>} : memref<1x1x72x16xf32, #tpu.memory_space<vmem>>, vector<1x1x1x16xf32>,
    %mul3A_624 = arith.mulf %sqrt3A, %sqrt3A : vector<128x16xf32>
    %reduce_sum3A_625 = arith.constant dense<0.000000e+00> : vector<16xf32>
    %reduce_sum3A_626 = vector.multi_reduction <add>, %mul3A_624, %reduce_sum3A_625 [0] : vector<128x16xf32> to vector<16xf32>
    %broadcast_in_dim3A_627 = vector.shape_cast %reduce_sum3A_626 : vector<16xf32> to vector<1x16xf32>
    %swap3A_628 = arith.constant 0 : index
    %swap3A_629 = arith.constant 0 : index
    %swap3A_630 = arith.constant 54 : index
    %swap3A_631 = arith.constant 0 : index
    %swap3A_632 = vector.load %arg6[%swap3A_628, %swap3A_629, %swap3A_630, %swap3A_631] : memref<1x1x72x16xf32, #tpu.memory_space<vmem>>, vector<1x1x1x16xf32>
    %swap3A_633 = vector.shape_cast %swap3A_632 : vector<1x1x1x16xf32> to vector<1x16xf32>
    %swap3A_634 = vector.shape_cast %broadcast_in_dim3A_627 : vector<1x16xf32> to vector<1x1x1x16xf32>
    tpu.vector_store %arg6[%swap3A_628, %swap3A_629, %swap3A_630, %swap3A_631], %swap3A_634 {strides = array<i32>} : memref<1x1x72x16xf32, #tpu.memory_space<vmem>>, vector<1x1x1x16xf32>,
    %reduce_sum3A_635 = arith.constant dense<0.000000e+00> : vector<16xf32>
    %reduce_sum3A_636 = vector.multi_reduction <add>, %broadcast_in_dim3A_19, %reduce_sum3A_635 [0] : vector<128x16xf32> to vector<16xf32>
    %broadcast_in_dim3A_637 = vector.shape_cast %reduce_sum3A_636 : vector<16xf32> to vector<1x16xf32>
    %swap3A_638 = arith.constant 0 : index
    %swap3A_639 = arith.constant 0 : index
    %swap3A_640 = arith.constant 55 : index
    %swap3A_641 = arith.constant 0 : index
    %swap3A_642 = vector.load %arg6[%swap3A_638, %swap3A_639, %swap3A_640, %swap3A_641] : memref<1x1x72x16xf32, #tpu.memory_space<vmem>>, vector<1x1x1x16xf32>
    %swap3A_643 = vector.shape_cast %swap3A_642 : vector<1x1x1x16xf32> to vector<1x16xf32>
    %swap3A_644 = vector.shape_cast %broadcast_in_dim3A_637 : vector<1x16xf32> to vector<1x1x1x16xf32>
    tpu.vector_store %arg6[%swap3A_638, %swap3A_639, %swap3A_640, %swap3A_641], %swap3A_644 {strides = array<i32>} : memref<1x1x72x16xf32, #tpu.memory_space<vmem>>, vector<1x1x1x16xf32>,
    %reduce_sum3A_645 = arith.constant dense<0.000000e+00> : vector<16xf32>
    %reduce_sum3A_646 = vector.multi_reduction <add>, %broadcast_in_dim3A_22, %reduce_sum3A_645 [0] : vector<128x16xf32> to vector<16xf32>
    %broadcast_in_dim3A_647 = vector.shape_cast %reduce_sum3A_646 : vector<16xf32> to vector<1x16xf32>
    %swap3A_648 = arith.constant 0 : index
    %swap3A_649 = arith.constant 0 : index
    %swap3A_650 = arith.constant 56 : index
    %swap3A_651 = arith.constant 0 : index
    %swap3A_652 = vector.load %arg6[%swap3A_648, %swap3A_649, %swap3A_650, %swap3A_651] : memref<1x1x72x16xf32, #tpu.memory_space<vmem>>, vector<1x1x1x16xf32>
    %swap3A_653 = vector.shape_cast %swap3A_652 : vector<1x1x1x16xf32> to vector<1x16xf32>
    %swap3A_654 = vector.shape_cast %broadcast_in_dim3A_647 : vector<1x16xf32> to vector<1x1x1x16xf32>
    tpu.vector_store %arg6[%swap3A_648, %swap3A_649, %swap3A_650, %swap3A_651], %swap3A_654 {strides = array<i32>} : memref<1x1x72x16xf32, #tpu.memory_space<vmem>>, vector<1x1x1x16xf32>,
    %reduce_sum3A_655 = arith.constant dense<0.000000e+00> : vector<16xf32>
    %reduce_sum3A_656 = vector.multi_reduction <add>, %broadcast_in_dim3A_25, %reduce_sum3A_655 [0] : vector<128x16xf32> to vector<16xf32>
    %broadcast_in_dim3A_657 = vector.shape_cast %reduce_sum3A_656 : vector<16xf32> to vector<1x16xf32>
    %swap3A_658 = arith.constant 0 : index
    %swap3A_659 = arith.constant 0 : index
    %swap3A_660 = arith.constant 57 : index
    %swap3A_661 = arith.constant 0 : index
    %swap3A_662 = vector.load %arg6[%swap3A_658, %swap3A_659, %swap3A_660, %swap3A_661] : memref<1x1x72x16xf32, #tpu.memory_space<vmem>>, vector<1x1x1x16xf32>
    %swap3A_663 = vector.shape_cast %swap3A_662 : vector<1x1x1x16xf32> to vector<1x16xf32>
    %swap3A_664 = vector.shape_cast %broadcast_in_dim3A_657 : vector<1x16xf32> to vector<1x1x1x16xf32>
    tpu.vector_store %arg6[%swap3A_658, %swap3A_659, %swap3A_660, %swap3A_661], %swap3A_664 {strides = array<i32>} : memref<1x1x72x16xf32, #tpu.memory_space<vmem>>, vector<1x1x1x16xf32>,
    %reduce_sum3A_665 = arith.constant dense<0.000000e+00> : vector<16xf32>
    %reduce_sum3A_666 = vector.multi_reduction <add>, %get3A_8, %reduce_sum3A_665 [0] : vector<128x16xf32> to vector<16xf32>
    %broadcast_in_dim3A_667 = vector.shape_cast %reduce_sum3A_666 : vector<16xf32> to vector<1x16xf32>
    %swap3A_668 = arith.constant 0 : index
    %swap3A_669 = arith.constant 0 : index
    %swap3A_670 = arith.constant 58 : index
    %swap3A_671 = arith.constant 0 : index
    %swap3A_672 = vector.load %arg6[%swap3A_668, %swap3A_669, %swap3A_670, %swap3A_671] : memref<1x1x72x16xf32, #tpu.memory_space<vmem>>, vector<1x1x1x16xf32>
    %swap3A_673 = vector.shape_cast %swap3A_672 : vector<1x1x1x16xf32> to vector<1x16xf32>
    %swap3A_674 = vector.shape_cast %broadcast_in_dim3A_667 : vector<1x16xf32> to vector<1x1x1x16xf32>
    tpu.vector_store %arg6[%swap3A_668, %swap3A_669, %swap3A_670, %swap3A_671], %swap3A_674 {strides = array<i32>} : memref<1x1x72x16xf32, #tpu.memory_space<vmem>>, vector<1x1x1x16xf32>,
    %reduce_sum3A_675 = arith.constant dense<0.000000e+00> : vector<16xf32>
    %reduce_sum3A_676 = vector.multi_reduction <add>, %get3A_13, %reduce_sum3A_675 [0] : vector<128x16xf32> to vector<16xf32>
    %broadcast_in_dim3A_677 = vector.shape_cast %reduce_sum3A_676 : vector<16xf32> to vector<1x16xf32>
    %swap3A_678 = arith.constant 0 : index
    %swap3A_679 = arith.constant 0 : index
    %swap3A_680 = arith.constant 59 : index
    %swap3A_681 = arith.constant 0 : index
    %swap3A_682 = vector.load %arg6[%swap3A_678, %swap3A_679, %swap3A_680, %swap3A_681] : memref<1x1x72x16xf32, #tpu.memory_space<vmem>>, vector<1x1x1x16xf32>
    %swap3A_683 = vector.shape_cast %swap3A_682 : vector<1x1x1x16xf32> to vector<1x16xf32>
    %swap3A_684 = vector.shape_cast %broadcast_in_dim3A_677 : vector<1x16xf32> to vector<1x1x1x16xf32>
    tpu.vector_store %arg6[%swap3A_678, %swap3A_679, %swap3A_680, %swap3A_681], %swap3A_684 {strides = array<i32>} : memref<1x1x72x16xf32, #tpu.memory_space<vmem>>, vector<1x1x1x16xf32>,
    %reduce_sum3A_685 = arith.constant dense<0.000000e+00> : vector<16xf32>
    %reduce_sum3A_686 = vector.multi_reduction <add>, %get3A_18, %reduce_sum3A_685 [0] : vector<128x16xf32> to vector<16xf32>
    %broadcast_in_dim3A_687 = vector.shape_cast %reduce_sum3A_686 : vector<16xf32> to vector<1x16xf32>
    %swap3A_688 = arith.constant 0 : index
    %swap3A_689 = arith.constant 0 : index
    %swap3A_690 = arith.constant 60 : index
    %swap3A_691 = arith.constant 0 : index
    %swap3A_692 = vector.load %arg6[%swap3A_688, %swap3A_689, %swap3A_690, %swap3A_691] : memref<1x1x72x16xf32, #tpu.memory_space<vmem>>, vector<1x1x1x16xf32>
    %swap3A_693 = vector.shape_cast %swap3A_692 : vector<1x1x1x16xf32> to vector<1x16xf32>
    %swap3A_694 = vector.shape_cast %broadcast_in_dim3A_687 : vector<1x16xf32> to vector<1x1x1x16xf32>
    tpu.vector_store %arg6[%swap3A_688, %swap3A_689, %swap3A_690, %swap3A_691], %swap3A_694 {strides = array<i32>} : memref<1x1x72x16xf32, #tpu.memory_space<vmem>>, vector<1x1x1x16xf32>,
    %reduce_sum3A_695 = arith.constant dense<0.000000e+00> : vector<16xf32>
    %reduce_sum3A_696 = vector.multi_reduction <add>, %sub3A, %reduce_sum3A_695 [0] : vector<128x16xf32> to vector<16xf32>
    %broadcast_in_dim3A_697 = vector.shape_cast %reduce_sum3A_696 : vector<16xf32> to vector<1x16xf32>
    %swap3A_698 = arith.constant 0 : index
    %swap3A_699 = arith.constant 0 : index
    %swap3A_700 = arith.constant 61 : index
    %swap3A_701 = arith.constant 0 : index
    %swap3A_702 = vector.load %arg6[%swap3A_698, %swap3A_699, %swap3A_700, %swap3A_701] : memref<1x1x72x16xf32, #tpu.memory_space<vmem>>, vector<1x1x1x16xf32>
    %swap3A_703 = vector.shape_cast %swap3A_702 : vector<1x1x1x16xf32> to vector<1x16xf32>
    %swap3A_704 = vector.shape_cast %broadcast_in_dim3A_697 : vector<1x16xf32> to vector<1x1x1x16xf32>
    tpu.vector_store %arg6[%swap3A_698, %swap3A_699, %swap3A_700, %swap3A_701], %swap3A_704 {strides = array<i32>} : memref<1x1x72x16xf32, #tpu.memory_space<vmem>>, vector<1x1x1x16xf32>,
    %reduce_sum3A_705 = arith.constant dense<0.000000e+00> : vector<16xf32>
    %reduce_sum3A_706 = vector.multi_reduction <add>, %sub3A_26, %reduce_sum3A_705 [0] : vector<128x16xf32> to vector<16xf32>
    %broadcast_in_dim3A_707 = vector.shape_cast %reduce_sum3A_706 : vector<16xf32> to vector<1x16xf32>
    %swap3A_708 = arith.constant 0 : index
    %swap3A_709 = arith.constant 0 : index
    %swap3A_710 = arith.constant 62 : index
    %swap3A_711 = arith.constant 0 : index
    %swap3A_712 = vector.load %arg6[%swap3A_708, %swap3A_709, %swap3A_710, %swap3A_711] : memref<1x1x72x16xf32, #tpu.memory_space<vmem>>, vector<1x1x1x16xf32>
    %swap3A_713 = vector.shape_cast %swap3A_712 : vector<1x1x1x16xf32> to vector<1x16xf32>
    %swap3A_714 = vector.shape_cast %broadcast_in_dim3A_707 : vector<1x16xf32> to vector<1x1x1x16xf32>
    tpu.vector_store %arg6[%swap3A_708, %swap3A_709, %swap3A_710, %swap3A_711], %swap3A_714 {strides = array<i32>} : memref<1x1x72x16xf32, #tpu.memory_space<vmem>>, vector<1x1x1x16xf32>,
    %reduce_sum3A_715 = arith.constant dense<0.000000e+00> : vector<16xf32>
    %reduce_sum3A_716 = vector.multi_reduction <add>, %sub3A_27, %reduce_sum3A_715 [0] : vector<128x16xf32> to vector<16xf32>
    %broadcast_in_dim3A_717 = vector.shape_cast %reduce_sum3A_716 : vector<16xf32> to vector<1x16xf32>
    %swap3A_718 = arith.constant 0 : index
    %swap3A_719 = arith.constant 0 : index
    %swap3A_720 = arith.constant 63 : index
    %swap3A_721 = arith.constant 0 : index
    %swap3A_722 = vector.load %arg6[%swap3A_718, %swap3A_719, %swap3A_720, %swap3A_721] : memref<1x1x72x16xf32, #tpu.memory_space<vmem>>, vector<1x1x1x16xf32>
    %swap3A_723 = vector.shape_cast %swap3A_722 : vector<1x1x1x16xf32> to vector<1x16xf32>
    %swap3A_724 = vector.shape_cast %broadcast_in_dim3A_717 : vector<1x16xf32> to vector<1x1x1x16xf32>
    tpu.vector_store %arg6[%swap3A_718, %swap3A_719, %swap3A_720, %swap3A_721], %swap3A_724 {strides = array<i32>} : memref<1x1x72x16xf32, #tpu.memory_space<vmem>>, vector<1x1x1x16xf32>,
    %reduce_sum3A_725 = arith.constant dense<0.000000e+00> : vector<16xf32>
    %reduce_sum3A_726 = vector.multi_reduction <add>, %sqrt3A, %reduce_sum3A_725 [0] : vector<128x16xf32> to vector<16xf32>
    %broadcast_in_dim3A_727 = vector.shape_cast %reduce_sum3A_726 : vector<16xf32> to vector<1x16xf32>
    %swap3A_728 = arith.constant 0 : index
    %swap3A_729 = arith.constant 0 : index
    %swap3A_730 = arith.constant 64 : index
    %swap3A_731 = arith.constant 0 : index
    %swap3A_732 = vector.load %arg6[%swap3A_728, %swap3A_729, %swap3A_730, %swap3A_731] : memref<1x1x72x16xf32, #tpu.memory_space<vmem>>, vector<1x1x1x16xf32>
    %swap3A_733 = vector.shape_cast %swap3A_732 : vector<1x1x1x16xf32> to vector<1x16xf32>
    %swap3A_734 = vector.shape_cast %broadcast_in_dim3A_727 : vector<1x16xf32> to vector<1x1x1x16xf32>
    tpu.vector_store %arg6[%swap3A_728, %swap3A_729, %swap3A_730, %swap3A_731], %swap3A_734 {strides = array<i32>} : memref<1x1x72x16xf32, #tpu.memory_space<vmem>>, vector<1x1x1x16xf32>,
    %broadcast_in_dim3A_735 = arith.constant 0.000000e+00 : f32
    %broadcast_in_dim3A_736 = vector.broadcast %broadcast_in_dim3A_735 : f32 to vector<1x16xf32>
    %swap3A_737 = arith.constant 0 : index
    %swap3A_738 = arith.constant 0 : index
    %swap3A_739 = arith.constant 65 : index
    %swap3A_740 = arith.constant 0 : index
    %swap3A_741 = vector.load %arg6[%swap3A_737, %swap3A_738, %swap3A_739, %swap3A_740] : memref<1x1x72x16xf32, #tpu.memory_space<vmem>>, vector<1x1x1x16xf32>
    %swap3A_742 = vector.shape_cast %swap3A_741 : vector<1x1x1x16xf32> to vector<1x16xf32>
    %swap3A_743 = vector.shape_cast %broadcast_in_dim3A_736 : vector<1x16xf32> to vector<1x1x1x16xf32>
    tpu.vector_store %arg6[%swap3A_737, %swap3A_738, %swap3A_739, %swap3A_740], %swap3A_743 {strides = array<i32>} : memref<1x1x72x16xf32, #tpu.memory_space<vmem>>, vector<1x1x1x16xf32>,
    %broadcast_in_dim3A_744 = arith.constant 0.000000e+00 : f32
    %broadcast_in_dim3A_745 = vector.broadcast %broadcast_in_dim3A_744 : f32 to vector<1x16xf32>
    %swap3A_746 = arith.constant 0 : index
    %swap3A_747 = arith.constant 0 : index
    %swap3A_748 = arith.constant 66 : index
    %swap3A_749 = arith.constant 0 : index
    %swap3A_750 = vector.load %arg6[%swap3A_746, %swap3A_747, %swap3A_748, %swap3A_749] : memref<1x1x72x16xf32, #tpu.memory_space<vmem>>, vector<1x1x1x16xf32>
    %swap3A_751 = vector.shape_cast %swap3A_750 : vector<1x1x1x16xf32> to vector<1x16xf32>
    %swap3A_752 = vector.shape_cast %broadcast_in_dim3A_745 : vector<1x16xf32> to vector<1x1x1x16xf32>
    tpu.vector_store %arg6[%swap3A_746, %swap3A_747, %swap3A_748, %swap3A_749], %swap3A_752 {strides = array<i32>} : memref<1x1x72x16xf32, #tpu.memory_space<vmem>>, vector<1x1x1x16xf32>,
    %broadcast_in_dim3A_753 = arith.constant 0.000000e+00 : f32
    %broadcast_in_dim3A_754 = vector.broadcast %broadcast_in_dim3A_753 : f32 to vector<1x16xf32>
    %swap3A_755 = arith.constant 0 : index
    %swap3A_756 = arith.constant 0 : index
    %swap3A_757 = arith.constant 67 : index
    %swap3A_758 = arith.constant 0 : index
    %swap3A_759 = vector.load %arg6[%swap3A_755, %swap3A_756, %swap3A_757, %swap3A_758] : memref<1x1x72x16xf32, #tpu.memory_space<vmem>>, vector<1x1x1x16xf32>
    %swap3A_760 = vector.shape_cast %swap3A_759 : vector<1x1x1x16xf32> to vector<1x16xf32>
    %swap3A_761 = vector.shape_cast %broadcast_in_dim3A_754 : vector<1x16xf32> to vector<1x1x1x16xf32>
    tpu.vector_store %arg6[%swap3A_755, %swap3A_756, %swap3A_757, %swap3A_758], %swap3A_761 {strides = array<i32>} : memref<1x1x72x16xf32, #tpu.memory_space<vmem>>, vector<1x1x1x16xf32>,
    %broadcast_in_dim3A_762 = arith.constant 0.000000e+00 : f32
    %broadcast_in_dim3A_763 = vector.broadcast %broadcast_in_dim3A_762 : f32 to vector<1x16xf32>
    %swap3A_764 = arith.constant 0 : index
    %swap3A_765 = arith.constant 0 : index
    %swap3A_766 = arith.constant 68 : index
    %swap3A_767 = arith.constant 0 : index
    %swap3A_768 = vector.load %arg6[%swap3A_764, %swap3A_765, %swap3A_766, %swap3A_767] : memref<1x1x72x16xf32, #tpu.memory_space<vmem>>, vector<1x1x1x16xf32>
    %swap3A_769 = vector.shape_cast %swap3A_768 : vector<1x1x1x16xf32> to vector<1x16xf32>
    %swap3A_770 = vector.shape_cast %broadcast_in_dim3A_763 : vector<1x16xf32> to vector<1x1x1x16xf32>
    tpu.vector_store %arg6[%swap3A_764, %swap3A_765, %swap3A_766, %swap3A_767], %swap3A_770 {strides = array<i32>} : memref<1x1x72x16xf32, #tpu.memory_space<vmem>>, vector<1x1x1x16xf32>,
    %broadcast_in_dim3A_771 = arith.constant 0.000000e+00 : f32
    %broadcast_in_dim3A_772 = vector.broadcast %broadcast_in_dim3A_771 : f32 to vector<1x16xf32>
    %swap3A_773 = arith.constant 0 : index
    %swap3A_774 = arith.constant 0 : index
    %swap3A_775 = arith.constant 69 : index
    %swap3A_776 = arith.constant 0 : index
    %swap3A_777 = vector.load %arg6[%swap3A_773, %swap3A_774, %swap3A_775, %swap3A_776] : memref<1x1x72x16xf32, #tpu.memory_space<vmem>>, vector<1x1x1x16xf32>
    %swap3A_778 = vector.shape_cast %swap3A_777 : vector<1x1x1x16xf32> to vector<1x16xf32>
    %swap3A_779 = vector.shape_cast %broadcast_in_dim3A_772 : vector<1x16xf32> to vector<1x1x1x16xf32>
    tpu.vector_store %arg6[%swap3A_773, %swap3A_774, %swap3A_775, %swap3A_776], %swap3A_779 {strides = array<i32>} : memref<1x1x72x16xf32, #tpu.memory_space<vmem>>, vector<1x1x1x16xf32>,
    %broadcast_in_dim3A_780 = arith.constant 0.000000e+00 : f32
    %broadcast_in_dim3A_781 = vector.broadcast %broadcast_in_dim3A_780 : f32 to vector<1x16xf32>
    %swap3A_782 = arith.constant 0 : index
    %swap3A_783 = arith.constant 0 : index
    %swap3A_784 = arith.constant 70 : index
    %swap3A_785 = arith.constant 0 : index
    %swap3A_786 = vector.load %arg6[%swap3A_782, %swap3A_783, %swap3A_784, %swap3A_785] : memref<1x1x72x16xf32, #tpu.memory_space<vmem>>, vector<1x1x1x16xf32>
    %swap3A_787 = vector.shape_cast %swap3A_786 : vector<1x1x1x16xf32> to vector<1x16xf32>
    %swap3A_788 = vector.shape_cast %broadcast_in_dim3A_781 : vector<1x16xf32> to vector<1x1x1x16xf32>
    tpu.vector_store %arg6[%swap3A_782, %swap3A_783, %swap3A_784, %swap3A_785], %swap3A_788 {strides = array<i32>} : memref<1x1x72x16xf32, #tpu.memory_space<vmem>>, vector<1x1x1x16xf32>,
    %broadcast_in_dim3A_789 = arith.constant 0.000000e+00 : f32
    %broadcast_in_dim3A_790 = vector.broadcast %broadcast_in_dim3A_789 : f32 to vector<1x16xf32>
    %swap3A_791 = arith.constant 0 : index
    %swap3A_792 = arith.constant 0 : index
    %swap3A_793 = arith.constant 71 : index
    %swap3A_794 = arith.constant 0 : index
    %swap3A_795 = vector.load %arg6[%swap3A_791, %swap3A_792, %swap3A_793, %swap3A_794] : memref<1x1x72x16xf32, #tpu.memory_space<vmem>>, vector<1x1x1x16xf32>
    %swap3A_796 = vector.shape_cast %swap3A_795 : vector<1x1x1x16xf32> to vector<1x16xf32>
    %swap3A_797 = vector.shape_cast %broadcast_in_dim3A_790 : vector<1x16xf32> to vector<1x1x1x16xf32>
    tpu.vector_store %arg6[%swap3A_791, %swap3A_792, %swap3A_793, %swap3A_794], %swap3A_797 {strides = array<i32>} : memref<1x1x72x16xf32, #tpu.memory_space<vmem>>, vector<1x1x1x16xf32>,
    return
  }
  func.func @transform_0(%arg0: i32, %arg1: i32) -> (i32, i32, i32) {
    %c0_i32 = arith.constant 0 : i32
    %c0_i32_0 = arith.constant 0 : i32
    return %arg0, %arg1, %c0_i32 : i32, i32, i32
  }
  func.func @transform_1(%arg0: i32, %arg1: i32) -> (i32, i32, i32) {
    %c0_i32 = arith.constant 0 : i32
    %c0_i32_0 = arith.constant 0 : i32
    return %arg0, %arg1, %c0_i32 : i32, i32, i32
  }
  func.func @transform_2(%arg0: i32, %arg1: i32) -> (i32, i32, i32) {
    %c0_i32 = arith.constant 0 : i32
    %c0_i32_0 = arith.constant 0 : i32
    return %arg0, %arg1, %c0_i32 : i32, i32, i32
  }
  func.func @transform_3(%arg0: i32, %arg1: i32) -> (i32, i32, i32) {
    %c0_i32 = arith.constant 0 : i32
    %c0_i32_0 = arith.constant 0 : i32
    return %arg0, %arg1, %c0_i32 : i32, i32, i32
  }
  func.func @transform_4(%arg0: i32, %arg1: i32) -> (i32, i32, i32, i32) {
    %c0_i32 = arith.constant 0 : i32
    %c0_i32_0 = arith.constant 0 : i32
    %c0_i32_1 = arith.constant 0 : i32
    return %arg0, %arg1, %c0_i32, %c0_i32_0 : i32, i32, i32, i32
  }
}

module attributes {stable_mosaic.version = 14 : i64} {
  func.func @_encode_body(%arg0: i32, %arg1: i32, %arg2: memref<1x128x8xf32, #tpu.memory_space<vmem>>, %arg3: memref<1x128x16xf32, #tpu.memory_space<vmem>>, %arg4: memref<1x128x16xf32, #tpu.memory_space<vmem>>, %arg5: memref<1x128x16xf32, #tpu.memory_space<vmem>>, %arg6: memref<1x128x32xf32, #tpu.memory_space<vmem>>, %arg7: memref<32x10xf32, #tpu.memory_space<smem>>, %arg8: memref<32xf32, #tpu.memory_space<smem>>, %arg9: memref<1x64x128x16xf32, #tpu.memory_space<vmem>>) attributes {dimension_semantics = [#tpu.dimension_semantics<arbitrary>, #tpu.dimension_semantics<arbitrary>], iteration_bounds = array<i64: 2, 64>, scalar_prefetch = 0 : i64, scratch_operands = 0 : i64, tpu.core_type = #tpu.core_type<tc>, window_params = [{transform_indices = @transform_0, window_bounds = array<i64: 1, 128, 8>}, {transform_indices = @transform_1, window_bounds = array<i64: 1, 128, 16>}, {transform_indices = @transform_2, window_bounds = array<i64: 1, 128, 16>}, {transform_indices = @transform_3, window_bounds = array<i64: 1, 128, 16>}, {transform_indices = @transform_4, window_bounds = array<i64: 1, 128, 32>}, {transform_indices = @transform_5, window_bounds = array<i64: 32, 10>}, {transform_indices = @transform_6, window_bounds = array<i64: 32>}, {transform_indices = @transform_7, window_bounds = array<i64: 1, 64, 128, 16>}]} {
    %get3A = arith.constant 0 : index
    %get3A_0 = arith.constant 0 : index
    %get3A_1 = arith.constant 0 : index
    %get3A_2 = vector.load %arg2[%get3A, %get3A_0, %get3A_1] : memref<1x128x8xf32, #tpu.memory_space<vmem>>, vector<1x128x8xf32>
    %get3A_3 = vector.shape_cast %get3A_2 : vector<1x128x8xf32> to vector<128x8xf32>
    %get3A_4 = arith.constant 0 : index
    %get3A_5 = arith.constant 0 : index
    %get3A_6 = arith.constant 0 : index
    %get3A_7 = vector.load %arg3[%get3A_4, %get3A_5, %get3A_6] : memref<1x128x16xf32, #tpu.memory_space<vmem>>, vector<1x128x16xf32>
    %get3A_8 = vector.shape_cast %get3A_7 : vector<1x128x16xf32> to vector<128x16xf32>
    %get3A_9 = arith.constant 0 : index
    %get3A_10 = arith.constant 0 : index
    %get3A_11 = arith.constant 0 : index
    %get3A_12 = vector.load %arg4[%get3A_9, %get3A_10, %get3A_11] : memref<1x128x16xf32, #tpu.memory_space<vmem>>, vector<1x128x16xf32>
    %get3A_13 = vector.shape_cast %get3A_12 : vector<1x128x16xf32> to vector<128x16xf32>
    %get3A_14 = arith.constant 0 : index
    %get3A_15 = arith.constant 0 : index
    %get3A_16 = arith.constant 0 : index
    %get3A_17 = vector.load %arg5[%get3A_14, %get3A_15, %get3A_16] : memref<1x128x16xf32, #tpu.memory_space<vmem>>, vector<1x128x16xf32>
    %get3A_18 = vector.shape_cast %get3A_17 : vector<1x128x16xf32> to vector<128x16xf32>
    %slice3A = vector.extract_strided_slice %get3A_3 {offsets = [0, 0], sizes = [128, 1], strides = [1, 1]} : vector<128x8xf32> to vector<128x1xf32>
    %broadcast_in_dim3A = vector.shape_cast %slice3A : vector<128x1xf32> to vector<128x1xf32>
    %broadcast_in_dim3A_19 = vector.broadcast %broadcast_in_dim3A : vector<128x1xf32> to vector<128x16xf32>
    %slice3A_20 = vector.extract_strided_slice %get3A_3 {offsets = [0, 1], sizes = [128, 1], strides = [1, 1]} : vector<128x8xf32> to vector<128x1xf32>
    %broadcast_in_dim3A_21 = vector.shape_cast %slice3A_20 : vector<128x1xf32> to vector<128x1xf32>
    %broadcast_in_dim3A_22 = vector.broadcast %broadcast_in_dim3A_21 : vector<128x1xf32> to vector<128x16xf32>
    %slice3A_23 = vector.extract_strided_slice %get3A_3 {offsets = [0, 2], sizes = [128, 1], strides = [1, 1]} : vector<128x8xf32> to vector<128x1xf32>
    %broadcast_in_dim3A_24 = vector.shape_cast %slice3A_23 : vector<128x1xf32> to vector<128x1xf32>
    %broadcast_in_dim3A_25 = vector.broadcast %broadcast_in_dim3A_24 : vector<128x1xf32> to vector<128x16xf32>
    %sub3A = arith.subf %broadcast_in_dim3A_19, %get3A_8 : vector<128x16xf32>
    %sub3A_26 = arith.subf %broadcast_in_dim3A_22, %get3A_13 : vector<128x16xf32>
    %sub3A_27 = arith.subf %broadcast_in_dim3A_25, %get3A_18 : vector<128x16xf32>
    %integer_pow3A = arith.mulf %sub3A, %sub3A : vector<128x16xf32>
    %integer_pow3A_28 = arith.mulf %sub3A_26, %sub3A_26 : vector<128x16xf32>
    %add3A = arith.addf %integer_pow3A, %integer_pow3A_28 : vector<128x16xf32>
    %integer_pow3A_29 = arith.mulf %sub3A_27, %sub3A_27 : vector<128x16xf32>
    %add3A_30 = arith.addf %add3A, %integer_pow3A_29 : vector<128x16xf32>
    %max3A = arith.constant 0.000000e+00 : f32
    %max3A_31 = vector.broadcast %max3A : f32 to vector<128x16xf32>
    %max3A_32 = arith.maximumf %add3A_30, %max3A_31 : vector<128x16xf32>
    %sqrt3A = math.sqrt %max3A_32 : vector<128x16xf32>
    %get3A_33 = arith.constant 0 : index
    %get3A_34 = arith.constant 0 : index
    %get3A_35 = arith.constant 0 : index
    %get3A_36 = vector.load %arg6[%get3A_33, %get3A_34, %get3A_35] : memref<1x128x32xf32, #tpu.memory_space<vmem>>, vector<1x128x32xf32>
    %get3A_37 = vector.shape_cast %get3A_36 : vector<1x128x32xf32> to vector<128x32xf32>
    %get3A_38 = arith.constant 0 : index
    %get3A_39 = memref.load %arg8[%get3A_38] : memref<32xf32, #tpu.memory_space<smem>>
    %broadcast_in_dim3A_40 = vector.broadcast %get3A_39 : f32 to vector<128x16xf32>
    %get3A_41 = arith.constant 0 : index
    %get3A_42 = arith.constant 0 : index
    %get3A_43 = memref.load %arg7[%get3A_41, %get3A_42] : memref<32x10xf32, #tpu.memory_space<smem>>
    %mul3A = vector.broadcast %get3A_43 : f32 to vector<128x16xf32>
    %mul3A_44 = arith.mulf %mul3A, %broadcast_in_dim3A_19 : vector<128x16xf32>
    %add3A_45 = arith.addf %broadcast_in_dim3A_40, %mul3A_44 : vector<128x16xf32>
    %get3A_46 = arith.constant 0 : index
    %get3A_47 = arith.constant 1 : index
    %get3A_48 = memref.load %arg7[%get3A_46, %get3A_47] : memref<32x10xf32, #tpu.memory_space<smem>>
    %mul3A_49 = vector.broadcast %get3A_48 : f32 to vector<128x16xf32>
    %mul3A_50 = arith.mulf %mul3A_49, %broadcast_in_dim3A_22 : vector<128x16xf32>
    %add3A_51 = arith.addf %add3A_45, %mul3A_50 : vector<128x16xf32>
    %get3A_52 = arith.constant 0 : index
    %get3A_53 = arith.constant 2 : index
    %get3A_54 = memref.load %arg7[%get3A_52, %get3A_53] : memref<32x10xf32, #tpu.memory_space<smem>>
    %mul3A_55 = vector.broadcast %get3A_54 : f32 to vector<128x16xf32>
    %mul3A_56 = arith.mulf %mul3A_55, %broadcast_in_dim3A_25 : vector<128x16xf32>
    %add3A_57 = arith.addf %add3A_51, %mul3A_56 : vector<128x16xf32>
    %get3A_58 = arith.constant 0 : index
    %get3A_59 = arith.constant 3 : index
    %get3A_60 = memref.load %arg7[%get3A_58, %get3A_59] : memref<32x10xf32, #tpu.memory_space<smem>>
    %mul3A_61 = vector.broadcast %get3A_60 : f32 to vector<128x16xf32>
    %mul3A_62 = arith.mulf %mul3A_61, %get3A_8 : vector<128x16xf32>
    %add3A_63 = arith.addf %add3A_57, %mul3A_62 : vector<128x16xf32>
    %get3A_64 = arith.constant 0 : index
    %get3A_65 = arith.constant 4 : index
    %get3A_66 = memref.load %arg7[%get3A_64, %get3A_65] : memref<32x10xf32, #tpu.memory_space<smem>>
    %mul3A_67 = vector.broadcast %get3A_66 : f32 to vector<128x16xf32>
    %mul3A_68 = arith.mulf %mul3A_67, %get3A_13 : vector<128x16xf32>
    %add3A_69 = arith.addf %add3A_63, %mul3A_68 : vector<128x16xf32>
    %get3A_70 = arith.constant 0 : index
    %get3A_71 = arith.constant 5 : index
    %get3A_72 = memref.load %arg7[%get3A_70, %get3A_71] : memref<32x10xf32, #tpu.memory_space<smem>>
    %mul3A_73 = vector.broadcast %get3A_72 : f32 to vector<128x16xf32>
    %mul3A_74 = arith.mulf %mul3A_73, %get3A_18 : vector<128x16xf32>
    %add3A_75 = arith.addf %add3A_69, %mul3A_74 : vector<128x16xf32>
    %get3A_76 = arith.constant 0 : index
    %get3A_77 = arith.constant 6 : index
    %get3A_78 = memref.load %arg7[%get3A_76, %get3A_77] : memref<32x10xf32, #tpu.memory_space<smem>>
    %mul3A_79 = vector.broadcast %get3A_78 : f32 to vector<128x16xf32>
    %mul3A_80 = arith.mulf %mul3A_79, %sub3A : vector<128x16xf32>
    %add3A_81 = arith.addf %add3A_75, %mul3A_80 : vector<128x16xf32>
    %get3A_82 = arith.constant 0 : index
    %get3A_83 = arith.constant 7 : index
    %get3A_84 = memref.load %arg7[%get3A_82, %get3A_83] : memref<32x10xf32, #tpu.memory_space<smem>>
    %mul3A_85 = vector.broadcast %get3A_84 : f32 to vector<128x16xf32>
    %mul3A_86 = arith.mulf %mul3A_85, %sub3A_26 : vector<128x16xf32>
    %add3A_87 = arith.addf %add3A_81, %mul3A_86 : vector<128x16xf32>
    %get3A_88 = arith.constant 0 : index
    %get3A_89 = arith.constant 8 : index
    %get3A_90 = memref.load %arg7[%get3A_88, %get3A_89] : memref<32x10xf32, #tpu.memory_space<smem>>
    %mul3A_91 = vector.broadcast %get3A_90 : f32 to vector<128x16xf32>
    %mul3A_92 = arith.mulf %mul3A_91, %sub3A_27 : vector<128x16xf32>
    %add3A_93 = arith.addf %add3A_87, %mul3A_92 : vector<128x16xf32>
    %get3A_94 = arith.constant 0 : index
    %get3A_95 = arith.constant 9 : index
    %get3A_96 = memref.load %arg7[%get3A_94, %get3A_95] : memref<32x10xf32, #tpu.memory_space<smem>>
    %mul3A_97 = vector.broadcast %get3A_96 : f32 to vector<128x16xf32>
    %mul3A_98 = arith.mulf %mul3A_97, %sqrt3A : vector<128x16xf32>
    %add3A_99 = arith.addf %add3A_93, %mul3A_98 : vector<128x16xf32>
    %max3A_100 = arith.constant 0.000000e+00 : f32
    %max3A_101 = vector.broadcast %max3A_100 : f32 to vector<128x16xf32>
    %max3A_102 = arith.maximumf %add3A_99, %max3A_101 : vector<128x16xf32>
    %swap3A = arith.constant 0 : index
    %swap3A_103 = arith.constant 0 : index
    %swap3A_104 = arith.constant 0 : index
    %swap3A_105 = arith.constant 0 : index
    %swap3A_106 = vector.load %arg9[%swap3A, %swap3A_103, %swap3A_104, %swap3A_105] : memref<1x64x128x16xf32, #tpu.memory_space<vmem>>, vector<1x1x128x16xf32>
    %swap3A_107 = vector.shape_cast %swap3A_106 : vector<1x1x128x16xf32> to vector<128x16xf32>
    %swap3A_108 = vector.shape_cast %max3A_102 : vector<128x16xf32> to vector<1x1x128x16xf32>
    tpu.vector_store %arg9[%swap3A, %swap3A_103, %swap3A_104, %swap3A_105], %swap3A_108 {strides = array<i32>} : memref<1x64x128x16xf32, #tpu.memory_space<vmem>>, vector<1x1x128x16xf32>,
    %slice3A_109 = vector.extract_strided_slice %get3A_37 {offsets = [0, 0], sizes = [128, 1], strides = [1, 1]} : vector<128x32xf32> to vector<128x1xf32>
    %broadcast_in_dim3A_110 = vector.shape_cast %slice3A_109 : vector<128x1xf32> to vector<128x1xf32>
    %broadcast_in_dim3A_111 = vector.broadcast %broadcast_in_dim3A_110 : vector<128x1xf32> to vector<128x16xf32>
    %swap3A_112 = arith.constant 0 : index
    %swap3A_113 = arith.constant 32 : index
    %swap3A_114 = arith.constant 0 : index
    %swap3A_115 = arith.constant 0 : index
    %swap3A_116 = vector.load %arg9[%swap3A_112, %swap3A_113, %swap3A_114, %swap3A_115] : memref<1x64x128x16xf32, #tpu.memory_space<vmem>>, vector<1x1x128x16xf32>
    %swap3A_117 = vector.shape_cast %swap3A_116 : vector<1x1x128x16xf32> to vector<128x16xf32>
    %swap3A_118 = vector.shape_cast %broadcast_in_dim3A_111 : vector<128x16xf32> to vector<1x1x128x16xf32>
    tpu.vector_store %arg9[%swap3A_112, %swap3A_113, %swap3A_114, %swap3A_115], %swap3A_118 {strides = array<i32>} : memref<1x64x128x16xf32, #tpu.memory_space<vmem>>, vector<1x1x128x16xf32>,
    %get3A_119 = arith.constant 1 : index
    %get3A_120 = memref.load %arg8[%get3A_119] : memref<32xf32, #tpu.memory_space<smem>>
    %broadcast_in_dim3A_121 = vector.broadcast %get3A_120 : f32 to vector<128x16xf32>
    %get3A_122 = arith.constant 1 : index
    %get3A_123 = arith.constant 0 : index
    %get3A_124 = memref.load %arg7[%get3A_122, %get3A_123] : memref<32x10xf32, #tpu.memory_space<smem>>
    %mul3A_125 = vector.broadcast %get3A_124 : f32 to vector<128x16xf32>
    %mul3A_126 = arith.mulf %mul3A_125, %broadcast_in_dim3A_19 : vector<128x16xf32>
    %add3A_127 = arith.addf %broadcast_in_dim3A_121, %mul3A_126 : vector<128x16xf32>
    %get3A_128 = arith.constant 1 : index
    %get3A_129 = arith.constant 1 : index
    %get3A_130 = memref.load %arg7[%get3A_128, %get3A_129] : memref<32x10xf32, #tpu.memory_space<smem>>
    %mul3A_131 = vector.broadcast %get3A_130 : f32 to vector<128x16xf32>
    %mul3A_132 = arith.mulf %mul3A_131, %broadcast_in_dim3A_22 : vector<128x16xf32>
    %add3A_133 = arith.addf %add3A_127, %mul3A_132 : vector<128x16xf32>
    %get3A_134 = arith.constant 1 : index
    %get3A_135 = arith.constant 2 : index
    %get3A_136 = memref.load %arg7[%get3A_134, %get3A_135] : memref<32x10xf32, #tpu.memory_space<smem>>
    %mul3A_137 = vector.broadcast %get3A_136 : f32 to vector<128x16xf32>
    %mul3A_138 = arith.mulf %mul3A_137, %broadcast_in_dim3A_25 : vector<128x16xf32>
    %add3A_139 = arith.addf %add3A_133, %mul3A_138 : vector<128x16xf32>
    %get3A_140 = arith.constant 1 : index
    %get3A_141 = arith.constant 3 : index
    %get3A_142 = memref.load %arg7[%get3A_140, %get3A_141] : memref<32x10xf32, #tpu.memory_space<smem>>
    %mul3A_143 = vector.broadcast %get3A_142 : f32 to vector<128x16xf32>
    %mul3A_144 = arith.mulf %mul3A_143, %get3A_8 : vector<128x16xf32>
    %add3A_145 = arith.addf %add3A_139, %mul3A_144 : vector<128x16xf32>
    %get3A_146 = arith.constant 1 : index
    %get3A_147 = arith.constant 4 : index
    %get3A_148 = memref.load %arg7[%get3A_146, %get3A_147] : memref<32x10xf32, #tpu.memory_space<smem>>
    %mul3A_149 = vector.broadcast %get3A_148 : f32 to vector<128x16xf32>
    %mul3A_150 = arith.mulf %mul3A_149, %get3A_13 : vector<128x16xf32>
    %add3A_151 = arith.addf %add3A_145, %mul3A_150 : vector<128x16xf32>
    %get3A_152 = arith.constant 1 : index
    %get3A_153 = arith.constant 5 : index
    %get3A_154 = memref.load %arg7[%get3A_152, %get3A_153] : memref<32x10xf32, #tpu.memory_space<smem>>
    %mul3A_155 = vector.broadcast %get3A_154 : f32 to vector<128x16xf32>
    %mul3A_156 = arith.mulf %mul3A_155, %get3A_18 : vector<128x16xf32>
    %add3A_157 = arith.addf %add3A_151, %mul3A_156 : vector<128x16xf32>
    %get3A_158 = arith.constant 1 : index
    %get3A_159 = arith.constant 6 : index
    %get3A_160 = memref.load %arg7[%get3A_158, %get3A_159] : memref<32x10xf32, #tpu.memory_space<smem>>
    %mul3A_161 = vector.broadcast %get3A_160 : f32 to vector<128x16xf32>
    %mul3A_162 = arith.mulf %mul3A_161, %sub3A : vector<128x16xf32>
    %add3A_163 = arith.addf %add3A_157, %mul3A_162 : vector<128x16xf32>
    %get3A_164 = arith.constant 1 : index
    %get3A_165 = arith.constant 7 : index
    %get3A_166 = memref.load %arg7[%get3A_164, %get3A_165] : memref<32x10xf32, #tpu.memory_space<smem>>
    %mul3A_167 = vector.broadcast %get3A_166 : f32 to vector<128x16xf32>
    %mul3A_168 = arith.mulf %mul3A_167, %sub3A_26 : vector<128x16xf32>
    %add3A_169 = arith.addf %add3A_163, %mul3A_168 : vector<128x16xf32>
    %get3A_170 = arith.constant 1 : index
    %get3A_171 = arith.constant 8 : index
    %get3A_172 = memref.load %arg7[%get3A_170, %get3A_171] : memref<32x10xf32, #tpu.memory_space<smem>>
    %mul3A_173 = vector.broadcast %get3A_172 : f32 to vector<128x16xf32>
    %mul3A_174 = arith.mulf %mul3A_173, %sub3A_27 : vector<128x16xf32>
    %add3A_175 = arith.addf %add3A_169, %mul3A_174 : vector<128x16xf32>
    %get3A_176 = arith.constant 1 : index
    %get3A_177 = arith.constant 9 : index
    %get3A_178 = memref.load %arg7[%get3A_176, %get3A_177] : memref<32x10xf32, #tpu.memory_space<smem>>
    %mul3A_179 = vector.broadcast %get3A_178 : f32 to vector<128x16xf32>
    %mul3A_180 = arith.mulf %mul3A_179, %sqrt3A : vector<128x16xf32>
    %add3A_181 = arith.addf %add3A_175, %mul3A_180 : vector<128x16xf32>
    %max3A_182 = arith.constant 0.000000e+00 : f32
    %max3A_183 = vector.broadcast %max3A_182 : f32 to vector<128x16xf32>
    %max3A_184 = arith.maximumf %add3A_181, %max3A_183 : vector<128x16xf32>
    %swap3A_185 = arith.constant 0 : index
    %swap3A_186 = arith.constant 1 : index
    %swap3A_187 = arith.constant 0 : index
    %swap3A_188 = arith.constant 0 : index
    %swap3A_189 = vector.load %arg9[%swap3A_185, %swap3A_186, %swap3A_187, %swap3A_188] : memref<1x64x128x16xf32, #tpu.memory_space<vmem>>, vector<1x1x128x16xf32>
    %swap3A_190 = vector.shape_cast %swap3A_189 : vector<1x1x128x16xf32> to vector<128x16xf32>
    %swap3A_191 = vector.shape_cast %max3A_184 : vector<128x16xf32> to vector<1x1x128x16xf32>
    tpu.vector_store %arg9[%swap3A_185, %swap3A_186, %swap3A_187, %swap3A_188], %swap3A_191 {strides = array<i32>} : memref<1x64x128x16xf32, #tpu.memory_space<vmem>>, vector<1x1x128x16xf32>,
    %slice3A_192 = vector.extract_strided_slice %get3A_37 {offsets = [0, 1], sizes = [128, 1], strides = [1, 1]} : vector<128x32xf32> to vector<128x1xf32>
    %broadcast_in_dim3A_193 = vector.shape_cast %slice3A_192 : vector<128x1xf32> to vector<128x1xf32>
    %broadcast_in_dim3A_194 = vector.broadcast %broadcast_in_dim3A_193 : vector<128x1xf32> to vector<128x16xf32>
    %swap3A_195 = arith.constant 0 : index
    %swap3A_196 = arith.constant 33 : index
    %swap3A_197 = arith.constant 0 : index
    %swap3A_198 = arith.constant 0 : index
    %swap3A_199 = vector.load %arg9[%swap3A_195, %swap3A_196, %swap3A_197, %swap3A_198] : memref<1x64x128x16xf32, #tpu.memory_space<vmem>>, vector<1x1x128x16xf32>
    %swap3A_200 = vector.shape_cast %swap3A_199 : vector<1x1x128x16xf32> to vector<128x16xf32>
    %swap3A_201 = vector.shape_cast %broadcast_in_dim3A_194 : vector<128x16xf32> to vector<1x1x128x16xf32>
    tpu.vector_store %arg9[%swap3A_195, %swap3A_196, %swap3A_197, %swap3A_198], %swap3A_201 {strides = array<i32>} : memref<1x64x128x16xf32, #tpu.memory_space<vmem>>, vector<1x1x128x16xf32>,
    %get3A_202 = arith.constant 2 : index
    %get3A_203 = memref.load %arg8[%get3A_202] : memref<32xf32, #tpu.memory_space<smem>>
    %broadcast_in_dim3A_204 = vector.broadcast %get3A_203 : f32 to vector<128x16xf32>
    %get3A_205 = arith.constant 2 : index
    %get3A_206 = arith.constant 0 : index
    %get3A_207 = memref.load %arg7[%get3A_205, %get3A_206] : memref<32x10xf32, #tpu.memory_space<smem>>
    %mul3A_208 = vector.broadcast %get3A_207 : f32 to vector<128x16xf32>
    %mul3A_209 = arith.mulf %mul3A_208, %broadcast_in_dim3A_19 : vector<128x16xf32>
    %add3A_210 = arith.addf %broadcast_in_dim3A_204, %mul3A_209 : vector<128x16xf32>
    %get3A_211 = arith.constant 2 : index
    %get3A_212 = arith.constant 1 : index
    %get3A_213 = memref.load %arg7[%get3A_211, %get3A_212] : memref<32x10xf32, #tpu.memory_space<smem>>
    %mul3A_214 = vector.broadcast %get3A_213 : f32 to vector<128x16xf32>
    %mul3A_215 = arith.mulf %mul3A_214, %broadcast_in_dim3A_22 : vector<128x16xf32>
    %add3A_216 = arith.addf %add3A_210, %mul3A_215 : vector<128x16xf32>
    %get3A_217 = arith.constant 2 : index
    %get3A_218 = arith.constant 2 : index
    %get3A_219 = memref.load %arg7[%get3A_217, %get3A_218] : memref<32x10xf32, #tpu.memory_space<smem>>
    %mul3A_220 = vector.broadcast %get3A_219 : f32 to vector<128x16xf32>
    %mul3A_221 = arith.mulf %mul3A_220, %broadcast_in_dim3A_25 : vector<128x16xf32>
    %add3A_222 = arith.addf %add3A_216, %mul3A_221 : vector<128x16xf32>
    %get3A_223 = arith.constant 2 : index
    %get3A_224 = arith.constant 3 : index
    %get3A_225 = memref.load %arg7[%get3A_223, %get3A_224] : memref<32x10xf32, #tpu.memory_space<smem>>
    %mul3A_226 = vector.broadcast %get3A_225 : f32 to vector<128x16xf32>
    %mul3A_227 = arith.mulf %mul3A_226, %get3A_8 : vector<128x16xf32>
    %add3A_228 = arith.addf %add3A_222, %mul3A_227 : vector<128x16xf32>
    %get3A_229 = arith.constant 2 : index
    %get3A_230 = arith.constant 4 : index
    %get3A_231 = memref.load %arg7[%get3A_229, %get3A_230] : memref<32x10xf32, #tpu.memory_space<smem>>
    %mul3A_232 = vector.broadcast %get3A_231 : f32 to vector<128x16xf32>
    %mul3A_233 = arith.mulf %mul3A_232, %get3A_13 : vector<128x16xf32>
    %add3A_234 = arith.addf %add3A_228, %mul3A_233 : vector<128x16xf32>
    %get3A_235 = arith.constant 2 : index
    %get3A_236 = arith.constant 5 : index
    %get3A_237 = memref.load %arg7[%get3A_235, %get3A_236] : memref<32x10xf32, #tpu.memory_space<smem>>
    %mul3A_238 = vector.broadcast %get3A_237 : f32 to vector<128x16xf32>
    %mul3A_239 = arith.mulf %mul3A_238, %get3A_18 : vector<128x16xf32>
    %add3A_240 = arith.addf %add3A_234, %mul3A_239 : vector<128x16xf32>
    %get3A_241 = arith.constant 2 : index
    %get3A_242 = arith.constant 6 : index
    %get3A_243 = memref.load %arg7[%get3A_241, %get3A_242] : memref<32x10xf32, #tpu.memory_space<smem>>
    %mul3A_244 = vector.broadcast %get3A_243 : f32 to vector<128x16xf32>
    %mul3A_245 = arith.mulf %mul3A_244, %sub3A : vector<128x16xf32>
    %add3A_246 = arith.addf %add3A_240, %mul3A_245 : vector<128x16xf32>
    %get3A_247 = arith.constant 2 : index
    %get3A_248 = arith.constant 7 : index
    %get3A_249 = memref.load %arg7[%get3A_247, %get3A_248] : memref<32x10xf32, #tpu.memory_space<smem>>
    %mul3A_250 = vector.broadcast %get3A_249 : f32 to vector<128x16xf32>
    %mul3A_251 = arith.mulf %mul3A_250, %sub3A_26 : vector<128x16xf32>
    %add3A_252 = arith.addf %add3A_246, %mul3A_251 : vector<128x16xf32>
    %get3A_253 = arith.constant 2 : index
    %get3A_254 = arith.constant 8 : index
    %get3A_255 = memref.load %arg7[%get3A_253, %get3A_254] : memref<32x10xf32, #tpu.memory_space<smem>>
    %mul3A_256 = vector.broadcast %get3A_255 : f32 to vector<128x16xf32>
    %mul3A_257 = arith.mulf %mul3A_256, %sub3A_27 : vector<128x16xf32>
    %add3A_258 = arith.addf %add3A_252, %mul3A_257 : vector<128x16xf32>
    %get3A_259 = arith.constant 2 : index
    %get3A_260 = arith.constant 9 : index
    %get3A_261 = memref.load %arg7[%get3A_259, %get3A_260] : memref<32x10xf32, #tpu.memory_space<smem>>
    %mul3A_262 = vector.broadcast %get3A_261 : f32 to vector<128x16xf32>
    %mul3A_263 = arith.mulf %mul3A_262, %sqrt3A : vector<128x16xf32>
    %add3A_264 = arith.addf %add3A_258, %mul3A_263 : vector<128x16xf32>
    %max3A_265 = arith.constant 0.000000e+00 : f32
    %max3A_266 = vector.broadcast %max3A_265 : f32 to vector<128x16xf32>
    %max3A_267 = arith.maximumf %add3A_264, %max3A_266 : vector<128x16xf32>
    %swap3A_268 = arith.constant 0 : index
    %swap3A_269 = arith.constant 2 : index
    %swap3A_270 = arith.constant 0 : index
    %swap3A_271 = arith.constant 0 : index
    %swap3A_272 = vector.load %arg9[%swap3A_268, %swap3A_269, %swap3A_270, %swap3A_271] : memref<1x64x128x16xf32, #tpu.memory_space<vmem>>, vector<1x1x128x16xf32>
    %swap3A_273 = vector.shape_cast %swap3A_272 : vector<1x1x128x16xf32> to vector<128x16xf32>
    %swap3A_274 = vector.shape_cast %max3A_267 : vector<128x16xf32> to vector<1x1x128x16xf32>
    tpu.vector_store %arg9[%swap3A_268, %swap3A_269, %swap3A_270, %swap3A_271], %swap3A_274 {strides = array<i32>} : memref<1x64x128x16xf32, #tpu.memory_space<vmem>>, vector<1x1x128x16xf32>,
    %slice3A_275 = vector.extract_strided_slice %get3A_37 {offsets = [0, 2], sizes = [128, 1], strides = [1, 1]} : vector<128x32xf32> to vector<128x1xf32>
    %broadcast_in_dim3A_276 = vector.shape_cast %slice3A_275 : vector<128x1xf32> to vector<128x1xf32>
    %broadcast_in_dim3A_277 = vector.broadcast %broadcast_in_dim3A_276 : vector<128x1xf32> to vector<128x16xf32>
    %swap3A_278 = arith.constant 0 : index
    %swap3A_279 = arith.constant 34 : index
    %swap3A_280 = arith.constant 0 : index
    %swap3A_281 = arith.constant 0 : index
    %swap3A_282 = vector.load %arg9[%swap3A_278, %swap3A_279, %swap3A_280, %swap3A_281] : memref<1x64x128x16xf32, #tpu.memory_space<vmem>>, vector<1x1x128x16xf32>
    %swap3A_283 = vector.shape_cast %swap3A_282 : vector<1x1x128x16xf32> to vector<128x16xf32>
    %swap3A_284 = vector.shape_cast %broadcast_in_dim3A_277 : vector<128x16xf32> to vector<1x1x128x16xf32>
    tpu.vector_store %arg9[%swap3A_278, %swap3A_279, %swap3A_280, %swap3A_281], %swap3A_284 {strides = array<i32>} : memref<1x64x128x16xf32, #tpu.memory_space<vmem>>, vector<1x1x128x16xf32>,
    %get3A_285 = arith.constant 3 : index
    %get3A_286 = memref.load %arg8[%get3A_285] : memref<32xf32, #tpu.memory_space<smem>>
    %broadcast_in_dim3A_287 = vector.broadcast %get3A_286 : f32 to vector<128x16xf32>
    %get3A_288 = arith.constant 3 : index
    %get3A_289 = arith.constant 0 : index
    %get3A_290 = memref.load %arg7[%get3A_288, %get3A_289] : memref<32x10xf32, #tpu.memory_space<smem>>
    %mul3A_291 = vector.broadcast %get3A_290 : f32 to vector<128x16xf32>
    %mul3A_292 = arith.mulf %mul3A_291, %broadcast_in_dim3A_19 : vector<128x16xf32>
    %add3A_293 = arith.addf %broadcast_in_dim3A_287, %mul3A_292 : vector<128x16xf32>
    %get3A_294 = arith.constant 3 : index
    %get3A_295 = arith.constant 1 : index
    %get3A_296 = memref.load %arg7[%get3A_294, %get3A_295] : memref<32x10xf32, #tpu.memory_space<smem>>
    %mul3A_297 = vector.broadcast %get3A_296 : f32 to vector<128x16xf32>
    %mul3A_298 = arith.mulf %mul3A_297, %broadcast_in_dim3A_22 : vector<128x16xf32>
    %add3A_299 = arith.addf %add3A_293, %mul3A_298 : vector<128x16xf32>
    %get3A_300 = arith.constant 3 : index
    %get3A_301 = arith.constant 2 : index
    %get3A_302 = memref.load %arg7[%get3A_300, %get3A_301] : memref<32x10xf32, #tpu.memory_space<smem>>
    %mul3A_303 = vector.broadcast %get3A_302 : f32 to vector<128x16xf32>
    %mul3A_304 = arith.mulf %mul3A_303, %broadcast_in_dim3A_25 : vector<128x16xf32>
    %add3A_305 = arith.addf %add3A_299, %mul3A_304 : vector<128x16xf32>
    %get3A_306 = arith.constant 3 : index
    %get3A_307 = arith.constant 3 : index
    %get3A_308 = memref.load %arg7[%get3A_306, %get3A_307] : memref<32x10xf32, #tpu.memory_space<smem>>
    %mul3A_309 = vector.broadcast %get3A_308 : f32 to vector<128x16xf32>
    %mul3A_310 = arith.mulf %mul3A_309, %get3A_8 : vector<128x16xf32>
    %add3A_311 = arith.addf %add3A_305, %mul3A_310 : vector<128x16xf32>
    %get3A_312 = arith.constant 3 : index
    %get3A_313 = arith.constant 4 : index
    %get3A_314 = memref.load %arg7[%get3A_312, %get3A_313] : memref<32x10xf32, #tpu.memory_space<smem>>
    %mul3A_315 = vector.broadcast %get3A_314 : f32 to vector<128x16xf32>
    %mul3A_316 = arith.mulf %mul3A_315, %get3A_13 : vector<128x16xf32>
    %add3A_317 = arith.addf %add3A_311, %mul3A_316 : vector<128x16xf32>
    %get3A_318 = arith.constant 3 : index
    %get3A_319 = arith.constant 5 : index
    %get3A_320 = memref.load %arg7[%get3A_318, %get3A_319] : memref<32x10xf32, #tpu.memory_space<smem>>
    %mul3A_321 = vector.broadcast %get3A_320 : f32 to vector<128x16xf32>
    %mul3A_322 = arith.mulf %mul3A_321, %get3A_18 : vector<128x16xf32>
    %add3A_323 = arith.addf %add3A_317, %mul3A_322 : vector<128x16xf32>
    %get3A_324 = arith.constant 3 : index
    %get3A_325 = arith.constant 6 : index
    %get3A_326 = memref.load %arg7[%get3A_324, %get3A_325] : memref<32x10xf32, #tpu.memory_space<smem>>
    %mul3A_327 = vector.broadcast %get3A_326 : f32 to vector<128x16xf32>
    %mul3A_328 = arith.mulf %mul3A_327, %sub3A : vector<128x16xf32>
    %add3A_329 = arith.addf %add3A_323, %mul3A_328 : vector<128x16xf32>
    %get3A_330 = arith.constant 3 : index
    %get3A_331 = arith.constant 7 : index
    %get3A_332 = memref.load %arg7[%get3A_330, %get3A_331] : memref<32x10xf32, #tpu.memory_space<smem>>
    %mul3A_333 = vector.broadcast %get3A_332 : f32 to vector<128x16xf32>
    %mul3A_334 = arith.mulf %mul3A_333, %sub3A_26 : vector<128x16xf32>
    %add3A_335 = arith.addf %add3A_329, %mul3A_334 : vector<128x16xf32>
    %get3A_336 = arith.constant 3 : index
    %get3A_337 = arith.constant 8 : index
    %get3A_338 = memref.load %arg7[%get3A_336, %get3A_337] : memref<32x10xf32, #tpu.memory_space<smem>>
    %mul3A_339 = vector.broadcast %get3A_338 : f32 to vector<128x16xf32>
    %mul3A_340 = arith.mulf %mul3A_339, %sub3A_27 : vector<128x16xf32>
    %add3A_341 = arith.addf %add3A_335, %mul3A_340 : vector<128x16xf32>
    %get3A_342 = arith.constant 3 : index
    %get3A_343 = arith.constant 9 : index
    %get3A_344 = memref.load %arg7[%get3A_342, %get3A_343] : memref<32x10xf32, #tpu.memory_space<smem>>
    %mul3A_345 = vector.broadcast %get3A_344 : f32 to vector<128x16xf32>
    %mul3A_346 = arith.mulf %mul3A_345, %sqrt3A : vector<128x16xf32>
    %add3A_347 = arith.addf %add3A_341, %mul3A_346 : vector<128x16xf32>
    %max3A_348 = arith.constant 0.000000e+00 : f32
    %max3A_349 = vector.broadcast %max3A_348 : f32 to vector<128x16xf32>
    %max3A_350 = arith.maximumf %add3A_347, %max3A_349 : vector<128x16xf32>
    %swap3A_351 = arith.constant 0 : index
    %swap3A_352 = arith.constant 3 : index
    %swap3A_353 = arith.constant 0 : index
    %swap3A_354 = arith.constant 0 : index
    %swap3A_355 = vector.load %arg9[%swap3A_351, %swap3A_352, %swap3A_353, %swap3A_354] : memref<1x64x128x16xf32, #tpu.memory_space<vmem>>, vector<1x1x128x16xf32>
    %swap3A_356 = vector.shape_cast %swap3A_355 : vector<1x1x128x16xf32> to vector<128x16xf32>
    %swap3A_357 = vector.shape_cast %max3A_350 : vector<128x16xf32> to vector<1x1x128x16xf32>
    tpu.vector_store %arg9[%swap3A_351, %swap3A_352, %swap3A_353, %swap3A_354], %swap3A_357 {strides = array<i32>} : memref<1x64x128x16xf32, #tpu.memory_space<vmem>>, vector<1x1x128x16xf32>,
    %slice3A_358 = vector.extract_strided_slice %get3A_37 {offsets = [0, 3], sizes = [128, 1], strides = [1, 1]} : vector<128x32xf32> to vector<128x1xf32>
    %broadcast_in_dim3A_359 = vector.shape_cast %slice3A_358 : vector<128x1xf32> to vector<128x1xf32>
    %broadcast_in_dim3A_360 = vector.broadcast %broadcast_in_dim3A_359 : vector<128x1xf32> to vector<128x16xf32>
    %swap3A_361 = arith.constant 0 : index
    %swap3A_362 = arith.constant 35 : index
    %swap3A_363 = arith.constant 0 : index
    %swap3A_364 = arith.constant 0 : index
    %swap3A_365 = vector.load %arg9[%swap3A_361, %swap3A_362, %swap3A_363, %swap3A_364] : memref<1x64x128x16xf32, #tpu.memory_space<vmem>>, vector<1x1x128x16xf32>
    %swap3A_366 = vector.shape_cast %swap3A_365 : vector<1x1x128x16xf32> to vector<128x16xf32>
    %swap3A_367 = vector.shape_cast %broadcast_in_dim3A_360 : vector<128x16xf32> to vector<1x1x128x16xf32>
    tpu.vector_store %arg9[%swap3A_361, %swap3A_362, %swap3A_363, %swap3A_364], %swap3A_367 {strides = array<i32>} : memref<1x64x128x16xf32, #tpu.memory_space<vmem>>, vector<1x1x128x16xf32>,
    %get3A_368 = arith.constant 4 : index
    %get3A_369 = memref.load %arg8[%get3A_368] : memref<32xf32, #tpu.memory_space<smem>>
    %broadcast_in_dim3A_370 = vector.broadcast %get3A_369 : f32 to vector<128x16xf32>
    %get3A_371 = arith.constant 4 : index
    %get3A_372 = arith.constant 0 : index
    %get3A_373 = memref.load %arg7[%get3A_371, %get3A_372] : memref<32x10xf32, #tpu.memory_space<smem>>
    %mul3A_374 = vector.broadcast %get3A_373 : f32 to vector<128x16xf32>
    %mul3A_375 = arith.mulf %mul3A_374, %broadcast_in_dim3A_19 : vector<128x16xf32>
    %add3A_376 = arith.addf %broadcast_in_dim3A_370, %mul3A_375 : vector<128x16xf32>
    %get3A_377 = arith.constant 4 : index
    %get3A_378 = arith.constant 1 : index
    %get3A_379 = memref.load %arg7[%get3A_377, %get3A_378] : memref<32x10xf32, #tpu.memory_space<smem>>
    %mul3A_380 = vector.broadcast %get3A_379 : f32 to vector<128x16xf32>
    %mul3A_381 = arith.mulf %mul3A_380, %broadcast_in_dim3A_22 : vector<128x16xf32>
    %add3A_382 = arith.addf %add3A_376, %mul3A_381 : vector<128x16xf32>
    %get3A_383 = arith.constant 4 : index
    %get3A_384 = arith.constant 2 : index
    %get3A_385 = memref.load %arg7[%get3A_383, %get3A_384] : memref<32x10xf32, #tpu.memory_space<smem>>
    %mul3A_386 = vector.broadcast %get3A_385 : f32 to vector<128x16xf32>
    %mul3A_387 = arith.mulf %mul3A_386, %broadcast_in_dim3A_25 : vector<128x16xf32>
    %add3A_388 = arith.addf %add3A_382, %mul3A_387 : vector<128x16xf32>
    %get3A_389 = arith.constant 4 : index
    %get3A_390 = arith.constant 3 : index
    %get3A_391 = memref.load %arg7[%get3A_389, %get3A_390] : memref<32x10xf32, #tpu.memory_space<smem>>
    %mul3A_392 = vector.broadcast %get3A_391 : f32 to vector<128x16xf32>
    %mul3A_393 = arith.mulf %mul3A_392, %get3A_8 : vector<128x16xf32>
    %add3A_394 = arith.addf %add3A_388, %mul3A_393 : vector<128x16xf32>
    %get3A_395 = arith.constant 4 : index
    %get3A_396 = arith.constant 4 : index
    %get3A_397 = memref.load %arg7[%get3A_395, %get3A_396] : memref<32x10xf32, #tpu.memory_space<smem>>
    %mul3A_398 = vector.broadcast %get3A_397 : f32 to vector<128x16xf32>
    %mul3A_399 = arith.mulf %mul3A_398, %get3A_13 : vector<128x16xf32>
    %add3A_400 = arith.addf %add3A_394, %mul3A_399 : vector<128x16xf32>
    %get3A_401 = arith.constant 4 : index
    %get3A_402 = arith.constant 5 : index
    %get3A_403 = memref.load %arg7[%get3A_401, %get3A_402] : memref<32x10xf32, #tpu.memory_space<smem>>
    %mul3A_404 = vector.broadcast %get3A_403 : f32 to vector<128x16xf32>
    %mul3A_405 = arith.mulf %mul3A_404, %get3A_18 : vector<128x16xf32>
    %add3A_406 = arith.addf %add3A_400, %mul3A_405 : vector<128x16xf32>
    %get3A_407 = arith.constant 4 : index
    %get3A_408 = arith.constant 6 : index
    %get3A_409 = memref.load %arg7[%get3A_407, %get3A_408] : memref<32x10xf32, #tpu.memory_space<smem>>
    %mul3A_410 = vector.broadcast %get3A_409 : f32 to vector<128x16xf32>
    %mul3A_411 = arith.mulf %mul3A_410, %sub3A : vector<128x16xf32>
    %add3A_412 = arith.addf %add3A_406, %mul3A_411 : vector<128x16xf32>
    %get3A_413 = arith.constant 4 : index
    %get3A_414 = arith.constant 7 : index
    %get3A_415 = memref.load %arg7[%get3A_413, %get3A_414] : memref<32x10xf32, #tpu.memory_space<smem>>
    %mul3A_416 = vector.broadcast %get3A_415 : f32 to vector<128x16xf32>
    %mul3A_417 = arith.mulf %mul3A_416, %sub3A_26 : vector<128x16xf32>
    %add3A_418 = arith.addf %add3A_412, %mul3A_417 : vector<128x16xf32>
    %get3A_419 = arith.constant 4 : index
    %get3A_420 = arith.constant 8 : index
    %get3A_421 = memref.load %arg7[%get3A_419, %get3A_420] : memref<32x10xf32, #tpu.memory_space<smem>>
    %mul3A_422 = vector.broadcast %get3A_421 : f32 to vector<128x16xf32>
    %mul3A_423 = arith.mulf %mul3A_422, %sub3A_27 : vector<128x16xf32>
    %add3A_424 = arith.addf %add3A_418, %mul3A_423 : vector<128x16xf32>
    %get3A_425 = arith.constant 4 : index
    %get3A_426 = arith.constant 9 : index
    %get3A_427 = memref.load %arg7[%get3A_425, %get3A_426] : memref<32x10xf32, #tpu.memory_space<smem>>
    %mul3A_428 = vector.broadcast %get3A_427 : f32 to vector<128x16xf32>
    %mul3A_429 = arith.mulf %mul3A_428, %sqrt3A : vector<128x16xf32>
    %add3A_430 = arith.addf %add3A_424, %mul3A_429 : vector<128x16xf32>
    %max3A_431 = arith.constant 0.000000e+00 : f32
    %max3A_432 = vector.broadcast %max3A_431 : f32 to vector<128x16xf32>
    %max3A_433 = arith.maximumf %add3A_430, %max3A_432 : vector<128x16xf32>
    %swap3A_434 = arith.constant 0 : index
    %swap3A_435 = arith.constant 4 : index
    %swap3A_436 = arith.constant 0 : index
    %swap3A_437 = arith.constant 0 : index
    %swap3A_438 = vector.load %arg9[%swap3A_434, %swap3A_435, %swap3A_436, %swap3A_437] : memref<1x64x128x16xf32, #tpu.memory_space<vmem>>, vector<1x1x128x16xf32>
    %swap3A_439 = vector.shape_cast %swap3A_438 : vector<1x1x128x16xf32> to vector<128x16xf32>
    %swap3A_440 = vector.shape_cast %max3A_433 : vector<128x16xf32> to vector<1x1x128x16xf32>
    tpu.vector_store %arg9[%swap3A_434, %swap3A_435, %swap3A_436, %swap3A_437], %swap3A_440 {strides = array<i32>} : memref<1x64x128x16xf32, #tpu.memory_space<vmem>>, vector<1x1x128x16xf32>,
    %slice3A_441 = vector.extract_strided_slice %get3A_37 {offsets = [0, 4], sizes = [128, 1], strides = [1, 1]} : vector<128x32xf32> to vector<128x1xf32>
    %broadcast_in_dim3A_442 = vector.shape_cast %slice3A_441 : vector<128x1xf32> to vector<128x1xf32>
    %broadcast_in_dim3A_443 = vector.broadcast %broadcast_in_dim3A_442 : vector<128x1xf32> to vector<128x16xf32>
    %swap3A_444 = arith.constant 0 : index
    %swap3A_445 = arith.constant 36 : index
    %swap3A_446 = arith.constant 0 : index
    %swap3A_447 = arith.constant 0 : index
    %swap3A_448 = vector.load %arg9[%swap3A_444, %swap3A_445, %swap3A_446, %swap3A_447] : memref<1x64x128x16xf32, #tpu.memory_space<vmem>>, vector<1x1x128x16xf32>
    %swap3A_449 = vector.shape_cast %swap3A_448 : vector<1x1x128x16xf32> to vector<128x16xf32>
    %swap3A_450 = vector.shape_cast %broadcast_in_dim3A_443 : vector<128x16xf32> to vector<1x1x128x16xf32>
    tpu.vector_store %arg9[%swap3A_444, %swap3A_445, %swap3A_446, %swap3A_447], %swap3A_450 {strides = array<i32>} : memref<1x64x128x16xf32, #tpu.memory_space<vmem>>, vector<1x1x128x16xf32>,
    %get3A_451 = arith.constant 5 : index
    %get3A_452 = memref.load %arg8[%get3A_451] : memref<32xf32, #tpu.memory_space<smem>>
    %broadcast_in_dim3A_453 = vector.broadcast %get3A_452 : f32 to vector<128x16xf32>
    %get3A_454 = arith.constant 5 : index
    %get3A_455 = arith.constant 0 : index
    %get3A_456 = memref.load %arg7[%get3A_454, %get3A_455] : memref<32x10xf32, #tpu.memory_space<smem>>
    %mul3A_457 = vector.broadcast %get3A_456 : f32 to vector<128x16xf32>
    %mul3A_458 = arith.mulf %mul3A_457, %broadcast_in_dim3A_19 : vector<128x16xf32>
    %add3A_459 = arith.addf %broadcast_in_dim3A_453, %mul3A_458 : vector<128x16xf32>
    %get3A_460 = arith.constant 5 : index
    %get3A_461 = arith.constant 1 : index
    %get3A_462 = memref.load %arg7[%get3A_460, %get3A_461] : memref<32x10xf32, #tpu.memory_space<smem>>
    %mul3A_463 = vector.broadcast %get3A_462 : f32 to vector<128x16xf32>
    %mul3A_464 = arith.mulf %mul3A_463, %broadcast_in_dim3A_22 : vector<128x16xf32>
    %add3A_465 = arith.addf %add3A_459, %mul3A_464 : vector<128x16xf32>
    %get3A_466 = arith.constant 5 : index
    %get3A_467 = arith.constant 2 : index
    %get3A_468 = memref.load %arg7[%get3A_466, %get3A_467] : memref<32x10xf32, #tpu.memory_space<smem>>
    %mul3A_469 = vector.broadcast %get3A_468 : f32 to vector<128x16xf32>
    %mul3A_470 = arith.mulf %mul3A_469, %broadcast_in_dim3A_25 : vector<128x16xf32>
    %add3A_471 = arith.addf %add3A_465, %mul3A_470 : vector<128x16xf32>
    %get3A_472 = arith.constant 5 : index
    %get3A_473 = arith.constant 3 : index
    %get3A_474 = memref.load %arg7[%get3A_472, %get3A_473] : memref<32x10xf32, #tpu.memory_space<smem>>
    %mul3A_475 = vector.broadcast %get3A_474 : f32 to vector<128x16xf32>
    %mul3A_476 = arith.mulf %mul3A_475, %get3A_8 : vector<128x16xf32>
    %add3A_477 = arith.addf %add3A_471, %mul3A_476 : vector<128x16xf32>
    %get3A_478 = arith.constant 5 : index
    %get3A_479 = arith.constant 4 : index
    %get3A_480 = memref.load %arg7[%get3A_478, %get3A_479] : memref<32x10xf32, #tpu.memory_space<smem>>
    %mul3A_481 = vector.broadcast %get3A_480 : f32 to vector<128x16xf32>
    %mul3A_482 = arith.mulf %mul3A_481, %get3A_13 : vector<128x16xf32>
    %add3A_483 = arith.addf %add3A_477, %mul3A_482 : vector<128x16xf32>
    %get3A_484 = arith.constant 5 : index
    %get3A_485 = arith.constant 5 : index
    %get3A_486 = memref.load %arg7[%get3A_484, %get3A_485] : memref<32x10xf32, #tpu.memory_space<smem>>
    %mul3A_487 = vector.broadcast %get3A_486 : f32 to vector<128x16xf32>
    %mul3A_488 = arith.mulf %mul3A_487, %get3A_18 : vector<128x16xf32>
    %add3A_489 = arith.addf %add3A_483, %mul3A_488 : vector<128x16xf32>
    %get3A_490 = arith.constant 5 : index
    %get3A_491 = arith.constant 6 : index
    %get3A_492 = memref.load %arg7[%get3A_490, %get3A_491] : memref<32x10xf32, #tpu.memory_space<smem>>
    %mul3A_493 = vector.broadcast %get3A_492 : f32 to vector<128x16xf32>
    %mul3A_494 = arith.mulf %mul3A_493, %sub3A : vector<128x16xf32>
    %add3A_495 = arith.addf %add3A_489, %mul3A_494 : vector<128x16xf32>
    %get3A_496 = arith.constant 5 : index
    %get3A_497 = arith.constant 7 : index
    %get3A_498 = memref.load %arg7[%get3A_496, %get3A_497] : memref<32x10xf32, #tpu.memory_space<smem>>
    %mul3A_499 = vector.broadcast %get3A_498 : f32 to vector<128x16xf32>
    %mul3A_500 = arith.mulf %mul3A_499, %sub3A_26 : vector<128x16xf32>
    %add3A_501 = arith.addf %add3A_495, %mul3A_500 : vector<128x16xf32>
    %get3A_502 = arith.constant 5 : index
    %get3A_503 = arith.constant 8 : index
    %get3A_504 = memref.load %arg7[%get3A_502, %get3A_503] : memref<32x10xf32, #tpu.memory_space<smem>>
    %mul3A_505 = vector.broadcast %get3A_504 : f32 to vector<128x16xf32>
    %mul3A_506 = arith.mulf %mul3A_505, %sub3A_27 : vector<128x16xf32>
    %add3A_507 = arith.addf %add3A_501, %mul3A_506 : vector<128x16xf32>
    %get3A_508 = arith.constant 5 : index
    %get3A_509 = arith.constant 9 : index
    %get3A_510 = memref.load %arg7[%get3A_508, %get3A_509] : memref<32x10xf32, #tpu.memory_space<smem>>
    %mul3A_511 = vector.broadcast %get3A_510 : f32 to vector<128x16xf32>
    %mul3A_512 = arith.mulf %mul3A_511, %sqrt3A : vector<128x16xf32>
    %add3A_513 = arith.addf %add3A_507, %mul3A_512 : vector<128x16xf32>
    %max3A_514 = arith.constant 0.000000e+00 : f32
    %max3A_515 = vector.broadcast %max3A_514 : f32 to vector<128x16xf32>
    %max3A_516 = arith.maximumf %add3A_513, %max3A_515 : vector<128x16xf32>
    %swap3A_517 = arith.constant 0 : index
    %swap3A_518 = arith.constant 5 : index
    %swap3A_519 = arith.constant 0 : index
    %swap3A_520 = arith.constant 0 : index
    %swap3A_521 = vector.load %arg9[%swap3A_517, %swap3A_518, %swap3A_519, %swap3A_520] : memref<1x64x128x16xf32, #tpu.memory_space<vmem>>, vector<1x1x128x16xf32>
    %swap3A_522 = vector.shape_cast %swap3A_521 : vector<1x1x128x16xf32> to vector<128x16xf32>
    %swap3A_523 = vector.shape_cast %max3A_516 : vector<128x16xf32> to vector<1x1x128x16xf32>
    tpu.vector_store %arg9[%swap3A_517, %swap3A_518, %swap3A_519, %swap3A_520], %swap3A_523 {strides = array<i32>} : memref<1x64x128x16xf32, #tpu.memory_space<vmem>>, vector<1x1x128x16xf32>,
    %slice3A_524 = vector.extract_strided_slice %get3A_37 {offsets = [0, 5], sizes = [128, 1], strides = [1, 1]} : vector<128x32xf32> to vector<128x1xf32>
    %broadcast_in_dim3A_525 = vector.shape_cast %slice3A_524 : vector<128x1xf32> to vector<128x1xf32>
    %broadcast_in_dim3A_526 = vector.broadcast %broadcast_in_dim3A_525 : vector<128x1xf32> to vector<128x16xf32>
    %swap3A_527 = arith.constant 0 : index
    %swap3A_528 = arith.constant 37 : index
    %swap3A_529 = arith.constant 0 : index
    %swap3A_530 = arith.constant 0 : index
    %swap3A_531 = vector.load %arg9[%swap3A_527, %swap3A_528, %swap3A_529, %swap3A_530] : memref<1x64x128x16xf32, #tpu.memory_space<vmem>>, vector<1x1x128x16xf32>
    %swap3A_532 = vector.shape_cast %swap3A_531 : vector<1x1x128x16xf32> to vector<128x16xf32>
    %swap3A_533 = vector.shape_cast %broadcast_in_dim3A_526 : vector<128x16xf32> to vector<1x1x128x16xf32>
    tpu.vector_store %arg9[%swap3A_527, %swap3A_528, %swap3A_529, %swap3A_530], %swap3A_533 {strides = array<i32>} : memref<1x64x128x16xf32, #tpu.memory_space<vmem>>, vector<1x1x128x16xf32>,
    %get3A_534 = arith.constant 6 : index
    %get3A_535 = memref.load %arg8[%get3A_534] : memref<32xf32, #tpu.memory_space<smem>>
    %broadcast_in_dim3A_536 = vector.broadcast %get3A_535 : f32 to vector<128x16xf32>
    %get3A_537 = arith.constant 6 : index
    %get3A_538 = arith.constant 0 : index
    %get3A_539 = memref.load %arg7[%get3A_537, %get3A_538] : memref<32x10xf32, #tpu.memory_space<smem>>
    %mul3A_540 = vector.broadcast %get3A_539 : f32 to vector<128x16xf32>
    %mul3A_541 = arith.mulf %mul3A_540, %broadcast_in_dim3A_19 : vector<128x16xf32>
    %add3A_542 = arith.addf %broadcast_in_dim3A_536, %mul3A_541 : vector<128x16xf32>
    %get3A_543 = arith.constant 6 : index
    %get3A_544 = arith.constant 1 : index
    %get3A_545 = memref.load %arg7[%get3A_543, %get3A_544] : memref<32x10xf32, #tpu.memory_space<smem>>
    %mul3A_546 = vector.broadcast %get3A_545 : f32 to vector<128x16xf32>
    %mul3A_547 = arith.mulf %mul3A_546, %broadcast_in_dim3A_22 : vector<128x16xf32>
    %add3A_548 = arith.addf %add3A_542, %mul3A_547 : vector<128x16xf32>
    %get3A_549 = arith.constant 6 : index
    %get3A_550 = arith.constant 2 : index
    %get3A_551 = memref.load %arg7[%get3A_549, %get3A_550] : memref<32x10xf32, #tpu.memory_space<smem>>
    %mul3A_552 = vector.broadcast %get3A_551 : f32 to vector<128x16xf32>
    %mul3A_553 = arith.mulf %mul3A_552, %broadcast_in_dim3A_25 : vector<128x16xf32>
    %add3A_554 = arith.addf %add3A_548, %mul3A_553 : vector<128x16xf32>
    %get3A_555 = arith.constant 6 : index
    %get3A_556 = arith.constant 3 : index
    %get3A_557 = memref.load %arg7[%get3A_555, %get3A_556] : memref<32x10xf32, #tpu.memory_space<smem>>
    %mul3A_558 = vector.broadcast %get3A_557 : f32 to vector<128x16xf32>
    %mul3A_559 = arith.mulf %mul3A_558, %get3A_8 : vector<128x16xf32>
    %add3A_560 = arith.addf %add3A_554, %mul3A_559 : vector<128x16xf32>
    %get3A_561 = arith.constant 6 : index
    %get3A_562 = arith.constant 4 : index
    %get3A_563 = memref.load %arg7[%get3A_561, %get3A_562] : memref<32x10xf32, #tpu.memory_space<smem>>
    %mul3A_564 = vector.broadcast %get3A_563 : f32 to vector<128x16xf32>
    %mul3A_565 = arith.mulf %mul3A_564, %get3A_13 : vector<128x16xf32>
    %add3A_566 = arith.addf %add3A_560, %mul3A_565 : vector<128x16xf32>
    %get3A_567 = arith.constant 6 : index
    %get3A_568 = arith.constant 5 : index
    %get3A_569 = memref.load %arg7[%get3A_567, %get3A_568] : memref<32x10xf32, #tpu.memory_space<smem>>
    %mul3A_570 = vector.broadcast %get3A_569 : f32 to vector<128x16xf32>
    %mul3A_571 = arith.mulf %mul3A_570, %get3A_18 : vector<128x16xf32>
    %add3A_572 = arith.addf %add3A_566, %mul3A_571 : vector<128x16xf32>
    %get3A_573 = arith.constant 6 : index
    %get3A_574 = arith.constant 6 : index
    %get3A_575 = memref.load %arg7[%get3A_573, %get3A_574] : memref<32x10xf32, #tpu.memory_space<smem>>
    %mul3A_576 = vector.broadcast %get3A_575 : f32 to vector<128x16xf32>
    %mul3A_577 = arith.mulf %mul3A_576, %sub3A : vector<128x16xf32>
    %add3A_578 = arith.addf %add3A_572, %mul3A_577 : vector<128x16xf32>
    %get3A_579 = arith.constant 6 : index
    %get3A_580 = arith.constant 7 : index
    %get3A_581 = memref.load %arg7[%get3A_579, %get3A_580] : memref<32x10xf32, #tpu.memory_space<smem>>
    %mul3A_582 = vector.broadcast %get3A_581 : f32 to vector<128x16xf32>
    %mul3A_583 = arith.mulf %mul3A_582, %sub3A_26 : vector<128x16xf32>
    %add3A_584 = arith.addf %add3A_578, %mul3A_583 : vector<128x16xf32>
    %get3A_585 = arith.constant 6 : index
    %get3A_586 = arith.constant 8 : index
    %get3A_587 = memref.load %arg7[%get3A_585, %get3A_586] : memref<32x10xf32, #tpu.memory_space<smem>>
    %mul3A_588 = vector.broadcast %get3A_587 : f32 to vector<128x16xf32>
    %mul3A_589 = arith.mulf %mul3A_588, %sub3A_27 : vector<128x16xf32>
    %add3A_590 = arith.addf %add3A_584, %mul3A_589 : vector<128x16xf32>
    %get3A_591 = arith.constant 6 : index
    %get3A_592 = arith.constant 9 : index
    %get3A_593 = memref.load %arg7[%get3A_591, %get3A_592] : memref<32x10xf32, #tpu.memory_space<smem>>
    %mul3A_594 = vector.broadcast %get3A_593 : f32 to vector<128x16xf32>
    %mul3A_595 = arith.mulf %mul3A_594, %sqrt3A : vector<128x16xf32>
    %add3A_596 = arith.addf %add3A_590, %mul3A_595 : vector<128x16xf32>
    %max3A_597 = arith.constant 0.000000e+00 : f32
    %max3A_598 = vector.broadcast %max3A_597 : f32 to vector<128x16xf32>
    %max3A_599 = arith.maximumf %add3A_596, %max3A_598 : vector<128x16xf32>
    %swap3A_600 = arith.constant 0 : index
    %swap3A_601 = arith.constant 6 : index
    %swap3A_602 = arith.constant 0 : index
    %swap3A_603 = arith.constant 0 : index
    %swap3A_604 = vector.load %arg9[%swap3A_600, %swap3A_601, %swap3A_602, %swap3A_603] : memref<1x64x128x16xf32, #tpu.memory_space<vmem>>, vector<1x1x128x16xf32>
    %swap3A_605 = vector.shape_cast %swap3A_604 : vector<1x1x128x16xf32> to vector<128x16xf32>
    %swap3A_606 = vector.shape_cast %max3A_599 : vector<128x16xf32> to vector<1x1x128x16xf32>
    tpu.vector_store %arg9[%swap3A_600, %swap3A_601, %swap3A_602, %swap3A_603], %swap3A_606 {strides = array<i32>} : memref<1x64x128x16xf32, #tpu.memory_space<vmem>>, vector<1x1x128x16xf32>,
    %slice3A_607 = vector.extract_strided_slice %get3A_37 {offsets = [0, 6], sizes = [128, 1], strides = [1, 1]} : vector<128x32xf32> to vector<128x1xf32>
    %broadcast_in_dim3A_608 = vector.shape_cast %slice3A_607 : vector<128x1xf32> to vector<128x1xf32>
    %broadcast_in_dim3A_609 = vector.broadcast %broadcast_in_dim3A_608 : vector<128x1xf32> to vector<128x16xf32>
    %swap3A_610 = arith.constant 0 : index
    %swap3A_611 = arith.constant 38 : index
    %swap3A_612 = arith.constant 0 : index
    %swap3A_613 = arith.constant 0 : index
    %swap3A_614 = vector.load %arg9[%swap3A_610, %swap3A_611, %swap3A_612, %swap3A_613] : memref<1x64x128x16xf32, #tpu.memory_space<vmem>>, vector<1x1x128x16xf32>
    %swap3A_615 = vector.shape_cast %swap3A_614 : vector<1x1x128x16xf32> to vector<128x16xf32>
    %swap3A_616 = vector.shape_cast %broadcast_in_dim3A_609 : vector<128x16xf32> to vector<1x1x128x16xf32>
    tpu.vector_store %arg9[%swap3A_610, %swap3A_611, %swap3A_612, %swap3A_613], %swap3A_616 {strides = array<i32>} : memref<1x64x128x16xf32, #tpu.memory_space<vmem>>, vector<1x1x128x16xf32>,
    %get3A_617 = arith.constant 7 : index
    %get3A_618 = memref.load %arg8[%get3A_617] : memref<32xf32, #tpu.memory_space<smem>>
    %broadcast_in_dim3A_619 = vector.broadcast %get3A_618 : f32 to vector<128x16xf32>
    %get3A_620 = arith.constant 7 : index
    %get3A_621 = arith.constant 0 : index
    %get3A_622 = memref.load %arg7[%get3A_620, %get3A_621] : memref<32x10xf32, #tpu.memory_space<smem>>
    %mul3A_623 = vector.broadcast %get3A_622 : f32 to vector<128x16xf32>
    %mul3A_624 = arith.mulf %mul3A_623, %broadcast_in_dim3A_19 : vector<128x16xf32>
    %add3A_625 = arith.addf %broadcast_in_dim3A_619, %mul3A_624 : vector<128x16xf32>
    %get3A_626 = arith.constant 7 : index
    %get3A_627 = arith.constant 1 : index
    %get3A_628 = memref.load %arg7[%get3A_626, %get3A_627] : memref<32x10xf32, #tpu.memory_space<smem>>
    %mul3A_629 = vector.broadcast %get3A_628 : f32 to vector<128x16xf32>
    %mul3A_630 = arith.mulf %mul3A_629, %broadcast_in_dim3A_22 : vector<128x16xf32>
    %add3A_631 = arith.addf %add3A_625, %mul3A_630 : vector<128x16xf32>
    %get3A_632 = arith.constant 7 : index
    %get3A_633 = arith.constant 2 : index
    %get3A_634 = memref.load %arg7[%get3A_632, %get3A_633] : memref<32x10xf32, #tpu.memory_space<smem>>
    %mul3A_635 = vector.broadcast %get3A_634 : f32 to vector<128x16xf32>
    %mul3A_636 = arith.mulf %mul3A_635, %broadcast_in_dim3A_25 : vector<128x16xf32>
    %add3A_637 = arith.addf %add3A_631, %mul3A_636 : vector<128x16xf32>
    %get3A_638 = arith.constant 7 : index
    %get3A_639 = arith.constant 3 : index
    %get3A_640 = memref.load %arg7[%get3A_638, %get3A_639] : memref<32x10xf32, #tpu.memory_space<smem>>
    %mul3A_641 = vector.broadcast %get3A_640 : f32 to vector<128x16xf32>
    %mul3A_642 = arith.mulf %mul3A_641, %get3A_8 : vector<128x16xf32>
    %add3A_643 = arith.addf %add3A_637, %mul3A_642 : vector<128x16xf32>
    %get3A_644 = arith.constant 7 : index
    %get3A_645 = arith.constant 4 : index
    %get3A_646 = memref.load %arg7[%get3A_644, %get3A_645] : memref<32x10xf32, #tpu.memory_space<smem>>
    %mul3A_647 = vector.broadcast %get3A_646 : f32 to vector<128x16xf32>
    %mul3A_648 = arith.mulf %mul3A_647, %get3A_13 : vector<128x16xf32>
    %add3A_649 = arith.addf %add3A_643, %mul3A_648 : vector<128x16xf32>
    %get3A_650 = arith.constant 7 : index
    %get3A_651 = arith.constant 5 : index
    %get3A_652 = memref.load %arg7[%get3A_650, %get3A_651] : memref<32x10xf32, #tpu.memory_space<smem>>
    %mul3A_653 = vector.broadcast %get3A_652 : f32 to vector<128x16xf32>
    %mul3A_654 = arith.mulf %mul3A_653, %get3A_18 : vector<128x16xf32>
    %add3A_655 = arith.addf %add3A_649, %mul3A_654 : vector<128x16xf32>
    %get3A_656 = arith.constant 7 : index
    %get3A_657 = arith.constant 6 : index
    %get3A_658 = memref.load %arg7[%get3A_656, %get3A_657] : memref<32x10xf32, #tpu.memory_space<smem>>
    %mul3A_659 = vector.broadcast %get3A_658 : f32 to vector<128x16xf32>
    %mul3A_660 = arith.mulf %mul3A_659, %sub3A : vector<128x16xf32>
    %add3A_661 = arith.addf %add3A_655, %mul3A_660 : vector<128x16xf32>
    %get3A_662 = arith.constant 7 : index
    %get3A_663 = arith.constant 7 : index
    %get3A_664 = memref.load %arg7[%get3A_662, %get3A_663] : memref<32x10xf32, #tpu.memory_space<smem>>
    %mul3A_665 = vector.broadcast %get3A_664 : f32 to vector<128x16xf32>
    %mul3A_666 = arith.mulf %mul3A_665, %sub3A_26 : vector<128x16xf32>
    %add3A_667 = arith.addf %add3A_661, %mul3A_666 : vector<128x16xf32>
    %get3A_668 = arith.constant 7 : index
    %get3A_669 = arith.constant 8 : index
    %get3A_670 = memref.load %arg7[%get3A_668, %get3A_669] : memref<32x10xf32, #tpu.memory_space<smem>>
    %mul3A_671 = vector.broadcast %get3A_670 : f32 to vector<128x16xf32>
    %mul3A_672 = arith.mulf %mul3A_671, %sub3A_27 : vector<128x16xf32>
    %add3A_673 = arith.addf %add3A_667, %mul3A_672 : vector<128x16xf32>
    %get3A_674 = arith.constant 7 : index
    %get3A_675 = arith.constant 9 : index
    %get3A_676 = memref.load %arg7[%get3A_674, %get3A_675] : memref<32x10xf32, #tpu.memory_space<smem>>
    %mul3A_677 = vector.broadcast %get3A_676 : f32 to vector<128x16xf32>
    %mul3A_678 = arith.mulf %mul3A_677, %sqrt3A : vector<128x16xf32>
    %add3A_679 = arith.addf %add3A_673, %mul3A_678 : vector<128x16xf32>
    %max3A_680 = arith.constant 0.000000e+00 : f32
    %max3A_681 = vector.broadcast %max3A_680 : f32 to vector<128x16xf32>
    %max3A_682 = arith.maximumf %add3A_679, %max3A_681 : vector<128x16xf32>
    %swap3A_683 = arith.constant 0 : index
    %swap3A_684 = arith.constant 7 : index
    %swap3A_685 = arith.constant 0 : index
    %swap3A_686 = arith.constant 0 : index
    %swap3A_687 = vector.load %arg9[%swap3A_683, %swap3A_684, %swap3A_685, %swap3A_686] : memref<1x64x128x16xf32, #tpu.memory_space<vmem>>, vector<1x1x128x16xf32>
    %swap3A_688 = vector.shape_cast %swap3A_687 : vector<1x1x128x16xf32> to vector<128x16xf32>
    %swap3A_689 = vector.shape_cast %max3A_682 : vector<128x16xf32> to vector<1x1x128x16xf32>
    tpu.vector_store %arg9[%swap3A_683, %swap3A_684, %swap3A_685, %swap3A_686], %swap3A_689 {strides = array<i32>} : memref<1x64x128x16xf32, #tpu.memory_space<vmem>>, vector<1x1x128x16xf32>,
    %slice3A_690 = vector.extract_strided_slice %get3A_37 {offsets = [0, 7], sizes = [128, 1], strides = [1, 1]} : vector<128x32xf32> to vector<128x1xf32>
    %broadcast_in_dim3A_691 = vector.shape_cast %slice3A_690 : vector<128x1xf32> to vector<128x1xf32>
    %broadcast_in_dim3A_692 = vector.broadcast %broadcast_in_dim3A_691 : vector<128x1xf32> to vector<128x16xf32>
    %swap3A_693 = arith.constant 0 : index
    %swap3A_694 = arith.constant 39 : index
    %swap3A_695 = arith.constant 0 : index
    %swap3A_696 = arith.constant 0 : index
    %swap3A_697 = vector.load %arg9[%swap3A_693, %swap3A_694, %swap3A_695, %swap3A_696] : memref<1x64x128x16xf32, #tpu.memory_space<vmem>>, vector<1x1x128x16xf32>
    %swap3A_698 = vector.shape_cast %swap3A_697 : vector<1x1x128x16xf32> to vector<128x16xf32>
    %swap3A_699 = vector.shape_cast %broadcast_in_dim3A_692 : vector<128x16xf32> to vector<1x1x128x16xf32>
    tpu.vector_store %arg9[%swap3A_693, %swap3A_694, %swap3A_695, %swap3A_696], %swap3A_699 {strides = array<i32>} : memref<1x64x128x16xf32, #tpu.memory_space<vmem>>, vector<1x1x128x16xf32>,
    %get3A_700 = arith.constant 8 : index
    %get3A_701 = memref.load %arg8[%get3A_700] : memref<32xf32, #tpu.memory_space<smem>>
    %broadcast_in_dim3A_702 = vector.broadcast %get3A_701 : f32 to vector<128x16xf32>
    %get3A_703 = arith.constant 8 : index
    %get3A_704 = arith.constant 0 : index
    %get3A_705 = memref.load %arg7[%get3A_703, %get3A_704] : memref<32x10xf32, #tpu.memory_space<smem>>
    %mul3A_706 = vector.broadcast %get3A_705 : f32 to vector<128x16xf32>
    %mul3A_707 = arith.mulf %mul3A_706, %broadcast_in_dim3A_19 : vector<128x16xf32>
    %add3A_708 = arith.addf %broadcast_in_dim3A_702, %mul3A_707 : vector<128x16xf32>
    %get3A_709 = arith.constant 8 : index
    %get3A_710 = arith.constant 1 : index
    %get3A_711 = memref.load %arg7[%get3A_709, %get3A_710] : memref<32x10xf32, #tpu.memory_space<smem>>
    %mul3A_712 = vector.broadcast %get3A_711 : f32 to vector<128x16xf32>
    %mul3A_713 = arith.mulf %mul3A_712, %broadcast_in_dim3A_22 : vector<128x16xf32>
    %add3A_714 = arith.addf %add3A_708, %mul3A_713 : vector<128x16xf32>
    %get3A_715 = arith.constant 8 : index
    %get3A_716 = arith.constant 2 : index
    %get3A_717 = memref.load %arg7[%get3A_715, %get3A_716] : memref<32x10xf32, #tpu.memory_space<smem>>
    %mul3A_718 = vector.broadcast %get3A_717 : f32 to vector<128x16xf32>
    %mul3A_719 = arith.mulf %mul3A_718, %broadcast_in_dim3A_25 : vector<128x16xf32>
    %add3A_720 = arith.addf %add3A_714, %mul3A_719 : vector<128x16xf32>
    %get3A_721 = arith.constant 8 : index
    %get3A_722 = arith.constant 3 : index
    %get3A_723 = memref.load %arg7[%get3A_721, %get3A_722] : memref<32x10xf32, #tpu.memory_space<smem>>
    %mul3A_724 = vector.broadcast %get3A_723 : f32 to vector<128x16xf32>
    %mul3A_725 = arith.mulf %mul3A_724, %get3A_8 : vector<128x16xf32>
    %add3A_726 = arith.addf %add3A_720, %mul3A_725 : vector<128x16xf32>
    %get3A_727 = arith.constant 8 : index
    %get3A_728 = arith.constant 4 : index
    %get3A_729 = memref.load %arg7[%get3A_727, %get3A_728] : memref<32x10xf32, #tpu.memory_space<smem>>
    %mul3A_730 = vector.broadcast %get3A_729 : f32 to vector<128x16xf32>
    %mul3A_731 = arith.mulf %mul3A_730, %get3A_13 : vector<128x16xf32>
    %add3A_732 = arith.addf %add3A_726, %mul3A_731 : vector<128x16xf32>
    %get3A_733 = arith.constant 8 : index
    %get3A_734 = arith.constant 5 : index
    %get3A_735 = memref.load %arg7[%get3A_733, %get3A_734] : memref<32x10xf32, #tpu.memory_space<smem>>
    %mul3A_736 = vector.broadcast %get3A_735 : f32 to vector<128x16xf32>
    %mul3A_737 = arith.mulf %mul3A_736, %get3A_18 : vector<128x16xf32>
    %add3A_738 = arith.addf %add3A_732, %mul3A_737 : vector<128x16xf32>
    %get3A_739 = arith.constant 8 : index
    %get3A_740 = arith.constant 6 : index
    %get3A_741 = memref.load %arg7[%get3A_739, %get3A_740] : memref<32x10xf32, #tpu.memory_space<smem>>
    %mul3A_742 = vector.broadcast %get3A_741 : f32 to vector<128x16xf32>
    %mul3A_743 = arith.mulf %mul3A_742, %sub3A : vector<128x16xf32>
    %add3A_744 = arith.addf %add3A_738, %mul3A_743 : vector<128x16xf32>
    %get3A_745 = arith.constant 8 : index
    %get3A_746 = arith.constant 7 : index
    %get3A_747 = memref.load %arg7[%get3A_745, %get3A_746] : memref<32x10xf32, #tpu.memory_space<smem>>
    %mul3A_748 = vector.broadcast %get3A_747 : f32 to vector<128x16xf32>
    %mul3A_749 = arith.mulf %mul3A_748, %sub3A_26 : vector<128x16xf32>
    %add3A_750 = arith.addf %add3A_744, %mul3A_749 : vector<128x16xf32>
    %get3A_751 = arith.constant 8 : index
    %get3A_752 = arith.constant 8 : index
    %get3A_753 = memref.load %arg7[%get3A_751, %get3A_752] : memref<32x10xf32, #tpu.memory_space<smem>>
    %mul3A_754 = vector.broadcast %get3A_753 : f32 to vector<128x16xf32>
    %mul3A_755 = arith.mulf %mul3A_754, %sub3A_27 : vector<128x16xf32>
    %add3A_756 = arith.addf %add3A_750, %mul3A_755 : vector<128x16xf32>
    %get3A_757 = arith.constant 8 : index
    %get3A_758 = arith.constant 9 : index
    %get3A_759 = memref.load %arg7[%get3A_757, %get3A_758] : memref<32x10xf32, #tpu.memory_space<smem>>
    %mul3A_760 = vector.broadcast %get3A_759 : f32 to vector<128x16xf32>
    %mul3A_761 = arith.mulf %mul3A_760, %sqrt3A : vector<128x16xf32>
    %add3A_762 = arith.addf %add3A_756, %mul3A_761 : vector<128x16xf32>
    %max3A_763 = arith.constant 0.000000e+00 : f32
    %max3A_764 = vector.broadcast %max3A_763 : f32 to vector<128x16xf32>
    %max3A_765 = arith.maximumf %add3A_762, %max3A_764 : vector<128x16xf32>
    %swap3A_766 = arith.constant 0 : index
    %swap3A_767 = arith.constant 8 : index
    %swap3A_768 = arith.constant 0 : index
    %swap3A_769 = arith.constant 0 : index
    %swap3A_770 = vector.load %arg9[%swap3A_766, %swap3A_767, %swap3A_768, %swap3A_769] : memref<1x64x128x16xf32, #tpu.memory_space<vmem>>, vector<1x1x128x16xf32>
    %swap3A_771 = vector.shape_cast %swap3A_770 : vector<1x1x128x16xf32> to vector<128x16xf32>
    %swap3A_772 = vector.shape_cast %max3A_765 : vector<128x16xf32> to vector<1x1x128x16xf32>
    tpu.vector_store %arg9[%swap3A_766, %swap3A_767, %swap3A_768, %swap3A_769], %swap3A_772 {strides = array<i32>} : memref<1x64x128x16xf32, #tpu.memory_space<vmem>>, vector<1x1x128x16xf32>,
    %slice3A_773 = vector.extract_strided_slice %get3A_37 {offsets = [0, 8], sizes = [128, 1], strides = [1, 1]} : vector<128x32xf32> to vector<128x1xf32>
    %broadcast_in_dim3A_774 = vector.shape_cast %slice3A_773 : vector<128x1xf32> to vector<128x1xf32>
    %broadcast_in_dim3A_775 = vector.broadcast %broadcast_in_dim3A_774 : vector<128x1xf32> to vector<128x16xf32>
    %swap3A_776 = arith.constant 0 : index
    %swap3A_777 = arith.constant 40 : index
    %swap3A_778 = arith.constant 0 : index
    %swap3A_779 = arith.constant 0 : index
    %swap3A_780 = vector.load %arg9[%swap3A_776, %swap3A_777, %swap3A_778, %swap3A_779] : memref<1x64x128x16xf32, #tpu.memory_space<vmem>>, vector<1x1x128x16xf32>
    %swap3A_781 = vector.shape_cast %swap3A_780 : vector<1x1x128x16xf32> to vector<128x16xf32>
    %swap3A_782 = vector.shape_cast %broadcast_in_dim3A_775 : vector<128x16xf32> to vector<1x1x128x16xf32>
    tpu.vector_store %arg9[%swap3A_776, %swap3A_777, %swap3A_778, %swap3A_779], %swap3A_782 {strides = array<i32>} : memref<1x64x128x16xf32, #tpu.memory_space<vmem>>, vector<1x1x128x16xf32>,
    %get3A_783 = arith.constant 9 : index
    %get3A_784 = memref.load %arg8[%get3A_783] : memref<32xf32, #tpu.memory_space<smem>>
    %broadcast_in_dim3A_785 = vector.broadcast %get3A_784 : f32 to vector<128x16xf32>
    %get3A_786 = arith.constant 9 : index
    %get3A_787 = arith.constant 0 : index
    %get3A_788 = memref.load %arg7[%get3A_786, %get3A_787] : memref<32x10xf32, #tpu.memory_space<smem>>
    %mul3A_789 = vector.broadcast %get3A_788 : f32 to vector<128x16xf32>
    %mul3A_790 = arith.mulf %mul3A_789, %broadcast_in_dim3A_19 : vector<128x16xf32>
    %add3A_791 = arith.addf %broadcast_in_dim3A_785, %mul3A_790 : vector<128x16xf32>
    %get3A_792 = arith.constant 9 : index
    %get3A_793 = arith.constant 1 : index
    %get3A_794 = memref.load %arg7[%get3A_792, %get3A_793] : memref<32x10xf32, #tpu.memory_space<smem>>
    %mul3A_795 = vector.broadcast %get3A_794 : f32 to vector<128x16xf32>
    %mul3A_796 = arith.mulf %mul3A_795, %broadcast_in_dim3A_22 : vector<128x16xf32>
    %add3A_797 = arith.addf %add3A_791, %mul3A_796 : vector<128x16xf32>
    %get3A_798 = arith.constant 9 : index
    %get3A_799 = arith.constant 2 : index
    %get3A_800 = memref.load %arg7[%get3A_798, %get3A_799] : memref<32x10xf32, #tpu.memory_space<smem>>
    %mul3A_801 = vector.broadcast %get3A_800 : f32 to vector<128x16xf32>
    %mul3A_802 = arith.mulf %mul3A_801, %broadcast_in_dim3A_25 : vector<128x16xf32>
    %add3A_803 = arith.addf %add3A_797, %mul3A_802 : vector<128x16xf32>
    %get3A_804 = arith.constant 9 : index
    %get3A_805 = arith.constant 3 : index
    %get3A_806 = memref.load %arg7[%get3A_804, %get3A_805] : memref<32x10xf32, #tpu.memory_space<smem>>
    %mul3A_807 = vector.broadcast %get3A_806 : f32 to vector<128x16xf32>
    %mul3A_808 = arith.mulf %mul3A_807, %get3A_8 : vector<128x16xf32>
    %add3A_809 = arith.addf %add3A_803, %mul3A_808 : vector<128x16xf32>
    %get3A_810 = arith.constant 9 : index
    %get3A_811 = arith.constant 4 : index
    %get3A_812 = memref.load %arg7[%get3A_810, %get3A_811] : memref<32x10xf32, #tpu.memory_space<smem>>
    %mul3A_813 = vector.broadcast %get3A_812 : f32 to vector<128x16xf32>
    %mul3A_814 = arith.mulf %mul3A_813, %get3A_13 : vector<128x16xf32>
    %add3A_815 = arith.addf %add3A_809, %mul3A_814 : vector<128x16xf32>
    %get3A_816 = arith.constant 9 : index
    %get3A_817 = arith.constant 5 : index
    %get3A_818 = memref.load %arg7[%get3A_816, %get3A_817] : memref<32x10xf32, #tpu.memory_space<smem>>
    %mul3A_819 = vector.broadcast %get3A_818 : f32 to vector<128x16xf32>
    %mul3A_820 = arith.mulf %mul3A_819, %get3A_18 : vector<128x16xf32>
    %add3A_821 = arith.addf %add3A_815, %mul3A_820 : vector<128x16xf32>
    %get3A_822 = arith.constant 9 : index
    %get3A_823 = arith.constant 6 : index
    %get3A_824 = memref.load %arg7[%get3A_822, %get3A_823] : memref<32x10xf32, #tpu.memory_space<smem>>
    %mul3A_825 = vector.broadcast %get3A_824 : f32 to vector<128x16xf32>
    %mul3A_826 = arith.mulf %mul3A_825, %sub3A : vector<128x16xf32>
    %add3A_827 = arith.addf %add3A_821, %mul3A_826 : vector<128x16xf32>
    %get3A_828 = arith.constant 9 : index
    %get3A_829 = arith.constant 7 : index
    %get3A_830 = memref.load %arg7[%get3A_828, %get3A_829] : memref<32x10xf32, #tpu.memory_space<smem>>
    %mul3A_831 = vector.broadcast %get3A_830 : f32 to vector<128x16xf32>
    %mul3A_832 = arith.mulf %mul3A_831, %sub3A_26 : vector<128x16xf32>
    %add3A_833 = arith.addf %add3A_827, %mul3A_832 : vector<128x16xf32>
    %get3A_834 = arith.constant 9 : index
    %get3A_835 = arith.constant 8 : index
    %get3A_836 = memref.load %arg7[%get3A_834, %get3A_835] : memref<32x10xf32, #tpu.memory_space<smem>>
    %mul3A_837 = vector.broadcast %get3A_836 : f32 to vector<128x16xf32>
    %mul3A_838 = arith.mulf %mul3A_837, %sub3A_27 : vector<128x16xf32>
    %add3A_839 = arith.addf %add3A_833, %mul3A_838 : vector<128x16xf32>
    %get3A_840 = arith.constant 9 : index
    %get3A_841 = arith.constant 9 : index
    %get3A_842 = memref.load %arg7[%get3A_840, %get3A_841] : memref<32x10xf32, #tpu.memory_space<smem>>
    %mul3A_843 = vector.broadcast %get3A_842 : f32 to vector<128x16xf32>
    %mul3A_844 = arith.mulf %mul3A_843, %sqrt3A : vector<128x16xf32>
    %add3A_845 = arith.addf %add3A_839, %mul3A_844 : vector<128x16xf32>
    %max3A_846 = arith.constant 0.000000e+00 : f32
    %max3A_847 = vector.broadcast %max3A_846 : f32 to vector<128x16xf32>
    %max3A_848 = arith.maximumf %add3A_845, %max3A_847 : vector<128x16xf32>
    %swap3A_849 = arith.constant 0 : index
    %swap3A_850 = arith.constant 9 : index
    %swap3A_851 = arith.constant 0 : index
    %swap3A_852 = arith.constant 0 : index
    %swap3A_853 = vector.load %arg9[%swap3A_849, %swap3A_850, %swap3A_851, %swap3A_852] : memref<1x64x128x16xf32, #tpu.memory_space<vmem>>, vector<1x1x128x16xf32>
    %swap3A_854 = vector.shape_cast %swap3A_853 : vector<1x1x128x16xf32> to vector<128x16xf32>
    %swap3A_855 = vector.shape_cast %max3A_848 : vector<128x16xf32> to vector<1x1x128x16xf32>
    tpu.vector_store %arg9[%swap3A_849, %swap3A_850, %swap3A_851, %swap3A_852], %swap3A_855 {strides = array<i32>} : memref<1x64x128x16xf32, #tpu.memory_space<vmem>>, vector<1x1x128x16xf32>,
    %slice3A_856 = vector.extract_strided_slice %get3A_37 {offsets = [0, 9], sizes = [128, 1], strides = [1, 1]} : vector<128x32xf32> to vector<128x1xf32>
    %broadcast_in_dim3A_857 = vector.shape_cast %slice3A_856 : vector<128x1xf32> to vector<128x1xf32>
    %broadcast_in_dim3A_858 = vector.broadcast %broadcast_in_dim3A_857 : vector<128x1xf32> to vector<128x16xf32>
    %swap3A_859 = arith.constant 0 : index
    %swap3A_860 = arith.constant 41 : index
    %swap3A_861 = arith.constant 0 : index
    %swap3A_862 = arith.constant 0 : index
    %swap3A_863 = vector.load %arg9[%swap3A_859, %swap3A_860, %swap3A_861, %swap3A_862] : memref<1x64x128x16xf32, #tpu.memory_space<vmem>>, vector<1x1x128x16xf32>
    %swap3A_864 = vector.shape_cast %swap3A_863 : vector<1x1x128x16xf32> to vector<128x16xf32>
    %swap3A_865 = vector.shape_cast %broadcast_in_dim3A_858 : vector<128x16xf32> to vector<1x1x128x16xf32>
    tpu.vector_store %arg9[%swap3A_859, %swap3A_860, %swap3A_861, %swap3A_862], %swap3A_865 {strides = array<i32>} : memref<1x64x128x16xf32, #tpu.memory_space<vmem>>, vector<1x1x128x16xf32>,
    %get3A_866 = arith.constant 10 : index
    %get3A_867 = memref.load %arg8[%get3A_866] : memref<32xf32, #tpu.memory_space<smem>>
    %broadcast_in_dim3A_868 = vector.broadcast %get3A_867 : f32 to vector<128x16xf32>
    %get3A_869 = arith.constant 10 : index
    %get3A_870 = arith.constant 0 : index
    %get3A_871 = memref.load %arg7[%get3A_869, %get3A_870] : memref<32x10xf32, #tpu.memory_space<smem>>
    %mul3A_872 = vector.broadcast %get3A_871 : f32 to vector<128x16xf32>
    %mul3A_873 = arith.mulf %mul3A_872, %broadcast_in_dim3A_19 : vector<128x16xf32>
    %add3A_874 = arith.addf %broadcast_in_dim3A_868, %mul3A_873 : vector<128x16xf32>
    %get3A_875 = arith.constant 10 : index
    %get3A_876 = arith.constant 1 : index
    %get3A_877 = memref.load %arg7[%get3A_875, %get3A_876] : memref<32x10xf32, #tpu.memory_space<smem>>
    %mul3A_878 = vector.broadcast %get3A_877 : f32 to vector<128x16xf32>
    %mul3A_879 = arith.mulf %mul3A_878, %broadcast_in_dim3A_22 : vector<128x16xf32>
    %add3A_880 = arith.addf %add3A_874, %mul3A_879 : vector<128x16xf32>
    %get3A_881 = arith.constant 10 : index
    %get3A_882 = arith.constant 2 : index
    %get3A_883 = memref.load %arg7[%get3A_881, %get3A_882] : memref<32x10xf32, #tpu.memory_space<smem>>
    %mul3A_884 = vector.broadcast %get3A_883 : f32 to vector<128x16xf32>
    %mul3A_885 = arith.mulf %mul3A_884, %broadcast_in_dim3A_25 : vector<128x16xf32>
    %add3A_886 = arith.addf %add3A_880, %mul3A_885 : vector<128x16xf32>
    %get3A_887 = arith.constant 10 : index
    %get3A_888 = arith.constant 3 : index
    %get3A_889 = memref.load %arg7[%get3A_887, %get3A_888] : memref<32x10xf32, #tpu.memory_space<smem>>
    %mul3A_890 = vector.broadcast %get3A_889 : f32 to vector<128x16xf32>
    %mul3A_891 = arith.mulf %mul3A_890, %get3A_8 : vector<128x16xf32>
    %add3A_892 = arith.addf %add3A_886, %mul3A_891 : vector<128x16xf32>
    %get3A_893 = arith.constant 10 : index
    %get3A_894 = arith.constant 4 : index
    %get3A_895 = memref.load %arg7[%get3A_893, %get3A_894] : memref<32x10xf32, #tpu.memory_space<smem>>
    %mul3A_896 = vector.broadcast %get3A_895 : f32 to vector<128x16xf32>
    %mul3A_897 = arith.mulf %mul3A_896, %get3A_13 : vector<128x16xf32>
    %add3A_898 = arith.addf %add3A_892, %mul3A_897 : vector<128x16xf32>
    %get3A_899 = arith.constant 10 : index
    %get3A_900 = arith.constant 5 : index
    %get3A_901 = memref.load %arg7[%get3A_899, %get3A_900] : memref<32x10xf32, #tpu.memory_space<smem>>
    %mul3A_902 = vector.broadcast %get3A_901 : f32 to vector<128x16xf32>
    %mul3A_903 = arith.mulf %mul3A_902, %get3A_18 : vector<128x16xf32>
    %add3A_904 = arith.addf %add3A_898, %mul3A_903 : vector<128x16xf32>
    %get3A_905 = arith.constant 10 : index
    %get3A_906 = arith.constant 6 : index
    %get3A_907 = memref.load %arg7[%get3A_905, %get3A_906] : memref<32x10xf32, #tpu.memory_space<smem>>
    %mul3A_908 = vector.broadcast %get3A_907 : f32 to vector<128x16xf32>
    %mul3A_909 = arith.mulf %mul3A_908, %sub3A : vector<128x16xf32>
    %add3A_910 = arith.addf %add3A_904, %mul3A_909 : vector<128x16xf32>
    %get3A_911 = arith.constant 10 : index
    %get3A_912 = arith.constant 7 : index
    %get3A_913 = memref.load %arg7[%get3A_911, %get3A_912] : memref<32x10xf32, #tpu.memory_space<smem>>
    %mul3A_914 = vector.broadcast %get3A_913 : f32 to vector<128x16xf32>
    %mul3A_915 = arith.mulf %mul3A_914, %sub3A_26 : vector<128x16xf32>
    %add3A_916 = arith.addf %add3A_910, %mul3A_915 : vector<128x16xf32>
    %get3A_917 = arith.constant 10 : index
    %get3A_918 = arith.constant 8 : index
    %get3A_919 = memref.load %arg7[%get3A_917, %get3A_918] : memref<32x10xf32, #tpu.memory_space<smem>>
    %mul3A_920 = vector.broadcast %get3A_919 : f32 to vector<128x16xf32>
    %mul3A_921 = arith.mulf %mul3A_920, %sub3A_27 : vector<128x16xf32>
    %add3A_922 = arith.addf %add3A_916, %mul3A_921 : vector<128x16xf32>
    %get3A_923 = arith.constant 10 : index
    %get3A_924 = arith.constant 9 : index
    %get3A_925 = memref.load %arg7[%get3A_923, %get3A_924] : memref<32x10xf32, #tpu.memory_space<smem>>
    %mul3A_926 = vector.broadcast %get3A_925 : f32 to vector<128x16xf32>
    %mul3A_927 = arith.mulf %mul3A_926, %sqrt3A : vector<128x16xf32>
    %add3A_928 = arith.addf %add3A_922, %mul3A_927 : vector<128x16xf32>
    %max3A_929 = arith.constant 0.000000e+00 : f32
    %max3A_930 = vector.broadcast %max3A_929 : f32 to vector<128x16xf32>
    %max3A_931 = arith.maximumf %add3A_928, %max3A_930 : vector<128x16xf32>
    %swap3A_932 = arith.constant 0 : index
    %swap3A_933 = arith.constant 10 : index
    %swap3A_934 = arith.constant 0 : index
    %swap3A_935 = arith.constant 0 : index
    %swap3A_936 = vector.load %arg9[%swap3A_932, %swap3A_933, %swap3A_934, %swap3A_935] : memref<1x64x128x16xf32, #tpu.memory_space<vmem>>, vector<1x1x128x16xf32>
    %swap3A_937 = vector.shape_cast %swap3A_936 : vector<1x1x128x16xf32> to vector<128x16xf32>
    %swap3A_938 = vector.shape_cast %max3A_931 : vector<128x16xf32> to vector<1x1x128x16xf32>
    tpu.vector_store %arg9[%swap3A_932, %swap3A_933, %swap3A_934, %swap3A_935], %swap3A_938 {strides = array<i32>} : memref<1x64x128x16xf32, #tpu.memory_space<vmem>>, vector<1x1x128x16xf32>,
    %slice3A_939 = vector.extract_strided_slice %get3A_37 {offsets = [0, 10], sizes = [128, 1], strides = [1, 1]} : vector<128x32xf32> to vector<128x1xf32>
    %broadcast_in_dim3A_940 = vector.shape_cast %slice3A_939 : vector<128x1xf32> to vector<128x1xf32>
    %broadcast_in_dim3A_941 = vector.broadcast %broadcast_in_dim3A_940 : vector<128x1xf32> to vector<128x16xf32>
    %swap3A_942 = arith.constant 0 : index
    %swap3A_943 = arith.constant 42 : index
    %swap3A_944 = arith.constant 0 : index
    %swap3A_945 = arith.constant 0 : index
    %swap3A_946 = vector.load %arg9[%swap3A_942, %swap3A_943, %swap3A_944, %swap3A_945] : memref<1x64x128x16xf32, #tpu.memory_space<vmem>>, vector<1x1x128x16xf32>
    %swap3A_947 = vector.shape_cast %swap3A_946 : vector<1x1x128x16xf32> to vector<128x16xf32>
    %swap3A_948 = vector.shape_cast %broadcast_in_dim3A_941 : vector<128x16xf32> to vector<1x1x128x16xf32>
    tpu.vector_store %arg9[%swap3A_942, %swap3A_943, %swap3A_944, %swap3A_945], %swap3A_948 {strides = array<i32>} : memref<1x64x128x16xf32, #tpu.memory_space<vmem>>, vector<1x1x128x16xf32>,
    %get3A_949 = arith.constant 11 : index
    %get3A_950 = memref.load %arg8[%get3A_949] : memref<32xf32, #tpu.memory_space<smem>>
    %broadcast_in_dim3A_951 = vector.broadcast %get3A_950 : f32 to vector<128x16xf32>
    %get3A_952 = arith.constant 11 : index
    %get3A_953 = arith.constant 0 : index
    %get3A_954 = memref.load %arg7[%get3A_952, %get3A_953] : memref<32x10xf32, #tpu.memory_space<smem>>
    %mul3A_955 = vector.broadcast %get3A_954 : f32 to vector<128x16xf32>
    %mul3A_956 = arith.mulf %mul3A_955, %broadcast_in_dim3A_19 : vector<128x16xf32>
    %add3A_957 = arith.addf %broadcast_in_dim3A_951, %mul3A_956 : vector<128x16xf32>
    %get3A_958 = arith.constant 11 : index
    %get3A_959 = arith.constant 1 : index
    %get3A_960 = memref.load %arg7[%get3A_958, %get3A_959] : memref<32x10xf32, #tpu.memory_space<smem>>
    %mul3A_961 = vector.broadcast %get3A_960 : f32 to vector<128x16xf32>
    %mul3A_962 = arith.mulf %mul3A_961, %broadcast_in_dim3A_22 : vector<128x16xf32>
    %add3A_963 = arith.addf %add3A_957, %mul3A_962 : vector<128x16xf32>
    %get3A_964 = arith.constant 11 : index
    %get3A_965 = arith.constant 2 : index
    %get3A_966 = memref.load %arg7[%get3A_964, %get3A_965] : memref<32x10xf32, #tpu.memory_space<smem>>
    %mul3A_967 = vector.broadcast %get3A_966 : f32 to vector<128x16xf32>
    %mul3A_968 = arith.mulf %mul3A_967, %broadcast_in_dim3A_25 : vector<128x16xf32>
    %add3A_969 = arith.addf %add3A_963, %mul3A_968 : vector<128x16xf32>
    %get3A_970 = arith.constant 11 : index
    %get3A_971 = arith.constant 3 : index
    %get3A_972 = memref.load %arg7[%get3A_970, %get3A_971] : memref<32x10xf32, #tpu.memory_space<smem>>
    %mul3A_973 = vector.broadcast %get3A_972 : f32 to vector<128x16xf32>
    %mul3A_974 = arith.mulf %mul3A_973, %get3A_8 : vector<128x16xf32>
    %add3A_975 = arith.addf %add3A_969, %mul3A_974 : vector<128x16xf32>
    %get3A_976 = arith.constant 11 : index
    %get3A_977 = arith.constant 4 : index
    %get3A_978 = memref.load %arg7[%get3A_976, %get3A_977] : memref<32x10xf32, #tpu.memory_space<smem>>
    %mul3A_979 = vector.broadcast %get3A_978 : f32 to vector<128x16xf32>
    %mul3A_980 = arith.mulf %mul3A_979, %get3A_13 : vector<128x16xf32>
    %add3A_981 = arith.addf %add3A_975, %mul3A_980 : vector<128x16xf32>
    %get3A_982 = arith.constant 11 : index
    %get3A_983 = arith.constant 5 : index
    %get3A_984 = memref.load %arg7[%get3A_982, %get3A_983] : memref<32x10xf32, #tpu.memory_space<smem>>
    %mul3A_985 = vector.broadcast %get3A_984 : f32 to vector<128x16xf32>
    %mul3A_986 = arith.mulf %mul3A_985, %get3A_18 : vector<128x16xf32>
    %add3A_987 = arith.addf %add3A_981, %mul3A_986 : vector<128x16xf32>
    %get3A_988 = arith.constant 11 : index
    %get3A_989 = arith.constant 6 : index
    %get3A_990 = memref.load %arg7[%get3A_988, %get3A_989] : memref<32x10xf32, #tpu.memory_space<smem>>
    %mul3A_991 = vector.broadcast %get3A_990 : f32 to vector<128x16xf32>
    %mul3A_992 = arith.mulf %mul3A_991, %sub3A : vector<128x16xf32>
    %add3A_993 = arith.addf %add3A_987, %mul3A_992 : vector<128x16xf32>
    %get3A_994 = arith.constant 11 : index
    %get3A_995 = arith.constant 7 : index
    %get3A_996 = memref.load %arg7[%get3A_994, %get3A_995] : memref<32x10xf32, #tpu.memory_space<smem>>
    %mul3A_997 = vector.broadcast %get3A_996 : f32 to vector<128x16xf32>
    %mul3A_998 = arith.mulf %mul3A_997, %sub3A_26 : vector<128x16xf32>
    %add3A_999 = arith.addf %add3A_993, %mul3A_998 : vector<128x16xf32>
    %get3A_1000 = arith.constant 11 : index
    %get3A_1001 = arith.constant 8 : index
    %get3A_1002 = memref.load %arg7[%get3A_1000, %get3A_1001] : memref<32x10xf32, #tpu.memory_space<smem>>
    %mul3A_1003 = vector.broadcast %get3A_1002 : f32 to vector<128x16xf32>
    %mul3A_1004 = arith.mulf %mul3A_1003, %sub3A_27 : vector<128x16xf32>
    %add3A_1005 = arith.addf %add3A_999, %mul3A_1004 : vector<128x16xf32>
    %get3A_1006 = arith.constant 11 : index
    %get3A_1007 = arith.constant 9 : index
    %get3A_1008 = memref.load %arg7[%get3A_1006, %get3A_1007] : memref<32x10xf32, #tpu.memory_space<smem>>
    %mul3A_1009 = vector.broadcast %get3A_1008 : f32 to vector<128x16xf32>
    %mul3A_1010 = arith.mulf %mul3A_1009, %sqrt3A : vector<128x16xf32>
    %add3A_1011 = arith.addf %add3A_1005, %mul3A_1010 : vector<128x16xf32>
    %max3A_1012 = arith.constant 0.000000e+00 : f32
    %max3A_1013 = vector.broadcast %max3A_1012 : f32 to vector<128x16xf32>
    %max3A_1014 = arith.maximumf %add3A_1011, %max3A_1013 : vector<128x16xf32>
    %swap3A_1015 = arith.constant 0 : index
    %swap3A_1016 = arith.constant 11 : index
    %swap3A_1017 = arith.constant 0 : index
    %swap3A_1018 = arith.constant 0 : index
    %swap3A_1019 = vector.load %arg9[%swap3A_1015, %swap3A_1016, %swap3A_1017, %swap3A_1018] : memref<1x64x128x16xf32, #tpu.memory_space<vmem>>, vector<1x1x128x16xf32>
    %swap3A_1020 = vector.shape_cast %swap3A_1019 : vector<1x1x128x16xf32> to vector<128x16xf32>
    %swap3A_1021 = vector.shape_cast %max3A_1014 : vector<128x16xf32> to vector<1x1x128x16xf32>
    tpu.vector_store %arg9[%swap3A_1015, %swap3A_1016, %swap3A_1017, %swap3A_1018], %swap3A_1021 {strides = array<i32>} : memref<1x64x128x16xf32, #tpu.memory_space<vmem>>, vector<1x1x128x16xf32>,
    %slice3A_1022 = vector.extract_strided_slice %get3A_37 {offsets = [0, 11], sizes = [128, 1], strides = [1, 1]} : vector<128x32xf32> to vector<128x1xf32>
    %broadcast_in_dim3A_1023 = vector.shape_cast %slice3A_1022 : vector<128x1xf32> to vector<128x1xf32>
    %broadcast_in_dim3A_1024 = vector.broadcast %broadcast_in_dim3A_1023 : vector<128x1xf32> to vector<128x16xf32>
    %swap3A_1025 = arith.constant 0 : index
    %swap3A_1026 = arith.constant 43 : index
    %swap3A_1027 = arith.constant 0 : index
    %swap3A_1028 = arith.constant 0 : index
    %swap3A_1029 = vector.load %arg9[%swap3A_1025, %swap3A_1026, %swap3A_1027, %swap3A_1028] : memref<1x64x128x16xf32, #tpu.memory_space<vmem>>, vector<1x1x128x16xf32>
    %swap3A_1030 = vector.shape_cast %swap3A_1029 : vector<1x1x128x16xf32> to vector<128x16xf32>
    %swap3A_1031 = vector.shape_cast %broadcast_in_dim3A_1024 : vector<128x16xf32> to vector<1x1x128x16xf32>
    tpu.vector_store %arg9[%swap3A_1025, %swap3A_1026, %swap3A_1027, %swap3A_1028], %swap3A_1031 {strides = array<i32>} : memref<1x64x128x16xf32, #tpu.memory_space<vmem>>, vector<1x1x128x16xf32>,
    %get3A_1032 = arith.constant 12 : index
    %get3A_1033 = memref.load %arg8[%get3A_1032] : memref<32xf32, #tpu.memory_space<smem>>
    %broadcast_in_dim3A_1034 = vector.broadcast %get3A_1033 : f32 to vector<128x16xf32>
    %get3A_1035 = arith.constant 12 : index
    %get3A_1036 = arith.constant 0 : index
    %get3A_1037 = memref.load %arg7[%get3A_1035, %get3A_1036] : memref<32x10xf32, #tpu.memory_space<smem>>
    %mul3A_1038 = vector.broadcast %get3A_1037 : f32 to vector<128x16xf32>
    %mul3A_1039 = arith.mulf %mul3A_1038, %broadcast_in_dim3A_19 : vector<128x16xf32>
    %add3A_1040 = arith.addf %broadcast_in_dim3A_1034, %mul3A_1039 : vector<128x16xf32>
    %get3A_1041 = arith.constant 12 : index
    %get3A_1042 = arith.constant 1 : index
    %get3A_1043 = memref.load %arg7[%get3A_1041, %get3A_1042] : memref<32x10xf32, #tpu.memory_space<smem>>
    %mul3A_1044 = vector.broadcast %get3A_1043 : f32 to vector<128x16xf32>
    %mul3A_1045 = arith.mulf %mul3A_1044, %broadcast_in_dim3A_22 : vector<128x16xf32>
    %add3A_1046 = arith.addf %add3A_1040, %mul3A_1045 : vector<128x16xf32>
    %get3A_1047 = arith.constant 12 : index
    %get3A_1048 = arith.constant 2 : index
    %get3A_1049 = memref.load %arg7[%get3A_1047, %get3A_1048] : memref<32x10xf32, #tpu.memory_space<smem>>
    %mul3A_1050 = vector.broadcast %get3A_1049 : f32 to vector<128x16xf32>
    %mul3A_1051 = arith.mulf %mul3A_1050, %broadcast_in_dim3A_25 : vector<128x16xf32>
    %add3A_1052 = arith.addf %add3A_1046, %mul3A_1051 : vector<128x16xf32>
    %get3A_1053 = arith.constant 12 : index
    %get3A_1054 = arith.constant 3 : index
    %get3A_1055 = memref.load %arg7[%get3A_1053, %get3A_1054] : memref<32x10xf32, #tpu.memory_space<smem>>
    %mul3A_1056 = vector.broadcast %get3A_1055 : f32 to vector<128x16xf32>
    %mul3A_1057 = arith.mulf %mul3A_1056, %get3A_8 : vector<128x16xf32>
    %add3A_1058 = arith.addf %add3A_1052, %mul3A_1057 : vector<128x16xf32>
    %get3A_1059 = arith.constant 12 : index
    %get3A_1060 = arith.constant 4 : index
    %get3A_1061 = memref.load %arg7[%get3A_1059, %get3A_1060] : memref<32x10xf32, #tpu.memory_space<smem>>
    %mul3A_1062 = vector.broadcast %get3A_1061 : f32 to vector<128x16xf32>
    %mul3A_1063 = arith.mulf %mul3A_1062, %get3A_13 : vector<128x16xf32>
    %add3A_1064 = arith.addf %add3A_1058, %mul3A_1063 : vector<128x16xf32>
    %get3A_1065 = arith.constant 12 : index
    %get3A_1066 = arith.constant 5 : index
    %get3A_1067 = memref.load %arg7[%get3A_1065, %get3A_1066] : memref<32x10xf32, #tpu.memory_space<smem>>
    %mul3A_1068 = vector.broadcast %get3A_1067 : f32 to vector<128x16xf32>
    %mul3A_1069 = arith.mulf %mul3A_1068, %get3A_18 : vector<128x16xf32>
    %add3A_1070 = arith.addf %add3A_1064, %mul3A_1069 : vector<128x16xf32>
    %get3A_1071 = arith.constant 12 : index
    %get3A_1072 = arith.constant 6 : index
    %get3A_1073 = memref.load %arg7[%get3A_1071, %get3A_1072] : memref<32x10xf32, #tpu.memory_space<smem>>
    %mul3A_1074 = vector.broadcast %get3A_1073 : f32 to vector<128x16xf32>
    %mul3A_1075 = arith.mulf %mul3A_1074, %sub3A : vector<128x16xf32>
    %add3A_1076 = arith.addf %add3A_1070, %mul3A_1075 : vector<128x16xf32>
    %get3A_1077 = arith.constant 12 : index
    %get3A_1078 = arith.constant 7 : index
    %get3A_1079 = memref.load %arg7[%get3A_1077, %get3A_1078] : memref<32x10xf32, #tpu.memory_space<smem>>
    %mul3A_1080 = vector.broadcast %get3A_1079 : f32 to vector<128x16xf32>
    %mul3A_1081 = arith.mulf %mul3A_1080, %sub3A_26 : vector<128x16xf32>
    %add3A_1082 = arith.addf %add3A_1076, %mul3A_1081 : vector<128x16xf32>
    %get3A_1083 = arith.constant 12 : index
    %get3A_1084 = arith.constant 8 : index
    %get3A_1085 = memref.load %arg7[%get3A_1083, %get3A_1084] : memref<32x10xf32, #tpu.memory_space<smem>>
    %mul3A_1086 = vector.broadcast %get3A_1085 : f32 to vector<128x16xf32>
    %mul3A_1087 = arith.mulf %mul3A_1086, %sub3A_27 : vector<128x16xf32>
    %add3A_1088 = arith.addf %add3A_1082, %mul3A_1087 : vector<128x16xf32>
    %get3A_1089 = arith.constant 12 : index
    %get3A_1090 = arith.constant 9 : index
    %get3A_1091 = memref.load %arg7[%get3A_1089, %get3A_1090] : memref<32x10xf32, #tpu.memory_space<smem>>
    %mul3A_1092 = vector.broadcast %get3A_1091 : f32 to vector<128x16xf32>
    %mul3A_1093 = arith.mulf %mul3A_1092, %sqrt3A : vector<128x16xf32>
    %add3A_1094 = arith.addf %add3A_1088, %mul3A_1093 : vector<128x16xf32>
    %max3A_1095 = arith.constant 0.000000e+00 : f32
    %max3A_1096 = vector.broadcast %max3A_1095 : f32 to vector<128x16xf32>
    %max3A_1097 = arith.maximumf %add3A_1094, %max3A_1096 : vector<128x16xf32>
    %swap3A_1098 = arith.constant 0 : index
    %swap3A_1099 = arith.constant 12 : index
    %swap3A_1100 = arith.constant 0 : index
    %swap3A_1101 = arith.constant 0 : index
    %swap3A_1102 = vector.load %arg9[%swap3A_1098, %swap3A_1099, %swap3A_1100, %swap3A_1101] : memref<1x64x128x16xf32, #tpu.memory_space<vmem>>, vector<1x1x128x16xf32>
    %swap3A_1103 = vector.shape_cast %swap3A_1102 : vector<1x1x128x16xf32> to vector<128x16xf32>
    %swap3A_1104 = vector.shape_cast %max3A_1097 : vector<128x16xf32> to vector<1x1x128x16xf32>
    tpu.vector_store %arg9[%swap3A_1098, %swap3A_1099, %swap3A_1100, %swap3A_1101], %swap3A_1104 {strides = array<i32>} : memref<1x64x128x16xf32, #tpu.memory_space<vmem>>, vector<1x1x128x16xf32>,
    %slice3A_1105 = vector.extract_strided_slice %get3A_37 {offsets = [0, 12], sizes = [128, 1], strides = [1, 1]} : vector<128x32xf32> to vector<128x1xf32>
    %broadcast_in_dim3A_1106 = vector.shape_cast %slice3A_1105 : vector<128x1xf32> to vector<128x1xf32>
    %broadcast_in_dim3A_1107 = vector.broadcast %broadcast_in_dim3A_1106 : vector<128x1xf32> to vector<128x16xf32>
    %swap3A_1108 = arith.constant 0 : index
    %swap3A_1109 = arith.constant 44 : index
    %swap3A_1110 = arith.constant 0 : index
    %swap3A_1111 = arith.constant 0 : index
    %swap3A_1112 = vector.load %arg9[%swap3A_1108, %swap3A_1109, %swap3A_1110, %swap3A_1111] : memref<1x64x128x16xf32, #tpu.memory_space<vmem>>, vector<1x1x128x16xf32>
    %swap3A_1113 = vector.shape_cast %swap3A_1112 : vector<1x1x128x16xf32> to vector<128x16xf32>
    %swap3A_1114 = vector.shape_cast %broadcast_in_dim3A_1107 : vector<128x16xf32> to vector<1x1x128x16xf32>
    tpu.vector_store %arg9[%swap3A_1108, %swap3A_1109, %swap3A_1110, %swap3A_1111], %swap3A_1114 {strides = array<i32>} : memref<1x64x128x16xf32, #tpu.memory_space<vmem>>, vector<1x1x128x16xf32>,
    %get3A_1115 = arith.constant 13 : index
    %get3A_1116 = memref.load %arg8[%get3A_1115] : memref<32xf32, #tpu.memory_space<smem>>
    %broadcast_in_dim3A_1117 = vector.broadcast %get3A_1116 : f32 to vector<128x16xf32>
    %get3A_1118 = arith.constant 13 : index
    %get3A_1119 = arith.constant 0 : index
    %get3A_1120 = memref.load %arg7[%get3A_1118, %get3A_1119] : memref<32x10xf32, #tpu.memory_space<smem>>
    %mul3A_1121 = vector.broadcast %get3A_1120 : f32 to vector<128x16xf32>
    %mul3A_1122 = arith.mulf %mul3A_1121, %broadcast_in_dim3A_19 : vector<128x16xf32>
    %add3A_1123 = arith.addf %broadcast_in_dim3A_1117, %mul3A_1122 : vector<128x16xf32>
    %get3A_1124 = arith.constant 13 : index
    %get3A_1125 = arith.constant 1 : index
    %get3A_1126 = memref.load %arg7[%get3A_1124, %get3A_1125] : memref<32x10xf32, #tpu.memory_space<smem>>
    %mul3A_1127 = vector.broadcast %get3A_1126 : f32 to vector<128x16xf32>
    %mul3A_1128 = arith.mulf %mul3A_1127, %broadcast_in_dim3A_22 : vector<128x16xf32>
    %add3A_1129 = arith.addf %add3A_1123, %mul3A_1128 : vector<128x16xf32>
    %get3A_1130 = arith.constant 13 : index
    %get3A_1131 = arith.constant 2 : index
    %get3A_1132 = memref.load %arg7[%get3A_1130, %get3A_1131] : memref<32x10xf32, #tpu.memory_space<smem>>
    %mul3A_1133 = vector.broadcast %get3A_1132 : f32 to vector<128x16xf32>
    %mul3A_1134 = arith.mulf %mul3A_1133, %broadcast_in_dim3A_25 : vector<128x16xf32>
    %add3A_1135 = arith.addf %add3A_1129, %mul3A_1134 : vector<128x16xf32>
    %get3A_1136 = arith.constant 13 : index
    %get3A_1137 = arith.constant 3 : index
    %get3A_1138 = memref.load %arg7[%get3A_1136, %get3A_1137] : memref<32x10xf32, #tpu.memory_space<smem>>
    %mul3A_1139 = vector.broadcast %get3A_1138 : f32 to vector<128x16xf32>
    %mul3A_1140 = arith.mulf %mul3A_1139, %get3A_8 : vector<128x16xf32>
    %add3A_1141 = arith.addf %add3A_1135, %mul3A_1140 : vector<128x16xf32>
    %get3A_1142 = arith.constant 13 : index
    %get3A_1143 = arith.constant 4 : index
    %get3A_1144 = memref.load %arg7[%get3A_1142, %get3A_1143] : memref<32x10xf32, #tpu.memory_space<smem>>
    %mul3A_1145 = vector.broadcast %get3A_1144 : f32 to vector<128x16xf32>
    %mul3A_1146 = arith.mulf %mul3A_1145, %get3A_13 : vector<128x16xf32>
    %add3A_1147 = arith.addf %add3A_1141, %mul3A_1146 : vector<128x16xf32>
    %get3A_1148 = arith.constant 13 : index
    %get3A_1149 = arith.constant 5 : index
    %get3A_1150 = memref.load %arg7[%get3A_1148, %get3A_1149] : memref<32x10xf32, #tpu.memory_space<smem>>
    %mul3A_1151 = vector.broadcast %get3A_1150 : f32 to vector<128x16xf32>
    %mul3A_1152 = arith.mulf %mul3A_1151, %get3A_18 : vector<128x16xf32>
    %add3A_1153 = arith.addf %add3A_1147, %mul3A_1152 : vector<128x16xf32>
    %get3A_1154 = arith.constant 13 : index
    %get3A_1155 = arith.constant 6 : index
    %get3A_1156 = memref.load %arg7[%get3A_1154, %get3A_1155] : memref<32x10xf32, #tpu.memory_space<smem>>
    %mul3A_1157 = vector.broadcast %get3A_1156 : f32 to vector<128x16xf32>
    %mul3A_1158 = arith.mulf %mul3A_1157, %sub3A : vector<128x16xf32>
    %add3A_1159 = arith.addf %add3A_1153, %mul3A_1158 : vector<128x16xf32>
    %get3A_1160 = arith.constant 13 : index
    %get3A_1161 = arith.constant 7 : index
    %get3A_1162 = memref.load %arg7[%get3A_1160, %get3A_1161] : memref<32x10xf32, #tpu.memory_space<smem>>
    %mul3A_1163 = vector.broadcast %get3A_1162 : f32 to vector<128x16xf32>
    %mul3A_1164 = arith.mulf %mul3A_1163, %sub3A_26 : vector<128x16xf32>
    %add3A_1165 = arith.addf %add3A_1159, %mul3A_1164 : vector<128x16xf32>
    %get3A_1166 = arith.constant 13 : index
    %get3A_1167 = arith.constant 8 : index
    %get3A_1168 = memref.load %arg7[%get3A_1166, %get3A_1167] : memref<32x10xf32, #tpu.memory_space<smem>>
    %mul3A_1169 = vector.broadcast %get3A_1168 : f32 to vector<128x16xf32>
    %mul3A_1170 = arith.mulf %mul3A_1169, %sub3A_27 : vector<128x16xf32>
    %add3A_1171 = arith.addf %add3A_1165, %mul3A_1170 : vector<128x16xf32>
    %get3A_1172 = arith.constant 13 : index
    %get3A_1173 = arith.constant 9 : index
    %get3A_1174 = memref.load %arg7[%get3A_1172, %get3A_1173] : memref<32x10xf32, #tpu.memory_space<smem>>
    %mul3A_1175 = vector.broadcast %get3A_1174 : f32 to vector<128x16xf32>
    %mul3A_1176 = arith.mulf %mul3A_1175, %sqrt3A : vector<128x16xf32>
    %add3A_1177 = arith.addf %add3A_1171, %mul3A_1176 : vector<128x16xf32>
    %max3A_1178 = arith.constant 0.000000e+00 : f32
    %max3A_1179 = vector.broadcast %max3A_1178 : f32 to vector<128x16xf32>
    %max3A_1180 = arith.maximumf %add3A_1177, %max3A_1179 : vector<128x16xf32>
    %swap3A_1181 = arith.constant 0 : index
    %swap3A_1182 = arith.constant 13 : index
    %swap3A_1183 = arith.constant 0 : index
    %swap3A_1184 = arith.constant 0 : index
    %swap3A_1185 = vector.load %arg9[%swap3A_1181, %swap3A_1182, %swap3A_1183, %swap3A_1184] : memref<1x64x128x16xf32, #tpu.memory_space<vmem>>, vector<1x1x128x16xf32>
    %swap3A_1186 = vector.shape_cast %swap3A_1185 : vector<1x1x128x16xf32> to vector<128x16xf32>
    %swap3A_1187 = vector.shape_cast %max3A_1180 : vector<128x16xf32> to vector<1x1x128x16xf32>
    tpu.vector_store %arg9[%swap3A_1181, %swap3A_1182, %swap3A_1183, %swap3A_1184], %swap3A_1187 {strides = array<i32>} : memref<1x64x128x16xf32, #tpu.memory_space<vmem>>, vector<1x1x128x16xf32>,
    %slice3A_1188 = vector.extract_strided_slice %get3A_37 {offsets = [0, 13], sizes = [128, 1], strides = [1, 1]} : vector<128x32xf32> to vector<128x1xf32>
    %broadcast_in_dim3A_1189 = vector.shape_cast %slice3A_1188 : vector<128x1xf32> to vector<128x1xf32>
    %broadcast_in_dim3A_1190 = vector.broadcast %broadcast_in_dim3A_1189 : vector<128x1xf32> to vector<128x16xf32>
    %swap3A_1191 = arith.constant 0 : index
    %swap3A_1192 = arith.constant 45 : index
    %swap3A_1193 = arith.constant 0 : index
    %swap3A_1194 = arith.constant 0 : index
    %swap3A_1195 = vector.load %arg9[%swap3A_1191, %swap3A_1192, %swap3A_1193, %swap3A_1194] : memref<1x64x128x16xf32, #tpu.memory_space<vmem>>, vector<1x1x128x16xf32>
    %swap3A_1196 = vector.shape_cast %swap3A_1195 : vector<1x1x128x16xf32> to vector<128x16xf32>
    %swap3A_1197 = vector.shape_cast %broadcast_in_dim3A_1190 : vector<128x16xf32> to vector<1x1x128x16xf32>
    tpu.vector_store %arg9[%swap3A_1191, %swap3A_1192, %swap3A_1193, %swap3A_1194], %swap3A_1197 {strides = array<i32>} : memref<1x64x128x16xf32, #tpu.memory_space<vmem>>, vector<1x1x128x16xf32>,
    %get3A_1198 = arith.constant 14 : index
    %get3A_1199 = memref.load %arg8[%get3A_1198] : memref<32xf32, #tpu.memory_space<smem>>
    %broadcast_in_dim3A_1200 = vector.broadcast %get3A_1199 : f32 to vector<128x16xf32>
    %get3A_1201 = arith.constant 14 : index
    %get3A_1202 = arith.constant 0 : index
    %get3A_1203 = memref.load %arg7[%get3A_1201, %get3A_1202] : memref<32x10xf32, #tpu.memory_space<smem>>
    %mul3A_1204 = vector.broadcast %get3A_1203 : f32 to vector<128x16xf32>
    %mul3A_1205 = arith.mulf %mul3A_1204, %broadcast_in_dim3A_19 : vector<128x16xf32>
    %add3A_1206 = arith.addf %broadcast_in_dim3A_1200, %mul3A_1205 : vector<128x16xf32>
    %get3A_1207 = arith.constant 14 : index
    %get3A_1208 = arith.constant 1 : index
    %get3A_1209 = memref.load %arg7[%get3A_1207, %get3A_1208] : memref<32x10xf32, #tpu.memory_space<smem>>
    %mul3A_1210 = vector.broadcast %get3A_1209 : f32 to vector<128x16xf32>
    %mul3A_1211 = arith.mulf %mul3A_1210, %broadcast_in_dim3A_22 : vector<128x16xf32>
    %add3A_1212 = arith.addf %add3A_1206, %mul3A_1211 : vector<128x16xf32>
    %get3A_1213 = arith.constant 14 : index
    %get3A_1214 = arith.constant 2 : index
    %get3A_1215 = memref.load %arg7[%get3A_1213, %get3A_1214] : memref<32x10xf32, #tpu.memory_space<smem>>
    %mul3A_1216 = vector.broadcast %get3A_1215 : f32 to vector<128x16xf32>
    %mul3A_1217 = arith.mulf %mul3A_1216, %broadcast_in_dim3A_25 : vector<128x16xf32>
    %add3A_1218 = arith.addf %add3A_1212, %mul3A_1217 : vector<128x16xf32>
    %get3A_1219 = arith.constant 14 : index
    %get3A_1220 = arith.constant 3 : index
    %get3A_1221 = memref.load %arg7[%get3A_1219, %get3A_1220] : memref<32x10xf32, #tpu.memory_space<smem>>
    %mul3A_1222 = vector.broadcast %get3A_1221 : f32 to vector<128x16xf32>
    %mul3A_1223 = arith.mulf %mul3A_1222, %get3A_8 : vector<128x16xf32>
    %add3A_1224 = arith.addf %add3A_1218, %mul3A_1223 : vector<128x16xf32>
    %get3A_1225 = arith.constant 14 : index
    %get3A_1226 = arith.constant 4 : index
    %get3A_1227 = memref.load %arg7[%get3A_1225, %get3A_1226] : memref<32x10xf32, #tpu.memory_space<smem>>
    %mul3A_1228 = vector.broadcast %get3A_1227 : f32 to vector<128x16xf32>
    %mul3A_1229 = arith.mulf %mul3A_1228, %get3A_13 : vector<128x16xf32>
    %add3A_1230 = arith.addf %add3A_1224, %mul3A_1229 : vector<128x16xf32>
    %get3A_1231 = arith.constant 14 : index
    %get3A_1232 = arith.constant 5 : index
    %get3A_1233 = memref.load %arg7[%get3A_1231, %get3A_1232] : memref<32x10xf32, #tpu.memory_space<smem>>
    %mul3A_1234 = vector.broadcast %get3A_1233 : f32 to vector<128x16xf32>
    %mul3A_1235 = arith.mulf %mul3A_1234, %get3A_18 : vector<128x16xf32>
    %add3A_1236 = arith.addf %add3A_1230, %mul3A_1235 : vector<128x16xf32>
    %get3A_1237 = arith.constant 14 : index
    %get3A_1238 = arith.constant 6 : index
    %get3A_1239 = memref.load %arg7[%get3A_1237, %get3A_1238] : memref<32x10xf32, #tpu.memory_space<smem>>
    %mul3A_1240 = vector.broadcast %get3A_1239 : f32 to vector<128x16xf32>
    %mul3A_1241 = arith.mulf %mul3A_1240, %sub3A : vector<128x16xf32>
    %add3A_1242 = arith.addf %add3A_1236, %mul3A_1241 : vector<128x16xf32>
    %get3A_1243 = arith.constant 14 : index
    %get3A_1244 = arith.constant 7 : index
    %get3A_1245 = memref.load %arg7[%get3A_1243, %get3A_1244] : memref<32x10xf32, #tpu.memory_space<smem>>
    %mul3A_1246 = vector.broadcast %get3A_1245 : f32 to vector<128x16xf32>
    %mul3A_1247 = arith.mulf %mul3A_1246, %sub3A_26 : vector<128x16xf32>
    %add3A_1248 = arith.addf %add3A_1242, %mul3A_1247 : vector<128x16xf32>
    %get3A_1249 = arith.constant 14 : index
    %get3A_1250 = arith.constant 8 : index
    %get3A_1251 = memref.load %arg7[%get3A_1249, %get3A_1250] : memref<32x10xf32, #tpu.memory_space<smem>>
    %mul3A_1252 = vector.broadcast %get3A_1251 : f32 to vector<128x16xf32>
    %mul3A_1253 = arith.mulf %mul3A_1252, %sub3A_27 : vector<128x16xf32>
    %add3A_1254 = arith.addf %add3A_1248, %mul3A_1253 : vector<128x16xf32>
    %get3A_1255 = arith.constant 14 : index
    %get3A_1256 = arith.constant 9 : index
    %get3A_1257 = memref.load %arg7[%get3A_1255, %get3A_1256] : memref<32x10xf32, #tpu.memory_space<smem>>
    %mul3A_1258 = vector.broadcast %get3A_1257 : f32 to vector<128x16xf32>
    %mul3A_1259 = arith.mulf %mul3A_1258, %sqrt3A : vector<128x16xf32>
    %add3A_1260 = arith.addf %add3A_1254, %mul3A_1259 : vector<128x16xf32>
    %max3A_1261 = arith.constant 0.000000e+00 : f32
    %max3A_1262 = vector.broadcast %max3A_1261 : f32 to vector<128x16xf32>
    %max3A_1263 = arith.maximumf %add3A_1260, %max3A_1262 : vector<128x16xf32>
    %swap3A_1264 = arith.constant 0 : index
    %swap3A_1265 = arith.constant 14 : index
    %swap3A_1266 = arith.constant 0 : index
    %swap3A_1267 = arith.constant 0 : index
    %swap3A_1268 = vector.load %arg9[%swap3A_1264, %swap3A_1265, %swap3A_1266, %swap3A_1267] : memref<1x64x128x16xf32, #tpu.memory_space<vmem>>, vector<1x1x128x16xf32>
    %swap3A_1269 = vector.shape_cast %swap3A_1268 : vector<1x1x128x16xf32> to vector<128x16xf32>
    %swap3A_1270 = vector.shape_cast %max3A_1263 : vector<128x16xf32> to vector<1x1x128x16xf32>
    tpu.vector_store %arg9[%swap3A_1264, %swap3A_1265, %swap3A_1266, %swap3A_1267], %swap3A_1270 {strides = array<i32>} : memref<1x64x128x16xf32, #tpu.memory_space<vmem>>, vector<1x1x128x16xf32>,
    %slice3A_1271 = vector.extract_strided_slice %get3A_37 {offsets = [0, 14], sizes = [128, 1], strides = [1, 1]} : vector<128x32xf32> to vector<128x1xf32>
    %broadcast_in_dim3A_1272 = vector.shape_cast %slice3A_1271 : vector<128x1xf32> to vector<128x1xf32>
    %broadcast_in_dim3A_1273 = vector.broadcast %broadcast_in_dim3A_1272 : vector<128x1xf32> to vector<128x16xf32>
    %swap3A_1274 = arith.constant 0 : index
    %swap3A_1275 = arith.constant 46 : index
    %swap3A_1276 = arith.constant 0 : index
    %swap3A_1277 = arith.constant 0 : index
    %swap3A_1278 = vector.load %arg9[%swap3A_1274, %swap3A_1275, %swap3A_1276, %swap3A_1277] : memref<1x64x128x16xf32, #tpu.memory_space<vmem>>, vector<1x1x128x16xf32>
    %swap3A_1279 = vector.shape_cast %swap3A_1278 : vector<1x1x128x16xf32> to vector<128x16xf32>
    %swap3A_1280 = vector.shape_cast %broadcast_in_dim3A_1273 : vector<128x16xf32> to vector<1x1x128x16xf32>
    tpu.vector_store %arg9[%swap3A_1274, %swap3A_1275, %swap3A_1276, %swap3A_1277], %swap3A_1280 {strides = array<i32>} : memref<1x64x128x16xf32, #tpu.memory_space<vmem>>, vector<1x1x128x16xf32>,
    %get3A_1281 = arith.constant 15 : index
    %get3A_1282 = memref.load %arg8[%get3A_1281] : memref<32xf32, #tpu.memory_space<smem>>
    %broadcast_in_dim3A_1283 = vector.broadcast %get3A_1282 : f32 to vector<128x16xf32>
    %get3A_1284 = arith.constant 15 : index
    %get3A_1285 = arith.constant 0 : index
    %get3A_1286 = memref.load %arg7[%get3A_1284, %get3A_1285] : memref<32x10xf32, #tpu.memory_space<smem>>
    %mul3A_1287 = vector.broadcast %get3A_1286 : f32 to vector<128x16xf32>
    %mul3A_1288 = arith.mulf %mul3A_1287, %broadcast_in_dim3A_19 : vector<128x16xf32>
    %add3A_1289 = arith.addf %broadcast_in_dim3A_1283, %mul3A_1288 : vector<128x16xf32>
    %get3A_1290 = arith.constant 15 : index
    %get3A_1291 = arith.constant 1 : index
    %get3A_1292 = memref.load %arg7[%get3A_1290, %get3A_1291] : memref<32x10xf32, #tpu.memory_space<smem>>
    %mul3A_1293 = vector.broadcast %get3A_1292 : f32 to vector<128x16xf32>
    %mul3A_1294 = arith.mulf %mul3A_1293, %broadcast_in_dim3A_22 : vector<128x16xf32>
    %add3A_1295 = arith.addf %add3A_1289, %mul3A_1294 : vector<128x16xf32>
    %get3A_1296 = arith.constant 15 : index
    %get3A_1297 = arith.constant 2 : index
    %get3A_1298 = memref.load %arg7[%get3A_1296, %get3A_1297] : memref<32x10xf32, #tpu.memory_space<smem>>
    %mul3A_1299 = vector.broadcast %get3A_1298 : f32 to vector<128x16xf32>
    %mul3A_1300 = arith.mulf %mul3A_1299, %broadcast_in_dim3A_25 : vector<128x16xf32>
    %add3A_1301 = arith.addf %add3A_1295, %mul3A_1300 : vector<128x16xf32>
    %get3A_1302 = arith.constant 15 : index
    %get3A_1303 = arith.constant 3 : index
    %get3A_1304 = memref.load %arg7[%get3A_1302, %get3A_1303] : memref<32x10xf32, #tpu.memory_space<smem>>
    %mul3A_1305 = vector.broadcast %get3A_1304 : f32 to vector<128x16xf32>
    %mul3A_1306 = arith.mulf %mul3A_1305, %get3A_8 : vector<128x16xf32>
    %add3A_1307 = arith.addf %add3A_1301, %mul3A_1306 : vector<128x16xf32>
    %get3A_1308 = arith.constant 15 : index
    %get3A_1309 = arith.constant 4 : index
    %get3A_1310 = memref.load %arg7[%get3A_1308, %get3A_1309] : memref<32x10xf32, #tpu.memory_space<smem>>
    %mul3A_1311 = vector.broadcast %get3A_1310 : f32 to vector<128x16xf32>
    %mul3A_1312 = arith.mulf %mul3A_1311, %get3A_13 : vector<128x16xf32>
    %add3A_1313 = arith.addf %add3A_1307, %mul3A_1312 : vector<128x16xf32>
    %get3A_1314 = arith.constant 15 : index
    %get3A_1315 = arith.constant 5 : index
    %get3A_1316 = memref.load %arg7[%get3A_1314, %get3A_1315] : memref<32x10xf32, #tpu.memory_space<smem>>
    %mul3A_1317 = vector.broadcast %get3A_1316 : f32 to vector<128x16xf32>
    %mul3A_1318 = arith.mulf %mul3A_1317, %get3A_18 : vector<128x16xf32>
    %add3A_1319 = arith.addf %add3A_1313, %mul3A_1318 : vector<128x16xf32>
    %get3A_1320 = arith.constant 15 : index
    %get3A_1321 = arith.constant 6 : index
    %get3A_1322 = memref.load %arg7[%get3A_1320, %get3A_1321] : memref<32x10xf32, #tpu.memory_space<smem>>
    %mul3A_1323 = vector.broadcast %get3A_1322 : f32 to vector<128x16xf32>
    %mul3A_1324 = arith.mulf %mul3A_1323, %sub3A : vector<128x16xf32>
    %add3A_1325 = arith.addf %add3A_1319, %mul3A_1324 : vector<128x16xf32>
    %get3A_1326 = arith.constant 15 : index
    %get3A_1327 = arith.constant 7 : index
    %get3A_1328 = memref.load %arg7[%get3A_1326, %get3A_1327] : memref<32x10xf32, #tpu.memory_space<smem>>
    %mul3A_1329 = vector.broadcast %get3A_1328 : f32 to vector<128x16xf32>
    %mul3A_1330 = arith.mulf %mul3A_1329, %sub3A_26 : vector<128x16xf32>
    %add3A_1331 = arith.addf %add3A_1325, %mul3A_1330 : vector<128x16xf32>
    %get3A_1332 = arith.constant 15 : index
    %get3A_1333 = arith.constant 8 : index
    %get3A_1334 = memref.load %arg7[%get3A_1332, %get3A_1333] : memref<32x10xf32, #tpu.memory_space<smem>>
    %mul3A_1335 = vector.broadcast %get3A_1334 : f32 to vector<128x16xf32>
    %mul3A_1336 = arith.mulf %mul3A_1335, %sub3A_27 : vector<128x16xf32>
    %add3A_1337 = arith.addf %add3A_1331, %mul3A_1336 : vector<128x16xf32>
    %get3A_1338 = arith.constant 15 : index
    %get3A_1339 = arith.constant 9 : index
    %get3A_1340 = memref.load %arg7[%get3A_1338, %get3A_1339] : memref<32x10xf32, #tpu.memory_space<smem>>
    %mul3A_1341 = vector.broadcast %get3A_1340 : f32 to vector<128x16xf32>
    %mul3A_1342 = arith.mulf %mul3A_1341, %sqrt3A : vector<128x16xf32>
    %add3A_1343 = arith.addf %add3A_1337, %mul3A_1342 : vector<128x16xf32>
    %max3A_1344 = arith.constant 0.000000e+00 : f32
    %max3A_1345 = vector.broadcast %max3A_1344 : f32 to vector<128x16xf32>
    %max3A_1346 = arith.maximumf %add3A_1343, %max3A_1345 : vector<128x16xf32>
    %swap3A_1347 = arith.constant 0 : index
    %swap3A_1348 = arith.constant 15 : index
    %swap3A_1349 = arith.constant 0 : index
    %swap3A_1350 = arith.constant 0 : index
    %swap3A_1351 = vector.load %arg9[%swap3A_1347, %swap3A_1348, %swap3A_1349, %swap3A_1350] : memref<1x64x128x16xf32, #tpu.memory_space<vmem>>, vector<1x1x128x16xf32>
    %swap3A_1352 = vector.shape_cast %swap3A_1351 : vector<1x1x128x16xf32> to vector<128x16xf32>
    %swap3A_1353 = vector.shape_cast %max3A_1346 : vector<128x16xf32> to vector<1x1x128x16xf32>
    tpu.vector_store %arg9[%swap3A_1347, %swap3A_1348, %swap3A_1349, %swap3A_1350], %swap3A_1353 {strides = array<i32>} : memref<1x64x128x16xf32, #tpu.memory_space<vmem>>, vector<1x1x128x16xf32>,
    %slice3A_1354 = vector.extract_strided_slice %get3A_37 {offsets = [0, 15], sizes = [128, 1], strides = [1, 1]} : vector<128x32xf32> to vector<128x1xf32>
    %broadcast_in_dim3A_1355 = vector.shape_cast %slice3A_1354 : vector<128x1xf32> to vector<128x1xf32>
    %broadcast_in_dim3A_1356 = vector.broadcast %broadcast_in_dim3A_1355 : vector<128x1xf32> to vector<128x16xf32>
    %swap3A_1357 = arith.constant 0 : index
    %swap3A_1358 = arith.constant 47 : index
    %swap3A_1359 = arith.constant 0 : index
    %swap3A_1360 = arith.constant 0 : index
    %swap3A_1361 = vector.load %arg9[%swap3A_1357, %swap3A_1358, %swap3A_1359, %swap3A_1360] : memref<1x64x128x16xf32, #tpu.memory_space<vmem>>, vector<1x1x128x16xf32>
    %swap3A_1362 = vector.shape_cast %swap3A_1361 : vector<1x1x128x16xf32> to vector<128x16xf32>
    %swap3A_1363 = vector.shape_cast %broadcast_in_dim3A_1356 : vector<128x16xf32> to vector<1x1x128x16xf32>
    tpu.vector_store %arg9[%swap3A_1357, %swap3A_1358, %swap3A_1359, %swap3A_1360], %swap3A_1363 {strides = array<i32>} : memref<1x64x128x16xf32, #tpu.memory_space<vmem>>, vector<1x1x128x16xf32>,
    %get3A_1364 = arith.constant 16 : index
    %get3A_1365 = memref.load %arg8[%get3A_1364] : memref<32xf32, #tpu.memory_space<smem>>
    %broadcast_in_dim3A_1366 = vector.broadcast %get3A_1365 : f32 to vector<128x16xf32>
    %get3A_1367 = arith.constant 16 : index
    %get3A_1368 = arith.constant 0 : index
    %get3A_1369 = memref.load %arg7[%get3A_1367, %get3A_1368] : memref<32x10xf32, #tpu.memory_space<smem>>
    %mul3A_1370 = vector.broadcast %get3A_1369 : f32 to vector<128x16xf32>
    %mul3A_1371 = arith.mulf %mul3A_1370, %broadcast_in_dim3A_19 : vector<128x16xf32>
    %add3A_1372 = arith.addf %broadcast_in_dim3A_1366, %mul3A_1371 : vector<128x16xf32>
    %get3A_1373 = arith.constant 16 : index
    %get3A_1374 = arith.constant 1 : index
    %get3A_1375 = memref.load %arg7[%get3A_1373, %get3A_1374] : memref<32x10xf32, #tpu.memory_space<smem>>
    %mul3A_1376 = vector.broadcast %get3A_1375 : f32 to vector<128x16xf32>
    %mul3A_1377 = arith.mulf %mul3A_1376, %broadcast_in_dim3A_22 : vector<128x16xf32>
    %add3A_1378 = arith.addf %add3A_1372, %mul3A_1377 : vector<128x16xf32>
    %get3A_1379 = arith.constant 16 : index
    %get3A_1380 = arith.constant 2 : index
    %get3A_1381 = memref.load %arg7[%get3A_1379, %get3A_1380] : memref<32x10xf32, #tpu.memory_space<smem>>
    %mul3A_1382 = vector.broadcast %get3A_1381 : f32 to vector<128x16xf32>
    %mul3A_1383 = arith.mulf %mul3A_1382, %broadcast_in_dim3A_25 : vector<128x16xf32>
    %add3A_1384 = arith.addf %add3A_1378, %mul3A_1383 : vector<128x16xf32>
    %get3A_1385 = arith.constant 16 : index
    %get3A_1386 = arith.constant 3 : index
    %get3A_1387 = memref.load %arg7[%get3A_1385, %get3A_1386] : memref<32x10xf32, #tpu.memory_space<smem>>
    %mul3A_1388 = vector.broadcast %get3A_1387 : f32 to vector<128x16xf32>
    %mul3A_1389 = arith.mulf %mul3A_1388, %get3A_8 : vector<128x16xf32>
    %add3A_1390 = arith.addf %add3A_1384, %mul3A_1389 : vector<128x16xf32>
    %get3A_1391 = arith.constant 16 : index
    %get3A_1392 = arith.constant 4 : index
    %get3A_1393 = memref.load %arg7[%get3A_1391, %get3A_1392] : memref<32x10xf32, #tpu.memory_space<smem>>
    %mul3A_1394 = vector.broadcast %get3A_1393 : f32 to vector<128x16xf32>
    %mul3A_1395 = arith.mulf %mul3A_1394, %get3A_13 : vector<128x16xf32>
    %add3A_1396 = arith.addf %add3A_1390, %mul3A_1395 : vector<128x16xf32>
    %get3A_1397 = arith.constant 16 : index
    %get3A_1398 = arith.constant 5 : index
    %get3A_1399 = memref.load %arg7[%get3A_1397, %get3A_1398] : memref<32x10xf32, #tpu.memory_space<smem>>
    %mul3A_1400 = vector.broadcast %get3A_1399 : f32 to vector<128x16xf32>
    %mul3A_1401 = arith.mulf %mul3A_1400, %get3A_18 : vector<128x16xf32>
    %add3A_1402 = arith.addf %add3A_1396, %mul3A_1401 : vector<128x16xf32>
    %get3A_1403 = arith.constant 16 : index
    %get3A_1404 = arith.constant 6 : index
    %get3A_1405 = memref.load %arg7[%get3A_1403, %get3A_1404] : memref<32x10xf32, #tpu.memory_space<smem>>
    %mul3A_1406 = vector.broadcast %get3A_1405 : f32 to vector<128x16xf32>
    %mul3A_1407 = arith.mulf %mul3A_1406, %sub3A : vector<128x16xf32>
    %add3A_1408 = arith.addf %add3A_1402, %mul3A_1407 : vector<128x16xf32>
    %get3A_1409 = arith.constant 16 : index
    %get3A_1410 = arith.constant 7 : index
    %get3A_1411 = memref.load %arg7[%get3A_1409, %get3A_1410] : memref<32x10xf32, #tpu.memory_space<smem>>
    %mul3A_1412 = vector.broadcast %get3A_1411 : f32 to vector<128x16xf32>
    %mul3A_1413 = arith.mulf %mul3A_1412, %sub3A_26 : vector<128x16xf32>
    %add3A_1414 = arith.addf %add3A_1408, %mul3A_1413 : vector<128x16xf32>
    %get3A_1415 = arith.constant 16 : index
    %get3A_1416 = arith.constant 8 : index
    %get3A_1417 = memref.load %arg7[%get3A_1415, %get3A_1416] : memref<32x10xf32, #tpu.memory_space<smem>>
    %mul3A_1418 = vector.broadcast %get3A_1417 : f32 to vector<128x16xf32>
    %mul3A_1419 = arith.mulf %mul3A_1418, %sub3A_27 : vector<128x16xf32>
    %add3A_1420 = arith.addf %add3A_1414, %mul3A_1419 : vector<128x16xf32>
    %get3A_1421 = arith.constant 16 : index
    %get3A_1422 = arith.constant 9 : index
    %get3A_1423 = memref.load %arg7[%get3A_1421, %get3A_1422] : memref<32x10xf32, #tpu.memory_space<smem>>
    %mul3A_1424 = vector.broadcast %get3A_1423 : f32 to vector<128x16xf32>
    %mul3A_1425 = arith.mulf %mul3A_1424, %sqrt3A : vector<128x16xf32>
    %add3A_1426 = arith.addf %add3A_1420, %mul3A_1425 : vector<128x16xf32>
    %max3A_1427 = arith.constant 0.000000e+00 : f32
    %max3A_1428 = vector.broadcast %max3A_1427 : f32 to vector<128x16xf32>
    %max3A_1429 = arith.maximumf %add3A_1426, %max3A_1428 : vector<128x16xf32>
    %swap3A_1430 = arith.constant 0 : index
    %swap3A_1431 = arith.constant 16 : index
    %swap3A_1432 = arith.constant 0 : index
    %swap3A_1433 = arith.constant 0 : index
    %swap3A_1434 = vector.load %arg9[%swap3A_1430, %swap3A_1431, %swap3A_1432, %swap3A_1433] : memref<1x64x128x16xf32, #tpu.memory_space<vmem>>, vector<1x1x128x16xf32>
    %swap3A_1435 = vector.shape_cast %swap3A_1434 : vector<1x1x128x16xf32> to vector<128x16xf32>
    %swap3A_1436 = vector.shape_cast %max3A_1429 : vector<128x16xf32> to vector<1x1x128x16xf32>
    tpu.vector_store %arg9[%swap3A_1430, %swap3A_1431, %swap3A_1432, %swap3A_1433], %swap3A_1436 {strides = array<i32>} : memref<1x64x128x16xf32, #tpu.memory_space<vmem>>, vector<1x1x128x16xf32>,
    %slice3A_1437 = vector.extract_strided_slice %get3A_37 {offsets = [0, 16], sizes = [128, 1], strides = [1, 1]} : vector<128x32xf32> to vector<128x1xf32>
    %broadcast_in_dim3A_1438 = vector.shape_cast %slice3A_1437 : vector<128x1xf32> to vector<128x1xf32>
    %broadcast_in_dim3A_1439 = vector.broadcast %broadcast_in_dim3A_1438 : vector<128x1xf32> to vector<128x16xf32>
    %swap3A_1440 = arith.constant 0 : index
    %swap3A_1441 = arith.constant 48 : index
    %swap3A_1442 = arith.constant 0 : index
    %swap3A_1443 = arith.constant 0 : index
    %swap3A_1444 = vector.load %arg9[%swap3A_1440, %swap3A_1441, %swap3A_1442, %swap3A_1443] : memref<1x64x128x16xf32, #tpu.memory_space<vmem>>, vector<1x1x128x16xf32>
    %swap3A_1445 = vector.shape_cast %swap3A_1444 : vector<1x1x128x16xf32> to vector<128x16xf32>
    %swap3A_1446 = vector.shape_cast %broadcast_in_dim3A_1439 : vector<128x16xf32> to vector<1x1x128x16xf32>
    tpu.vector_store %arg9[%swap3A_1440, %swap3A_1441, %swap3A_1442, %swap3A_1443], %swap3A_1446 {strides = array<i32>} : memref<1x64x128x16xf32, #tpu.memory_space<vmem>>, vector<1x1x128x16xf32>,
    %get3A_1447 = arith.constant 17 : index
    %get3A_1448 = memref.load %arg8[%get3A_1447] : memref<32xf32, #tpu.memory_space<smem>>
    %broadcast_in_dim3A_1449 = vector.broadcast %get3A_1448 : f32 to vector<128x16xf32>
    %get3A_1450 = arith.constant 17 : index
    %get3A_1451 = arith.constant 0 : index
    %get3A_1452 = memref.load %arg7[%get3A_1450, %get3A_1451] : memref<32x10xf32, #tpu.memory_space<smem>>
    %mul3A_1453 = vector.broadcast %get3A_1452 : f32 to vector<128x16xf32>
    %mul3A_1454 = arith.mulf %mul3A_1453, %broadcast_in_dim3A_19 : vector<128x16xf32>
    %add3A_1455 = arith.addf %broadcast_in_dim3A_1449, %mul3A_1454 : vector<128x16xf32>
    %get3A_1456 = arith.constant 17 : index
    %get3A_1457 = arith.constant 1 : index
    %get3A_1458 = memref.load %arg7[%get3A_1456, %get3A_1457] : memref<32x10xf32, #tpu.memory_space<smem>>
    %mul3A_1459 = vector.broadcast %get3A_1458 : f32 to vector<128x16xf32>
    %mul3A_1460 = arith.mulf %mul3A_1459, %broadcast_in_dim3A_22 : vector<128x16xf32>
    %add3A_1461 = arith.addf %add3A_1455, %mul3A_1460 : vector<128x16xf32>
    %get3A_1462 = arith.constant 17 : index
    %get3A_1463 = arith.constant 2 : index
    %get3A_1464 = memref.load %arg7[%get3A_1462, %get3A_1463] : memref<32x10xf32, #tpu.memory_space<smem>>
    %mul3A_1465 = vector.broadcast %get3A_1464 : f32 to vector<128x16xf32>
    %mul3A_1466 = arith.mulf %mul3A_1465, %broadcast_in_dim3A_25 : vector<128x16xf32>
    %add3A_1467 = arith.addf %add3A_1461, %mul3A_1466 : vector<128x16xf32>
    %get3A_1468 = arith.constant 17 : index
    %get3A_1469 = arith.constant 3 : index
    %get3A_1470 = memref.load %arg7[%get3A_1468, %get3A_1469] : memref<32x10xf32, #tpu.memory_space<smem>>
    %mul3A_1471 = vector.broadcast %get3A_1470 : f32 to vector<128x16xf32>
    %mul3A_1472 = arith.mulf %mul3A_1471, %get3A_8 : vector<128x16xf32>
    %add3A_1473 = arith.addf %add3A_1467, %mul3A_1472 : vector<128x16xf32>
    %get3A_1474 = arith.constant 17 : index
    %get3A_1475 = arith.constant 4 : index
    %get3A_1476 = memref.load %arg7[%get3A_1474, %get3A_1475] : memref<32x10xf32, #tpu.memory_space<smem>>
    %mul3A_1477 = vector.broadcast %get3A_1476 : f32 to vector<128x16xf32>
    %mul3A_1478 = arith.mulf %mul3A_1477, %get3A_13 : vector<128x16xf32>
    %add3A_1479 = arith.addf %add3A_1473, %mul3A_1478 : vector<128x16xf32>
    %get3A_1480 = arith.constant 17 : index
    %get3A_1481 = arith.constant 5 : index
    %get3A_1482 = memref.load %arg7[%get3A_1480, %get3A_1481] : memref<32x10xf32, #tpu.memory_space<smem>>
    %mul3A_1483 = vector.broadcast %get3A_1482 : f32 to vector<128x16xf32>
    %mul3A_1484 = arith.mulf %mul3A_1483, %get3A_18 : vector<128x16xf32>
    %add3A_1485 = arith.addf %add3A_1479, %mul3A_1484 : vector<128x16xf32>
    %get3A_1486 = arith.constant 17 : index
    %get3A_1487 = arith.constant 6 : index
    %get3A_1488 = memref.load %arg7[%get3A_1486, %get3A_1487] : memref<32x10xf32, #tpu.memory_space<smem>>
    %mul3A_1489 = vector.broadcast %get3A_1488 : f32 to vector<128x16xf32>
    %mul3A_1490 = arith.mulf %mul3A_1489, %sub3A : vector<128x16xf32>
    %add3A_1491 = arith.addf %add3A_1485, %mul3A_1490 : vector<128x16xf32>
    %get3A_1492 = arith.constant 17 : index
    %get3A_1493 = arith.constant 7 : index
    %get3A_1494 = memref.load %arg7[%get3A_1492, %get3A_1493] : memref<32x10xf32, #tpu.memory_space<smem>>
    %mul3A_1495 = vector.broadcast %get3A_1494 : f32 to vector<128x16xf32>
    %mul3A_1496 = arith.mulf %mul3A_1495, %sub3A_26 : vector<128x16xf32>
    %add3A_1497 = arith.addf %add3A_1491, %mul3A_1496 : vector<128x16xf32>
    %get3A_1498 = arith.constant 17 : index
    %get3A_1499 = arith.constant 8 : index
    %get3A_1500 = memref.load %arg7[%get3A_1498, %get3A_1499] : memref<32x10xf32, #tpu.memory_space<smem>>
    %mul3A_1501 = vector.broadcast %get3A_1500 : f32 to vector<128x16xf32>
    %mul3A_1502 = arith.mulf %mul3A_1501, %sub3A_27 : vector<128x16xf32>
    %add3A_1503 = arith.addf %add3A_1497, %mul3A_1502 : vector<128x16xf32>
    %get3A_1504 = arith.constant 17 : index
    %get3A_1505 = arith.constant 9 : index
    %get3A_1506 = memref.load %arg7[%get3A_1504, %get3A_1505] : memref<32x10xf32, #tpu.memory_space<smem>>
    %mul3A_1507 = vector.broadcast %get3A_1506 : f32 to vector<128x16xf32>
    %mul3A_1508 = arith.mulf %mul3A_1507, %sqrt3A : vector<128x16xf32>
    %add3A_1509 = arith.addf %add3A_1503, %mul3A_1508 : vector<128x16xf32>
    %max3A_1510 = arith.constant 0.000000e+00 : f32
    %max3A_1511 = vector.broadcast %max3A_1510 : f32 to vector<128x16xf32>
    %max3A_1512 = arith.maximumf %add3A_1509, %max3A_1511 : vector<128x16xf32>
    %swap3A_1513 = arith.constant 0 : index
    %swap3A_1514 = arith.constant 17 : index
    %swap3A_1515 = arith.constant 0 : index
    %swap3A_1516 = arith.constant 0 : index
    %swap3A_1517 = vector.load %arg9[%swap3A_1513, %swap3A_1514, %swap3A_1515, %swap3A_1516] : memref<1x64x128x16xf32, #tpu.memory_space<vmem>>, vector<1x1x128x16xf32>
    %swap3A_1518 = vector.shape_cast %swap3A_1517 : vector<1x1x128x16xf32> to vector<128x16xf32>
    %swap3A_1519 = vector.shape_cast %max3A_1512 : vector<128x16xf32> to vector<1x1x128x16xf32>
    tpu.vector_store %arg9[%swap3A_1513, %swap3A_1514, %swap3A_1515, %swap3A_1516], %swap3A_1519 {strides = array<i32>} : memref<1x64x128x16xf32, #tpu.memory_space<vmem>>, vector<1x1x128x16xf32>,
    %slice3A_1520 = vector.extract_strided_slice %get3A_37 {offsets = [0, 17], sizes = [128, 1], strides = [1, 1]} : vector<128x32xf32> to vector<128x1xf32>
    %broadcast_in_dim3A_1521 = vector.shape_cast %slice3A_1520 : vector<128x1xf32> to vector<128x1xf32>
    %broadcast_in_dim3A_1522 = vector.broadcast %broadcast_in_dim3A_1521 : vector<128x1xf32> to vector<128x16xf32>
    %swap3A_1523 = arith.constant 0 : index
    %swap3A_1524 = arith.constant 49 : index
    %swap3A_1525 = arith.constant 0 : index
    %swap3A_1526 = arith.constant 0 : index
    %swap3A_1527 = vector.load %arg9[%swap3A_1523, %swap3A_1524, %swap3A_1525, %swap3A_1526] : memref<1x64x128x16xf32, #tpu.memory_space<vmem>>, vector<1x1x128x16xf32>
    %swap3A_1528 = vector.shape_cast %swap3A_1527 : vector<1x1x128x16xf32> to vector<128x16xf32>
    %swap3A_1529 = vector.shape_cast %broadcast_in_dim3A_1522 : vector<128x16xf32> to vector<1x1x128x16xf32>
    tpu.vector_store %arg9[%swap3A_1523, %swap3A_1524, %swap3A_1525, %swap3A_1526], %swap3A_1529 {strides = array<i32>} : memref<1x64x128x16xf32, #tpu.memory_space<vmem>>, vector<1x1x128x16xf32>,
    %get3A_1530 = arith.constant 18 : index
    %get3A_1531 = memref.load %arg8[%get3A_1530] : memref<32xf32, #tpu.memory_space<smem>>
    %broadcast_in_dim3A_1532 = vector.broadcast %get3A_1531 : f32 to vector<128x16xf32>
    %get3A_1533 = arith.constant 18 : index
    %get3A_1534 = arith.constant 0 : index
    %get3A_1535 = memref.load %arg7[%get3A_1533, %get3A_1534] : memref<32x10xf32, #tpu.memory_space<smem>>
    %mul3A_1536 = vector.broadcast %get3A_1535 : f32 to vector<128x16xf32>
    %mul3A_1537 = arith.mulf %mul3A_1536, %broadcast_in_dim3A_19 : vector<128x16xf32>
    %add3A_1538 = arith.addf %broadcast_in_dim3A_1532, %mul3A_1537 : vector<128x16xf32>
    %get3A_1539 = arith.constant 18 : index
    %get3A_1540 = arith.constant 1 : index
    %get3A_1541 = memref.load %arg7[%get3A_1539, %get3A_1540] : memref<32x10xf32, #tpu.memory_space<smem>>
    %mul3A_1542 = vector.broadcast %get3A_1541 : f32 to vector<128x16xf32>
    %mul3A_1543 = arith.mulf %mul3A_1542, %broadcast_in_dim3A_22 : vector<128x16xf32>
    %add3A_1544 = arith.addf %add3A_1538, %mul3A_1543 : vector<128x16xf32>
    %get3A_1545 = arith.constant 18 : index
    %get3A_1546 = arith.constant 2 : index
    %get3A_1547 = memref.load %arg7[%get3A_1545, %get3A_1546] : memref<32x10xf32, #tpu.memory_space<smem>>
    %mul3A_1548 = vector.broadcast %get3A_1547 : f32 to vector<128x16xf32>
    %mul3A_1549 = arith.mulf %mul3A_1548, %broadcast_in_dim3A_25 : vector<128x16xf32>
    %add3A_1550 = arith.addf %add3A_1544, %mul3A_1549 : vector<128x16xf32>
    %get3A_1551 = arith.constant 18 : index
    %get3A_1552 = arith.constant 3 : index
    %get3A_1553 = memref.load %arg7[%get3A_1551, %get3A_1552] : memref<32x10xf32, #tpu.memory_space<smem>>
    %mul3A_1554 = vector.broadcast %get3A_1553 : f32 to vector<128x16xf32>
    %mul3A_1555 = arith.mulf %mul3A_1554, %get3A_8 : vector<128x16xf32>
    %add3A_1556 = arith.addf %add3A_1550, %mul3A_1555 : vector<128x16xf32>
    %get3A_1557 = arith.constant 18 : index
    %get3A_1558 = arith.constant 4 : index
    %get3A_1559 = memref.load %arg7[%get3A_1557, %get3A_1558] : memref<32x10xf32, #tpu.memory_space<smem>>
    %mul3A_1560 = vector.broadcast %get3A_1559 : f32 to vector<128x16xf32>
    %mul3A_1561 = arith.mulf %mul3A_1560, %get3A_13 : vector<128x16xf32>
    %add3A_1562 = arith.addf %add3A_1556, %mul3A_1561 : vector<128x16xf32>
    %get3A_1563 = arith.constant 18 : index
    %get3A_1564 = arith.constant 5 : index
    %get3A_1565 = memref.load %arg7[%get3A_1563, %get3A_1564] : memref<32x10xf32, #tpu.memory_space<smem>>
    %mul3A_1566 = vector.broadcast %get3A_1565 : f32 to vector<128x16xf32>
    %mul3A_1567 = arith.mulf %mul3A_1566, %get3A_18 : vector<128x16xf32>
    %add3A_1568 = arith.addf %add3A_1562, %mul3A_1567 : vector<128x16xf32>
    %get3A_1569 = arith.constant 18 : index
    %get3A_1570 = arith.constant 6 : index
    %get3A_1571 = memref.load %arg7[%get3A_1569, %get3A_1570] : memref<32x10xf32, #tpu.memory_space<smem>>
    %mul3A_1572 = vector.broadcast %get3A_1571 : f32 to vector<128x16xf32>
    %mul3A_1573 = arith.mulf %mul3A_1572, %sub3A : vector<128x16xf32>
    %add3A_1574 = arith.addf %add3A_1568, %mul3A_1573 : vector<128x16xf32>
    %get3A_1575 = arith.constant 18 : index
    %get3A_1576 = arith.constant 7 : index
    %get3A_1577 = memref.load %arg7[%get3A_1575, %get3A_1576] : memref<32x10xf32, #tpu.memory_space<smem>>
    %mul3A_1578 = vector.broadcast %get3A_1577 : f32 to vector<128x16xf32>
    %mul3A_1579 = arith.mulf %mul3A_1578, %sub3A_26 : vector<128x16xf32>
    %add3A_1580 = arith.addf %add3A_1574, %mul3A_1579 : vector<128x16xf32>
    %get3A_1581 = arith.constant 18 : index
    %get3A_1582 = arith.constant 8 : index
    %get3A_1583 = memref.load %arg7[%get3A_1581, %get3A_1582] : memref<32x10xf32, #tpu.memory_space<smem>>
    %mul3A_1584 = vector.broadcast %get3A_1583 : f32 to vector<128x16xf32>
    %mul3A_1585 = arith.mulf %mul3A_1584, %sub3A_27 : vector<128x16xf32>
    %add3A_1586 = arith.addf %add3A_1580, %mul3A_1585 : vector<128x16xf32>
    %get3A_1587 = arith.constant 18 : index
    %get3A_1588 = arith.constant 9 : index
    %get3A_1589 = memref.load %arg7[%get3A_1587, %get3A_1588] : memref<32x10xf32, #tpu.memory_space<smem>>
    %mul3A_1590 = vector.broadcast %get3A_1589 : f32 to vector<128x16xf32>
    %mul3A_1591 = arith.mulf %mul3A_1590, %sqrt3A : vector<128x16xf32>
    %add3A_1592 = arith.addf %add3A_1586, %mul3A_1591 : vector<128x16xf32>
    %max3A_1593 = arith.constant 0.000000e+00 : f32
    %max3A_1594 = vector.broadcast %max3A_1593 : f32 to vector<128x16xf32>
    %max3A_1595 = arith.maximumf %add3A_1592, %max3A_1594 : vector<128x16xf32>
    %swap3A_1596 = arith.constant 0 : index
    %swap3A_1597 = arith.constant 18 : index
    %swap3A_1598 = arith.constant 0 : index
    %swap3A_1599 = arith.constant 0 : index
    %swap3A_1600 = vector.load %arg9[%swap3A_1596, %swap3A_1597, %swap3A_1598, %swap3A_1599] : memref<1x64x128x16xf32, #tpu.memory_space<vmem>>, vector<1x1x128x16xf32>
    %swap3A_1601 = vector.shape_cast %swap3A_1600 : vector<1x1x128x16xf32> to vector<128x16xf32>
    %swap3A_1602 = vector.shape_cast %max3A_1595 : vector<128x16xf32> to vector<1x1x128x16xf32>
    tpu.vector_store %arg9[%swap3A_1596, %swap3A_1597, %swap3A_1598, %swap3A_1599], %swap3A_1602 {strides = array<i32>} : memref<1x64x128x16xf32, #tpu.memory_space<vmem>>, vector<1x1x128x16xf32>,
    %slice3A_1603 = vector.extract_strided_slice %get3A_37 {offsets = [0, 18], sizes = [128, 1], strides = [1, 1]} : vector<128x32xf32> to vector<128x1xf32>
    %broadcast_in_dim3A_1604 = vector.shape_cast %slice3A_1603 : vector<128x1xf32> to vector<128x1xf32>
    %broadcast_in_dim3A_1605 = vector.broadcast %broadcast_in_dim3A_1604 : vector<128x1xf32> to vector<128x16xf32>
    %swap3A_1606 = arith.constant 0 : index
    %swap3A_1607 = arith.constant 50 : index
    %swap3A_1608 = arith.constant 0 : index
    %swap3A_1609 = arith.constant 0 : index
    %swap3A_1610 = vector.load %arg9[%swap3A_1606, %swap3A_1607, %swap3A_1608, %swap3A_1609] : memref<1x64x128x16xf32, #tpu.memory_space<vmem>>, vector<1x1x128x16xf32>
    %swap3A_1611 = vector.shape_cast %swap3A_1610 : vector<1x1x128x16xf32> to vector<128x16xf32>
    %swap3A_1612 = vector.shape_cast %broadcast_in_dim3A_1605 : vector<128x16xf32> to vector<1x1x128x16xf32>
    tpu.vector_store %arg9[%swap3A_1606, %swap3A_1607, %swap3A_1608, %swap3A_1609], %swap3A_1612 {strides = array<i32>} : memref<1x64x128x16xf32, #tpu.memory_space<vmem>>, vector<1x1x128x16xf32>,
    %get3A_1613 = arith.constant 19 : index
    %get3A_1614 = memref.load %arg8[%get3A_1613] : memref<32xf32, #tpu.memory_space<smem>>
    %broadcast_in_dim3A_1615 = vector.broadcast %get3A_1614 : f32 to vector<128x16xf32>
    %get3A_1616 = arith.constant 19 : index
    %get3A_1617 = arith.constant 0 : index
    %get3A_1618 = memref.load %arg7[%get3A_1616, %get3A_1617] : memref<32x10xf32, #tpu.memory_space<smem>>
    %mul3A_1619 = vector.broadcast %get3A_1618 : f32 to vector<128x16xf32>
    %mul3A_1620 = arith.mulf %mul3A_1619, %broadcast_in_dim3A_19 : vector<128x16xf32>
    %add3A_1621 = arith.addf %broadcast_in_dim3A_1615, %mul3A_1620 : vector<128x16xf32>
    %get3A_1622 = arith.constant 19 : index
    %get3A_1623 = arith.constant 1 : index
    %get3A_1624 = memref.load %arg7[%get3A_1622, %get3A_1623] : memref<32x10xf32, #tpu.memory_space<smem>>
    %mul3A_1625 = vector.broadcast %get3A_1624 : f32 to vector<128x16xf32>
    %mul3A_1626 = arith.mulf %mul3A_1625, %broadcast_in_dim3A_22 : vector<128x16xf32>
    %add3A_1627 = arith.addf %add3A_1621, %mul3A_1626 : vector<128x16xf32>
    %get3A_1628 = arith.constant 19 : index
    %get3A_1629 = arith.constant 2 : index
    %get3A_1630 = memref.load %arg7[%get3A_1628, %get3A_1629] : memref<32x10xf32, #tpu.memory_space<smem>>
    %mul3A_1631 = vector.broadcast %get3A_1630 : f32 to vector<128x16xf32>
    %mul3A_1632 = arith.mulf %mul3A_1631, %broadcast_in_dim3A_25 : vector<128x16xf32>
    %add3A_1633 = arith.addf %add3A_1627, %mul3A_1632 : vector<128x16xf32>
    %get3A_1634 = arith.constant 19 : index
    %get3A_1635 = arith.constant 3 : index
    %get3A_1636 = memref.load %arg7[%get3A_1634, %get3A_1635] : memref<32x10xf32, #tpu.memory_space<smem>>
    %mul3A_1637 = vector.broadcast %get3A_1636 : f32 to vector<128x16xf32>
    %mul3A_1638 = arith.mulf %mul3A_1637, %get3A_8 : vector<128x16xf32>
    %add3A_1639 = arith.addf %add3A_1633, %mul3A_1638 : vector<128x16xf32>
    %get3A_1640 = arith.constant 19 : index
    %get3A_1641 = arith.constant 4 : index
    %get3A_1642 = memref.load %arg7[%get3A_1640, %get3A_1641] : memref<32x10xf32, #tpu.memory_space<smem>>
    %mul3A_1643 = vector.broadcast %get3A_1642 : f32 to vector<128x16xf32>
    %mul3A_1644 = arith.mulf %mul3A_1643, %get3A_13 : vector<128x16xf32>
    %add3A_1645 = arith.addf %add3A_1639, %mul3A_1644 : vector<128x16xf32>
    %get3A_1646 = arith.constant 19 : index
    %get3A_1647 = arith.constant 5 : index
    %get3A_1648 = memref.load %arg7[%get3A_1646, %get3A_1647] : memref<32x10xf32, #tpu.memory_space<smem>>
    %mul3A_1649 = vector.broadcast %get3A_1648 : f32 to vector<128x16xf32>
    %mul3A_1650 = arith.mulf %mul3A_1649, %get3A_18 : vector<128x16xf32>
    %add3A_1651 = arith.addf %add3A_1645, %mul3A_1650 : vector<128x16xf32>
    %get3A_1652 = arith.constant 19 : index
    %get3A_1653 = arith.constant 6 : index
    %get3A_1654 = memref.load %arg7[%get3A_1652, %get3A_1653] : memref<32x10xf32, #tpu.memory_space<smem>>
    %mul3A_1655 = vector.broadcast %get3A_1654 : f32 to vector<128x16xf32>
    %mul3A_1656 = arith.mulf %mul3A_1655, %sub3A : vector<128x16xf32>
    %add3A_1657 = arith.addf %add3A_1651, %mul3A_1656 : vector<128x16xf32>
    %get3A_1658 = arith.constant 19 : index
    %get3A_1659 = arith.constant 7 : index
    %get3A_1660 = memref.load %arg7[%get3A_1658, %get3A_1659] : memref<32x10xf32, #tpu.memory_space<smem>>
    %mul3A_1661 = vector.broadcast %get3A_1660 : f32 to vector<128x16xf32>
    %mul3A_1662 = arith.mulf %mul3A_1661, %sub3A_26 : vector<128x16xf32>
    %add3A_1663 = arith.addf %add3A_1657, %mul3A_1662 : vector<128x16xf32>
    %get3A_1664 = arith.constant 19 : index
    %get3A_1665 = arith.constant 8 : index
    %get3A_1666 = memref.load %arg7[%get3A_1664, %get3A_1665] : memref<32x10xf32, #tpu.memory_space<smem>>
    %mul3A_1667 = vector.broadcast %get3A_1666 : f32 to vector<128x16xf32>
    %mul3A_1668 = arith.mulf %mul3A_1667, %sub3A_27 : vector<128x16xf32>
    %add3A_1669 = arith.addf %add3A_1663, %mul3A_1668 : vector<128x16xf32>
    %get3A_1670 = arith.constant 19 : index
    %get3A_1671 = arith.constant 9 : index
    %get3A_1672 = memref.load %arg7[%get3A_1670, %get3A_1671] : memref<32x10xf32, #tpu.memory_space<smem>>
    %mul3A_1673 = vector.broadcast %get3A_1672 : f32 to vector<128x16xf32>
    %mul3A_1674 = arith.mulf %mul3A_1673, %sqrt3A : vector<128x16xf32>
    %add3A_1675 = arith.addf %add3A_1669, %mul3A_1674 : vector<128x16xf32>
    %max3A_1676 = arith.constant 0.000000e+00 : f32
    %max3A_1677 = vector.broadcast %max3A_1676 : f32 to vector<128x16xf32>
    %max3A_1678 = arith.maximumf %add3A_1675, %max3A_1677 : vector<128x16xf32>
    %swap3A_1679 = arith.constant 0 : index
    %swap3A_1680 = arith.constant 19 : index
    %swap3A_1681 = arith.constant 0 : index
    %swap3A_1682 = arith.constant 0 : index
    %swap3A_1683 = vector.load %arg9[%swap3A_1679, %swap3A_1680, %swap3A_1681, %swap3A_1682] : memref<1x64x128x16xf32, #tpu.memory_space<vmem>>, vector<1x1x128x16xf32>
    %swap3A_1684 = vector.shape_cast %swap3A_1683 : vector<1x1x128x16xf32> to vector<128x16xf32>
    %swap3A_1685 = vector.shape_cast %max3A_1678 : vector<128x16xf32> to vector<1x1x128x16xf32>
    tpu.vector_store %arg9[%swap3A_1679, %swap3A_1680, %swap3A_1681, %swap3A_1682], %swap3A_1685 {strides = array<i32>} : memref<1x64x128x16xf32, #tpu.memory_space<vmem>>, vector<1x1x128x16xf32>,
    %slice3A_1686 = vector.extract_strided_slice %get3A_37 {offsets = [0, 19], sizes = [128, 1], strides = [1, 1]} : vector<128x32xf32> to vector<128x1xf32>
    %broadcast_in_dim3A_1687 = vector.shape_cast %slice3A_1686 : vector<128x1xf32> to vector<128x1xf32>
    %broadcast_in_dim3A_1688 = vector.broadcast %broadcast_in_dim3A_1687 : vector<128x1xf32> to vector<128x16xf32>
    %swap3A_1689 = arith.constant 0 : index
    %swap3A_1690 = arith.constant 51 : index
    %swap3A_1691 = arith.constant 0 : index
    %swap3A_1692 = arith.constant 0 : index
    %swap3A_1693 = vector.load %arg9[%swap3A_1689, %swap3A_1690, %swap3A_1691, %swap3A_1692] : memref<1x64x128x16xf32, #tpu.memory_space<vmem>>, vector<1x1x128x16xf32>
    %swap3A_1694 = vector.shape_cast %swap3A_1693 : vector<1x1x128x16xf32> to vector<128x16xf32>
    %swap3A_1695 = vector.shape_cast %broadcast_in_dim3A_1688 : vector<128x16xf32> to vector<1x1x128x16xf32>
    tpu.vector_store %arg9[%swap3A_1689, %swap3A_1690, %swap3A_1691, %swap3A_1692], %swap3A_1695 {strides = array<i32>} : memref<1x64x128x16xf32, #tpu.memory_space<vmem>>, vector<1x1x128x16xf32>,
    %get3A_1696 = arith.constant 20 : index
    %get3A_1697 = memref.load %arg8[%get3A_1696] : memref<32xf32, #tpu.memory_space<smem>>
    %broadcast_in_dim3A_1698 = vector.broadcast %get3A_1697 : f32 to vector<128x16xf32>
    %get3A_1699 = arith.constant 20 : index
    %get3A_1700 = arith.constant 0 : index
    %get3A_1701 = memref.load %arg7[%get3A_1699, %get3A_1700] : memref<32x10xf32, #tpu.memory_space<smem>>
    %mul3A_1702 = vector.broadcast %get3A_1701 : f32 to vector<128x16xf32>
    %mul3A_1703 = arith.mulf %mul3A_1702, %broadcast_in_dim3A_19 : vector<128x16xf32>
    %add3A_1704 = arith.addf %broadcast_in_dim3A_1698, %mul3A_1703 : vector<128x16xf32>
    %get3A_1705 = arith.constant 20 : index
    %get3A_1706 = arith.constant 1 : index
    %get3A_1707 = memref.load %arg7[%get3A_1705, %get3A_1706] : memref<32x10xf32, #tpu.memory_space<smem>>
    %mul3A_1708 = vector.broadcast %get3A_1707 : f32 to vector<128x16xf32>
    %mul3A_1709 = arith.mulf %mul3A_1708, %broadcast_in_dim3A_22 : vector<128x16xf32>
    %add3A_1710 = arith.addf %add3A_1704, %mul3A_1709 : vector<128x16xf32>
    %get3A_1711 = arith.constant 20 : index
    %get3A_1712 = arith.constant 2 : index
    %get3A_1713 = memref.load %arg7[%get3A_1711, %get3A_1712] : memref<32x10xf32, #tpu.memory_space<smem>>
    %mul3A_1714 = vector.broadcast %get3A_1713 : f32 to vector<128x16xf32>
    %mul3A_1715 = arith.mulf %mul3A_1714, %broadcast_in_dim3A_25 : vector<128x16xf32>
    %add3A_1716 = arith.addf %add3A_1710, %mul3A_1715 : vector<128x16xf32>
    %get3A_1717 = arith.constant 20 : index
    %get3A_1718 = arith.constant 3 : index
    %get3A_1719 = memref.load %arg7[%get3A_1717, %get3A_1718] : memref<32x10xf32, #tpu.memory_space<smem>>
    %mul3A_1720 = vector.broadcast %get3A_1719 : f32 to vector<128x16xf32>
    %mul3A_1721 = arith.mulf %mul3A_1720, %get3A_8 : vector<128x16xf32>
    %add3A_1722 = arith.addf %add3A_1716, %mul3A_1721 : vector<128x16xf32>
    %get3A_1723 = arith.constant 20 : index
    %get3A_1724 = arith.constant 4 : index
    %get3A_1725 = memref.load %arg7[%get3A_1723, %get3A_1724] : memref<32x10xf32, #tpu.memory_space<smem>>
    %mul3A_1726 = vector.broadcast %get3A_1725 : f32 to vector<128x16xf32>
    %mul3A_1727 = arith.mulf %mul3A_1726, %get3A_13 : vector<128x16xf32>
    %add3A_1728 = arith.addf %add3A_1722, %mul3A_1727 : vector<128x16xf32>
    %get3A_1729 = arith.constant 20 : index
    %get3A_1730 = arith.constant 5 : index
    %get3A_1731 = memref.load %arg7[%get3A_1729, %get3A_1730] : memref<32x10xf32, #tpu.memory_space<smem>>
    %mul3A_1732 = vector.broadcast %get3A_1731 : f32 to vector<128x16xf32>
    %mul3A_1733 = arith.mulf %mul3A_1732, %get3A_18 : vector<128x16xf32>
    %add3A_1734 = arith.addf %add3A_1728, %mul3A_1733 : vector<128x16xf32>
    %get3A_1735 = arith.constant 20 : index
    %get3A_1736 = arith.constant 6 : index
    %get3A_1737 = memref.load %arg7[%get3A_1735, %get3A_1736] : memref<32x10xf32, #tpu.memory_space<smem>>
    %mul3A_1738 = vector.broadcast %get3A_1737 : f32 to vector<128x16xf32>
    %mul3A_1739 = arith.mulf %mul3A_1738, %sub3A : vector<128x16xf32>
    %add3A_1740 = arith.addf %add3A_1734, %mul3A_1739 : vector<128x16xf32>
    %get3A_1741 = arith.constant 20 : index
    %get3A_1742 = arith.constant 7 : index
    %get3A_1743 = memref.load %arg7[%get3A_1741, %get3A_1742] : memref<32x10xf32, #tpu.memory_space<smem>>
    %mul3A_1744 = vector.broadcast %get3A_1743 : f32 to vector<128x16xf32>
    %mul3A_1745 = arith.mulf %mul3A_1744, %sub3A_26 : vector<128x16xf32>
    %add3A_1746 = arith.addf %add3A_1740, %mul3A_1745 : vector<128x16xf32>
    %get3A_1747 = arith.constant 20 : index
    %get3A_1748 = arith.constant 8 : index
    %get3A_1749 = memref.load %arg7[%get3A_1747, %get3A_1748] : memref<32x10xf32, #tpu.memory_space<smem>>
    %mul3A_1750 = vector.broadcast %get3A_1749 : f32 to vector<128x16xf32>
    %mul3A_1751 = arith.mulf %mul3A_1750, %sub3A_27 : vector<128x16xf32>
    %add3A_1752 = arith.addf %add3A_1746, %mul3A_1751 : vector<128x16xf32>
    %get3A_1753 = arith.constant 20 : index
    %get3A_1754 = arith.constant 9 : index
    %get3A_1755 = memref.load %arg7[%get3A_1753, %get3A_1754] : memref<32x10xf32, #tpu.memory_space<smem>>
    %mul3A_1756 = vector.broadcast %get3A_1755 : f32 to vector<128x16xf32>
    %mul3A_1757 = arith.mulf %mul3A_1756, %sqrt3A : vector<128x16xf32>
    %add3A_1758 = arith.addf %add3A_1752, %mul3A_1757 : vector<128x16xf32>
    %max3A_1759 = arith.constant 0.000000e+00 : f32
    %max3A_1760 = vector.broadcast %max3A_1759 : f32 to vector<128x16xf32>
    %max3A_1761 = arith.maximumf %add3A_1758, %max3A_1760 : vector<128x16xf32>
    %swap3A_1762 = arith.constant 0 : index
    %swap3A_1763 = arith.constant 20 : index
    %swap3A_1764 = arith.constant 0 : index
    %swap3A_1765 = arith.constant 0 : index
    %swap3A_1766 = vector.load %arg9[%swap3A_1762, %swap3A_1763, %swap3A_1764, %swap3A_1765] : memref<1x64x128x16xf32, #tpu.memory_space<vmem>>, vector<1x1x128x16xf32>
    %swap3A_1767 = vector.shape_cast %swap3A_1766 : vector<1x1x128x16xf32> to vector<128x16xf32>
    %swap3A_1768 = vector.shape_cast %max3A_1761 : vector<128x16xf32> to vector<1x1x128x16xf32>
    tpu.vector_store %arg9[%swap3A_1762, %swap3A_1763, %swap3A_1764, %swap3A_1765], %swap3A_1768 {strides = array<i32>} : memref<1x64x128x16xf32, #tpu.memory_space<vmem>>, vector<1x1x128x16xf32>,
    %slice3A_1769 = vector.extract_strided_slice %get3A_37 {offsets = [0, 20], sizes = [128, 1], strides = [1, 1]} : vector<128x32xf32> to vector<128x1xf32>
    %broadcast_in_dim3A_1770 = vector.shape_cast %slice3A_1769 : vector<128x1xf32> to vector<128x1xf32>
    %broadcast_in_dim3A_1771 = vector.broadcast %broadcast_in_dim3A_1770 : vector<128x1xf32> to vector<128x16xf32>
    %swap3A_1772 = arith.constant 0 : index
    %swap3A_1773 = arith.constant 52 : index
    %swap3A_1774 = arith.constant 0 : index
    %swap3A_1775 = arith.constant 0 : index
    %swap3A_1776 = vector.load %arg9[%swap3A_1772, %swap3A_1773, %swap3A_1774, %swap3A_1775] : memref<1x64x128x16xf32, #tpu.memory_space<vmem>>, vector<1x1x128x16xf32>
    %swap3A_1777 = vector.shape_cast %swap3A_1776 : vector<1x1x128x16xf32> to vector<128x16xf32>
    %swap3A_1778 = vector.shape_cast %broadcast_in_dim3A_1771 : vector<128x16xf32> to vector<1x1x128x16xf32>
    tpu.vector_store %arg9[%swap3A_1772, %swap3A_1773, %swap3A_1774, %swap3A_1775], %swap3A_1778 {strides = array<i32>} : memref<1x64x128x16xf32, #tpu.memory_space<vmem>>, vector<1x1x128x16xf32>,
    %get3A_1779 = arith.constant 21 : index
    %get3A_1780 = memref.load %arg8[%get3A_1779] : memref<32xf32, #tpu.memory_space<smem>>
    %broadcast_in_dim3A_1781 = vector.broadcast %get3A_1780 : f32 to vector<128x16xf32>
    %get3A_1782 = arith.constant 21 : index
    %get3A_1783 = arith.constant 0 : index
    %get3A_1784 = memref.load %arg7[%get3A_1782, %get3A_1783] : memref<32x10xf32, #tpu.memory_space<smem>>
    %mul3A_1785 = vector.broadcast %get3A_1784 : f32 to vector<128x16xf32>
    %mul3A_1786 = arith.mulf %mul3A_1785, %broadcast_in_dim3A_19 : vector<128x16xf32>
    %add3A_1787 = arith.addf %broadcast_in_dim3A_1781, %mul3A_1786 : vector<128x16xf32>
    %get3A_1788 = arith.constant 21 : index
    %get3A_1789 = arith.constant 1 : index
    %get3A_1790 = memref.load %arg7[%get3A_1788, %get3A_1789] : memref<32x10xf32, #tpu.memory_space<smem>>
    %mul3A_1791 = vector.broadcast %get3A_1790 : f32 to vector<128x16xf32>
    %mul3A_1792 = arith.mulf %mul3A_1791, %broadcast_in_dim3A_22 : vector<128x16xf32>
    %add3A_1793 = arith.addf %add3A_1787, %mul3A_1792 : vector<128x16xf32>
    %get3A_1794 = arith.constant 21 : index
    %get3A_1795 = arith.constant 2 : index
    %get3A_1796 = memref.load %arg7[%get3A_1794, %get3A_1795] : memref<32x10xf32, #tpu.memory_space<smem>>
    %mul3A_1797 = vector.broadcast %get3A_1796 : f32 to vector<128x16xf32>
    %mul3A_1798 = arith.mulf %mul3A_1797, %broadcast_in_dim3A_25 : vector<128x16xf32>
    %add3A_1799 = arith.addf %add3A_1793, %mul3A_1798 : vector<128x16xf32>
    %get3A_1800 = arith.constant 21 : index
    %get3A_1801 = arith.constant 3 : index
    %get3A_1802 = memref.load %arg7[%get3A_1800, %get3A_1801] : memref<32x10xf32, #tpu.memory_space<smem>>
    %mul3A_1803 = vector.broadcast %get3A_1802 : f32 to vector<128x16xf32>
    %mul3A_1804 = arith.mulf %mul3A_1803, %get3A_8 : vector<128x16xf32>
    %add3A_1805 = arith.addf %add3A_1799, %mul3A_1804 : vector<128x16xf32>
    %get3A_1806 = arith.constant 21 : index
    %get3A_1807 = arith.constant 4 : index
    %get3A_1808 = memref.load %arg7[%get3A_1806, %get3A_1807] : memref<32x10xf32, #tpu.memory_space<smem>>
    %mul3A_1809 = vector.broadcast %get3A_1808 : f32 to vector<128x16xf32>
    %mul3A_1810 = arith.mulf %mul3A_1809, %get3A_13 : vector<128x16xf32>
    %add3A_1811 = arith.addf %add3A_1805, %mul3A_1810 : vector<128x16xf32>
    %get3A_1812 = arith.constant 21 : index
    %get3A_1813 = arith.constant 5 : index
    %get3A_1814 = memref.load %arg7[%get3A_1812, %get3A_1813] : memref<32x10xf32, #tpu.memory_space<smem>>
    %mul3A_1815 = vector.broadcast %get3A_1814 : f32 to vector<128x16xf32>
    %mul3A_1816 = arith.mulf %mul3A_1815, %get3A_18 : vector<128x16xf32>
    %add3A_1817 = arith.addf %add3A_1811, %mul3A_1816 : vector<128x16xf32>
    %get3A_1818 = arith.constant 21 : index
    %get3A_1819 = arith.constant 6 : index
    %get3A_1820 = memref.load %arg7[%get3A_1818, %get3A_1819] : memref<32x10xf32, #tpu.memory_space<smem>>
    %mul3A_1821 = vector.broadcast %get3A_1820 : f32 to vector<128x16xf32>
    %mul3A_1822 = arith.mulf %mul3A_1821, %sub3A : vector<128x16xf32>
    %add3A_1823 = arith.addf %add3A_1817, %mul3A_1822 : vector<128x16xf32>
    %get3A_1824 = arith.constant 21 : index
    %get3A_1825 = arith.constant 7 : index
    %get3A_1826 = memref.load %arg7[%get3A_1824, %get3A_1825] : memref<32x10xf32, #tpu.memory_space<smem>>
    %mul3A_1827 = vector.broadcast %get3A_1826 : f32 to vector<128x16xf32>
    %mul3A_1828 = arith.mulf %mul3A_1827, %sub3A_26 : vector<128x16xf32>
    %add3A_1829 = arith.addf %add3A_1823, %mul3A_1828 : vector<128x16xf32>
    %get3A_1830 = arith.constant 21 : index
    %get3A_1831 = arith.constant 8 : index
    %get3A_1832 = memref.load %arg7[%get3A_1830, %get3A_1831] : memref<32x10xf32, #tpu.memory_space<smem>>
    %mul3A_1833 = vector.broadcast %get3A_1832 : f32 to vector<128x16xf32>
    %mul3A_1834 = arith.mulf %mul3A_1833, %sub3A_27 : vector<128x16xf32>
    %add3A_1835 = arith.addf %add3A_1829, %mul3A_1834 : vector<128x16xf32>
    %get3A_1836 = arith.constant 21 : index
    %get3A_1837 = arith.constant 9 : index
    %get3A_1838 = memref.load %arg7[%get3A_1836, %get3A_1837] : memref<32x10xf32, #tpu.memory_space<smem>>
    %mul3A_1839 = vector.broadcast %get3A_1838 : f32 to vector<128x16xf32>
    %mul3A_1840 = arith.mulf %mul3A_1839, %sqrt3A : vector<128x16xf32>
    %add3A_1841 = arith.addf %add3A_1835, %mul3A_1840 : vector<128x16xf32>
    %max3A_1842 = arith.constant 0.000000e+00 : f32
    %max3A_1843 = vector.broadcast %max3A_1842 : f32 to vector<128x16xf32>
    %max3A_1844 = arith.maximumf %add3A_1841, %max3A_1843 : vector<128x16xf32>
    %swap3A_1845 = arith.constant 0 : index
    %swap3A_1846 = arith.constant 21 : index
    %swap3A_1847 = arith.constant 0 : index
    %swap3A_1848 = arith.constant 0 : index
    %swap3A_1849 = vector.load %arg9[%swap3A_1845, %swap3A_1846, %swap3A_1847, %swap3A_1848] : memref<1x64x128x16xf32, #tpu.memory_space<vmem>>, vector<1x1x128x16xf32>
    %swap3A_1850 = vector.shape_cast %swap3A_1849 : vector<1x1x128x16xf32> to vector<128x16xf32>
    %swap3A_1851 = vector.shape_cast %max3A_1844 : vector<128x16xf32> to vector<1x1x128x16xf32>
    tpu.vector_store %arg9[%swap3A_1845, %swap3A_1846, %swap3A_1847, %swap3A_1848], %swap3A_1851 {strides = array<i32>} : memref<1x64x128x16xf32, #tpu.memory_space<vmem>>, vector<1x1x128x16xf32>,
    %slice3A_1852 = vector.extract_strided_slice %get3A_37 {offsets = [0, 21], sizes = [128, 1], strides = [1, 1]} : vector<128x32xf32> to vector<128x1xf32>
    %broadcast_in_dim3A_1853 = vector.shape_cast %slice3A_1852 : vector<128x1xf32> to vector<128x1xf32>
    %broadcast_in_dim3A_1854 = vector.broadcast %broadcast_in_dim3A_1853 : vector<128x1xf32> to vector<128x16xf32>
    %swap3A_1855 = arith.constant 0 : index
    %swap3A_1856 = arith.constant 53 : index
    %swap3A_1857 = arith.constant 0 : index
    %swap3A_1858 = arith.constant 0 : index
    %swap3A_1859 = vector.load %arg9[%swap3A_1855, %swap3A_1856, %swap3A_1857, %swap3A_1858] : memref<1x64x128x16xf32, #tpu.memory_space<vmem>>, vector<1x1x128x16xf32>
    %swap3A_1860 = vector.shape_cast %swap3A_1859 : vector<1x1x128x16xf32> to vector<128x16xf32>
    %swap3A_1861 = vector.shape_cast %broadcast_in_dim3A_1854 : vector<128x16xf32> to vector<1x1x128x16xf32>
    tpu.vector_store %arg9[%swap3A_1855, %swap3A_1856, %swap3A_1857, %swap3A_1858], %swap3A_1861 {strides = array<i32>} : memref<1x64x128x16xf32, #tpu.memory_space<vmem>>, vector<1x1x128x16xf32>,
    %get3A_1862 = arith.constant 22 : index
    %get3A_1863 = memref.load %arg8[%get3A_1862] : memref<32xf32, #tpu.memory_space<smem>>
    %broadcast_in_dim3A_1864 = vector.broadcast %get3A_1863 : f32 to vector<128x16xf32>
    %get3A_1865 = arith.constant 22 : index
    %get3A_1866 = arith.constant 0 : index
    %get3A_1867 = memref.load %arg7[%get3A_1865, %get3A_1866] : memref<32x10xf32, #tpu.memory_space<smem>>
    %mul3A_1868 = vector.broadcast %get3A_1867 : f32 to vector<128x16xf32>
    %mul3A_1869 = arith.mulf %mul3A_1868, %broadcast_in_dim3A_19 : vector<128x16xf32>
    %add3A_1870 = arith.addf %broadcast_in_dim3A_1864, %mul3A_1869 : vector<128x16xf32>
    %get3A_1871 = arith.constant 22 : index
    %get3A_1872 = arith.constant 1 : index
    %get3A_1873 = memref.load %arg7[%get3A_1871, %get3A_1872] : memref<32x10xf32, #tpu.memory_space<smem>>
    %mul3A_1874 = vector.broadcast %get3A_1873 : f32 to vector<128x16xf32>
    %mul3A_1875 = arith.mulf %mul3A_1874, %broadcast_in_dim3A_22 : vector<128x16xf32>
    %add3A_1876 = arith.addf %add3A_1870, %mul3A_1875 : vector<128x16xf32>
    %get3A_1877 = arith.constant 22 : index
    %get3A_1878 = arith.constant 2 : index
    %get3A_1879 = memref.load %arg7[%get3A_1877, %get3A_1878] : memref<32x10xf32, #tpu.memory_space<smem>>
    %mul3A_1880 = vector.broadcast %get3A_1879 : f32 to vector<128x16xf32>
    %mul3A_1881 = arith.mulf %mul3A_1880, %broadcast_in_dim3A_25 : vector<128x16xf32>
    %add3A_1882 = arith.addf %add3A_1876, %mul3A_1881 : vector<128x16xf32>
    %get3A_1883 = arith.constant 22 : index
    %get3A_1884 = arith.constant 3 : index
    %get3A_1885 = memref.load %arg7[%get3A_1883, %get3A_1884] : memref<32x10xf32, #tpu.memory_space<smem>>
    %mul3A_1886 = vector.broadcast %get3A_1885 : f32 to vector<128x16xf32>
    %mul3A_1887 = arith.mulf %mul3A_1886, %get3A_8 : vector<128x16xf32>
    %add3A_1888 = arith.addf %add3A_1882, %mul3A_1887 : vector<128x16xf32>
    %get3A_1889 = arith.constant 22 : index
    %get3A_1890 = arith.constant 4 : index
    %get3A_1891 = memref.load %arg7[%get3A_1889, %get3A_1890] : memref<32x10xf32, #tpu.memory_space<smem>>
    %mul3A_1892 = vector.broadcast %get3A_1891 : f32 to vector<128x16xf32>
    %mul3A_1893 = arith.mulf %mul3A_1892, %get3A_13 : vector<128x16xf32>
    %add3A_1894 = arith.addf %add3A_1888, %mul3A_1893 : vector<128x16xf32>
    %get3A_1895 = arith.constant 22 : index
    %get3A_1896 = arith.constant 5 : index
    %get3A_1897 = memref.load %arg7[%get3A_1895, %get3A_1896] : memref<32x10xf32, #tpu.memory_space<smem>>
    %mul3A_1898 = vector.broadcast %get3A_1897 : f32 to vector<128x16xf32>
    %mul3A_1899 = arith.mulf %mul3A_1898, %get3A_18 : vector<128x16xf32>
    %add3A_1900 = arith.addf %add3A_1894, %mul3A_1899 : vector<128x16xf32>
    %get3A_1901 = arith.constant 22 : index
    %get3A_1902 = arith.constant 6 : index
    %get3A_1903 = memref.load %arg7[%get3A_1901, %get3A_1902] : memref<32x10xf32, #tpu.memory_space<smem>>
    %mul3A_1904 = vector.broadcast %get3A_1903 : f32 to vector<128x16xf32>
    %mul3A_1905 = arith.mulf %mul3A_1904, %sub3A : vector<128x16xf32>
    %add3A_1906 = arith.addf %add3A_1900, %mul3A_1905 : vector<128x16xf32>
    %get3A_1907 = arith.constant 22 : index
    %get3A_1908 = arith.constant 7 : index
    %get3A_1909 = memref.load %arg7[%get3A_1907, %get3A_1908] : memref<32x10xf32, #tpu.memory_space<smem>>
    %mul3A_1910 = vector.broadcast %get3A_1909 : f32 to vector<128x16xf32>
    %mul3A_1911 = arith.mulf %mul3A_1910, %sub3A_26 : vector<128x16xf32>
    %add3A_1912 = arith.addf %add3A_1906, %mul3A_1911 : vector<128x16xf32>
    %get3A_1913 = arith.constant 22 : index
    %get3A_1914 = arith.constant 8 : index
    %get3A_1915 = memref.load %arg7[%get3A_1913, %get3A_1914] : memref<32x10xf32, #tpu.memory_space<smem>>
    %mul3A_1916 = vector.broadcast %get3A_1915 : f32 to vector<128x16xf32>
    %mul3A_1917 = arith.mulf %mul3A_1916, %sub3A_27 : vector<128x16xf32>
    %add3A_1918 = arith.addf %add3A_1912, %mul3A_1917 : vector<128x16xf32>
    %get3A_1919 = arith.constant 22 : index
    %get3A_1920 = arith.constant 9 : index
    %get3A_1921 = memref.load %arg7[%get3A_1919, %get3A_1920] : memref<32x10xf32, #tpu.memory_space<smem>>
    %mul3A_1922 = vector.broadcast %get3A_1921 : f32 to vector<128x16xf32>
    %mul3A_1923 = arith.mulf %mul3A_1922, %sqrt3A : vector<128x16xf32>
    %add3A_1924 = arith.addf %add3A_1918, %mul3A_1923 : vector<128x16xf32>
    %max3A_1925 = arith.constant 0.000000e+00 : f32
    %max3A_1926 = vector.broadcast %max3A_1925 : f32 to vector<128x16xf32>
    %max3A_1927 = arith.maximumf %add3A_1924, %max3A_1926 : vector<128x16xf32>
    %swap3A_1928 = arith.constant 0 : index
    %swap3A_1929 = arith.constant 22 : index
    %swap3A_1930 = arith.constant 0 : index
    %swap3A_1931 = arith.constant 0 : index
    %swap3A_1932 = vector.load %arg9[%swap3A_1928, %swap3A_1929, %swap3A_1930, %swap3A_1931] : memref<1x64x128x16xf32, #tpu.memory_space<vmem>>, vector<1x1x128x16xf32>
    %swap3A_1933 = vector.shape_cast %swap3A_1932 : vector<1x1x128x16xf32> to vector<128x16xf32>
    %swap3A_1934 = vector.shape_cast %max3A_1927 : vector<128x16xf32> to vector<1x1x128x16xf32>
    tpu.vector_store %arg9[%swap3A_1928, %swap3A_1929, %swap3A_1930, %swap3A_1931], %swap3A_1934 {strides = array<i32>} : memref<1x64x128x16xf32, #tpu.memory_space<vmem>>, vector<1x1x128x16xf32>,
    %slice3A_1935 = vector.extract_strided_slice %get3A_37 {offsets = [0, 22], sizes = [128, 1], strides = [1, 1]} : vector<128x32xf32> to vector<128x1xf32>
    %broadcast_in_dim3A_1936 = vector.shape_cast %slice3A_1935 : vector<128x1xf32> to vector<128x1xf32>
    %broadcast_in_dim3A_1937 = vector.broadcast %broadcast_in_dim3A_1936 : vector<128x1xf32> to vector<128x16xf32>
    %swap3A_1938 = arith.constant 0 : index
    %swap3A_1939 = arith.constant 54 : index
    %swap3A_1940 = arith.constant 0 : index
    %swap3A_1941 = arith.constant 0 : index
    %swap3A_1942 = vector.load %arg9[%swap3A_1938, %swap3A_1939, %swap3A_1940, %swap3A_1941] : memref<1x64x128x16xf32, #tpu.memory_space<vmem>>, vector<1x1x128x16xf32>
    %swap3A_1943 = vector.shape_cast %swap3A_1942 : vector<1x1x128x16xf32> to vector<128x16xf32>
    %swap3A_1944 = vector.shape_cast %broadcast_in_dim3A_1937 : vector<128x16xf32> to vector<1x1x128x16xf32>
    tpu.vector_store %arg9[%swap3A_1938, %swap3A_1939, %swap3A_1940, %swap3A_1941], %swap3A_1944 {strides = array<i32>} : memref<1x64x128x16xf32, #tpu.memory_space<vmem>>, vector<1x1x128x16xf32>,
    %get3A_1945 = arith.constant 23 : index
    %get3A_1946 = memref.load %arg8[%get3A_1945] : memref<32xf32, #tpu.memory_space<smem>>
    %broadcast_in_dim3A_1947 = vector.broadcast %get3A_1946 : f32 to vector<128x16xf32>
    %get3A_1948 = arith.constant 23 : index
    %get3A_1949 = arith.constant 0 : index
    %get3A_1950 = memref.load %arg7[%get3A_1948, %get3A_1949] : memref<32x10xf32, #tpu.memory_space<smem>>
    %mul3A_1951 = vector.broadcast %get3A_1950 : f32 to vector<128x16xf32>
    %mul3A_1952 = arith.mulf %mul3A_1951, %broadcast_in_dim3A_19 : vector<128x16xf32>
    %add3A_1953 = arith.addf %broadcast_in_dim3A_1947, %mul3A_1952 : vector<128x16xf32>
    %get3A_1954 = arith.constant 23 : index
    %get3A_1955 = arith.constant 1 : index
    %get3A_1956 = memref.load %arg7[%get3A_1954, %get3A_1955] : memref<32x10xf32, #tpu.memory_space<smem>>
    %mul3A_1957 = vector.broadcast %get3A_1956 : f32 to vector<128x16xf32>
    %mul3A_1958 = arith.mulf %mul3A_1957, %broadcast_in_dim3A_22 : vector<128x16xf32>
    %add3A_1959 = arith.addf %add3A_1953, %mul3A_1958 : vector<128x16xf32>
    %get3A_1960 = arith.constant 23 : index
    %get3A_1961 = arith.constant 2 : index
    %get3A_1962 = memref.load %arg7[%get3A_1960, %get3A_1961] : memref<32x10xf32, #tpu.memory_space<smem>>
    %mul3A_1963 = vector.broadcast %get3A_1962 : f32 to vector<128x16xf32>
    %mul3A_1964 = arith.mulf %mul3A_1963, %broadcast_in_dim3A_25 : vector<128x16xf32>
    %add3A_1965 = arith.addf %add3A_1959, %mul3A_1964 : vector<128x16xf32>
    %get3A_1966 = arith.constant 23 : index
    %get3A_1967 = arith.constant 3 : index
    %get3A_1968 = memref.load %arg7[%get3A_1966, %get3A_1967] : memref<32x10xf32, #tpu.memory_space<smem>>
    %mul3A_1969 = vector.broadcast %get3A_1968 : f32 to vector<128x16xf32>
    %mul3A_1970 = arith.mulf %mul3A_1969, %get3A_8 : vector<128x16xf32>
    %add3A_1971 = arith.addf %add3A_1965, %mul3A_1970 : vector<128x16xf32>
    %get3A_1972 = arith.constant 23 : index
    %get3A_1973 = arith.constant 4 : index
    %get3A_1974 = memref.load %arg7[%get3A_1972, %get3A_1973] : memref<32x10xf32, #tpu.memory_space<smem>>
    %mul3A_1975 = vector.broadcast %get3A_1974 : f32 to vector<128x16xf32>
    %mul3A_1976 = arith.mulf %mul3A_1975, %get3A_13 : vector<128x16xf32>
    %add3A_1977 = arith.addf %add3A_1971, %mul3A_1976 : vector<128x16xf32>
    %get3A_1978 = arith.constant 23 : index
    %get3A_1979 = arith.constant 5 : index
    %get3A_1980 = memref.load %arg7[%get3A_1978, %get3A_1979] : memref<32x10xf32, #tpu.memory_space<smem>>
    %mul3A_1981 = vector.broadcast %get3A_1980 : f32 to vector<128x16xf32>
    %mul3A_1982 = arith.mulf %mul3A_1981, %get3A_18 : vector<128x16xf32>
    %add3A_1983 = arith.addf %add3A_1977, %mul3A_1982 : vector<128x16xf32>
    %get3A_1984 = arith.constant 23 : index
    %get3A_1985 = arith.constant 6 : index
    %get3A_1986 = memref.load %arg7[%get3A_1984, %get3A_1985] : memref<32x10xf32, #tpu.memory_space<smem>>
    %mul3A_1987 = vector.broadcast %get3A_1986 : f32 to vector<128x16xf32>
    %mul3A_1988 = arith.mulf %mul3A_1987, %sub3A : vector<128x16xf32>
    %add3A_1989 = arith.addf %add3A_1983, %mul3A_1988 : vector<128x16xf32>
    %get3A_1990 = arith.constant 23 : index
    %get3A_1991 = arith.constant 7 : index
    %get3A_1992 = memref.load %arg7[%get3A_1990, %get3A_1991] : memref<32x10xf32, #tpu.memory_space<smem>>
    %mul3A_1993 = vector.broadcast %get3A_1992 : f32 to vector<128x16xf32>
    %mul3A_1994 = arith.mulf %mul3A_1993, %sub3A_26 : vector<128x16xf32>
    %add3A_1995 = arith.addf %add3A_1989, %mul3A_1994 : vector<128x16xf32>
    %get3A_1996 = arith.constant 23 : index
    %get3A_1997 = arith.constant 8 : index
    %get3A_1998 = memref.load %arg7[%get3A_1996, %get3A_1997] : memref<32x10xf32, #tpu.memory_space<smem>>
    %mul3A_1999 = vector.broadcast %get3A_1998 : f32 to vector<128x16xf32>
    %mul3A_2000 = arith.mulf %mul3A_1999, %sub3A_27 : vector<128x16xf32>
    %add3A_2001 = arith.addf %add3A_1995, %mul3A_2000 : vector<128x16xf32>
    %get3A_2002 = arith.constant 23 : index
    %get3A_2003 = arith.constant 9 : index
    %get3A_2004 = memref.load %arg7[%get3A_2002, %get3A_2003] : memref<32x10xf32, #tpu.memory_space<smem>>
    %mul3A_2005 = vector.broadcast %get3A_2004 : f32 to vector<128x16xf32>
    %mul3A_2006 = arith.mulf %mul3A_2005, %sqrt3A : vector<128x16xf32>
    %add3A_2007 = arith.addf %add3A_2001, %mul3A_2006 : vector<128x16xf32>
    %max3A_2008 = arith.constant 0.000000e+00 : f32
    %max3A_2009 = vector.broadcast %max3A_2008 : f32 to vector<128x16xf32>
    %max3A_2010 = arith.maximumf %add3A_2007, %max3A_2009 : vector<128x16xf32>
    %swap3A_2011 = arith.constant 0 : index
    %swap3A_2012 = arith.constant 23 : index
    %swap3A_2013 = arith.constant 0 : index
    %swap3A_2014 = arith.constant 0 : index
    %swap3A_2015 = vector.load %arg9[%swap3A_2011, %swap3A_2012, %swap3A_2013, %swap3A_2014] : memref<1x64x128x16xf32, #tpu.memory_space<vmem>>, vector<1x1x128x16xf32>
    %swap3A_2016 = vector.shape_cast %swap3A_2015 : vector<1x1x128x16xf32> to vector<128x16xf32>
    %swap3A_2017 = vector.shape_cast %max3A_2010 : vector<128x16xf32> to vector<1x1x128x16xf32>
    tpu.vector_store %arg9[%swap3A_2011, %swap3A_2012, %swap3A_2013, %swap3A_2014], %swap3A_2017 {strides = array<i32>} : memref<1x64x128x16xf32, #tpu.memory_space<vmem>>, vector<1x1x128x16xf32>,
    %slice3A_2018 = vector.extract_strided_slice %get3A_37 {offsets = [0, 23], sizes = [128, 1], strides = [1, 1]} : vector<128x32xf32> to vector<128x1xf32>
    %broadcast_in_dim3A_2019 = vector.shape_cast %slice3A_2018 : vector<128x1xf32> to vector<128x1xf32>
    %broadcast_in_dim3A_2020 = vector.broadcast %broadcast_in_dim3A_2019 : vector<128x1xf32> to vector<128x16xf32>
    %swap3A_2021 = arith.constant 0 : index
    %swap3A_2022 = arith.constant 55 : index
    %swap3A_2023 = arith.constant 0 : index
    %swap3A_2024 = arith.constant 0 : index
    %swap3A_2025 = vector.load %arg9[%swap3A_2021, %swap3A_2022, %swap3A_2023, %swap3A_2024] : memref<1x64x128x16xf32, #tpu.memory_space<vmem>>, vector<1x1x128x16xf32>
    %swap3A_2026 = vector.shape_cast %swap3A_2025 : vector<1x1x128x16xf32> to vector<128x16xf32>
    %swap3A_2027 = vector.shape_cast %broadcast_in_dim3A_2020 : vector<128x16xf32> to vector<1x1x128x16xf32>
    tpu.vector_store %arg9[%swap3A_2021, %swap3A_2022, %swap3A_2023, %swap3A_2024], %swap3A_2027 {strides = array<i32>} : memref<1x64x128x16xf32, #tpu.memory_space<vmem>>, vector<1x1x128x16xf32>,
    %get3A_2028 = arith.constant 24 : index
    %get3A_2029 = memref.load %arg8[%get3A_2028] : memref<32xf32, #tpu.memory_space<smem>>
    %broadcast_in_dim3A_2030 = vector.broadcast %get3A_2029 : f32 to vector<128x16xf32>
    %get3A_2031 = arith.constant 24 : index
    %get3A_2032 = arith.constant 0 : index
    %get3A_2033 = memref.load %arg7[%get3A_2031, %get3A_2032] : memref<32x10xf32, #tpu.memory_space<smem>>
    %mul3A_2034 = vector.broadcast %get3A_2033 : f32 to vector<128x16xf32>
    %mul3A_2035 = arith.mulf %mul3A_2034, %broadcast_in_dim3A_19 : vector<128x16xf32>
    %add3A_2036 = arith.addf %broadcast_in_dim3A_2030, %mul3A_2035 : vector<128x16xf32>
    %get3A_2037 = arith.constant 24 : index
    %get3A_2038 = arith.constant 1 : index
    %get3A_2039 = memref.load %arg7[%get3A_2037, %get3A_2038] : memref<32x10xf32, #tpu.memory_space<smem>>
    %mul3A_2040 = vector.broadcast %get3A_2039 : f32 to vector<128x16xf32>
    %mul3A_2041 = arith.mulf %mul3A_2040, %broadcast_in_dim3A_22 : vector<128x16xf32>
    %add3A_2042 = arith.addf %add3A_2036, %mul3A_2041 : vector<128x16xf32>
    %get3A_2043 = arith.constant 24 : index
    %get3A_2044 = arith.constant 2 : index
    %get3A_2045 = memref.load %arg7[%get3A_2043, %get3A_2044] : memref<32x10xf32, #tpu.memory_space<smem>>
    %mul3A_2046 = vector.broadcast %get3A_2045 : f32 to vector<128x16xf32>
    %mul3A_2047 = arith.mulf %mul3A_2046, %broadcast_in_dim3A_25 : vector<128x16xf32>
    %add3A_2048 = arith.addf %add3A_2042, %mul3A_2047 : vector<128x16xf32>
    %get3A_2049 = arith.constant 24 : index
    %get3A_2050 = arith.constant 3 : index
    %get3A_2051 = memref.load %arg7[%get3A_2049, %get3A_2050] : memref<32x10xf32, #tpu.memory_space<smem>>
    %mul3A_2052 = vector.broadcast %get3A_2051 : f32 to vector<128x16xf32>
    %mul3A_2053 = arith.mulf %mul3A_2052, %get3A_8 : vector<128x16xf32>
    %add3A_2054 = arith.addf %add3A_2048, %mul3A_2053 : vector<128x16xf32>
    %get3A_2055 = arith.constant 24 : index
    %get3A_2056 = arith.constant 4 : index
    %get3A_2057 = memref.load %arg7[%get3A_2055, %get3A_2056] : memref<32x10xf32, #tpu.memory_space<smem>>
    %mul3A_2058 = vector.broadcast %get3A_2057 : f32 to vector<128x16xf32>
    %mul3A_2059 = arith.mulf %mul3A_2058, %get3A_13 : vector<128x16xf32>
    %add3A_2060 = arith.addf %add3A_2054, %mul3A_2059 : vector<128x16xf32>
    %get3A_2061 = arith.constant 24 : index
    %get3A_2062 = arith.constant 5 : index
    %get3A_2063 = memref.load %arg7[%get3A_2061, %get3A_2062] : memref<32x10xf32, #tpu.memory_space<smem>>
    %mul3A_2064 = vector.broadcast %get3A_2063 : f32 to vector<128x16xf32>
    %mul3A_2065 = arith.mulf %mul3A_2064, %get3A_18 : vector<128x16xf32>
    %add3A_2066 = arith.addf %add3A_2060, %mul3A_2065 : vector<128x16xf32>
    %get3A_2067 = arith.constant 24 : index
    %get3A_2068 = arith.constant 6 : index
    %get3A_2069 = memref.load %arg7[%get3A_2067, %get3A_2068] : memref<32x10xf32, #tpu.memory_space<smem>>
    %mul3A_2070 = vector.broadcast %get3A_2069 : f32 to vector<128x16xf32>
    %mul3A_2071 = arith.mulf %mul3A_2070, %sub3A : vector<128x16xf32>
    %add3A_2072 = arith.addf %add3A_2066, %mul3A_2071 : vector<128x16xf32>
    %get3A_2073 = arith.constant 24 : index
    %get3A_2074 = arith.constant 7 : index
    %get3A_2075 = memref.load %arg7[%get3A_2073, %get3A_2074] : memref<32x10xf32, #tpu.memory_space<smem>>
    %mul3A_2076 = vector.broadcast %get3A_2075 : f32 to vector<128x16xf32>
    %mul3A_2077 = arith.mulf %mul3A_2076, %sub3A_26 : vector<128x16xf32>
    %add3A_2078 = arith.addf %add3A_2072, %mul3A_2077 : vector<128x16xf32>
    %get3A_2079 = arith.constant 24 : index
    %get3A_2080 = arith.constant 8 : index
    %get3A_2081 = memref.load %arg7[%get3A_2079, %get3A_2080] : memref<32x10xf32, #tpu.memory_space<smem>>
    %mul3A_2082 = vector.broadcast %get3A_2081 : f32 to vector<128x16xf32>
    %mul3A_2083 = arith.mulf %mul3A_2082, %sub3A_27 : vector<128x16xf32>
    %add3A_2084 = arith.addf %add3A_2078, %mul3A_2083 : vector<128x16xf32>
    %get3A_2085 = arith.constant 24 : index
    %get3A_2086 = arith.constant 9 : index
    %get3A_2087 = memref.load %arg7[%get3A_2085, %get3A_2086] : memref<32x10xf32, #tpu.memory_space<smem>>
    %mul3A_2088 = vector.broadcast %get3A_2087 : f32 to vector<128x16xf32>
    %mul3A_2089 = arith.mulf %mul3A_2088, %sqrt3A : vector<128x16xf32>
    %add3A_2090 = arith.addf %add3A_2084, %mul3A_2089 : vector<128x16xf32>
    %max3A_2091 = arith.constant 0.000000e+00 : f32
    %max3A_2092 = vector.broadcast %max3A_2091 : f32 to vector<128x16xf32>
    %max3A_2093 = arith.maximumf %add3A_2090, %max3A_2092 : vector<128x16xf32>
    %swap3A_2094 = arith.constant 0 : index
    %swap3A_2095 = arith.constant 24 : index
    %swap3A_2096 = arith.constant 0 : index
    %swap3A_2097 = arith.constant 0 : index
    %swap3A_2098 = vector.load %arg9[%swap3A_2094, %swap3A_2095, %swap3A_2096, %swap3A_2097] : memref<1x64x128x16xf32, #tpu.memory_space<vmem>>, vector<1x1x128x16xf32>
    %swap3A_2099 = vector.shape_cast %swap3A_2098 : vector<1x1x128x16xf32> to vector<128x16xf32>
    %swap3A_2100 = vector.shape_cast %max3A_2093 : vector<128x16xf32> to vector<1x1x128x16xf32>
    tpu.vector_store %arg9[%swap3A_2094, %swap3A_2095, %swap3A_2096, %swap3A_2097], %swap3A_2100 {strides = array<i32>} : memref<1x64x128x16xf32, #tpu.memory_space<vmem>>, vector<1x1x128x16xf32>,
    %slice3A_2101 = vector.extract_strided_slice %get3A_37 {offsets = [0, 24], sizes = [128, 1], strides = [1, 1]} : vector<128x32xf32> to vector<128x1xf32>
    %broadcast_in_dim3A_2102 = vector.shape_cast %slice3A_2101 : vector<128x1xf32> to vector<128x1xf32>
    %broadcast_in_dim3A_2103 = vector.broadcast %broadcast_in_dim3A_2102 : vector<128x1xf32> to vector<128x16xf32>
    %swap3A_2104 = arith.constant 0 : index
    %swap3A_2105 = arith.constant 56 : index
    %swap3A_2106 = arith.constant 0 : index
    %swap3A_2107 = arith.constant 0 : index
    %swap3A_2108 = vector.load %arg9[%swap3A_2104, %swap3A_2105, %swap3A_2106, %swap3A_2107] : memref<1x64x128x16xf32, #tpu.memory_space<vmem>>, vector<1x1x128x16xf32>
    %swap3A_2109 = vector.shape_cast %swap3A_2108 : vector<1x1x128x16xf32> to vector<128x16xf32>
    %swap3A_2110 = vector.shape_cast %broadcast_in_dim3A_2103 : vector<128x16xf32> to vector<1x1x128x16xf32>
    tpu.vector_store %arg9[%swap3A_2104, %swap3A_2105, %swap3A_2106, %swap3A_2107], %swap3A_2110 {strides = array<i32>} : memref<1x64x128x16xf32, #tpu.memory_space<vmem>>, vector<1x1x128x16xf32>,
    %get3A_2111 = arith.constant 25 : index
    %get3A_2112 = memref.load %arg8[%get3A_2111] : memref<32xf32, #tpu.memory_space<smem>>
    %broadcast_in_dim3A_2113 = vector.broadcast %get3A_2112 : f32 to vector<128x16xf32>
    %get3A_2114 = arith.constant 25 : index
    %get3A_2115 = arith.constant 0 : index
    %get3A_2116 = memref.load %arg7[%get3A_2114, %get3A_2115] : memref<32x10xf32, #tpu.memory_space<smem>>
    %mul3A_2117 = vector.broadcast %get3A_2116 : f32 to vector<128x16xf32>
    %mul3A_2118 = arith.mulf %mul3A_2117, %broadcast_in_dim3A_19 : vector<128x16xf32>
    %add3A_2119 = arith.addf %broadcast_in_dim3A_2113, %mul3A_2118 : vector<128x16xf32>
    %get3A_2120 = arith.constant 25 : index
    %get3A_2121 = arith.constant 1 : index
    %get3A_2122 = memref.load %arg7[%get3A_2120, %get3A_2121] : memref<32x10xf32, #tpu.memory_space<smem>>
    %mul3A_2123 = vector.broadcast %get3A_2122 : f32 to vector<128x16xf32>
    %mul3A_2124 = arith.mulf %mul3A_2123, %broadcast_in_dim3A_22 : vector<128x16xf32>
    %add3A_2125 = arith.addf %add3A_2119, %mul3A_2124 : vector<128x16xf32>
    %get3A_2126 = arith.constant 25 : index
    %get3A_2127 = arith.constant 2 : index
    %get3A_2128 = memref.load %arg7[%get3A_2126, %get3A_2127] : memref<32x10xf32, #tpu.memory_space<smem>>
    %mul3A_2129 = vector.broadcast %get3A_2128 : f32 to vector<128x16xf32>
    %mul3A_2130 = arith.mulf %mul3A_2129, %broadcast_in_dim3A_25 : vector<128x16xf32>
    %add3A_2131 = arith.addf %add3A_2125, %mul3A_2130 : vector<128x16xf32>
    %get3A_2132 = arith.constant 25 : index
    %get3A_2133 = arith.constant 3 : index
    %get3A_2134 = memref.load %arg7[%get3A_2132, %get3A_2133] : memref<32x10xf32, #tpu.memory_space<smem>>
    %mul3A_2135 = vector.broadcast %get3A_2134 : f32 to vector<128x16xf32>
    %mul3A_2136 = arith.mulf %mul3A_2135, %get3A_8 : vector<128x16xf32>
    %add3A_2137 = arith.addf %add3A_2131, %mul3A_2136 : vector<128x16xf32>
    %get3A_2138 = arith.constant 25 : index
    %get3A_2139 = arith.constant 4 : index
    %get3A_2140 = memref.load %arg7[%get3A_2138, %get3A_2139] : memref<32x10xf32, #tpu.memory_space<smem>>
    %mul3A_2141 = vector.broadcast %get3A_2140 : f32 to vector<128x16xf32>
    %mul3A_2142 = arith.mulf %mul3A_2141, %get3A_13 : vector<128x16xf32>
    %add3A_2143 = arith.addf %add3A_2137, %mul3A_2142 : vector<128x16xf32>
    %get3A_2144 = arith.constant 25 : index
    %get3A_2145 = arith.constant 5 : index
    %get3A_2146 = memref.load %arg7[%get3A_2144, %get3A_2145] : memref<32x10xf32, #tpu.memory_space<smem>>
    %mul3A_2147 = vector.broadcast %get3A_2146 : f32 to vector<128x16xf32>
    %mul3A_2148 = arith.mulf %mul3A_2147, %get3A_18 : vector<128x16xf32>
    %add3A_2149 = arith.addf %add3A_2143, %mul3A_2148 : vector<128x16xf32>
    %get3A_2150 = arith.constant 25 : index
    %get3A_2151 = arith.constant 6 : index
    %get3A_2152 = memref.load %arg7[%get3A_2150, %get3A_2151] : memref<32x10xf32, #tpu.memory_space<smem>>
    %mul3A_2153 = vector.broadcast %get3A_2152 : f32 to vector<128x16xf32>
    %mul3A_2154 = arith.mulf %mul3A_2153, %sub3A : vector<128x16xf32>
    %add3A_2155 = arith.addf %add3A_2149, %mul3A_2154 : vector<128x16xf32>
    %get3A_2156 = arith.constant 25 : index
    %get3A_2157 = arith.constant 7 : index
    %get3A_2158 = memref.load %arg7[%get3A_2156, %get3A_2157] : memref<32x10xf32, #tpu.memory_space<smem>>
    %mul3A_2159 = vector.broadcast %get3A_2158 : f32 to vector<128x16xf32>
    %mul3A_2160 = arith.mulf %mul3A_2159, %sub3A_26 : vector<128x16xf32>
    %add3A_2161 = arith.addf %add3A_2155, %mul3A_2160 : vector<128x16xf32>
    %get3A_2162 = arith.constant 25 : index
    %get3A_2163 = arith.constant 8 : index
    %get3A_2164 = memref.load %arg7[%get3A_2162, %get3A_2163] : memref<32x10xf32, #tpu.memory_space<smem>>
    %mul3A_2165 = vector.broadcast %get3A_2164 : f32 to vector<128x16xf32>
    %mul3A_2166 = arith.mulf %mul3A_2165, %sub3A_27 : vector<128x16xf32>
    %add3A_2167 = arith.addf %add3A_2161, %mul3A_2166 : vector<128x16xf32>
    %get3A_2168 = arith.constant 25 : index
    %get3A_2169 = arith.constant 9 : index
    %get3A_2170 = memref.load %arg7[%get3A_2168, %get3A_2169] : memref<32x10xf32, #tpu.memory_space<smem>>
    %mul3A_2171 = vector.broadcast %get3A_2170 : f32 to vector<128x16xf32>
    %mul3A_2172 = arith.mulf %mul3A_2171, %sqrt3A : vector<128x16xf32>
    %add3A_2173 = arith.addf %add3A_2167, %mul3A_2172 : vector<128x16xf32>
    %max3A_2174 = arith.constant 0.000000e+00 : f32
    %max3A_2175 = vector.broadcast %max3A_2174 : f32 to vector<128x16xf32>
    %max3A_2176 = arith.maximumf %add3A_2173, %max3A_2175 : vector<128x16xf32>
    %swap3A_2177 = arith.constant 0 : index
    %swap3A_2178 = arith.constant 25 : index
    %swap3A_2179 = arith.constant 0 : index
    %swap3A_2180 = arith.constant 0 : index
    %swap3A_2181 = vector.load %arg9[%swap3A_2177, %swap3A_2178, %swap3A_2179, %swap3A_2180] : memref<1x64x128x16xf32, #tpu.memory_space<vmem>>, vector<1x1x128x16xf32>
    %swap3A_2182 = vector.shape_cast %swap3A_2181 : vector<1x1x128x16xf32> to vector<128x16xf32>
    %swap3A_2183 = vector.shape_cast %max3A_2176 : vector<128x16xf32> to vector<1x1x128x16xf32>
    tpu.vector_store %arg9[%swap3A_2177, %swap3A_2178, %swap3A_2179, %swap3A_2180], %swap3A_2183 {strides = array<i32>} : memref<1x64x128x16xf32, #tpu.memory_space<vmem>>, vector<1x1x128x16xf32>,
    %slice3A_2184 = vector.extract_strided_slice %get3A_37 {offsets = [0, 25], sizes = [128, 1], strides = [1, 1]} : vector<128x32xf32> to vector<128x1xf32>
    %broadcast_in_dim3A_2185 = vector.shape_cast %slice3A_2184 : vector<128x1xf32> to vector<128x1xf32>
    %broadcast_in_dim3A_2186 = vector.broadcast %broadcast_in_dim3A_2185 : vector<128x1xf32> to vector<128x16xf32>
    %swap3A_2187 = arith.constant 0 : index
    %swap3A_2188 = arith.constant 57 : index
    %swap3A_2189 = arith.constant 0 : index
    %swap3A_2190 = arith.constant 0 : index
    %swap3A_2191 = vector.load %arg9[%swap3A_2187, %swap3A_2188, %swap3A_2189, %swap3A_2190] : memref<1x64x128x16xf32, #tpu.memory_space<vmem>>, vector<1x1x128x16xf32>
    %swap3A_2192 = vector.shape_cast %swap3A_2191 : vector<1x1x128x16xf32> to vector<128x16xf32>
    %swap3A_2193 = vector.shape_cast %broadcast_in_dim3A_2186 : vector<128x16xf32> to vector<1x1x128x16xf32>
    tpu.vector_store %arg9[%swap3A_2187, %swap3A_2188, %swap3A_2189, %swap3A_2190], %swap3A_2193 {strides = array<i32>} : memref<1x64x128x16xf32, #tpu.memory_space<vmem>>, vector<1x1x128x16xf32>,
    %get3A_2194 = arith.constant 26 : index
    %get3A_2195 = memref.load %arg8[%get3A_2194] : memref<32xf32, #tpu.memory_space<smem>>
    %broadcast_in_dim3A_2196 = vector.broadcast %get3A_2195 : f32 to vector<128x16xf32>
    %get3A_2197 = arith.constant 26 : index
    %get3A_2198 = arith.constant 0 : index
    %get3A_2199 = memref.load %arg7[%get3A_2197, %get3A_2198] : memref<32x10xf32, #tpu.memory_space<smem>>
    %mul3A_2200 = vector.broadcast %get3A_2199 : f32 to vector<128x16xf32>
    %mul3A_2201 = arith.mulf %mul3A_2200, %broadcast_in_dim3A_19 : vector<128x16xf32>
    %add3A_2202 = arith.addf %broadcast_in_dim3A_2196, %mul3A_2201 : vector<128x16xf32>
    %get3A_2203 = arith.constant 26 : index
    %get3A_2204 = arith.constant 1 : index
    %get3A_2205 = memref.load %arg7[%get3A_2203, %get3A_2204] : memref<32x10xf32, #tpu.memory_space<smem>>
    %mul3A_2206 = vector.broadcast %get3A_2205 : f32 to vector<128x16xf32>
    %mul3A_2207 = arith.mulf %mul3A_2206, %broadcast_in_dim3A_22 : vector<128x16xf32>
    %add3A_2208 = arith.addf %add3A_2202, %mul3A_2207 : vector<128x16xf32>
    %get3A_2209 = arith.constant 26 : index
    %get3A_2210 = arith.constant 2 : index
    %get3A_2211 = memref.load %arg7[%get3A_2209, %get3A_2210] : memref<32x10xf32, #tpu.memory_space<smem>>
    %mul3A_2212 = vector.broadcast %get3A_2211 : f32 to vector<128x16xf32>
    %mul3A_2213 = arith.mulf %mul3A_2212, %broadcast_in_dim3A_25 : vector<128x16xf32>
    %add3A_2214 = arith.addf %add3A_2208, %mul3A_2213 : vector<128x16xf32>
    %get3A_2215 = arith.constant 26 : index
    %get3A_2216 = arith.constant 3 : index
    %get3A_2217 = memref.load %arg7[%get3A_2215, %get3A_2216] : memref<32x10xf32, #tpu.memory_space<smem>>
    %mul3A_2218 = vector.broadcast %get3A_2217 : f32 to vector<128x16xf32>
    %mul3A_2219 = arith.mulf %mul3A_2218, %get3A_8 : vector<128x16xf32>
    %add3A_2220 = arith.addf %add3A_2214, %mul3A_2219 : vector<128x16xf32>
    %get3A_2221 = arith.constant 26 : index
    %get3A_2222 = arith.constant 4 : index
    %get3A_2223 = memref.load %arg7[%get3A_2221, %get3A_2222] : memref<32x10xf32, #tpu.memory_space<smem>>
    %mul3A_2224 = vector.broadcast %get3A_2223 : f32 to vector<128x16xf32>
    %mul3A_2225 = arith.mulf %mul3A_2224, %get3A_13 : vector<128x16xf32>
    %add3A_2226 = arith.addf %add3A_2220, %mul3A_2225 : vector<128x16xf32>
    %get3A_2227 = arith.constant 26 : index
    %get3A_2228 = arith.constant 5 : index
    %get3A_2229 = memref.load %arg7[%get3A_2227, %get3A_2228] : memref<32x10xf32, #tpu.memory_space<smem>>
    %mul3A_2230 = vector.broadcast %get3A_2229 : f32 to vector<128x16xf32>
    %mul3A_2231 = arith.mulf %mul3A_2230, %get3A_18 : vector<128x16xf32>
    %add3A_2232 = arith.addf %add3A_2226, %mul3A_2231 : vector<128x16xf32>
    %get3A_2233 = arith.constant 26 : index
    %get3A_2234 = arith.constant 6 : index
    %get3A_2235 = memref.load %arg7[%get3A_2233, %get3A_2234] : memref<32x10xf32, #tpu.memory_space<smem>>
    %mul3A_2236 = vector.broadcast %get3A_2235 : f32 to vector<128x16xf32>
    %mul3A_2237 = arith.mulf %mul3A_2236, %sub3A : vector<128x16xf32>
    %add3A_2238 = arith.addf %add3A_2232, %mul3A_2237 : vector<128x16xf32>
    %get3A_2239 = arith.constant 26 : index
    %get3A_2240 = arith.constant 7 : index
    %get3A_2241 = memref.load %arg7[%get3A_2239, %get3A_2240] : memref<32x10xf32, #tpu.memory_space<smem>>
    %mul3A_2242 = vector.broadcast %get3A_2241 : f32 to vector<128x16xf32>
    %mul3A_2243 = arith.mulf %mul3A_2242, %sub3A_26 : vector<128x16xf32>
    %add3A_2244 = arith.addf %add3A_2238, %mul3A_2243 : vector<128x16xf32>
    %get3A_2245 = arith.constant 26 : index
    %get3A_2246 = arith.constant 8 : index
    %get3A_2247 = memref.load %arg7[%get3A_2245, %get3A_2246] : memref<32x10xf32, #tpu.memory_space<smem>>
    %mul3A_2248 = vector.broadcast %get3A_2247 : f32 to vector<128x16xf32>
    %mul3A_2249 = arith.mulf %mul3A_2248, %sub3A_27 : vector<128x16xf32>
    %add3A_2250 = arith.addf %add3A_2244, %mul3A_2249 : vector<128x16xf32>
    %get3A_2251 = arith.constant 26 : index
    %get3A_2252 = arith.constant 9 : index
    %get3A_2253 = memref.load %arg7[%get3A_2251, %get3A_2252] : memref<32x10xf32, #tpu.memory_space<smem>>
    %mul3A_2254 = vector.broadcast %get3A_2253 : f32 to vector<128x16xf32>
    %mul3A_2255 = arith.mulf %mul3A_2254, %sqrt3A : vector<128x16xf32>
    %add3A_2256 = arith.addf %add3A_2250, %mul3A_2255 : vector<128x16xf32>
    %max3A_2257 = arith.constant 0.000000e+00 : f32
    %max3A_2258 = vector.broadcast %max3A_2257 : f32 to vector<128x16xf32>
    %max3A_2259 = arith.maximumf %add3A_2256, %max3A_2258 : vector<128x16xf32>
    %swap3A_2260 = arith.constant 0 : index
    %swap3A_2261 = arith.constant 26 : index
    %swap3A_2262 = arith.constant 0 : index
    %swap3A_2263 = arith.constant 0 : index
    %swap3A_2264 = vector.load %arg9[%swap3A_2260, %swap3A_2261, %swap3A_2262, %swap3A_2263] : memref<1x64x128x16xf32, #tpu.memory_space<vmem>>, vector<1x1x128x16xf32>
    %swap3A_2265 = vector.shape_cast %swap3A_2264 : vector<1x1x128x16xf32> to vector<128x16xf32>
    %swap3A_2266 = vector.shape_cast %max3A_2259 : vector<128x16xf32> to vector<1x1x128x16xf32>
    tpu.vector_store %arg9[%swap3A_2260, %swap3A_2261, %swap3A_2262, %swap3A_2263], %swap3A_2266 {strides = array<i32>} : memref<1x64x128x16xf32, #tpu.memory_space<vmem>>, vector<1x1x128x16xf32>,
    %slice3A_2267 = vector.extract_strided_slice %get3A_37 {offsets = [0, 26], sizes = [128, 1], strides = [1, 1]} : vector<128x32xf32> to vector<128x1xf32>
    %broadcast_in_dim3A_2268 = vector.shape_cast %slice3A_2267 : vector<128x1xf32> to vector<128x1xf32>
    %broadcast_in_dim3A_2269 = vector.broadcast %broadcast_in_dim3A_2268 : vector<128x1xf32> to vector<128x16xf32>
    %swap3A_2270 = arith.constant 0 : index
    %swap3A_2271 = arith.constant 58 : index
    %swap3A_2272 = arith.constant 0 : index
    %swap3A_2273 = arith.constant 0 : index
    %swap3A_2274 = vector.load %arg9[%swap3A_2270, %swap3A_2271, %swap3A_2272, %swap3A_2273] : memref<1x64x128x16xf32, #tpu.memory_space<vmem>>, vector<1x1x128x16xf32>
    %swap3A_2275 = vector.shape_cast %swap3A_2274 : vector<1x1x128x16xf32> to vector<128x16xf32>
    %swap3A_2276 = vector.shape_cast %broadcast_in_dim3A_2269 : vector<128x16xf32> to vector<1x1x128x16xf32>
    tpu.vector_store %arg9[%swap3A_2270, %swap3A_2271, %swap3A_2272, %swap3A_2273], %swap3A_2276 {strides = array<i32>} : memref<1x64x128x16xf32, #tpu.memory_space<vmem>>, vector<1x1x128x16xf32>,
    %get3A_2277 = arith.constant 27 : index
    %get3A_2278 = memref.load %arg8[%get3A_2277] : memref<32xf32, #tpu.memory_space<smem>>
    %broadcast_in_dim3A_2279 = vector.broadcast %get3A_2278 : f32 to vector<128x16xf32>
    %get3A_2280 = arith.constant 27 : index
    %get3A_2281 = arith.constant 0 : index
    %get3A_2282 = memref.load %arg7[%get3A_2280, %get3A_2281] : memref<32x10xf32, #tpu.memory_space<smem>>
    %mul3A_2283 = vector.broadcast %get3A_2282 : f32 to vector<128x16xf32>
    %mul3A_2284 = arith.mulf %mul3A_2283, %broadcast_in_dim3A_19 : vector<128x16xf32>
    %add3A_2285 = arith.addf %broadcast_in_dim3A_2279, %mul3A_2284 : vector<128x16xf32>
    %get3A_2286 = arith.constant 27 : index
    %get3A_2287 = arith.constant 1 : index
    %get3A_2288 = memref.load %arg7[%get3A_2286, %get3A_2287] : memref<32x10xf32, #tpu.memory_space<smem>>
    %mul3A_2289 = vector.broadcast %get3A_2288 : f32 to vector<128x16xf32>
    %mul3A_2290 = arith.mulf %mul3A_2289, %broadcast_in_dim3A_22 : vector<128x16xf32>
    %add3A_2291 = arith.addf %add3A_2285, %mul3A_2290 : vector<128x16xf32>
    %get3A_2292 = arith.constant 27 : index
    %get3A_2293 = arith.constant 2 : index
    %get3A_2294 = memref.load %arg7[%get3A_2292, %get3A_2293] : memref<32x10xf32, #tpu.memory_space<smem>>
    %mul3A_2295 = vector.broadcast %get3A_2294 : f32 to vector<128x16xf32>
    %mul3A_2296 = arith.mulf %mul3A_2295, %broadcast_in_dim3A_25 : vector<128x16xf32>
    %add3A_2297 = arith.addf %add3A_2291, %mul3A_2296 : vector<128x16xf32>
    %get3A_2298 = arith.constant 27 : index
    %get3A_2299 = arith.constant 3 : index
    %get3A_2300 = memref.load %arg7[%get3A_2298, %get3A_2299] : memref<32x10xf32, #tpu.memory_space<smem>>
    %mul3A_2301 = vector.broadcast %get3A_2300 : f32 to vector<128x16xf32>
    %mul3A_2302 = arith.mulf %mul3A_2301, %get3A_8 : vector<128x16xf32>
    %add3A_2303 = arith.addf %add3A_2297, %mul3A_2302 : vector<128x16xf32>
    %get3A_2304 = arith.constant 27 : index
    %get3A_2305 = arith.constant 4 : index
    %get3A_2306 = memref.load %arg7[%get3A_2304, %get3A_2305] : memref<32x10xf32, #tpu.memory_space<smem>>
    %mul3A_2307 = vector.broadcast %get3A_2306 : f32 to vector<128x16xf32>
    %mul3A_2308 = arith.mulf %mul3A_2307, %get3A_13 : vector<128x16xf32>
    %add3A_2309 = arith.addf %add3A_2303, %mul3A_2308 : vector<128x16xf32>
    %get3A_2310 = arith.constant 27 : index
    %get3A_2311 = arith.constant 5 : index
    %get3A_2312 = memref.load %arg7[%get3A_2310, %get3A_2311] : memref<32x10xf32, #tpu.memory_space<smem>>
    %mul3A_2313 = vector.broadcast %get3A_2312 : f32 to vector<128x16xf32>
    %mul3A_2314 = arith.mulf %mul3A_2313, %get3A_18 : vector<128x16xf32>
    %add3A_2315 = arith.addf %add3A_2309, %mul3A_2314 : vector<128x16xf32>
    %get3A_2316 = arith.constant 27 : index
    %get3A_2317 = arith.constant 6 : index
    %get3A_2318 = memref.load %arg7[%get3A_2316, %get3A_2317] : memref<32x10xf32, #tpu.memory_space<smem>>
    %mul3A_2319 = vector.broadcast %get3A_2318 : f32 to vector<128x16xf32>
    %mul3A_2320 = arith.mulf %mul3A_2319, %sub3A : vector<128x16xf32>
    %add3A_2321 = arith.addf %add3A_2315, %mul3A_2320 : vector<128x16xf32>
    %get3A_2322 = arith.constant 27 : index
    %get3A_2323 = arith.constant 7 : index
    %get3A_2324 = memref.load %arg7[%get3A_2322, %get3A_2323] : memref<32x10xf32, #tpu.memory_space<smem>>
    %mul3A_2325 = vector.broadcast %get3A_2324 : f32 to vector<128x16xf32>
    %mul3A_2326 = arith.mulf %mul3A_2325, %sub3A_26 : vector<128x16xf32>
    %add3A_2327 = arith.addf %add3A_2321, %mul3A_2326 : vector<128x16xf32>
    %get3A_2328 = arith.constant 27 : index
    %get3A_2329 = arith.constant 8 : index
    %get3A_2330 = memref.load %arg7[%get3A_2328, %get3A_2329] : memref<32x10xf32, #tpu.memory_space<smem>>
    %mul3A_2331 = vector.broadcast %get3A_2330 : f32 to vector<128x16xf32>
    %mul3A_2332 = arith.mulf %mul3A_2331, %sub3A_27 : vector<128x16xf32>
    %add3A_2333 = arith.addf %add3A_2327, %mul3A_2332 : vector<128x16xf32>
    %get3A_2334 = arith.constant 27 : index
    %get3A_2335 = arith.constant 9 : index
    %get3A_2336 = memref.load %arg7[%get3A_2334, %get3A_2335] : memref<32x10xf32, #tpu.memory_space<smem>>
    %mul3A_2337 = vector.broadcast %get3A_2336 : f32 to vector<128x16xf32>
    %mul3A_2338 = arith.mulf %mul3A_2337, %sqrt3A : vector<128x16xf32>
    %add3A_2339 = arith.addf %add3A_2333, %mul3A_2338 : vector<128x16xf32>
    %max3A_2340 = arith.constant 0.000000e+00 : f32
    %max3A_2341 = vector.broadcast %max3A_2340 : f32 to vector<128x16xf32>
    %max3A_2342 = arith.maximumf %add3A_2339, %max3A_2341 : vector<128x16xf32>
    %swap3A_2343 = arith.constant 0 : index
    %swap3A_2344 = arith.constant 27 : index
    %swap3A_2345 = arith.constant 0 : index
    %swap3A_2346 = arith.constant 0 : index
    %swap3A_2347 = vector.load %arg9[%swap3A_2343, %swap3A_2344, %swap3A_2345, %swap3A_2346] : memref<1x64x128x16xf32, #tpu.memory_space<vmem>>, vector<1x1x128x16xf32>
    %swap3A_2348 = vector.shape_cast %swap3A_2347 : vector<1x1x128x16xf32> to vector<128x16xf32>
    %swap3A_2349 = vector.shape_cast %max3A_2342 : vector<128x16xf32> to vector<1x1x128x16xf32>
    tpu.vector_store %arg9[%swap3A_2343, %swap3A_2344, %swap3A_2345, %swap3A_2346], %swap3A_2349 {strides = array<i32>} : memref<1x64x128x16xf32, #tpu.memory_space<vmem>>, vector<1x1x128x16xf32>,
    %slice3A_2350 = vector.extract_strided_slice %get3A_37 {offsets = [0, 27], sizes = [128, 1], strides = [1, 1]} : vector<128x32xf32> to vector<128x1xf32>
    %broadcast_in_dim3A_2351 = vector.shape_cast %slice3A_2350 : vector<128x1xf32> to vector<128x1xf32>
    %broadcast_in_dim3A_2352 = vector.broadcast %broadcast_in_dim3A_2351 : vector<128x1xf32> to vector<128x16xf32>
    %swap3A_2353 = arith.constant 0 : index
    %swap3A_2354 = arith.constant 59 : index
    %swap3A_2355 = arith.constant 0 : index
    %swap3A_2356 = arith.constant 0 : index
    %swap3A_2357 = vector.load %arg9[%swap3A_2353, %swap3A_2354, %swap3A_2355, %swap3A_2356] : memref<1x64x128x16xf32, #tpu.memory_space<vmem>>, vector<1x1x128x16xf32>
    %swap3A_2358 = vector.shape_cast %swap3A_2357 : vector<1x1x128x16xf32> to vector<128x16xf32>
    %swap3A_2359 = vector.shape_cast %broadcast_in_dim3A_2352 : vector<128x16xf32> to vector<1x1x128x16xf32>
    tpu.vector_store %arg9[%swap3A_2353, %swap3A_2354, %swap3A_2355, %swap3A_2356], %swap3A_2359 {strides = array<i32>} : memref<1x64x128x16xf32, #tpu.memory_space<vmem>>, vector<1x1x128x16xf32>,
    %get3A_2360 = arith.constant 28 : index
    %get3A_2361 = memref.load %arg8[%get3A_2360] : memref<32xf32, #tpu.memory_space<smem>>
    %broadcast_in_dim3A_2362 = vector.broadcast %get3A_2361 : f32 to vector<128x16xf32>
    %get3A_2363 = arith.constant 28 : index
    %get3A_2364 = arith.constant 0 : index
    %get3A_2365 = memref.load %arg7[%get3A_2363, %get3A_2364] : memref<32x10xf32, #tpu.memory_space<smem>>
    %mul3A_2366 = vector.broadcast %get3A_2365 : f32 to vector<128x16xf32>
    %mul3A_2367 = arith.mulf %mul3A_2366, %broadcast_in_dim3A_19 : vector<128x16xf32>
    %add3A_2368 = arith.addf %broadcast_in_dim3A_2362, %mul3A_2367 : vector<128x16xf32>
    %get3A_2369 = arith.constant 28 : index
    %get3A_2370 = arith.constant 1 : index
    %get3A_2371 = memref.load %arg7[%get3A_2369, %get3A_2370] : memref<32x10xf32, #tpu.memory_space<smem>>
    %mul3A_2372 = vector.broadcast %get3A_2371 : f32 to vector<128x16xf32>
    %mul3A_2373 = arith.mulf %mul3A_2372, %broadcast_in_dim3A_22 : vector<128x16xf32>
    %add3A_2374 = arith.addf %add3A_2368, %mul3A_2373 : vector<128x16xf32>
    %get3A_2375 = arith.constant 28 : index
    %get3A_2376 = arith.constant 2 : index
    %get3A_2377 = memref.load %arg7[%get3A_2375, %get3A_2376] : memref<32x10xf32, #tpu.memory_space<smem>>
    %mul3A_2378 = vector.broadcast %get3A_2377 : f32 to vector<128x16xf32>
    %mul3A_2379 = arith.mulf %mul3A_2378, %broadcast_in_dim3A_25 : vector<128x16xf32>
    %add3A_2380 = arith.addf %add3A_2374, %mul3A_2379 : vector<128x16xf32>
    %get3A_2381 = arith.constant 28 : index
    %get3A_2382 = arith.constant 3 : index
    %get3A_2383 = memref.load %arg7[%get3A_2381, %get3A_2382] : memref<32x10xf32, #tpu.memory_space<smem>>
    %mul3A_2384 = vector.broadcast %get3A_2383 : f32 to vector<128x16xf32>
    %mul3A_2385 = arith.mulf %mul3A_2384, %get3A_8 : vector<128x16xf32>
    %add3A_2386 = arith.addf %add3A_2380, %mul3A_2385 : vector<128x16xf32>
    %get3A_2387 = arith.constant 28 : index
    %get3A_2388 = arith.constant 4 : index
    %get3A_2389 = memref.load %arg7[%get3A_2387, %get3A_2388] : memref<32x10xf32, #tpu.memory_space<smem>>
    %mul3A_2390 = vector.broadcast %get3A_2389 : f32 to vector<128x16xf32>
    %mul3A_2391 = arith.mulf %mul3A_2390, %get3A_13 : vector<128x16xf32>
    %add3A_2392 = arith.addf %add3A_2386, %mul3A_2391 : vector<128x16xf32>
    %get3A_2393 = arith.constant 28 : index
    %get3A_2394 = arith.constant 5 : index
    %get3A_2395 = memref.load %arg7[%get3A_2393, %get3A_2394] : memref<32x10xf32, #tpu.memory_space<smem>>
    %mul3A_2396 = vector.broadcast %get3A_2395 : f32 to vector<128x16xf32>
    %mul3A_2397 = arith.mulf %mul3A_2396, %get3A_18 : vector<128x16xf32>
    %add3A_2398 = arith.addf %add3A_2392, %mul3A_2397 : vector<128x16xf32>
    %get3A_2399 = arith.constant 28 : index
    %get3A_2400 = arith.constant 6 : index
    %get3A_2401 = memref.load %arg7[%get3A_2399, %get3A_2400] : memref<32x10xf32, #tpu.memory_space<smem>>
    %mul3A_2402 = vector.broadcast %get3A_2401 : f32 to vector<128x16xf32>
    %mul3A_2403 = arith.mulf %mul3A_2402, %sub3A : vector<128x16xf32>
    %add3A_2404 = arith.addf %add3A_2398, %mul3A_2403 : vector<128x16xf32>
    %get3A_2405 = arith.constant 28 : index
    %get3A_2406 = arith.constant 7 : index
    %get3A_2407 = memref.load %arg7[%get3A_2405, %get3A_2406] : memref<32x10xf32, #tpu.memory_space<smem>>
    %mul3A_2408 = vector.broadcast %get3A_2407 : f32 to vector<128x16xf32>
    %mul3A_2409 = arith.mulf %mul3A_2408, %sub3A_26 : vector<128x16xf32>
    %add3A_2410 = arith.addf %add3A_2404, %mul3A_2409 : vector<128x16xf32>
    %get3A_2411 = arith.constant 28 : index
    %get3A_2412 = arith.constant 8 : index
    %get3A_2413 = memref.load %arg7[%get3A_2411, %get3A_2412] : memref<32x10xf32, #tpu.memory_space<smem>>
    %mul3A_2414 = vector.broadcast %get3A_2413 : f32 to vector<128x16xf32>
    %mul3A_2415 = arith.mulf %mul3A_2414, %sub3A_27 : vector<128x16xf32>
    %add3A_2416 = arith.addf %add3A_2410, %mul3A_2415 : vector<128x16xf32>
    %get3A_2417 = arith.constant 28 : index
    %get3A_2418 = arith.constant 9 : index
    %get3A_2419 = memref.load %arg7[%get3A_2417, %get3A_2418] : memref<32x10xf32, #tpu.memory_space<smem>>
    %mul3A_2420 = vector.broadcast %get3A_2419 : f32 to vector<128x16xf32>
    %mul3A_2421 = arith.mulf %mul3A_2420, %sqrt3A : vector<128x16xf32>
    %add3A_2422 = arith.addf %add3A_2416, %mul3A_2421 : vector<128x16xf32>
    %max3A_2423 = arith.constant 0.000000e+00 : f32
    %max3A_2424 = vector.broadcast %max3A_2423 : f32 to vector<128x16xf32>
    %max3A_2425 = arith.maximumf %add3A_2422, %max3A_2424 : vector<128x16xf32>
    %swap3A_2426 = arith.constant 0 : index
    %swap3A_2427 = arith.constant 28 : index
    %swap3A_2428 = arith.constant 0 : index
    %swap3A_2429 = arith.constant 0 : index
    %swap3A_2430 = vector.load %arg9[%swap3A_2426, %swap3A_2427, %swap3A_2428, %swap3A_2429] : memref<1x64x128x16xf32, #tpu.memory_space<vmem>>, vector<1x1x128x16xf32>
    %swap3A_2431 = vector.shape_cast %swap3A_2430 : vector<1x1x128x16xf32> to vector<128x16xf32>
    %swap3A_2432 = vector.shape_cast %max3A_2425 : vector<128x16xf32> to vector<1x1x128x16xf32>
    tpu.vector_store %arg9[%swap3A_2426, %swap3A_2427, %swap3A_2428, %swap3A_2429], %swap3A_2432 {strides = array<i32>} : memref<1x64x128x16xf32, #tpu.memory_space<vmem>>, vector<1x1x128x16xf32>,
    %slice3A_2433 = vector.extract_strided_slice %get3A_37 {offsets = [0, 28], sizes = [128, 1], strides = [1, 1]} : vector<128x32xf32> to vector<128x1xf32>
    %broadcast_in_dim3A_2434 = vector.shape_cast %slice3A_2433 : vector<128x1xf32> to vector<128x1xf32>
    %broadcast_in_dim3A_2435 = vector.broadcast %broadcast_in_dim3A_2434 : vector<128x1xf32> to vector<128x16xf32>
    %swap3A_2436 = arith.constant 0 : index
    %swap3A_2437 = arith.constant 60 : index
    %swap3A_2438 = arith.constant 0 : index
    %swap3A_2439 = arith.constant 0 : index
    %swap3A_2440 = vector.load %arg9[%swap3A_2436, %swap3A_2437, %swap3A_2438, %swap3A_2439] : memref<1x64x128x16xf32, #tpu.memory_space<vmem>>, vector<1x1x128x16xf32>
    %swap3A_2441 = vector.shape_cast %swap3A_2440 : vector<1x1x128x16xf32> to vector<128x16xf32>
    %swap3A_2442 = vector.shape_cast %broadcast_in_dim3A_2435 : vector<128x16xf32> to vector<1x1x128x16xf32>
    tpu.vector_store %arg9[%swap3A_2436, %swap3A_2437, %swap3A_2438, %swap3A_2439], %swap3A_2442 {strides = array<i32>} : memref<1x64x128x16xf32, #tpu.memory_space<vmem>>, vector<1x1x128x16xf32>,
    %get3A_2443 = arith.constant 29 : index
    %get3A_2444 = memref.load %arg8[%get3A_2443] : memref<32xf32, #tpu.memory_space<smem>>
    %broadcast_in_dim3A_2445 = vector.broadcast %get3A_2444 : f32 to vector<128x16xf32>
    %get3A_2446 = arith.constant 29 : index
    %get3A_2447 = arith.constant 0 : index
    %get3A_2448 = memref.load %arg7[%get3A_2446, %get3A_2447] : memref<32x10xf32, #tpu.memory_space<smem>>
    %mul3A_2449 = vector.broadcast %get3A_2448 : f32 to vector<128x16xf32>
    %mul3A_2450 = arith.mulf %mul3A_2449, %broadcast_in_dim3A_19 : vector<128x16xf32>
    %add3A_2451 = arith.addf %broadcast_in_dim3A_2445, %mul3A_2450 : vector<128x16xf32>
    %get3A_2452 = arith.constant 29 : index
    %get3A_2453 = arith.constant 1 : index
    %get3A_2454 = memref.load %arg7[%get3A_2452, %get3A_2453] : memref<32x10xf32, #tpu.memory_space<smem>>
    %mul3A_2455 = vector.broadcast %get3A_2454 : f32 to vector<128x16xf32>
    %mul3A_2456 = arith.mulf %mul3A_2455, %broadcast_in_dim3A_22 : vector<128x16xf32>
    %add3A_2457 = arith.addf %add3A_2451, %mul3A_2456 : vector<128x16xf32>
    %get3A_2458 = arith.constant 29 : index
    %get3A_2459 = arith.constant 2 : index
    %get3A_2460 = memref.load %arg7[%get3A_2458, %get3A_2459] : memref<32x10xf32, #tpu.memory_space<smem>>
    %mul3A_2461 = vector.broadcast %get3A_2460 : f32 to vector<128x16xf32>
    %mul3A_2462 = arith.mulf %mul3A_2461, %broadcast_in_dim3A_25 : vector<128x16xf32>
    %add3A_2463 = arith.addf %add3A_2457, %mul3A_2462 : vector<128x16xf32>
    %get3A_2464 = arith.constant 29 : index
    %get3A_2465 = arith.constant 3 : index
    %get3A_2466 = memref.load %arg7[%get3A_2464, %get3A_2465] : memref<32x10xf32, #tpu.memory_space<smem>>
    %mul3A_2467 = vector.broadcast %get3A_2466 : f32 to vector<128x16xf32>
    %mul3A_2468 = arith.mulf %mul3A_2467, %get3A_8 : vector<128x16xf32>
    %add3A_2469 = arith.addf %add3A_2463, %mul3A_2468 : vector<128x16xf32>
    %get3A_2470 = arith.constant 29 : index
    %get3A_2471 = arith.constant 4 : index
    %get3A_2472 = memref.load %arg7[%get3A_2470, %get3A_2471] : memref<32x10xf32, #tpu.memory_space<smem>>
    %mul3A_2473 = vector.broadcast %get3A_2472 : f32 to vector<128x16xf32>
    %mul3A_2474 = arith.mulf %mul3A_2473, %get3A_13 : vector<128x16xf32>
    %add3A_2475 = arith.addf %add3A_2469, %mul3A_2474 : vector<128x16xf32>
    %get3A_2476 = arith.constant 29 : index
    %get3A_2477 = arith.constant 5 : index
    %get3A_2478 = memref.load %arg7[%get3A_2476, %get3A_2477] : memref<32x10xf32, #tpu.memory_space<smem>>
    %mul3A_2479 = vector.broadcast %get3A_2478 : f32 to vector<128x16xf32>
    %mul3A_2480 = arith.mulf %mul3A_2479, %get3A_18 : vector<128x16xf32>
    %add3A_2481 = arith.addf %add3A_2475, %mul3A_2480 : vector<128x16xf32>
    %get3A_2482 = arith.constant 29 : index
    %get3A_2483 = arith.constant 6 : index
    %get3A_2484 = memref.load %arg7[%get3A_2482, %get3A_2483] : memref<32x10xf32, #tpu.memory_space<smem>>
    %mul3A_2485 = vector.broadcast %get3A_2484 : f32 to vector<128x16xf32>
    %mul3A_2486 = arith.mulf %mul3A_2485, %sub3A : vector<128x16xf32>
    %add3A_2487 = arith.addf %add3A_2481, %mul3A_2486 : vector<128x16xf32>
    %get3A_2488 = arith.constant 29 : index
    %get3A_2489 = arith.constant 7 : index
    %get3A_2490 = memref.load %arg7[%get3A_2488, %get3A_2489] : memref<32x10xf32, #tpu.memory_space<smem>>
    %mul3A_2491 = vector.broadcast %get3A_2490 : f32 to vector<128x16xf32>
    %mul3A_2492 = arith.mulf %mul3A_2491, %sub3A_26 : vector<128x16xf32>
    %add3A_2493 = arith.addf %add3A_2487, %mul3A_2492 : vector<128x16xf32>
    %get3A_2494 = arith.constant 29 : index
    %get3A_2495 = arith.constant 8 : index
    %get3A_2496 = memref.load %arg7[%get3A_2494, %get3A_2495] : memref<32x10xf32, #tpu.memory_space<smem>>
    %mul3A_2497 = vector.broadcast %get3A_2496 : f32 to vector<128x16xf32>
    %mul3A_2498 = arith.mulf %mul3A_2497, %sub3A_27 : vector<128x16xf32>
    %add3A_2499 = arith.addf %add3A_2493, %mul3A_2498 : vector<128x16xf32>
    %get3A_2500 = arith.constant 29 : index
    %get3A_2501 = arith.constant 9 : index
    %get3A_2502 = memref.load %arg7[%get3A_2500, %get3A_2501] : memref<32x10xf32, #tpu.memory_space<smem>>
    %mul3A_2503 = vector.broadcast %get3A_2502 : f32 to vector<128x16xf32>
    %mul3A_2504 = arith.mulf %mul3A_2503, %sqrt3A : vector<128x16xf32>
    %add3A_2505 = arith.addf %add3A_2499, %mul3A_2504 : vector<128x16xf32>
    %max3A_2506 = arith.constant 0.000000e+00 : f32
    %max3A_2507 = vector.broadcast %max3A_2506 : f32 to vector<128x16xf32>
    %max3A_2508 = arith.maximumf %add3A_2505, %max3A_2507 : vector<128x16xf32>
    %swap3A_2509 = arith.constant 0 : index
    %swap3A_2510 = arith.constant 29 : index
    %swap3A_2511 = arith.constant 0 : index
    %swap3A_2512 = arith.constant 0 : index
    %swap3A_2513 = vector.load %arg9[%swap3A_2509, %swap3A_2510, %swap3A_2511, %swap3A_2512] : memref<1x64x128x16xf32, #tpu.memory_space<vmem>>, vector<1x1x128x16xf32>
    %swap3A_2514 = vector.shape_cast %swap3A_2513 : vector<1x1x128x16xf32> to vector<128x16xf32>
    %swap3A_2515 = vector.shape_cast %max3A_2508 : vector<128x16xf32> to vector<1x1x128x16xf32>
    tpu.vector_store %arg9[%swap3A_2509, %swap3A_2510, %swap3A_2511, %swap3A_2512], %swap3A_2515 {strides = array<i32>} : memref<1x64x128x16xf32, #tpu.memory_space<vmem>>, vector<1x1x128x16xf32>,
    %slice3A_2516 = vector.extract_strided_slice %get3A_37 {offsets = [0, 29], sizes = [128, 1], strides = [1, 1]} : vector<128x32xf32> to vector<128x1xf32>
    %broadcast_in_dim3A_2517 = vector.shape_cast %slice3A_2516 : vector<128x1xf32> to vector<128x1xf32>
    %broadcast_in_dim3A_2518 = vector.broadcast %broadcast_in_dim3A_2517 : vector<128x1xf32> to vector<128x16xf32>
    %swap3A_2519 = arith.constant 0 : index
    %swap3A_2520 = arith.constant 61 : index
    %swap3A_2521 = arith.constant 0 : index
    %swap3A_2522 = arith.constant 0 : index
    %swap3A_2523 = vector.load %arg9[%swap3A_2519, %swap3A_2520, %swap3A_2521, %swap3A_2522] : memref<1x64x128x16xf32, #tpu.memory_space<vmem>>, vector<1x1x128x16xf32>
    %swap3A_2524 = vector.shape_cast %swap3A_2523 : vector<1x1x128x16xf32> to vector<128x16xf32>
    %swap3A_2525 = vector.shape_cast %broadcast_in_dim3A_2518 : vector<128x16xf32> to vector<1x1x128x16xf32>
    tpu.vector_store %arg9[%swap3A_2519, %swap3A_2520, %swap3A_2521, %swap3A_2522], %swap3A_2525 {strides = array<i32>} : memref<1x64x128x16xf32, #tpu.memory_space<vmem>>, vector<1x1x128x16xf32>,
    %get3A_2526 = arith.constant 30 : index
    %get3A_2527 = memref.load %arg8[%get3A_2526] : memref<32xf32, #tpu.memory_space<smem>>
    %broadcast_in_dim3A_2528 = vector.broadcast %get3A_2527 : f32 to vector<128x16xf32>
    %get3A_2529 = arith.constant 30 : index
    %get3A_2530 = arith.constant 0 : index
    %get3A_2531 = memref.load %arg7[%get3A_2529, %get3A_2530] : memref<32x10xf32, #tpu.memory_space<smem>>
    %mul3A_2532 = vector.broadcast %get3A_2531 : f32 to vector<128x16xf32>
    %mul3A_2533 = arith.mulf %mul3A_2532, %broadcast_in_dim3A_19 : vector<128x16xf32>
    %add3A_2534 = arith.addf %broadcast_in_dim3A_2528, %mul3A_2533 : vector<128x16xf32>
    %get3A_2535 = arith.constant 30 : index
    %get3A_2536 = arith.constant 1 : index
    %get3A_2537 = memref.load %arg7[%get3A_2535, %get3A_2536] : memref<32x10xf32, #tpu.memory_space<smem>>
    %mul3A_2538 = vector.broadcast %get3A_2537 : f32 to vector<128x16xf32>
    %mul3A_2539 = arith.mulf %mul3A_2538, %broadcast_in_dim3A_22 : vector<128x16xf32>
    %add3A_2540 = arith.addf %add3A_2534, %mul3A_2539 : vector<128x16xf32>
    %get3A_2541 = arith.constant 30 : index
    %get3A_2542 = arith.constant 2 : index
    %get3A_2543 = memref.load %arg7[%get3A_2541, %get3A_2542] : memref<32x10xf32, #tpu.memory_space<smem>>
    %mul3A_2544 = vector.broadcast %get3A_2543 : f32 to vector<128x16xf32>
    %mul3A_2545 = arith.mulf %mul3A_2544, %broadcast_in_dim3A_25 : vector<128x16xf32>
    %add3A_2546 = arith.addf %add3A_2540, %mul3A_2545 : vector<128x16xf32>
    %get3A_2547 = arith.constant 30 : index
    %get3A_2548 = arith.constant 3 : index
    %get3A_2549 = memref.load %arg7[%get3A_2547, %get3A_2548] : memref<32x10xf32, #tpu.memory_space<smem>>
    %mul3A_2550 = vector.broadcast %get3A_2549 : f32 to vector<128x16xf32>
    %mul3A_2551 = arith.mulf %mul3A_2550, %get3A_8 : vector<128x16xf32>
    %add3A_2552 = arith.addf %add3A_2546, %mul3A_2551 : vector<128x16xf32>
    %get3A_2553 = arith.constant 30 : index
    %get3A_2554 = arith.constant 4 : index
    %get3A_2555 = memref.load %arg7[%get3A_2553, %get3A_2554] : memref<32x10xf32, #tpu.memory_space<smem>>
    %mul3A_2556 = vector.broadcast %get3A_2555 : f32 to vector<128x16xf32>
    %mul3A_2557 = arith.mulf %mul3A_2556, %get3A_13 : vector<128x16xf32>
    %add3A_2558 = arith.addf %add3A_2552, %mul3A_2557 : vector<128x16xf32>
    %get3A_2559 = arith.constant 30 : index
    %get3A_2560 = arith.constant 5 : index
    %get3A_2561 = memref.load %arg7[%get3A_2559, %get3A_2560] : memref<32x10xf32, #tpu.memory_space<smem>>
    %mul3A_2562 = vector.broadcast %get3A_2561 : f32 to vector<128x16xf32>
    %mul3A_2563 = arith.mulf %mul3A_2562, %get3A_18 : vector<128x16xf32>
    %add3A_2564 = arith.addf %add3A_2558, %mul3A_2563 : vector<128x16xf32>
    %get3A_2565 = arith.constant 30 : index
    %get3A_2566 = arith.constant 6 : index
    %get3A_2567 = memref.load %arg7[%get3A_2565, %get3A_2566] : memref<32x10xf32, #tpu.memory_space<smem>>
    %mul3A_2568 = vector.broadcast %get3A_2567 : f32 to vector<128x16xf32>
    %mul3A_2569 = arith.mulf %mul3A_2568, %sub3A : vector<128x16xf32>
    %add3A_2570 = arith.addf %add3A_2564, %mul3A_2569 : vector<128x16xf32>
    %get3A_2571 = arith.constant 30 : index
    %get3A_2572 = arith.constant 7 : index
    %get3A_2573 = memref.load %arg7[%get3A_2571, %get3A_2572] : memref<32x10xf32, #tpu.memory_space<smem>>
    %mul3A_2574 = vector.broadcast %get3A_2573 : f32 to vector<128x16xf32>
    %mul3A_2575 = arith.mulf %mul3A_2574, %sub3A_26 : vector<128x16xf32>
    %add3A_2576 = arith.addf %add3A_2570, %mul3A_2575 : vector<128x16xf32>
    %get3A_2577 = arith.constant 30 : index
    %get3A_2578 = arith.constant 8 : index
    %get3A_2579 = memref.load %arg7[%get3A_2577, %get3A_2578] : memref<32x10xf32, #tpu.memory_space<smem>>
    %mul3A_2580 = vector.broadcast %get3A_2579 : f32 to vector<128x16xf32>
    %mul3A_2581 = arith.mulf %mul3A_2580, %sub3A_27 : vector<128x16xf32>
    %add3A_2582 = arith.addf %add3A_2576, %mul3A_2581 : vector<128x16xf32>
    %get3A_2583 = arith.constant 30 : index
    %get3A_2584 = arith.constant 9 : index
    %get3A_2585 = memref.load %arg7[%get3A_2583, %get3A_2584] : memref<32x10xf32, #tpu.memory_space<smem>>
    %mul3A_2586 = vector.broadcast %get3A_2585 : f32 to vector<128x16xf32>
    %mul3A_2587 = arith.mulf %mul3A_2586, %sqrt3A : vector<128x16xf32>
    %add3A_2588 = arith.addf %add3A_2582, %mul3A_2587 : vector<128x16xf32>
    %max3A_2589 = arith.constant 0.000000e+00 : f32
    %max3A_2590 = vector.broadcast %max3A_2589 : f32 to vector<128x16xf32>
    %max3A_2591 = arith.maximumf %add3A_2588, %max3A_2590 : vector<128x16xf32>
    %swap3A_2592 = arith.constant 0 : index
    %swap3A_2593 = arith.constant 30 : index
    %swap3A_2594 = arith.constant 0 : index
    %swap3A_2595 = arith.constant 0 : index
    %swap3A_2596 = vector.load %arg9[%swap3A_2592, %swap3A_2593, %swap3A_2594, %swap3A_2595] : memref<1x64x128x16xf32, #tpu.memory_space<vmem>>, vector<1x1x128x16xf32>
    %swap3A_2597 = vector.shape_cast %swap3A_2596 : vector<1x1x128x16xf32> to vector<128x16xf32>
    %swap3A_2598 = vector.shape_cast %max3A_2591 : vector<128x16xf32> to vector<1x1x128x16xf32>
    tpu.vector_store %arg9[%swap3A_2592, %swap3A_2593, %swap3A_2594, %swap3A_2595], %swap3A_2598 {strides = array<i32>} : memref<1x64x128x16xf32, #tpu.memory_space<vmem>>, vector<1x1x128x16xf32>,
    %slice3A_2599 = vector.extract_strided_slice %get3A_37 {offsets = [0, 30], sizes = [128, 1], strides = [1, 1]} : vector<128x32xf32> to vector<128x1xf32>
    %broadcast_in_dim3A_2600 = vector.shape_cast %slice3A_2599 : vector<128x1xf32> to vector<128x1xf32>
    %broadcast_in_dim3A_2601 = vector.broadcast %broadcast_in_dim3A_2600 : vector<128x1xf32> to vector<128x16xf32>
    %swap3A_2602 = arith.constant 0 : index
    %swap3A_2603 = arith.constant 62 : index
    %swap3A_2604 = arith.constant 0 : index
    %swap3A_2605 = arith.constant 0 : index
    %swap3A_2606 = vector.load %arg9[%swap3A_2602, %swap3A_2603, %swap3A_2604, %swap3A_2605] : memref<1x64x128x16xf32, #tpu.memory_space<vmem>>, vector<1x1x128x16xf32>
    %swap3A_2607 = vector.shape_cast %swap3A_2606 : vector<1x1x128x16xf32> to vector<128x16xf32>
    %swap3A_2608 = vector.shape_cast %broadcast_in_dim3A_2601 : vector<128x16xf32> to vector<1x1x128x16xf32>
    tpu.vector_store %arg9[%swap3A_2602, %swap3A_2603, %swap3A_2604, %swap3A_2605], %swap3A_2608 {strides = array<i32>} : memref<1x64x128x16xf32, #tpu.memory_space<vmem>>, vector<1x1x128x16xf32>,
    %get3A_2609 = arith.constant 31 : index
    %get3A_2610 = memref.load %arg8[%get3A_2609] : memref<32xf32, #tpu.memory_space<smem>>
    %broadcast_in_dim3A_2611 = vector.broadcast %get3A_2610 : f32 to vector<128x16xf32>
    %get3A_2612 = arith.constant 31 : index
    %get3A_2613 = arith.constant 0 : index
    %get3A_2614 = memref.load %arg7[%get3A_2612, %get3A_2613] : memref<32x10xf32, #tpu.memory_space<smem>>
    %mul3A_2615 = vector.broadcast %get3A_2614 : f32 to vector<128x16xf32>
    %mul3A_2616 = arith.mulf %mul3A_2615, %broadcast_in_dim3A_19 : vector<128x16xf32>
    %add3A_2617 = arith.addf %broadcast_in_dim3A_2611, %mul3A_2616 : vector<128x16xf32>
    %get3A_2618 = arith.constant 31 : index
    %get3A_2619 = arith.constant 1 : index
    %get3A_2620 = memref.load %arg7[%get3A_2618, %get3A_2619] : memref<32x10xf32, #tpu.memory_space<smem>>
    %mul3A_2621 = vector.broadcast %get3A_2620 : f32 to vector<128x16xf32>
    %mul3A_2622 = arith.mulf %mul3A_2621, %broadcast_in_dim3A_22 : vector<128x16xf32>
    %add3A_2623 = arith.addf %add3A_2617, %mul3A_2622 : vector<128x16xf32>
    %get3A_2624 = arith.constant 31 : index
    %get3A_2625 = arith.constant 2 : index
    %get3A_2626 = memref.load %arg7[%get3A_2624, %get3A_2625] : memref<32x10xf32, #tpu.memory_space<smem>>
    %mul3A_2627 = vector.broadcast %get3A_2626 : f32 to vector<128x16xf32>
    %mul3A_2628 = arith.mulf %mul3A_2627, %broadcast_in_dim3A_25 : vector<128x16xf32>
    %add3A_2629 = arith.addf %add3A_2623, %mul3A_2628 : vector<128x16xf32>
    %get3A_2630 = arith.constant 31 : index
    %get3A_2631 = arith.constant 3 : index
    %get3A_2632 = memref.load %arg7[%get3A_2630, %get3A_2631] : memref<32x10xf32, #tpu.memory_space<smem>>
    %mul3A_2633 = vector.broadcast %get3A_2632 : f32 to vector<128x16xf32>
    %mul3A_2634 = arith.mulf %mul3A_2633, %get3A_8 : vector<128x16xf32>
    %add3A_2635 = arith.addf %add3A_2629, %mul3A_2634 : vector<128x16xf32>
    %get3A_2636 = arith.constant 31 : index
    %get3A_2637 = arith.constant 4 : index
    %get3A_2638 = memref.load %arg7[%get3A_2636, %get3A_2637] : memref<32x10xf32, #tpu.memory_space<smem>>
    %mul3A_2639 = vector.broadcast %get3A_2638 : f32 to vector<128x16xf32>
    %mul3A_2640 = arith.mulf %mul3A_2639, %get3A_13 : vector<128x16xf32>
    %add3A_2641 = arith.addf %add3A_2635, %mul3A_2640 : vector<128x16xf32>
    %get3A_2642 = arith.constant 31 : index
    %get3A_2643 = arith.constant 5 : index
    %get3A_2644 = memref.load %arg7[%get3A_2642, %get3A_2643] : memref<32x10xf32, #tpu.memory_space<smem>>
    %mul3A_2645 = vector.broadcast %get3A_2644 : f32 to vector<128x16xf32>
    %mul3A_2646 = arith.mulf %mul3A_2645, %get3A_18 : vector<128x16xf32>
    %add3A_2647 = arith.addf %add3A_2641, %mul3A_2646 : vector<128x16xf32>
    %get3A_2648 = arith.constant 31 : index
    %get3A_2649 = arith.constant 6 : index
    %get3A_2650 = memref.load %arg7[%get3A_2648, %get3A_2649] : memref<32x10xf32, #tpu.memory_space<smem>>
    %mul3A_2651 = vector.broadcast %get3A_2650 : f32 to vector<128x16xf32>
    %mul3A_2652 = arith.mulf %mul3A_2651, %sub3A : vector<128x16xf32>
    %add3A_2653 = arith.addf %add3A_2647, %mul3A_2652 : vector<128x16xf32>
    %get3A_2654 = arith.constant 31 : index
    %get3A_2655 = arith.constant 7 : index
    %get3A_2656 = memref.load %arg7[%get3A_2654, %get3A_2655] : memref<32x10xf32, #tpu.memory_space<smem>>
    %mul3A_2657 = vector.broadcast %get3A_2656 : f32 to vector<128x16xf32>
    %mul3A_2658 = arith.mulf %mul3A_2657, %sub3A_26 : vector<128x16xf32>
    %add3A_2659 = arith.addf %add3A_2653, %mul3A_2658 : vector<128x16xf32>
    %get3A_2660 = arith.constant 31 : index
    %get3A_2661 = arith.constant 8 : index
    %get3A_2662 = memref.load %arg7[%get3A_2660, %get3A_2661] : memref<32x10xf32, #tpu.memory_space<smem>>
    %mul3A_2663 = vector.broadcast %get3A_2662 : f32 to vector<128x16xf32>
    %mul3A_2664 = arith.mulf %mul3A_2663, %sub3A_27 : vector<128x16xf32>
    %add3A_2665 = arith.addf %add3A_2659, %mul3A_2664 : vector<128x16xf32>
    %get3A_2666 = arith.constant 31 : index
    %get3A_2667 = arith.constant 9 : index
    %get3A_2668 = memref.load %arg7[%get3A_2666, %get3A_2667] : memref<32x10xf32, #tpu.memory_space<smem>>
    %mul3A_2669 = vector.broadcast %get3A_2668 : f32 to vector<128x16xf32>
    %mul3A_2670 = arith.mulf %mul3A_2669, %sqrt3A : vector<128x16xf32>
    %add3A_2671 = arith.addf %add3A_2665, %mul3A_2670 : vector<128x16xf32>
    %max3A_2672 = arith.constant 0.000000e+00 : f32
    %max3A_2673 = vector.broadcast %max3A_2672 : f32 to vector<128x16xf32>
    %max3A_2674 = arith.maximumf %add3A_2671, %max3A_2673 : vector<128x16xf32>
    %swap3A_2675 = arith.constant 0 : index
    %swap3A_2676 = arith.constant 31 : index
    %swap3A_2677 = arith.constant 0 : index
    %swap3A_2678 = arith.constant 0 : index
    %swap3A_2679 = vector.load %arg9[%swap3A_2675, %swap3A_2676, %swap3A_2677, %swap3A_2678] : memref<1x64x128x16xf32, #tpu.memory_space<vmem>>, vector<1x1x128x16xf32>
    %swap3A_2680 = vector.shape_cast %swap3A_2679 : vector<1x1x128x16xf32> to vector<128x16xf32>
    %swap3A_2681 = vector.shape_cast %max3A_2674 : vector<128x16xf32> to vector<1x1x128x16xf32>
    tpu.vector_store %arg9[%swap3A_2675, %swap3A_2676, %swap3A_2677, %swap3A_2678], %swap3A_2681 {strides = array<i32>} : memref<1x64x128x16xf32, #tpu.memory_space<vmem>>, vector<1x1x128x16xf32>,
    %slice3A_2682 = vector.extract_strided_slice %get3A_37 {offsets = [0, 31], sizes = [128, 1], strides = [1, 1]} : vector<128x32xf32> to vector<128x1xf32>
    %broadcast_in_dim3A_2683 = vector.shape_cast %slice3A_2682 : vector<128x1xf32> to vector<128x1xf32>
    %broadcast_in_dim3A_2684 = vector.broadcast %broadcast_in_dim3A_2683 : vector<128x1xf32> to vector<128x16xf32>
    %swap3A_2685 = arith.constant 0 : index
    %swap3A_2686 = arith.constant 63 : index
    %swap3A_2687 = arith.constant 0 : index
    %swap3A_2688 = arith.constant 0 : index
    %swap3A_2689 = vector.load %arg9[%swap3A_2685, %swap3A_2686, %swap3A_2687, %swap3A_2688] : memref<1x64x128x16xf32, #tpu.memory_space<vmem>>, vector<1x1x128x16xf32>
    %swap3A_2690 = vector.shape_cast %swap3A_2689 : vector<1x1x128x16xf32> to vector<128x16xf32>
    %swap3A_2691 = vector.shape_cast %broadcast_in_dim3A_2684 : vector<128x16xf32> to vector<1x1x128x16xf32>
    tpu.vector_store %arg9[%swap3A_2685, %swap3A_2686, %swap3A_2687, %swap3A_2688], %swap3A_2691 {strides = array<i32>} : memref<1x64x128x16xf32, #tpu.memory_space<vmem>>, vector<1x1x128x16xf32>,
    return
  }
  func.func @transform_0(%arg0: i32, %arg1: i32) -> (i32, i32, i32) {
    %c0_i32 = arith.constant 0 : i32
    %c0_i32_0 = arith.constant 0 : i32
    return %arg0, %arg1, %c0_i32 : i32, i32, i32
  }
  func.func @transform_1(%arg0: i32, %arg1: i32) -> (i32, i32, i32) {
    %c0_i32 = arith.constant 0 : i32
    %c0_i32_0 = arith.constant 0 : i32
    return %arg0, %arg1, %c0_i32 : i32, i32, i32
  }
  func.func @transform_2(%arg0: i32, %arg1: i32) -> (i32, i32, i32) {
    %c0_i32 = arith.constant 0 : i32
    %c0_i32_0 = arith.constant 0 : i32
    return %arg0, %arg1, %c0_i32 : i32, i32, i32
  }
  func.func @transform_3(%arg0: i32, %arg1: i32) -> (i32, i32, i32) {
    %c0_i32 = arith.constant 0 : i32
    %c0_i32_0 = arith.constant 0 : i32
    return %arg0, %arg1, %c0_i32 : i32, i32, i32
  }
  func.func @transform_4(%arg0: i32, %arg1: i32) -> (i32, i32, i32) {
    %c0_i32 = arith.constant 0 : i32
    %c0_i32_0 = arith.constant 0 : i32
    return %arg0, %arg1, %c0_i32 : i32, i32, i32
  }
  func.func @transform_5(%arg0: i32, %arg1: i32) -> (i32, i32) {
    %c0_i32 = arith.constant 0 : i32
    %c0_i32_0 = arith.constant 0 : i32
    %c0_i32_1 = arith.constant 0 : i32
    return %c0_i32, %c0_i32_0 : i32, i32
  }
  func.func @transform_6(%arg0: i32, %arg1: i32) -> i32 {
    %c0_i32 = arith.constant 0 : i32
    %c0_i32_0 = arith.constant 0 : i32
    return %c0_i32 : i32
  }
  func.func @transform_7(%arg0: i32, %arg1: i32) -> (i32, i32, i32, i32) {
    %c0_i32 = arith.constant 0 : i32
    %c0_i32_0 = arith.constant 0 : i32
    %c0_i32_1 = arith.constant 0 : i32
    return %arg0, %c0_i32, %arg1, %c0_i32_0 : i32, i32, i32, i32
  }
}

</mosaic_0001>

<sc_bundles>
// kernel: kernel.6.cloned.1.call-start
scs
__scs_entry_jumppad:
0x0: {  	(pc) =	sbr.rel $0x88, $3  }
0x1: {  	(tag) =	ssettag $0x0;
	lr =	simm.s32 $0x1  }
0x2: {  	[smem:$0x3F9B] =	sst lr;
	_ =	strace $0xD0000000  }
0x3: {  	_ = 	snop  }
0x4: {  	_ = 	snop  }
0x5: {  	_ = 	snop  }
0x6: {  	_ = 	snop  }
0x7: {  	_ = 	snop  }
__scs_overlays_trampoline_lowered:
0x8: {  	[smem:$0x3FAA] =	sst s0  }
0x9: {  	[smem:$0x3FAB] =	sst s1  }
0xa: {  	[smem:$0x3FAC] =	sst s2  }
0xb: {  	[smem:$0x3FAD] =	sst s3  }
0xc: {  	[smem:$0x3FAE] =	sst s4  }
0xd: {  	[smem:$0x3FAF] =	sst s5  }
0xe: {  	[smem:$0x3FB0] =	sst s6  }
0xf: {  	[smem:$0x3FB1] =	sst s7  }
0x10: {  	[smem:$0x3FB2] =	sst s8  }
0x11: {  	[smem:$0x3FB3] =	sst s9;
	s0 =	simm.s32 @!p0 $0x0  }
0x12: {  	s1 =	sld [smem:$0x3F99];
	s0 =	simm.s32 @p0 $0x1  }
0x13: {  	[smem:$0x3FB4] =	sst s0;
	s0 =	simm.s32 @!p1 $0x0  }
0x14: {  	s2 =	sld [smem:$0x3F98];
	s0 =	simm.s32 @p1 $0x1  }
0x15: {  	[smem:$0x3FB5] =	sst s0;
	s0 =	simm.s32 @!p2 $0x0  }
0x16: {  	s3 =	sld [smem:$0x3FDB];
	s0 =	simm.s32 @p2 $0x1  }
0x17: {  	s4 =	simm.s32 $0x1BF5;
	[smem:$0x3FB7] =	sst s0  }
0x18: {  	s0 =	sld [smem:$0x3F9A];
	_ =	swait.ge [sflag:s4], $0x0  }
0x19: {  	s7 =	sld [smem:$0x3F9B]  }
0x1a: {  	s8 =	sadd.s32 $0xFFFFE003, lr  }
0x1b: {  	s9 =	sadd.s32 $0xFFFFFEF7, lr;
	s5 =	simm.s32 $0xFFFFFFFF;
	p2 =	slt.u32 s8, $0xFFFFF086  }
0x1c: {  	p1 =	slt.u32 s9, $0xF7A;
	s5 =	simm.s32 @!p2 $0x0  }
0x1d: {  	s5 =	simm.s32 @p1 $0x1;
	p0 =	seq.s32 s7, s2  }
0x1e: {  	s7 =	smul.u32 @!p0 $0xF7A, s2;
	p2 =	seq.s32 @!p0 s5, $0x0  }
0x1f: {  	s9 =	smul.u32 $0xF7A, s1;
	s8 =	simm.s32 @!p0 $0x1BF5;
	p2 =	por !p2, p0  }
0x20: {  	[sflag:s8] =	ssyncset.s32 @!p0 $0xFFFFF086;
	s6 =	sadd.s32 @!p0 s3, s7;
	s7 =	simm.s32 @!p0 $0x108  }
0x21: {  	s3 =	sadd.s32 s3, s9;
	s6 =	sadd.s32 @!p0 $0x88, s6;
	s7 =	simm.s32 @p2 $0x1082  }
0x22: {  	[simem:s7], [sflag:s8] =	dma.local @!p0 [hbm:s6], $0xF7A  }
0x23: {  	s9 =	sor.u32 $0xD0000000, s2;
	s6 =	simm.s32 $0x108;
	_ =	swait.ge @!p0 [sflag:s8], $0x0  }
0x24: {  	s3 =	sadd.s32 $0x88, s3;
	s6 =	simm.s32 @!p1 $0x1082;
	[sflag:s4] =	ssyncset.s32 $0xFFFFF086  }
0x25: {  	[simem:s6], [sflag:s4] =	dma.local [hbm:s3], $0xF7A  }
0x26: {  	[smem:$0x3F9B] =	sst s1;
	(tag) =	ssettag s2;
	_ =	strace s9  }
0x27: {  	s1 =	sld [smem:$0x3FAB]  }
0x28: {  	s2 =	sld [smem:$0x3FAC]  }
0x29: {  	s4 =	sld [smem:$0x3FAE]  }
0x2a: {  	p0 =	seq.s32 s5, $0x0;
	s5 =	sld [smem:$0x3FAF]  }
0x2b: {  	s6 =	sld [smem:$0x3FB0]  }
0x2c: {  	s7 =	sld [smem:$0x3FB1]  }
0x2d: {  	s3 =	simm.s32 $0x108;
	s8 =	sld [smem:$0x3FB2]  }
0x2e: {  	s3 =	simm.s32 @!p0 $0x1082;
	s9 =	sld [smem:$0x3FB3]  }
0x2f: {  	lr =	sadd.s32 s0, s3;
	s0 =	sld [smem:$0x3FAA]  }
0x30: {  	s3 =	sld [smem:$0x3FAD]  }
0x31: {  	[smem:$0x3FB6] =	sst s10  }
0x32: {  	s10 =	sld [smem:$0x3FB4];
	_ =	sdelay $0x3  }
0x33: {  	p0 =	seq.s32 s10, $0x1;
	s10 =	sld [smem:$0x3FB6];
	_ =	sdelay $0x3  }
0x34: {  	[smem:$0x3FB6] =	sst s10  }
0x35: {  	s10 =	sld [smem:$0x3FB5];
	_ =	sdelay $0x3  }
0x36: {  	p1 =	seq.s32 s10, $0x1;
	s10 =	sld [smem:$0x3FB6];
	_ =	sdelay $0x3  }
0x37: {  	[smem:$0x3FB6] =	sst s10  }
0x38: {  	s10 =	sld [smem:$0x3FB7]  }
0x39: {  	_ = 	snop;
	(pc) =	sbr.ind lr, $3  }
0x3a: {  	_ = 	snop  }
0x3b: {  	_ = 	snop  }
0x3c: {  	p2 =	seq.s32 s10, $0x1;
	s10 =	sld [smem:$0x3FB6]  }
0x3d: {  	_ =	shalt  }
0x3e: {  	_ =	shalt  }
0x3f: {  	_ =	shalt  }
0x40: {  	_ =	shalt  }
0x41: {  	_ =	shalt  }
0x42: {  	_ =	shalt  }
0x43: {  	_ =	shalt  }
0x44: {  	_ =	shalt  }
0x45: {  	_ =	shalt  }
0x46: {  	_ =	shalt  }
0x47: {  	_ =	shalt  }
0x48: {  	_ =	shalt  }
0x49: {  	_ =	shalt  }
0x4a: {  	_ =	shalt  }
0x4b: {  	_ =	shalt  }
0x4c: {  	_ =	shalt  }
0x4d: {  	_ =	shalt  }
0x4e: {  	_ =	shalt  }
0x4f: {  	_ =	shalt  }
0x50: {  	_ =	shalt  }
0x51: {  	_ =	shalt  }
0x52: {  	_ =	shalt  }
0x53: {  	_ =	shalt  }
0x54: {  	_ =	shalt  }
0x55: {  	_ =	shalt  }
0x56: {  	_ =	shalt  }
0x57: {  	_ =	shalt  }
0x58: {  	_ =	shalt  }
0x59: {  	_ =	shalt  }
0x5a: {  	_ =	shalt  }
0x5b: {  	_ =	shalt  }
0x5c: {  	_ =	shalt  }
0x5d: {  	_ =	shalt  }
0x5e: {  	_ =	shalt  }
0x5f: {  	_ =	shalt  }
0x60: {  	_ =	shalt  }
0x61: {  	_ =	shalt  }
0x62: {  	_ =	shalt  }
0x63: {  	_ =	shalt  }
0x64: {  	_ =	shalt  }
0x65: {  	_ =	shalt  }
0x66: {  	_ =	shalt  }
0x67: {  	_ =	shalt  }
0x68: {  	_ =	shalt  }
0x69: {  	_ =	shalt  }
0x6a: {  	_ =	shalt  }
0x6b: {  	_ =	shalt  }
0x6c: {  	_ =	shalt  }
0x6d: {  	_ =	shalt  }
0x6e: {  	_ =	shalt  }
0x6f: {  	_ =	shalt  }
0x70: {  	_ =	shalt  }
0x71: {  	_ =	shalt  }
0x72: {  	_ =	shalt  }
0x73: {  	_ =	shalt  }
0x74: {  	_ =	shalt  }
0x75: {  	_ =	shalt  }
0x76: {  	_ =	shalt  }
0x77: {  	_ =	shalt  }
0x78: {  	_ =	shalt  }
0x79: {  	_ =	shalt  }
0x7a: {  	_ =	shalt  }
0x7b: {  	_ =	shalt  }
0x7c: {  	_ =	shalt  }
0x7d: {  	_ =	shalt  }
0x7e: {  	_ =	shalt  }
0x7f: {  	_ =	shalt  }
0x80: {  	_ =	shalt  }
0x81: {  	_ =	shalt  }
0x82: {  	_ =	shalt  }
0x83: {  	_ =	shalt  }
0x84: {  	_ =	shalt  }
0x85: {  	_ =	shalt  }
0x86: {  	_ =	shalt  }
0x87: {  	_ =	shalt  }
.Lfunc_end0:
.L_simem_size_0:
called_computation_lowered:
.L_overlay_start_0:
0x88: {  	s2 =	sld [smem:$0x3FD9]  }
0x89: {  	s3 =	sld [smem:$0x3FFE];
	_ =	sdelay $0x1  }
0x8a: {  	s1 =	srdreg.scid  }
0x8b: {  	s0 =	sand.u32 $0x1, s1  }
0x8c: {  	s17 =	sshll.u32 s0, $0xA;
	s2 =	sadd.s32 s3, s2  }
0x8d: {  	s2 =	sadd.s32 s2, s17  }
0x8e: {  	[smem:$0x3FC2] =	sst s2  }
0x8f: {  	_ = 	snop  }
0x90: {  	s2 =	sld [smem:$0x3FD0];
	(tm) =	ssettm $0x1  }
0x91: {  	s18 =	sld [smem:$0x3FFB];
	_ =	sdelay $0x3  }
0x92: {  	_ =	strace s18  }
0x93: {  	s3 =	sld [smem:$0x3FFC];
	_ =	sdelay $0x3  }
0x94: {  	_ =	strace s3  }
0x95: {  	s3 =	sld [smem:$0x3FFD];
	_ =	sdelay $0x3  }
0x96: {  	_ =	strace s3  }
0x97: {  	_ =	strace $0x8FFFFFFF  }
0x98: {  	s19 =	sld [smem:$0x3FDB];
	_ =	sdelay $0x1  }
0x99: {  	s4 =	simm.s32 $_scs_section_size  }
0x9a: {  	s5 =	simm.s32 $_size__tile_overlayer_lowered;
	s6 =	simm.s32 $_tile_overlayer_lowered  }
0x9b: {  	s22 =	simm.s32 $0x1BFF;
	s21 =	sshll.u32 s6, $0x1;
	s3 =	sadd.s32 s4, s19  }
0x9c: {  	s7 =	simm.s32 $0x0;
	s20 =	sshll.u32 s5, $0x1;
	s5 =	sadd.s32 s21, s3  }
0x9d: {  	[timem:s7], [sflag:s22] =	dma.local [hbm:s5], s20  }
0x9e: {  	_ =	swait.ge [sflag:s22], s20  }
0x9f: {  	s4 =	ssub.s32 $0x0, s20;
	[sflag:s22] =	ssyncset.done $0x0  }
0xa0: {  	[sflag:s22] =	ssyncadd.s32 s4;
	_ =	sdelay $0x1  }
0xa1: {  	s23 =	simm.s32 $0x1B8B  }
0xa2: {  	_ =	swait.ge [sflag:s23], $0x1  }
0xa3: {  	[sflag:s23] =	ssyncset.done $0x0  }
0xa4: {  	s25 =	simm.s32 $0x1B8E;
	s24 =	sld [smem:$0x3FFE];
	[sflag:s23] =	ssyncadd.s32 $0xFFFFFFFF  }
0xa5: {  	s26 =	simm.s32 $execute0_lowered;
	[smem:$0x3FD2] =	sst s25  }
0xa6: {  	s5 =	sshll.u32 s26, $0x1;
	_ =	strace $0x80000046;
	[dreg:$0x1] =	wrdreg $0xFFFFFFFF  }
0xa7: {  	s28 =	simm.s32 $_size_execute0_lowered;
	s3 =	sadd.s32 s3, s5;
	[dreg:$0x0] =	wrdreg $0x0  }
0xa8: {  	s5 =	sshll.u32 s28, $0x1;
	[dreg:$0x2] =	wrdreg s3  }
0xa9: {  	[dreg:$0x3] =	wrdreg s5  }
0xaa: {  	[dreg:$0x4] =	wrdreg $0xC0  }
0xab: {  	_ =	task [dreg:s7], $0x5FFFF  }
0xac: {  	[dreg:$0x1] =	wrdreg $0xFFFFFFFF  }
0xad: {  	[dreg:$0x0] =	wrdreg $0x60  }
0xae: {  	[dreg:$0x2] =	wrdreg s24  }
0xaf: {  	[dreg:$0x3] =	wrdreg s2  }
0xb0: {  	[dreg:$0x4] =	wrdreg $0x9  }
0xb1: {  	_ =	task.clear_ibuf [dreg:s7], $0x5FFFF;
	_ =	strace $0x90000046  }
0xb2: {  	s29 =	simm.s32 $0x9;
	_ =	strace $0x80000048  }
0xb3: {  	_ =	swait.ge [sflag:s29], $0x1  }
0xb4: {  	[sflag:s29] =	ssyncadd.s32 $0xFFFFFFFF  }
0xb5: {  	_ =	strace $0x90000048  }
0xb6: {  	_ =	sfence  }
0xb7: {  	s30 =	sld [smem:$0x0];
	_ =	sdelay $0x2  }
0xb8: {  	s31 =	sshll.u32 s1, $0xD;
	s1 =	sshrl.u32 s1, $0x2  }
0xb9: {  	s3 =	sand.u32 $0x4000, s31;
	s1 =	sadd.s32 s1, s30  }
0xba: {  	s0 =	sor.u32 s3, s0;
	s1 =	sshll.u32 s1, $0x11  }
0xbb: {  	s0 =	sor.u32 s1, s0  }
0xbc: {  	s0 =	sadd.s32 $0x8F2B, s0  }
0xbd: {  	[sflag:s0] =	ssyncadd.remote.s32 $0x1  }
0xbe: {  	_ =	sfence.sel $0xFFFF  }
0xbf: {  	[dreg:$0x0] =	wrdreg $0xFFFFFFFF;
	(pc) =	sbr.abs _section_cstart, $3  }
0xc0: {  	[dreg:$0x1] =	wrdreg $0xFFFFFFFF  }
0xc1: {  	_ =	task.clear_ibuf [dreg:s7], $0x2FFFF;
	_ =	strace $0x9FFFFFFF  }
0xc2: {  	(tm) =	ssettm $0x7FFFFFFF  }
0xc3: {  	_ =	shalt  }
tec
execute0_lowered:
.L_overlay_start_1:
0x0: {  	(tag) =	ssettag $0x1  }
0x1: {  	s6 =	rddreg [dreg:$0x0]  }
0x2: {  	s7 =	rddreg [dreg:$0x1]  }
0x3: {  	s0 =	rddreg [dreg:$0x2];
	s1 =	simm.s32 $0x0;
	s5 =	srdreg.scid  }
0x4: {  	s2 =	stileid.u32;
	s12 =	simm.s32 $0x4000;
	s13 =	simm.s32 $0x8000  }
0x5: {  	s14 =	simm.s32 $0xC000;
	s15 =	simm.s32 $0xE000;
	s16 =	simm.s32 $0x10000  }
0x6: {  	s17 =	simm.s32 $0x12000;
	s18 =	simm.s32 $0x0;
	[smem:$0x7FF] =	sst s1  }
0x7: {  	s3 =	sadd.s32 $0x2800, s6;
	s4 =	sadd.s32 $0x2000, s6;
	s5 =	sand.u32 $0x1, s5  }
0x8: {  	s8 =	sshll.u32 s2, $0xB;
	s9 =	sshll.u32 s5, $0xA;
	s10 =	ssub.s32 $0x2, s5  }
0x9: {  	_ =	strace $0x80000047;
	s8 =	sor.u32 s9, s8;
	s31 =	sshrl.u32 s10, $0x1  }
0xa: {  	s5 =	sadd.s32 $0x1800, s6;
	s11 =	sadd.s32 s8, s6;
	s10 =	ssub.s32 s10, s31  }
0xb: {  	s6 =	sadd.s32 s7, s8;
	s7 =	sadd.s32 $0x3000, s11;
	s8 =	sadd.s32 $0xB000, s11  }
0xc: {  	s9 =	sadd.s32 $0x13000, s11;
	s10 =	smax.u32 s10, $0x1;
	s11 =	simm.s32 $0x1  }
.LBB2_1:
0xd: {  	[tilespmem:s1], [sflag:$0x1] =	stream.linear.gather [hbm4b:s3+s1], $0x4000, $0x38;
	[tilespmem:$0x14000] =	vst v63  }
0xe: {  	_ =	swait.ge [sflag:s11], $0x4000  }
0xf: {  	[sflag:s11] =	ssyncset.done $0x0  }
0x10: {  	[sflag:s11] =	ssyncadd.s32 $0xFFFFC000  }
0x11: {  	[tilespmem:s12], [sflag:$0x1] =	stream.linear.gather [hbm4b:s4+s1], $0x4000, $0x38;
	[tilespmem:$0x14000] =	vst v63  }
0x12: {  	_ =	swait.ge [sflag:s11], $0x4000  }
0x13: {  	[sflag:s11] =	ssyncset.done $0x0  }
0x14: {  	[sflag:s11] =	ssyncadd.s32 $0xFFFFC000  }
0x15: {  	[tilespmem:s13], [sflag:$0x1] =	stream.linear.gather [hbm4b:s5+s1], $0x4000, $0x38;
	[tilespmem:$0x14000] =	vst v63  }
0x16: {  	_ =	swait.ge [sflag:s11], $0x4000  }
0x17: {  	[sflag:s11] =	ssyncset.done $0x0  }
0x18: {  	[sflag:s11] =	ssyncadd.s32 $0xFFFFC000  }
0x19: {  	[tilespmem:s14], [sflag:$0x1] =	stream.linear.gather [hbm4b:s6+s1], $0x2000, $0x38;
	[tilespmem:$0x14000] =	vst v63  }
0x1a: {  	_ =	swait.ge [sflag:s11], $0x2000  }
0x1b: {  	[sflag:s11] =	ssyncset.done $0x0  }
0x1c: {  	s19 =	simm.s32 $0x0;
	[sflag:s11] =	ssyncadd.s32 $0xFFFFE000  }
0x1d: {  	v0 =	vld [tilespmem:s19+$0xC000];
	_ =	sdelay $0x7  }
0x1e: {  	v1 =	vld.idx.msk [tilespmem:v0+s1+$0x0], $0xffff;
	_ =	sdelay $0x4  }
0x1f: {  	[tilespmem:s19+$0xE000] =	vst v1  }
0x20: {  	v1 =	vld.idx.msk [tilespmem:v0+s12+$0x0], $0xffff;
	_ =	sdelay $0x3  }
0x21: {  	s21 =	simm.s32 $0x10;
	s20 =	simm.s32 $0x80  }
.LBB2_2:
0x22: {  	p0 =	sne.s32 s20, $0x7FC0;
	v2 =	vld [tilespmem:s21+$0xC000];
	[tilespmem:s19+$0x10000] =	vst v1  }
0x23: {  	v1 =	vld.idx.msk [tilespmem:v0+s13+$0x0], $0xffff;
	_ =	sdelay $0x3  }
0x24: {  	v0 =	vmov v2;
	_ =	sdelay $0x1  }
0x25: {  	[tilespmem:s19+$0x12000] =	vst v1;
	s19 =	smov.u32 s21  }
0x26: {  	v1 =	vld.idx.msk [tilespmem:v2+s1+$0x0], $0xffff;
	_ =	sdelay $0x5  }
0x27: {  	[tilespmem:s19+$0xE000] =	vst v1  }
0x28: {  	v1 =	vld.idx.msk [tilespmem:v2+s12+$0x0], $0xffff  }
.Ltmp0:
0x29: {  	(pc) =	sbr.rel @p0 .LBB2_2-.Ltmp0, $2  }
0x2a: {  	_ =	sdelay $0x2  }
0x2b: {  	s21 =	sshra.s32 s20, $0x2;
	s20 =	sadd.s32 $0x40, s20  }
0x2c: {  	_ =	sdelay $0x1  }
0x2d: {  	v2 =	vld [tilespmem:s21+$0xC000]  }
0x2e: {  	[tilespmem:s19+$0x10000] =	vst v1  }
0x2f: {  	v0 =	vld.idx.msk [tilespmem:v0+s13+$0x0], $0xffff;
	_ =	sdelay $0x4  }
0x30: {  	[tilespmem:s19+$0x12000] =	vst v0  }
0x31: {  	v0 =	vld.idx.msk [tilespmem:v2+s1+$0x0], $0xffff;
	_ =	sdelay $0x4  }
0x32: {  	[tilespmem:s21+$0xE000] =	vst v0  }
0x33: {  	v0 =	vld.idx.msk [tilespmem:v2+s12+$0x0], $0xffff;
	_ =	sdelay $0x4  }
0x34: {  	[tilespmem:s21+$0x10000] =	vst v0  }
0x35: {  	v0 =	vld.idx.msk [tilespmem:v2+s13+$0x0], $0xffff;
	_ =	sdelay $0x4  }
0x36: {  	[tilespmem:s21+$0x12000] =	vst v0  }
0x37: {  	[hbm4b:s7+s1] =	stream.linear.scatter [tilespmem:s15], [sflag:$0x1], $0x2000, $0x38;
	[tilespmem:$0x14000] =	vst v63  }
0x38: {  	_ =	swait.ge [sflag:s11], $0x2000  }
0x39: {  	[sflag:s11] =	ssyncset.done $0x0  }
0x3a: {  	[sflag:s11] =	ssyncadd.s32 $0xFFFFE000  }
0x3b: {  	[hbm4b:s8+s1] =	stream.linear.scatter [tilespmem:s16], [sflag:$0x1], $0x2000, $0x38;
	[tilespmem:$0x14000] =	vst v63  }
0x3c: {  	s18 =	sadd.s32 $0x1, s18;
	_ =	swait.ge [sflag:s11], $0x2000  }
0x3d: {  	p0 =	sne.s32 s18, s10;
	[sflag:s11] =	ssyncset.done $0x0  }
.Ltmp1:
0x3e: {  	[sflag:s11] =	ssyncadd.s32 $0xFFFFE000;
	(pc) =	sbr.rel @p0 .LBB2_1-.Ltmp1, $4  }
0x3f: {  	[hbm4b:s9+s1] =	stream.linear.scatter [tilespmem:s17], [sflag:$0x1], $0x2000, $0x38;
	[tilespmem:$0x14000] =	vst v63  }
0x40: {  	_ =	swait.ge [sflag:s11], $0x2000  }
0x41: {  	[sflag:s11] =	ssyncset.done $0x0  }
0x42: {  	[sflag:s11] =	ssyncadd.s32 $0xFFFFE000  }
0x43: {  	_ =	sfence.sel $0x180000  }
0x44: {  	[bflag:$0x0] =	sbarrier.arrive $0xFFFF  }
0x45: {  	p0 =	sne.s32 s2, $0x0;
	_ =	strace $0x90000047  }
0x46: {  	s0 =	sadd.s32 @!p0 $0x100000, s0;
	[bflag:$0x2] =	sbarrier.arrive $0xFFFF  }
0x47: {  	[sflag:s0] =	ssyncadd.tile.s32 @!p0 $0x1;
	_ =	shalt  }
.Lfunc_end2:
_tile_overlayer_lowered:
.L_overlay_start_2:
0x48: {  	(tag) =	ssettag $0x2  }
0x49: {  	s0 =	rddreg [dreg:$0x0];
	s2 =	stileid.u32  }
0x4a: {  	s1 =	rddreg [dreg:$0x1];
	p0 =	sne.s32 s2, $0x0  }
0x4b: {  	s3 =	rddreg [dreg:$0x2];
	[bflag:$0x3] =	sbarrier.arrive $0xFFFF;
	s2 =	simm.s32 @!p0 $0x1C01  }
0x4c: {  	[timem:s3], [sflag:s2] =	dma.local @!p0 [hbm:s0], s1  }
0x4d: {  	s0 =	simm.s32 @!p0 $0x1  }
0x4e: {  	_ =	swait.ge @!p0 [sflag:s0], s1  }
0x4f: {  	s1 =	ssub.s32 @!p0 $0x0, s1;
	[sflag:s0] =	ssyncset.done @!p0 $0x0  }
0x50: {  	[sflag:s0] =	ssyncadd.s32 @!p0 s1  }
0x51: {  	[bflag:$0x3] =	sbarrier.arrive $0xFFFF  }
0x52: {  	_ =	shalt  }

</sc_bundles>
